<compile_context>
chip_gen: v7x
topology: tpu7x:2x2x1
jax: 0.10.2.dev20260603
libtpu: 0.0.44.dev20260713+nightly
codegen_flags: <defaults>
</compile_context>

<pallas_src>
import functools

import numpy as np
import jax
import jax.numpy as jnp
from jax import lax
from jax.experimental import pallas as pl
from jax.experimental.pallas import tpu as pltpu
from jax.experimental.pallas import tpu_sc as plsc

_N_NODES = 10000
_N_EDGES = 160000
_EMB = 128
_IN = 160
_NK = 3
_LAMBD = 0.01
_Y = _NK * _EMB

_NW = 32
_CHUNK = 128
_E_PAD = 163840
_CH_PER_W = _E_PAD // (_NW * _CHUNK)
_EDGES_PER_W = _E_PAD // _NW
_STAGE = 8
_STRIPE = 624
_TAIL = _N_NODES - 16 * _STRIPE

_EB = 2048
_NEB = _E_PAD // _EB
_EB2 = 2000
_NPADT = 10240
_NB = 2000
_NNB = _N_NODES // _NB


def _dft_consts():
    j1 = np.arange(_IN)
    a1 = 2.0 * np.pi * np.outer(j1, j1) / _IN
    C = np.cos(a1).astype(np.float32)
    S = (-np.sin(a1)).astype(np.float32)
    j2 = np.arange(_Y)
    a2 = 2.0 * np.pi * np.outer(j2, j2) / _Y
    A = (np.cos(a2) / _Y).astype(np.float32)
    B = (-np.sin(a2) / _Y).astype(np.float32)
    return C, S, A, B


_C, _S, _A, _B = _dft_consts()
_FAC = np.array([[(2 * k + 1) / (2.0 * _NK)] for k in range(_NK)], np.float32)


def _prep_body(r1, i1, freW, combE, freb, combb, alpha, C, S, A, B,
               mr_o, mi_o, wr2_o, wi2_o, b2_o, clo_o, chi_o):
    hp = lax.Precision.HIGHEST
    R = jnp.concatenate([r1[0], r1[1], r1[2]], axis=1)
    I = jnp.concatenate([i1[0], i1[1], i1[2]], axis=1)
    Cm = C[...]
    Sm = S[...]
    mr_o[...] = (jnp.dot(Cm, R, precision=hp, preferred_element_type=jnp.float32)
                 - jnp.dot(Sm, I, precision=hp, preferred_element_type=jnp.float32))
    mi_o[...] = (jnp.dot(Sm, R, precision=hp, preferred_element_type=jnp.float32)
                 + jnp.dot(Cm, I, precision=hp, preferred_element_type=jnp.float32))
    W2 = jnp.dot(freW[...], combE[...], precision=hp,
                 preferred_element_type=jnp.float32)
    wr2_o[...] = jnp.dot(A[...], W2, precision=hp,
                         preferred_element_type=jnp.float32)
    wi2_o[...] = jnp.dot(B[...], W2, precision=hp,
                         preferred_element_type=jnp.float32)
    b2_o[...] = (jnp.dot(freb[...], combE[...], precision=hp,
                         preferred_element_type=jnp.float32) + combb[...])
    av = alpha[...]
    ik = lax.broadcasted_iota(jnp.int32, (_NK, 1), 0).astype(jnp.float32)
    fac = (2.0 * ik + 1.0) / (2.0 * _NK)
    half = 1.0 / (2.0 * _NK)
    clo_o[...] = av * fac - half / av
    chi_o[...] = av * fac + half / av


def _prep(r1, i1, freW, combE, freb, combb, alpha):
    f32 = jnp.float32
    outs = (
        jax.ShapeDtypeStruct((_IN, _Y), f32),
        jax.ShapeDtypeStruct((_IN, _Y), f32),
        jax.ShapeDtypeStruct((_Y, _EMB), f32),
        jax.ShapeDtypeStruct((_Y, _EMB), f32),
        jax.ShapeDtypeStruct((1, _EMB), f32),
        jax.ShapeDtypeStruct((_NK, 1), f32),
        jax.ShapeDtypeStruct((_NK, 1), f32),
    )
    return pl.pallas_call(_prep_body, out_shape=outs)(
        r1, i1, freW, combE, freb, combb, alpha,
        jnp.asarray(_C), jnp.asarray(_S), jnp.asarray(_A), jnp.asarray(_B))


_HCH = 20
_HEPW = _HCH * _CHUNK
_E_HALF = _E_PAD // 2


@functools.cache
def _sc_kernels():
    mesh = plsc.VectorSubcoreMesh(core_axis_name="c", subcore_axis_name="s")

    @functools.partial(
        pl.kernel,
        out_type=jax.ShapeDtypeStruct((_NW * 16,), jnp.float32),
        mesh=mesh,
        compiler_params=pltpu.CompilerParams(needs_layout_passes=False),
        scratch_types=[
            pltpu.VMEM((_CH_PER_W, _CHUNK), jnp.int32),
            pltpu.VMEM((_NPADT // 128, 128), jnp.float32),
            pltpu.VMEM((16,), jnp.float32),
        ],
    )
    def sc_nsq(src2d_hbm, nsq_hbm, nsqp_hbm, idx_all, nsq_v, res_v):
        c = lax.axis_index("c")
        s = lax.axis_index("s")
        wid = s * 2 + c
        irow = pl.multiple_of(wid * _CH_PER_W, 8)
        pltpu.sync_copy(src2d_hbm.at[pl.ds(irow, _CH_PER_W)], idx_all)
        pltpu.sync_copy(nsq_hbm, nsq_v)

        def nbody(i, acc):
            for j in range(8):
                iv = idx_all[i, pl.ds(j * 16, 16)]
                vals = plsc.load_gather(nsq_v, [iv >> 7, iv & 127])
                acc = acc + vals
            return acc

        acc = lax.fori_loop(0, _CH_PER_W, nbody,
                            jnp.zeros((16,), jnp.float32))
        res_v[...] = acc
        pltpu.sync_copy(res_v, nsqp_hbm.at[pl.ds(wid * 16, 16)])

    def make_gather(h):
        @functools.partial(
            pl.kernel,
            out_type=jax.ShapeDtypeStruct((_E_HALF, _EMB), jnp.float32),
            mesh=mesh,
            compiler_params=pltpu.CompilerParams(needs_layout_passes=False),
            scratch_types=[
                pltpu.VMEM((_HCH + 4, _CHUNK), jnp.int32),
                pltpu.VMEM((2, 2 * _CHUNK, _EMB), jnp.float32),
                pltpu.SemaphoreType.DMA,
                pltpu.SemaphoreType.DMA,
                pltpu.SemaphoreType.DMA,
                pltpu.SemaphoreType.DMA,
            ],
        )
        def sc_gather(table_hbm, src2d_hbm, out_hbm, idx_all, rows_v,
                      sg0, sg1, so0, so1):
            c = lax.axis_index("c")
            s = lax.axis_index("s")
            wid = s * 2 + c
            semg = (sg0, sg1)
            semo = (so0, so1)
            row0 = h * (_E_HALF // _CHUNK) + wid * _HCH
            arow = pl.multiple_of((row0 // 8) * 8, 8)
            off = row0 - arow
            pltpu.sync_copy(src2d_hbm.at[pl.ds(arow, _HCH + 4)], idx_all)

            @pl.loop(0, _HCH // 2, step=2)
            def _(r):
                for db in range(2):
                    rr = r + db
                    buf = rows_v.at[db]

                    @pl.when(rr >= 2)
                    def _():
                        pltpu.make_async_copy(
                            buf, out_hbm.at[pl.ds(0, 2 * _CHUNK)], semo[db]
                        ).wait()

                    d0 = pltpu.async_copy(
                        table_hbm.at[idx_all.at[off + 2 * rr]],
                        buf.at[pl.ds(0, _CHUNK)], semg[db])
                    d1 = pltpu.async_copy(
                        table_hbm.at[idx_all.at[off + 2 * rr + 1]],
                        buf.at[pl.ds(_CHUNK, _CHUNK)], semg[db])
                    d0.wait()
                    d1.wait()
                    base = pl.multiple_of(wid * _HEPW, _CHUNK) \
                        + rr * (2 * _CHUNK)
                    pltpu.async_copy(buf, out_hbm.at[pl.ds(base, 2 * _CHUNK)],
                                     semo[db])

            for db in range(2):
                pltpu.make_async_copy(
                    rows_v.at[db], out_hbm.at[pl.ds(0, 2 * _CHUNK)], semo[db]
                ).wait()

        return sc_gather

    def make_scatter(h):
        @functools.partial(
            pl.kernel,
            out_type=jax.ShapeDtypeStruct((2, _N_NODES, _EMB), jnp.float32),
            mesh=mesh,
            compiler_params=pltpu.CompilerParams(needs_layout_passes=False),
            scratch_types=[
                pltpu.VMEM((_HCH + 4, _CHUNK), jnp.int32),
                pltpu.VMEM((2, _CHUNK, _EMB), jnp.float32),
                pltpu.VMEM_SHARED((_N_NODES, _EMB), jnp.float32),
                pltpu.SemaphoreType.DMA,
                pltpu.SemaphoreType.DMA,
                pltpu.SemaphoreType.DMA,
                pltpu.SemaphoreType.DMA,
            ],
        )
        def sc_scatter(msg_hbm, dst2d_hbm, zeros_hbm, out_hbm, idx_all,
                       vals_v, acc_sh, sv0, sv1, ss0, ss1):
            c = lax.axis_index("c")
            s = lax.axis_index("s")
            wid = s * 2 + c
            semv = (sv0, sv1)
            sems = (ss0, ss1)
            srow = pl.multiple_of(s * _STRIPE, 8)
            pltpu.sync_copy(zeros_hbm.at[pl.ds(0, _STRIPE)],
                            acc_sh.at[pl.ds(srow, _STRIPE)])

            @pl.when(s == 15)
            def _():
                pltpu.sync_copy(zeros_hbm.at[pl.ds(0, _TAIL)],
                                acc_sh.at[pl.ds(16 * _STRIPE, _TAIL)])

            row0 = h * (_E_HALF // _CHUNK) + wid * _HCH
            arow = pl.multiple_of((row0 // 8) * 8, 8)
            off = row0 - arow
            pltpu.sync_copy(dst2d_hbm.at[pl.ds(arow, _HCH + 4)], idx_all)
            plsc.subcore_barrier()

            @pl.loop(0, _HCH, step=2)
            def _(r):
                for db in range(2):
                    rr = r + db
                    buf = vals_v.at[db]

                    @pl.when(rr >= 2)
                    def _():
                        pltpu.make_async_copy(
                            buf, acc_sh.at[idx_all.at[0]], sems[db]).wait()

                    base = pl.multiple_of(wid * _HEPW, _CHUNK) + rr * _CHUNK
                    pltpu.async_copy(msg_hbm.at[pl.ds(base, _CHUNK)], buf,
                                     semv[db]).wait()
                    pltpu.async_copy(buf, acc_sh.at[idx_all.at[off + rr]],
                                     sems[db], add=True)

            for db in range(2):
                pltpu.make_async_copy(
                    vals_v.at[db], acc_sh.at[idx_all.at[0]], sems[db]).wait()
            plsc.subcore_barrier()
            pltpu.sync_copy(acc_sh.at[pl.ds(srow, _STRIPE)],
                            out_hbm.at[c, pl.ds(srow, _STRIPE)])

            @pl.when(s == 15)
            def _():
                pltpu.sync_copy(acc_sh.at[pl.ds(16 * _STRIPE, _TAIL)],
                                out_hbm.at[c, pl.ds(16 * _STRIPE, _TAIL)])

        return sc_scatter

    return (sc_nsq, make_gather(0), make_gather(1),
            make_scatter(0), make_scatter(1))


def _sc_nsq(src2d, nsq):
    return _sc_kernels()[0](src2d, nsq)


def _sc_gather(h, table, src2d):
    return _sc_kernels()[1 + h](table, src2d)


def _sc_scatter(h, msg2, dst2d, zeros):
    return _sc_kernels()[3 + h](msg2, dst2d, zeros)


def _nsq_body(t_ref, out_ref):
    u = t_ref[...]
    u = u * u
    ones = (lax.broadcasted_iota(jnp.int32, (1, _EMB), 1) >= 0).astype(
        jnp.float32)
    dn = (((1,), (1,)), ((), ()))
    rows = [lax.dot_general(ones, u[128 * j:128 * (j + 1)], dn,
                            preferred_element_type=jnp.float32)
            for j in range(8)]
    out_ref[...] = jnp.concatenate(rows, axis=0)


def _nsq(table):
    return pl.pallas_call(
        _nsq_body,
        grid=(_NPADT // 1024,),
        in_specs=[pl.BlockSpec((1024, _EMB), lambda i: (i, 0))],
        out_specs=pl.BlockSpec((8, 128), lambda i: (i, 0)),
        out_shape=jax.ShapeDtypeStruct((_NPADT // 128, 128), jnp.float32),
        compiler_params=pltpu.CompilerParams(
            dimension_semantics=("arbitrary",)),
    )(table)


def _easum_body(ea_ref, et_ref, out_ref):
    i = pl.program_id(0)
    ea = ea_ref[...]
    et = et_ref[...]
    s = jnp.sum(ea * ea) + jnp.sum(et * et)
    tile = jnp.full((8, 128), s, jnp.float32)

    @pl.when(i == 0)
    def _():
        out_ref[...] = jnp.zeros_like(out_ref)

    out_ref[...] += tile


def _easum(ea, et):
    return pl.pallas_call(
        _easum_body,
        grid=(_N_EDGES // _EB2,),
        in_specs=[
            pl.BlockSpec((_EB2, 16), lambda i: (i, 0)),
            pl.BlockSpec((_EB2, 16), lambda i: (i, 0)),
        ],
        out_specs=pl.BlockSpec((8, 128), lambda i: (0, 0)),
        out_shape=jax.ShapeDtypeStruct((8, 128), jnp.float32),
        compiler_params=pltpu.CompilerParams(
            dimension_semantics=("arbitrary",)),
    )(ea, et)


def _softshrink(x):
    return jnp.where(x > _LAMBD, x - _LAMBD,
                     jnp.where(x < -_LAMBD, x + _LAMBD, 0.0))


def _main_body(hb, g_ref, ea_ref, et_ref, mr_ref, mi_ref, wr2_ref, wi2_ref,
               b2_ref, rb1_ref, ib1_ref, clo_ref, chi_ref, es_ref, np_ref,
               out_ref):
    f32 = jnp.float32
    bf16 = jnp.bfloat16
    x = jnp.concatenate([g_ref[...], ea_ref[...], et_ref[...]], axis=1)
    xb = x.astype(bf16)
    U = jnp.dot(xb, mr_ref[...].astype(bf16), preferred_element_type=f32)
    V = jnp.dot(xb, mi_ref[...].astype(bf16), preferred_element_type=f32)
    energy = _IN * jnp.sum(x * x, axis=1, keepdims=True)
    ES = _IN * (es_ref[0:1, 0:1] + jnp.sum(np_ref[...]))
    yrs, yis = [], []
    for k in range(_NK):
        lo = clo_ref[k:k + 1] * ES
        hi = chi_ref[k:k + 1] * ES
        m = jnp.logical_and(energy >= lo, energy <= hi).astype(f32)
        o_r = m * U[:, k * _EMB:(k + 1) * _EMB] + rb1_ref[k:k + 1, :]
        o_i = m * V[:, k * _EMB:(k + 1) * _EMB] + ib1_ref[k:k + 1, :]
        yrs.append(_softshrink(jnp.maximum(o_r, 0.0)))
        yis.append(_softshrink(jnp.maximum(o_i, 0.0)))
    yr = jnp.concatenate(yrs, axis=1).astype(bf16)
    yi = jnp.concatenate(yis, axis=1).astype(bf16)
    out = (jnp.dot(yr, wr2_ref[...].astype(bf16), preferred_element_type=f32)
           + jnp.dot(yi, wi2_ref[...].astype(bf16), preferred_element_type=f32)
           + b2_ref[...])
    row0 = (hb + pl.program_id(0)) * _EB
    rid = row0 + lax.broadcasted_iota(jnp.int32, (_EB, 1), 0)
    out_ref[...] = jnp.where(rid < _N_EDGES, out, 0.0)


def _main(h, gath, ea, et, Mr, Mi, Wr2, Wi2, b2, rb1, ib1, clo, chi, esum,
          nsqp):
    full = lambda a, b: pl.BlockSpec((a, b), lambda i: (0, 0))
    hb = h * (_NEB // 2)
    body = functools.partial(_main_body, hb)
    return pl.pallas_call(
        body,
        grid=(_NEB // 2,),
        in_specs=[
            pl.BlockSpec((_EB, _EMB), lambda i: (i, 0)),
            pl.BlockSpec((_EB, 16), lambda i: (jnp.minimum(i + hb, 78), 0)),
            pl.BlockSpec((_EB, 16), lambda i: (jnp.minimum(i + hb, 78), 0)),
            full(_IN, _Y), full(_IN, _Y),
            full(_Y, _EMB), full(_Y, _EMB),
            full(1, _EMB), full(_NK, _EMB), full(_NK, _EMB),
            full(_NK, 1), full(_NK, 1), full(8, 128), full(4, 128),
        ],
        out_specs=pl.BlockSpec((_EB, _EMB), lambda i: (i, 0)),
        out_shape=jax.ShapeDtypeStruct((_E_HALF, _EMB), jnp.float32),
        compiler_params=pltpu.CompilerParams(
            dimension_semantics=("arbitrary",)),
    )(gath, ea, et, Mr, Mi, Wr2, Wi2, b2, rb1, ib1, clo, chi, esum, nsqp)


def _final_body(acca_ref, accb_ref, bc_ref, lw_ref, lb_ref, g_ref, b_ref,
                out_ref):
    o = (acca_ref[0] + acca_ref[1] + accb_ref[0] + accb_ref[1]
         + bc_ref[...])
    o = jnp.dot(o, lw_ref[...], preferred_element_type=jnp.float32) + lb_ref[...]
    mean = jnp.mean(o, axis=1, keepdims=True)
    d = o - mean
    var = jnp.mean(d * d, axis=1, keepdims=True)
    o = d * lax.rsqrt(var + 1e-5) * g_ref[...] + b_ref[...]
    out_ref[...] = jnp.maximum(o, 0.0)


def _final(acca, accb, bc, lw, lb, g, b):
    full = lambda a, bb: pl.BlockSpec((a, bb), lambda i: (0, 0))
    return pl.pallas_call(
        _final_body,
        grid=(_NNB,),
        in_specs=[
            pl.BlockSpec((2, _NB, _EMB), lambda i: (0, i, 0)),
            pl.BlockSpec((2, _NB, _EMB), lambda i: (0, i, 0)),
            pl.BlockSpec((_NB, _EMB), lambda i: (i, 0)),
            full(_EMB, _EMB), full(1, _EMB), full(1, _EMB), full(1, _EMB),
        ],
        out_specs=pl.BlockSpec((_NB, _EMB), lambda i: (i, 0)),
        out_shape=jax.ShapeDtypeStruct((_N_NODES, _EMB), jnp.float32),
        compiler_params=pltpu.CompilerParams(
            dimension_semantics=("arbitrary",)),
    )(acca, accb, bc, lw, lb, g, b)


def kernel(hidden, edge_index, edge_attr, edge_time_emb, boundary_condition,
           alpha, r1, i1, rb1, ib1, fre_W, fre_b, comb_W, comb_b,
           lin_W, lin_b, ln_g, ln_b):
    f32 = jnp.float32
    src = edge_index[0]
    dst = edge_index[1]
    pad = _E_PAD - _N_EDGES
    table = jnp.concatenate(
        [hidden, jnp.zeros((_NPADT - _N_NODES, _EMB), f32)], axis=0)
    src2d = jnp.concatenate(
        [src, jnp.full((pad,), _N_NODES, src.dtype)]
    ).astype(jnp.int32).reshape(-1, _CHUNK)
    dst2d = jnp.concatenate(
        [dst, jnp.zeros((pad,), dst.dtype)]).astype(jnp.int32).reshape(-1, _CHUNK)
    combE = comb_W[0::2]

    Mr, Mi, Wr2, Wi2, b2, clo, chi = _prep(
        r1, i1, fre_W, combE, fre_b.reshape(1, _EMB),
        comb_b.reshape(1, _EMB), alpha)

    nsq = _nsq(table)
    esum = _easum(edge_attr, edge_time_emb)
    nsqp = _sc_nsq(src2d, nsq).reshape(4, 128)
    zeros = jnp.zeros((_STRIPE, _EMB), f32)

    gath0 = _sc_gather(0, table, src2d)
    msg0 = _main(0, gath0, edge_attr, edge_time_emb, Mr, Mi, Wr2, Wi2, b2,
                 rb1, ib1, clo, chi, esum, nsqp)
    gath1 = _sc_gather(1, table, src2d)
    msg1 = _main(1, gath1, edge_attr, edge_time_emb, Mr, Mi, Wr2, Wi2, b2,
                 rb1, ib1, clo, chi, esum, nsqp)
    acca = _sc_scatter(0, msg0, dst2d, zeros)
    accb = _sc_scatter(1, msg1, dst2d, zeros)

    return _final(acca, accb, boundary_condition, lin_W,
                  lin_b.reshape(1, _EMB), ln_g.reshape(1, _EMB),
                  ln_b.reshape(1, _EMB))

# --- scband reference (transcript-rebuilt; emitter-appended) ---
"""Pipeline reference for scband-bpdrlayer-38405597561382 (READ-ONLY COPY).

The authoritative reference and input builder live on the scoring server;
editing this copy changes nothing except your own understanding.
"""

import jax, jax.numpy as jnp
import numpy as np

N_NODES = 10000
N_EDGES = 160000
EMB = 128
EA = 16
ET = 16
IN_DIM = EMB + EA + ET
NK = 3
LAMBD = 0.01


def softshrink(x, lambd):
    return jnp.where(x > lambd, x - lambd, jnp.where(x < -lambd, x + lambd, 0.0))


def fremlp(x, alpha, r1, i1, rb1, ib1, fre_W, fre_b):
    xc = x.astype(jnp.complex64)
    x_fft = jnp.fft.fft(xc, axis=-1)
    energy = jnp.sum(jnp.abs(x_fft) ** 2, axis=-1)
    energy_sum = jnp.sum(energy)
    outs = []
    for k in range(NK):
        factor = (2 * (k + 1) - 1) / (2 * NK)
        Q_k = alpha[k, 0] * factor * energy_sum
        b_k = (1.0 / alpha[k, 0]) * energy_sum / (NK * 2)
        mask = ((energy >= Q_k - b_k) & (energy <= Q_k + b_k)).astype(jnp.float32)
        fr = x_fft.real * mask[:, None]
        fi = x_fft.imag * mask[:, None]
        o_real = fr @ r1[k] - fi @ i1[k] + rb1[k]
        o_imag = fi @ r1[k] + fr @ i1[k] + ib1[k]
        yr = softshrink(jax.nn.relu(o_real), LAMBD)
        yi = softshrink(jax.nn.relu(o_imag), LAMBD)
        outs.append(jax.lax.complex(yr, yi))
    y_cat = jnp.concatenate(outs, axis=-1)
    y = jnp.fft.ifft(y_cat, axis=-1)
    return jnp.real(y) @ fre_W + fre_b


def bpdr_forward(hidden, edge_index, edge_attr, edge_time_emb, boundary_condition,
                 alpha, r1, i1, rb1, ib1, fre_W, fre_b, comb_W, comb_b,
                 lin_W, lin_b, ln_g, ln_b):
    num_nodes = hidden.shape[0]
    src = edge_index[0]
    dst = edge_index[1]
    msg_input = jnp.concatenate([hidden[src], edge_attr, edge_time_emb], axis=1)
    msg = fremlp(msg_input, alpha, r1, i1, rb1, ib1, fre_W, fre_b)
    E = msg.shape[0]
    # view_as_complex(msg + 0j) -> view_as_real -> flatten: interleave real/imag
    msg_ri = jnp.stack([msg, jnp.zeros_like(msg)], axis=-1).reshape(E, 2 * EMB)
    msg2 = msg_ri @ comb_W + comb_b
    msg_aug = jnp.concatenate([msg2, boundary_condition], axis=0)
    idx_aug = jnp.concatenate([dst, jnp.arange(num_nodes, dtype=dst.dtype)])
    out = jax.ops.segment_sum(msg_aug, idx_aug, num_segments=num_nodes)
    out = out @ lin_W + lin_b
    mean = jnp.mean(out, axis=-1, keepdims=True)
    var = jnp.var(out, axis=-1, keepdims=True)
    out = (out - mean) / jnp.sqrt(var + 1e-5) * ln_g + ln_b
    out = jax.nn.relu(out)
    # dropout p=0.1 is identity in eval mode
    return out


def setup_inputs(seed: int = 0):
    key = jax.random.key(seed)
    ks = jax.random.split(key, 24)
    scale = 0.02
    inp = {}
    inp["hidden"] = jax.random.normal(ks[0], (N_NODES, EMB), dtype=jnp.float32)
    inp["edge_index"] = jax.random.randint(ks[1], (2, N_EDGES), 0, N_NODES, dtype=jnp.int32)
    inp["edge_attr"] = jax.random.normal(ks[2], (N_EDGES, EA), dtype=jnp.float32)
    inp["edge_time_emb"] = jax.random.normal(ks[3], (N_EDGES, ET), dtype=jnp.float32)
    inp["boundary_condition"] = jax.random.normal(ks[4], (N_NODES, EMB), dtype=jnp.float32)
    inp["alpha"] = jnp.ones((NK, 1), dtype=jnp.float32)
    inp["r1"] = scale * jax.random.normal(ks[5], (NK, IN_DIM, EMB), dtype=jnp.float32)
    inp["i1"] = scale * jax.random.normal(ks[6], (NK, IN_DIM, EMB), dtype=jnp.float32)
    inp["rb1"] = scale * jax.random.normal(ks[7], (NK, EMB), dtype=jnp.float32)
    inp["ib1"] = scale * jax.random.normal(ks[8], (NK, EMB), dtype=jnp.float32)
    inp["fre_W"] = jax.random.normal(ks[9], (EMB * NK, EMB), dtype=jnp.float32) / np.sqrt(EMB * NK)
    inp["fre_b"] = jnp.zeros((EMB,), dtype=jnp.float32)
    inp["comb_W"] = jax.random.normal(ks[10], (2 * EMB, EMB), dtype=jnp.float32) / np.sqrt(2 * EMB)
    inp["comb_b"] = jnp.zeros((EMB,), dtype=jnp.float32)
    inp["lin_W"] = jax.random.normal(ks[11], (EMB, EMB), dtype=jnp.float32) / np.sqrt(EMB)
    inp["lin_b"] = jnp.zeros((EMB,), dtype=jnp.float32)
    inp["ln_g"] = jnp.ones((EMB,), dtype=jnp.float32)
    inp["ln_b"] = jnp.zeros((EMB,), dtype=jnp.float32)
    return inp


def reference(hidden, edge_index, edge_attr, edge_time_emb, boundary_condition,
              alpha, r1, i1, rb1, ib1, fre_W, fre_b, comb_W, comb_b,
              lin_W, lin_b, ln_g, ln_b):
    return bpdr_forward(hidden, edge_index, edge_attr, edge_time_emb, boundary_condition,
                        alpha, r1, i1, rb1, ib1, fre_W, fre_b, comb_W, comb_b,
                        lin_W, lin_b, ln_g, ln_b)

if __name__ == "__main__":
    import jax
    _d = setup_inputs()
    print(jax.jit(kernel)(*tuple(_d.values())))

</pallas_src>

<mosaic_0001>
#map = affine_map<(d0, d1) -> (0, 0)>
#map1 = affine_map<(d0, d1) -> (0)>
module attributes {stable_mosaic.version = 14 : i64} {
  func.func @sc_nsq(%arg0: i32, %arg1: i32, %arg2: memref<1280x128xi32, #tpu.memory_space<hbm>>, %arg3: memref<80x128xf32, #tpu.memory_space<hbm>>, %arg4: memref<512xf32, #tpu.memory_space<hbm>>, %arg5: memref<40x128xi32, #tpu.memory_space<vmem>>, %arg6: memref<80x128xf32, #tpu.memory_space<vmem>>, %arg7: memref<16xf32, #tpu.memory_space<vmem>>) attributes {dimension_semantics = [#tpu.dimension_semantics<core_parallel>, #tpu.dimension_semantics<subcore_parallel>], iteration_bounds = array<i64: 2, 16>, scalar_prefetch = 0 : i64, scratch_operands = 3 : i64, tpu.core_type = #tpu.core_type<sc_vector_subcore>, window_params = [{transform_indices = #map}, {transform_indices = #map}, {transform_indices = #map1}]} {
    %mul3A = arith.constant 2 : i32
    %mul3A_0 = arith.muli %arg1, %mul3A : i32
    %add3A = arith.addi %mul3A_0, %arg0 : i32
    %mul3A_1 = arith.constant 40 : i32
    %mul3A_2 = arith.muli %add3A, %mul3A_1 : i32
    %multiple_of3A = tpu.assume_multiple %mul3A_2, 8 : i32
    "tpu.region"() ({
      %run_scoped3A = tpu.sem_alloc : memref<!tpu.dma_semaphore, #tpu.memory_space<semaphore_mem>>
      %dma_start3A = arith.constant 0 : i32
      %dma_start3A_12 = tpu.memref_slice %arg2[%multiple_of3A, %dma_start3A] : memref<1280x128xi32, #tpu.memory_space<hbm>> -> memref<40x128xi32, #tpu.memory_space<hbm>>
      %dma_start3A_13 = arith.constant 0 : i32
      %dma_start3A_14 = tpu.memref_slice %arg2[%multiple_of3A, %dma_start3A_13] : memref<1280x128xi32, #tpu.memory_space<hbm>> -> memref<40x128xi32, #tpu.memory_space<hbm>>
      tpu.enqueue_dma source(%dma_start3A_14 : memref<40x128xi32, #tpu.memory_space<hbm>>) target(%arg5 : memref<40x128xi32, #tpu.memory_space<vmem>>) target_semaphore(%run_scoped3A : memref<!tpu.dma_semaphore, #tpu.memory_space<semaphore_mem>>)
      %dma_wait3A = arith.constant 0 : i32
      %dma_wait3A_15 = tpu.memref_slice %arg2[%multiple_of3A, %dma_wait3A] : memref<1280x128xi32, #tpu.memory_space<hbm>> -> memref<40x128xi32, #tpu.memory_space<hbm>>
      %dma_wait3A_16 = arith.constant 0 : i32
      %dma_wait3A_17 = tpu.memref_slice %arg2[%multiple_of3A, %dma_wait3A_16] : memref<1280x128xi32, #tpu.memory_space<hbm>> -> memref<40x128xi32, #tpu.memory_space<hbm>>
      tpu.wait_dma2 semaphore(%run_scoped3A : memref<!tpu.dma_semaphore, #tpu.memory_space<semaphore_mem>>) src(%dma_wait3A_17 : memref<40x128xi32, #tpu.memory_space<hbm>>) dst(%arg5 : memref<40x128xi32, #tpu.memory_space<vmem>>)
      tpu.yield
    }) : () -> ()
    "tpu.region"() ({
      %run_scoped3A = tpu.sem_alloc : memref<!tpu.dma_semaphore, #tpu.memory_space<semaphore_mem>>
      tpu.enqueue_dma source(%arg3 : memref<80x128xf32, #tpu.memory_space<hbm>>) target(%arg6 : memref<80x128xf32, #tpu.memory_space<vmem>>) target_semaphore(%run_scoped3A : memref<!tpu.dma_semaphore, #tpu.memory_space<semaphore_mem>>)
      tpu.wait_dma2 semaphore(%run_scoped3A : memref<!tpu.dma_semaphore, #tpu.memory_space<semaphore_mem>>) src(%arg3 : memref<80x128xf32, #tpu.memory_space<hbm>>) dst(%arg6 : memref<80x128xf32, #tpu.memory_space<vmem>>)
      tpu.yield
    }) : () -> ()
    %broadcast_in_dim3A = arith.constant 0.000000e+00 : f32
    %broadcast_in_dim3A_3 = vector.broadcast %broadcast_in_dim3A : f32 to vector<16xf32>
    %scan3A = arith.constant 0 : i32
    %scan3A_4 = arith.constant 40 : i32
    %scan3A_5 = arith.addi %scan3A, %scan3A_4 : i32
    %scan3A_6 = arith.constant 1 : i32
    %scan3A_7 = scf.for %scan3A_12 = %scan3A to %scan3A_5 step %scan3A_6 iter_args(%scan3A_13 = %broadcast_in_dim3A_3) -> (vector<16xf32>)  : i32 {
      %get3A = arith.index_cast %scan3A_12 : i32 to index
      %get3A_14 = arith.constant 0 : index
      %get3A_15 = tpu.vector_load %arg5[%get3A, %get3A_14] {strides = array<i32>} : memref<40x128xi32, #tpu.memory_space<vmem>>, vector<16xi32>,
      %shift_right_arithmetic3A = arith.constant 7 : i32
      %shift_right_arithmetic3A_16 = vector.broadcast %shift_right_arithmetic3A : i32 to vector<16xi32>
      %shift_right_arithmetic3A_17 = arith.shrsi %get3A_15, %shift_right_arithmetic3A_16 : vector<16xi32>
      %and3A = arith.constant 127 : i32
      %and3A_18 = vector.broadcast %and3A : i32 to vector<16xi32>
      %and3A_19 = arith.andi %get3A_15, %and3A_18 : vector<16xi32>
      %gather3A = tpu.vector_load_idx %arg6[%shift_right_arithmetic3A_17, %and3A_19] : memref<80x128xf32, #tpu.memory_space<vmem>>[vector<16xi32>, vector<16xi32>], vector<16xf32>,
      %add3A_20 = arith.addf %scan3A_13, %gather3A : vector<16xf32>
      %get3A_21 = arith.index_cast %scan3A_12 : i32 to index
      %get3A_22 = arith.constant 16 : index
      %get3A_23 = tpu.vector_load %arg5[%get3A_21, %get3A_22] {strides = array<i32>} : memref<40x128xi32, #tpu.memory_space<vmem>>, vector<16xi32>,
      %shift_right_arithmetic3A_24 = arith.constant 7 : i32
      %shift_right_arithmetic3A_25 = vector.broadcast %shift_right_arithmetic3A_24 : i32 to vector<16xi32>
      %shift_right_arithmetic3A_26 = arith.shrsi %get3A_23, %shift_right_arithmetic3A_25 : vector<16xi32>
      %and3A_27 = arith.constant 127 : i32
      %and3A_28 = vector.broadcast %and3A_27 : i32 to vector<16xi32>
      %and3A_29 = arith.andi %get3A_23, %and3A_28 : vector<16xi32>
      %gather3A_30 = tpu.vector_load_idx %arg6[%shift_right_arithmetic3A_26, %and3A_29] : memref<80x128xf32, #tpu.memory_space<vmem>>[vector<16xi32>, vector<16xi32>], vector<16xf32>,
      %add3A_31 = arith.addf %add3A_20, %gather3A_30 : vector<16xf32>
      %get3A_32 = arith.index_cast %scan3A_12 : i32 to index
      %get3A_33 = arith.constant 32 : index
      %get3A_34 = tpu.vector_load %arg5[%get3A_32, %get3A_33] {strides = array<i32>} : memref<40x128xi32, #tpu.memory_space<vmem>>, vector<16xi32>,
      %shift_right_arithmetic3A_35 = arith.constant 7 : i32
      %shift_right_arithmetic3A_36 = vector.broadcast %shift_right_arithmetic3A_35 : i32 to vector<16xi32>
      %shift_right_arithmetic3A_37 = arith.shrsi %get3A_34, %shift_right_arithmetic3A_36 : vector<16xi32>
      %and3A_38 = arith.constant 127 : i32
      %and3A_39 = vector.broadcast %and3A_38 : i32 to vector<16xi32>
      %and3A_40 = arith.andi %get3A_34, %and3A_39 : vector<16xi32>
      %gather3A_41 = tpu.vector_load_idx %arg6[%shift_right_arithmetic3A_37, %and3A_40] : memref<80x128xf32, #tpu.memory_space<vmem>>[vector<16xi32>, vector<16xi32>], vector<16xf32>,
      %add3A_42 = arith.addf %add3A_31, %gather3A_41 : vector<16xf32>
      %get3A_43 = arith.index_cast %scan3A_12 : i32 to index
      %get3A_44 = arith.constant 48 : index
      %get3A_45 = tpu.vector_load %arg5[%get3A_43, %get3A_44] {strides = array<i32>} : memref<40x128xi32, #tpu.memory_space<vmem>>, vector<16xi32>,
      %shift_right_arithmetic3A_46 = arith.constant 7 : i32
      %shift_right_arithmetic3A_47 = vector.broadcast %shift_right_arithmetic3A_46 : i32 to vector<16xi32>
      %shift_right_arithmetic3A_48 = arith.shrsi %get3A_45, %shift_right_arithmetic3A_47 : vector<16xi32>
      %and3A_49 = arith.constant 127 : i32
      %and3A_50 = vector.broadcast %and3A_49 : i32 to vector<16xi32>
      %and3A_51 = arith.andi %get3A_45, %and3A_50 : vector<16xi32>
      %gather3A_52 = tpu.vector_load_idx %arg6[%shift_right_arithmetic3A_48, %and3A_51] : memref<80x128xf32, #tpu.memory_space<vmem>>[vector<16xi32>, vector<16xi32>], vector<16xf32>,
      %add3A_53 = arith.addf %add3A_42, %gather3A_52 : vector<16xf32>
      %get3A_54 = arith.index_cast %scan3A_12 : i32 to index
      %get3A_55 = arith.constant 64 : index
      %get3A_56 = tpu.vector_load %arg5[%get3A_54, %get3A_55] {strides = array<i32>} : memref<40x128xi32, #tpu.memory_space<vmem>>, vector<16xi32>,
      %shift_right_arithmetic3A_57 = arith.constant 7 : i32
      %shift_right_arithmetic3A_58 = vector.broadcast %shift_right_arithmetic3A_57 : i32 to vector<16xi32>
      %shift_right_arithmetic3A_59 = arith.shrsi %get3A_56, %shift_right_arithmetic3A_58 : vector<16xi32>
      %and3A_60 = arith.constant 127 : i32
      %and3A_61 = vector.broadcast %and3A_60 : i32 to vector<16xi32>
      %and3A_62 = arith.andi %get3A_56, %and3A_61 : vector<16xi32>
      %gather3A_63 = tpu.vector_load_idx %arg6[%shift_right_arithmetic3A_59, %and3A_62] : memref<80x128xf32, #tpu.memory_space<vmem>>[vector<16xi32>, vector<16xi32>], vector<16xf32>,
      %add3A_64 = arith.addf %add3A_53, %gather3A_63 : vector<16xf32>
      %get3A_65 = arith.index_cast %scan3A_12 : i32 to index
      %get3A_66 = arith.constant 80 : index
      %get3A_67 = tpu.vector_load %arg5[%get3A_65, %get3A_66] {strides = array<i32>} : memref<40x128xi32, #tpu.memory_space<vmem>>, vector<16xi32>,
      %shift_right_arithmetic3A_68 = arith.constant 7 : i32
      %shift_right_arithmetic3A_69 = vector.broadcast %shift_right_arithmetic3A_68 : i32 to vector<16xi32>
      %shift_right_arithmetic3A_70 = arith.shrsi %get3A_67, %shift_right_arithmetic3A_69 : vector<16xi32>
      %and3A_71 = arith.constant 127 : i32
      %and3A_72 = vector.broadcast %and3A_71 : i32 to vector<16xi32>
      %and3A_73 = arith.andi %get3A_67, %and3A_72 : vector<16xi32>
      %gather3A_74 = tpu.vector_load_idx %arg6[%shift_right_arithmetic3A_70, %and3A_73] : memref<80x128xf32, #tpu.memory_space<vmem>>[vector<16xi32>, vector<16xi32>], vector<16xf32>,
      %add3A_75 = arith.addf %add3A_64, %gather3A_74 : vector<16xf32>
      %get3A_76 = arith.index_cast %scan3A_12 : i32 to index
      %get3A_77 = arith.constant 96 : index
      %get3A_78 = tpu.vector_load %arg5[%get3A_76, %get3A_77] {strides = array<i32>} : memref<40x128xi32, #tpu.memory_space<vmem>>, vector<16xi32>,
      %shift_right_arithmetic3A_79 = arith.constant 7 : i32
      %shift_right_arithmetic3A_80 = vector.broadcast %shift_right_arithmetic3A_79 : i32 to vector<16xi32>
      %shift_right_arithmetic3A_81 = arith.shrsi %get3A_78, %shift_right_arithmetic3A_80 : vector<16xi32>
      %and3A_82 = arith.constant 127 : i32
      %and3A_83 = vector.broadcast %and3A_82 : i32 to vector<16xi32>
      %and3A_84 = arith.andi %get3A_78, %and3A_83 : vector<16xi32>
      %gather3A_85 = tpu.vector_load_idx %arg6[%shift_right_arithmetic3A_81, %and3A_84] : memref<80x128xf32, #tpu.memory_space<vmem>>[vector<16xi32>, vector<16xi32>], vector<16xf32>,
      %add3A_86 = arith.addf %add3A_75, %gather3A_85 : vector<16xf32>
      %get3A_87 = arith.index_cast %scan3A_12 : i32 to index
      %get3A_88 = arith.constant 112 : index
      %get3A_89 = tpu.vector_load %arg5[%get3A_87, %get3A_88] {strides = array<i32>} : memref<40x128xi32, #tpu.memory_space<vmem>>, vector<16xi32>,
      %shift_right_arithmetic3A_90 = arith.constant 7 : i32
      %shift_right_arithmetic3A_91 = vector.broadcast %shift_right_arithmetic3A_90 : i32 to vector<16xi32>
      %shift_right_arithmetic3A_92 = arith.shrsi %get3A_89, %shift_right_arithmetic3A_91 : vector<16xi32>
      %and3A_93 = arith.constant 127 : i32
      %and3A_94 = vector.broadcast %and3A_93 : i32 to vector<16xi32>
      %and3A_95 = arith.andi %get3A_89, %and3A_94 : vector<16xi32>
      %gather3A_96 = tpu.vector_load_idx %arg6[%shift_right_arithmetic3A_92, %and3A_95] : memref<80x128xf32, #tpu.memory_space<vmem>>[vector<16xi32>, vector<16xi32>], vector<16xf32>,
      %add3A_97 = arith.addf %add3A_86, %gather3A_96 : vector<16xf32>
      scf.yield %add3A_97 : vector<16xf32>
    }
    %scan3A_8 = arith.constant 40 : i32
    %swap3A = arith.constant 0 : index
    %swap3A_9 = tpu.vector_load %arg7[%swap3A] {strides = array<i32>} : memref<16xf32, #tpu.memory_space<vmem>>, vector<16xf32>,
    tpu.vector_store %arg7[%swap3A], %scan3A_7 {strides = array<i32>} : memref<16xf32, #tpu.memory_space<vmem>>, vector<16xf32>,
    %mul3A_10 = arith.constant 16 : i32
    %mul3A_11 = arith.muli %add3A, %mul3A_10 : i32
    "tpu.region"() ({
      %run_scoped3A = tpu.sem_alloc : memref<!tpu.dma_semaphore, #tpu.memory_space<semaphore_mem>>
      %dma_start3A = tpu.memref_slice %arg4[%mul3A_11] : memref<512xf32, #tpu.memory_space<hbm>> -> memref<16xf32, #tpu.memory_space<hbm>>
      %dma_start3A_12 = tpu.memref_slice %arg4[%mul3A_11] : memref<512xf32, #tpu.memory_space<hbm>> -> memref<16xf32, #tpu.memory_space<hbm>>
      tpu.enqueue_dma source(%arg7 : memref<16xf32, #tpu.memory_space<vmem>>) target(%dma_start3A_12 : memref<16xf32, #tpu.memory_space<hbm>>) target_semaphore(%run_scoped3A : memref<!tpu.dma_semaphore, #tpu.memory_space<semaphore_mem>>)
      %dma_wait3A = tpu.memref_slice %arg4[%mul3A_11] : memref<512xf32, #tpu.memory_space<hbm>> -> memref<16xf32, #tpu.memory_space<hbm>>
      %dma_wait3A_13 = tpu.memref_slice %arg4[%mul3A_11] : memref<512xf32, #tpu.memory_space<hbm>> -> memref<16xf32, #tpu.memory_space<hbm>>
      tpu.wait_dma2 semaphore(%run_scoped3A : memref<!tpu.dma_semaphore, #tpu.memory_space<semaphore_mem>>) src(%arg7 : memref<16xf32, #tpu.memory_space<vmem>>) dst(%dma_wait3A_13 : memref<16xf32, #tpu.memory_space<hbm>>)
      tpu.yield
    }) : () -> ()
    return
  }
}

#map = affine_map<(d0, d1) -> (0, 0)>
#map1 = affine_map<(d0, d1) -> (0, 0, 0)>
module attributes {stable_mosaic.version = 14 : i64} {
  func.func @sc_scatter(%arg0: i32, %arg1: i32, %arg2: memref<81920x128xf32, #tpu.memory_space<hbm>>, %arg3: memref<1280x128xi32, #tpu.memory_space<hbm>>, %arg4: memref<624x128xf32, #tpu.memory_space<hbm>>, %arg5: memref<2x10000x128xf32, #tpu.memory_space<hbm>>, %arg6: memref<24x128xi32, #tpu.memory_space<vmem>>, %arg7: memref<2x128x128xf32, #tpu.memory_space<vmem>>, %arg8: memref<10000x128xf32, #tpu.memory_space<vmem_shared>>, %arg9: memref<!tpu.dma_semaphore, #tpu.memory_space<semaphore_mem>>, %arg10: memref<!tpu.dma_semaphore, #tpu.memory_space<semaphore_mem>>, %arg11: memref<!tpu.dma_semaphore, #tpu.memory_space<semaphore_mem>>, %arg12: memref<!tpu.dma_semaphore, #tpu.memory_space<semaphore_mem>>) attributes {dimension_semantics = [#tpu.dimension_semantics<core_parallel>, #tpu.dimension_semantics<subcore_parallel>], iteration_bounds = array<i64: 2, 16>, scalar_prefetch = 0 : i64, scratch_operands = 7 : i64, tpu.core_type = #tpu.core_type<sc_vector_subcore>, window_params = [{transform_indices = #map}, {transform_indices = #map}, {transform_indices = #map}, {transform_indices = #map1}]} {
    %mul3A = arith.constant 2 : i32
    %mul3A_0 = arith.muli %arg1, %mul3A : i32
    %add3A = arith.addi %mul3A_0, %arg0 : i32
    %mul3A_1 = arith.constant 624 : i32
    %mul3A_2 = arith.muli %arg1, %mul3A_1 : i32
    %multiple_of3A = tpu.assume_multiple %mul3A_2, 8 : i32
    "tpu.region"() ({
      %run_scoped3A = tpu.sem_alloc : memref<!tpu.dma_semaphore, #tpu.memory_space<semaphore_mem>>
      %dma_start3A = arith.constant 0 : i32
      %dma_start3A_62 = tpu.memref_slice %arg8[%multiple_of3A, %dma_start3A] : memref<10000x128xf32, #tpu.memory_space<vmem_shared>> -> memref<624x128xf32, #tpu.memory_space<vmem_shared>>
      %dma_start3A_63 = arith.constant 0 : i32
      %dma_start3A_64 = arith.constant 0 : i32
      %dma_start3A_65 = tpu.memref_slice %arg4[%dma_start3A_63, %dma_start3A_64] : memref<624x128xf32, #tpu.memory_space<hbm>> -> memref<624x128xf32, #tpu.memory_space<hbm>>
      tpu.enqueue_dma source(%dma_start3A_65 : memref<624x128xf32, #tpu.memory_space<hbm>>) target(%dma_start3A_62 : memref<624x128xf32, #tpu.memory_space<vmem_shared>>) target_semaphore(%run_scoped3A : memref<!tpu.dma_semaphore, #tpu.memory_space<semaphore_mem>>)
      %dma_wait3A_66 = arith.constant 0 : i32
      %dma_wait3A_67 = tpu.memref_slice %arg8[%multiple_of3A, %dma_wait3A_66] : memref<10000x128xf32, #tpu.memory_space<vmem_shared>> -> memref<624x128xf32, #tpu.memory_space<vmem_shared>>
      %dma_wait3A_68 = arith.constant 0 : i32
      %dma_wait3A_69 = arith.constant 0 : i32
      %dma_wait3A_70 = tpu.memref_slice %arg4[%dma_wait3A_68, %dma_wait3A_69] : memref<624x128xf32, #tpu.memory_space<hbm>> -> memref<624x128xf32, #tpu.memory_space<hbm>>
      tpu.wait_dma2 semaphore(%run_scoped3A : memref<!tpu.dma_semaphore, #tpu.memory_space<semaphore_mem>>) src(%dma_wait3A_70 : memref<624x128xf32, #tpu.memory_space<hbm>>) dst(%dma_wait3A_67 : memref<624x128xf32, #tpu.memory_space<vmem_shared>>)
      tpu.yield
    }) : () -> ()
    %eq3A = arith.constant 15 : i32
    %eq3A_3 = arith.cmpi eq, %arg1, %eq3A : i32
    %convert_element_type3A = arith.extui %eq3A_3 : i1 to i32
    %cond3A = arith.constant 0 : i32
    %cond3A_4 = arith.cmpi ne, %convert_element_type3A, %cond3A : i32
    scf.if %cond3A_4 {
      "tpu.region"() ({
        %run_scoped3A = tpu.sem_alloc : memref<!tpu.dma_semaphore, #tpu.memory_space<semaphore_mem>>
        %dma_start3A = arith.constant 9984 : i32
        %dma_start3A_62 = arith.constant 0 : i32
        %dma_start3A_63 = tpu.memref_slice %arg8[%dma_start3A, %dma_start3A_62] : memref<10000x128xf32, #tpu.memory_space<vmem_shared>> -> memref<16x128xf32, #tpu.memory_space<vmem_shared>>
        %dma_start3A_64 = arith.constant 0 : i32
        %dma_start3A_65 = arith.constant 0 : i32
        %dma_start3A_66 = tpu.memref_slice %arg4[%dma_start3A_64, %dma_start3A_65] : memref<624x128xf32, #tpu.memory_space<hbm>> -> memref<16x128xf32, #tpu.memory_space<hbm>>
        tpu.enqueue_dma source(%dma_start3A_66 : memref<16x128xf32, #tpu.memory_space<hbm>>) target(%dma_start3A_63 : memref<16x128xf32, #tpu.memory_space<vmem_shared>>) target_semaphore(%run_scoped3A : memref<!tpu.dma_semaphore, #tpu.memory_space<semaphore_mem>>)
        %dma_wait3A_67 = arith.constant 9984 : i32
        %dma_wait3A_68 = arith.constant 0 : i32
        %dma_wait3A_69 = tpu.memref_slice %arg8[%dma_wait3A_67, %dma_wait3A_68] : memref<10000x128xf32, #tpu.memory_space<vmem_shared>> -> memref<16x128xf32, #tpu.memory_space<vmem_shared>>
        %dma_wait3A_70 = arith.constant 0 : i32
        %dma_wait3A_71 = arith.constant 0 : i32
        %dma_wait3A_72 = tpu.memref_slice %arg4[%dma_wait3A_70, %dma_wait3A_71] : memref<624x128xf32, #tpu.memory_space<hbm>> -> memref<16x128xf32, #tpu.memory_space<hbm>>
        tpu.wait_dma2 semaphore(%run_scoped3A : memref<!tpu.dma_semaphore, #tpu.memory_space<semaphore_mem>>) src(%dma_wait3A_72 : memref<16x128xf32, #tpu.memory_space<hbm>>) dst(%dma_wait3A_69 : memref<16x128xf32, #tpu.memory_space<vmem_shared>>)
        tpu.yield
      }) : () -> ()
    } else {
    }
    %mul3A_5 = arith.constant 20 : i32
    %mul3A_6 = arith.muli %add3A, %mul3A_5 : i32
    %add3A_7 = arith.constant 640 : i32
    %add3A_8 = arith.addi %add3A_7, %mul3A_6 : i32
    %jit3A = arith.constant 8 : i32
    %div3A = arith.divsi %add3A_8, %jit3A : i32
    %sign3A = arith.constant 0 : i32
    %sign3A_9 = arith.cmpi sgt, %add3A_8, %sign3A : i32
    %sign3A_10 = arith.extui %sign3A_9 : i1 to i32
    %sign3A_11 = arith.constant 0 : i32
    %sign3A_12 = arith.cmpi slt, %add3A_8, %sign3A_11 : i32
    %sign3A_13 = arith.extui %sign3A_12 : i1 to i32
    %sign3A_14 = arith.subi %sign3A_10, %sign3A_13 : i32
    %sign3A_15 = arith.constant 0 : i32
    %sign3A_16 = arith.cmpi sgt, %jit3A, %sign3A_15 : i32
    %sign3A_17 = arith.extui %sign3A_16 : i1 to i32
    %sign3A_18 = arith.constant 0 : i32
    %sign3A_19 = arith.cmpi slt, %jit3A, %sign3A_18 : i32
    %sign3A_20 = arith.extui %sign3A_19 : i1 to i32
    %sign3A_21 = arith.subi %sign3A_17, %sign3A_20 : i32
    %ne3A = arith.cmpi ne, %sign3A_14, %sign3A_21 : i32
    %rem3A = arith.remsi %add3A_8, %jit3A : i32
    %ne3A_22 = arith.constant 0 : i32
    %ne3A_23 = arith.cmpi ne, %rem3A, %ne3A_22 : i32
    %and3A = arith.andi %ne3A, %ne3A_23 : i1
    %sub3A = arith.constant 1 : i32
    %sub3A_24 = arith.subi %div3A, %sub3A : i32
    %select_n3A = arith.select %and3A, %sub3A_24, %div3A : i32
    %mul3A_25 = arith.constant 8 : i32
    %mul3A_26 = arith.muli %select_n3A, %mul3A_25 : i32
    %multiple_of3A_27 = tpu.assume_multiple %mul3A_26, 8 : i32
    %sub3A_28 = arith.subi %add3A_8, %multiple_of3A_27 : i32
    "tpu.region"() ({
      %run_scoped3A = tpu.sem_alloc : memref<!tpu.dma_semaphore, #tpu.memory_space<semaphore_mem>>
      %dma_start3A = arith.constant 0 : i32
      %dma_start3A_62 = tpu.memref_slice %arg3[%multiple_of3A_27, %dma_start3A] : memref<1280x128xi32, #tpu.memory_space<hbm>> -> memref<24x128xi32, #tpu.memory_space<hbm>>
      %dma_start3A_63 = arith.constant 0 : i32
      %dma_start3A_64 = tpu.memref_slice %arg3[%multiple_of3A_27, %dma_start3A_63] : memref<1280x128xi32, #tpu.memory_space<hbm>> -> memref<24x128xi32, #tpu.memory_space<hbm>>
      tpu.enqueue_dma source(%dma_start3A_64 : memref<24x128xi32, #tpu.memory_space<hbm>>) target(%arg6 : memref<24x128xi32, #tpu.memory_space<vmem>>) target_semaphore(%run_scoped3A : memref<!tpu.dma_semaphore, #tpu.memory_space<semaphore_mem>>)
      %dma_wait3A_65 = arith.constant 0 : i32
      %dma_wait3A_66 = tpu.memref_slice %arg3[%multiple_of3A_27, %dma_wait3A_65] : memref<1280x128xi32, #tpu.memory_space<hbm>> -> memref<24x128xi32, #tpu.memory_space<hbm>>
      %dma_wait3A_67 = arith.constant 0 : i32
      %dma_wait3A_68 = tpu.memref_slice %arg3[%multiple_of3A_27, %dma_wait3A_67] : memref<1280x128xi32, #tpu.memory_space<hbm>> -> memref<24x128xi32, #tpu.memory_space<hbm>>
      tpu.wait_dma2 semaphore(%run_scoped3A : memref<!tpu.dma_semaphore, #tpu.memory_space<semaphore_mem>>) src(%dma_wait3A_68 : memref<24x128xi32, #tpu.memory_space<hbm>>) dst(%arg6 : memref<24x128xi32, #tpu.memory_space<vmem>>)
      tpu.yield
    }) : () -> ()
    %barrier3A = arith.constant 0 : index
    tpu.barrier barrier_id(%barrier3A)
    %scan3A = arith.constant 0 : i32
    %scan3A_29 = arith.constant 10 : i32
    %scan3A_30 = arith.addi %scan3A, %scan3A_29 : i32
    %scan3A_31 = arith.constant 1 : i32
    scf.for %scan3A_62 = %scan3A to %scan3A_30 step %scan3A_31  : i32 {
      %mul3A_63 = arith.constant 2 : i32
      %mul3A_64 = arith.muli %scan3A_62, %mul3A_63 : i32
      %add3A_65 = arith.constant 0 : i32
      %add3A_66 = arith.addi %add3A_65, %mul3A_64 : i32
      %add3A_67 = arith.constant 0 : i32
      %add3A_68 = arith.addi %add3A_66, %add3A_67 : i32
      %ge3A = arith.constant 2 : i32
      %ge3A_69 = arith.cmpi sge, %add3A_68, %ge3A : i32
      %convert_element_type3A_70 = arith.extui %ge3A_69 : i1 to i32
      %cond3A_71 = arith.constant 0 : i32
      %cond3A_72 = arith.constant 0 : i32
      %cond3A_73 = arith.cmpi ne, %convert_element_type3A_70, %cond3A_72 : i32
      scf.if %cond3A_73 {
        %dma_wait3A_169 = arith.constant 0 : i32
        %dma_wait3A_170 = arith.constant 0 : i32
        %dma_wait3A_171 = arith.constant 0 : i32
        %dma_wait3A_172 = tpu.memref_slice %arg7[%cond3A_71, %dma_wait3A_170, %dma_wait3A_171] : memref<2x128x128xf32, #tpu.memory_space<vmem>> -> memref<1x128x128xf32, #tpu.memory_space<vmem>>
        %dma_wait3A_173 = tpu.memref_squeeze %dma_wait3A_172 : memref<1x128x128xf32, #tpu.memory_space<vmem>> -> memref<128x128xf32, #tpu.memory_space<vmem>>
        %dma_wait3A_174 = arith.constant 0 : i32
        %dma_wait3A_175 = tpu.memref_slice %arg6[%dma_wait3A_169, %dma_wait3A_174] : memref<24x128xi32, #tpu.memory_space<vmem>> -> memref<1x128xi32, #tpu.memory_space<vmem>>
        %dma_wait3A_176 = tpu.memref_squeeze %dma_wait3A_175 : memref<1x128xi32, #tpu.memory_space<vmem>> -> memref<128xi32, #tpu.memory_space<vmem>>
        %dma_wait3A_177 = arith.constant 0 : i32
        %dma_wait3A_178 = arith.constant 0 : i32
        %dma_wait3A_179 = tpu.memref_slice %arg8[%dma_wait3A_177, %dma_wait3A_178] : memref<10000x128xf32, #tpu.memory_space<vmem_shared>> -> memref<10000x128xf32, #tpu.memory_space<vmem_shared>>
        tpu.wait_indirect_dma semaphore(%arg11 : memref<!tpu.dma_semaphore, #tpu.memory_space<semaphore_mem>>) src(%dma_wait3A_173 : memref<128x128xf32, #tpu.memory_space<vmem>>) dst(%dma_wait3A_179 : memref<10000x128xf32, #tpu.memory_space<vmem_shared>>)
      } else {
      }
      %mul3A_74 = arith.constant 2560 : i32
      %mul3A_75 = arith.muli %add3A, %mul3A_74 : i32
      %multiple_of3A_76 = tpu.assume_multiple %mul3A_75, 128 : i32
      %mul3A_77 = arith.constant 128 : i32
      %mul3A_78 = arith.muli %add3A_68, %mul3A_77 : i32
      %add3A_79 = arith.addi %multiple_of3A_76, %mul3A_78 : i32
      %dma_start3A = arith.constant 0 : i32
      %dma_start3A_80 = arith.constant 0 : i32
      %dma_start3A_81 = arith.constant 0 : i32
      %dma_start3A_82 = tpu.memref_slice %arg7[%dma_start3A, %dma_start3A_80, %dma_start3A_81] : memref<2x128x128xf32, #tpu.memory_space<vmem>> -> memref<1x128x128xf32, #tpu.memory_space<vmem>>
      %dma_start3A_83 = tpu.memref_squeeze %dma_start3A_82 : memref<1x128x128xf32, #tpu.memory_space<vmem>> -> memref<128x128xf32, #tpu.memory_space<vmem>>
      %dma_start3A_84 = arith.constant 0 : i32
      %dma_start3A_85 = tpu.memref_slice %arg2[%add3A_79, %dma_start3A_84] : memref<81920x128xf32, #tpu.memory_space<hbm>> -> memref<128x128xf32, #tpu.memory_space<hbm>>
      %dma_start3A_86 = arith.constant 0 : i32
      %dma_start3A_87 = arith.constant 0 : i32
      %dma_start3A_88 = tpu.memref_slice %arg7[%dma_start3A, %dma_start3A_86, %dma_start3A_87] : memref<2x128x128xf32, #tpu.memory_space<vmem>> -> memref<1x128x128xf32, #tpu.memory_space<vmem>>
      %dma_start3A_89 = tpu.memref_squeeze %dma_start3A_88 : memref<1x128x128xf32, #tpu.memory_space<vmem>> -> memref<128x128xf32, #tpu.memory_space<vmem>>
      %dma_start3A_90 = arith.constant 0 : i32
      %dma_start3A_91 = tpu.memref_slice %arg2[%add3A_79, %dma_start3A_90] : memref<81920x128xf32, #tpu.memory_space<hbm>> -> memref<128x128xf32, #tpu.memory_space<hbm>>
      tpu.enqueue_dma source(%dma_start3A_91 : memref<128x128xf32, #tpu.memory_space<hbm>>) target(%dma_start3A_89 : memref<128x128xf32, #tpu.memory_space<vmem>>) target_semaphore(%arg9 : memref<!tpu.dma_semaphore, #tpu.memory_space<semaphore_mem>>)
      %dma_wait3A_92 = arith.constant 0 : i32
      %dma_wait3A_93 = arith.constant 0 : i32
      %dma_wait3A_94 = arith.constant 0 : i32
      %dma_wait3A_95 = tpu.memref_slice %arg7[%dma_wait3A_92, %dma_wait3A_93, %dma_wait3A_94] : memref<2x128x128xf32, #tpu.memory_space<vmem>> -> memref<1x128x128xf32, #tpu.memory_space<vmem>>
      %dma_wait3A_96 = tpu.memref_squeeze %dma_wait3A_95 : memref<1x128x128xf32, #tpu.memory_space<vmem>> -> memref<128x128xf32, #tpu.memory_space<vmem>>
      %dma_wait3A_97 = arith.constant 0 : i32
      %dma_wait3A_98 = tpu.memref_slice %arg2[%add3A_79, %dma_wait3A_97] : memref<81920x128xf32, #tpu.memory_space<hbm>> -> memref<128x128xf32, #tpu.memory_space<hbm>>
      %dma_wait3A_99 = arith.constant 0 : i32
      %dma_wait3A_100 = arith.constant 0 : i32
      %dma_wait3A_101 = tpu.memref_slice %arg7[%dma_wait3A_92, %dma_wait3A_99, %dma_wait3A_100] : memref<2x128x128xf32, #tpu.memory_space<vmem>> -> memref<1x128x128xf32, #tpu.memory_space<vmem>>
      %dma_wait3A_102 = tpu.memref_squeeze %dma_wait3A_101 : memref<1x128x128xf32, #tpu.memory_space<vmem>> -> memref<128x128xf32, #tpu.memory_space<vmem>>
      %dma_wait3A_103 = arith.constant 0 : i32
      %dma_wait3A_104 = tpu.memref_slice %arg2[%add3A_79, %dma_wait3A_103] : memref<81920x128xf32, #tpu.memory_space<hbm>> -> memref<128x128xf32, #tpu.memory_space<hbm>>
      tpu.wait_dma2 semaphore(%arg9 : memref<!tpu.dma_semaphore, #tpu.memory_space<semaphore_mem>>) src(%dma_wait3A_104 : memref<128x128xf32, #tpu.memory_space<hbm>>) dst(%dma_wait3A_102 : memref<128x128xf32, #tpu.memory_space<vmem>>)
      %add3A_105 = arith.addi %sub3A_28, %add3A_68 : i32
      %dma_start3A_106 = arith.constant 0 : i32
      %dma_start3A_107 = arith.constant 0 : i32
      %dma_start3A_108 = arith.constant 0 : i32
      %dma_start3A_109 = tpu.memref_slice %arg7[%dma_start3A_106, %dma_start3A_107, %dma_start3A_108] : memref<2x128x128xf32, #tpu.memory_space<vmem>> -> memref<1x128x128xf32, #tpu.memory_space<vmem>>
      %dma_start3A_110 = tpu.memref_squeeze %dma_start3A_109 : memref<1x128x128xf32, #tpu.memory_space<vmem>> -> memref<128x128xf32, #tpu.memory_space<vmem>>
      %dma_start3A_111 = arith.constant 0 : i32
      %dma_start3A_112 = tpu.memref_slice %arg6[%add3A_105, %dma_start3A_111] : memref<24x128xi32, #tpu.memory_space<vmem>> -> memref<1x128xi32, #tpu.memory_space<vmem>>
      %dma_start3A_113 = tpu.memref_squeeze %dma_start3A_112 : memref<1x128xi32, #tpu.memory_space<vmem>> -> memref<128xi32, #tpu.memory_space<vmem>>
      %dma_start3A_114 = arith.constant 0 : i32
      %dma_start3A_115 = arith.constant 0 : i32
      %dma_start3A_116 = tpu.memref_slice %arg8[%dma_start3A_114, %dma_start3A_115] : memref<10000x128xf32, #tpu.memory_space<vmem_shared>> -> memref<10000x128xf32, #tpu.memory_space<vmem_shared>>
      tpu.enqueue_indirect_dma source(%dma_start3A_110 : memref<128x128xf32, #tpu.memory_space<vmem>>) target(%dma_start3A_116 : memref<10000x128xf32, #tpu.memory_space<vmem_shared>>) offsets(%dma_start3A_113 : memref<128xi32, #tpu.memory_space<vmem>>) semaphore(%arg11 : memref<!tpu.dma_semaphore, #tpu.memory_space<semaphore_mem>>) {add = true}
      %add3A_117 = arith.constant 1 : i32
      %add3A_118 = arith.addi %add3A_66, %add3A_117 : i32
      %ge3A_119 = arith.constant 2 : i32
      %ge3A_120 = arith.cmpi sge, %add3A_118, %ge3A_119 : i32
      %convert_element_type3A_121 = arith.extui %ge3A_120 : i1 to i32
      %cond3A_122 = arith.constant 1 : i32
      %cond3A_123 = arith.constant 0 : i32
      %cond3A_124 = arith.cmpi ne, %convert_element_type3A_121, %cond3A_123 : i32
      scf.if %cond3A_124 {
        %dma_wait3A_169 = arith.constant 0 : i32
        %dma_wait3A_170 = arith.constant 0 : i32
        %dma_wait3A_171 = arith.constant 0 : i32
        %dma_wait3A_172 = tpu.memref_slice %arg7[%cond3A_122, %dma_wait3A_170, %dma_wait3A_171] : memref<2x128x128xf32, #tpu.memory_space<vmem>> -> memref<1x128x128xf32, #tpu.memory_space<vmem>>
        %dma_wait3A_173 = tpu.memref_squeeze %dma_wait3A_172 : memref<1x128x128xf32, #tpu.memory_space<vmem>> -> memref<128x128xf32, #tpu.memory_space<vmem>>
        %dma_wait3A_174 = arith.constant 0 : i32
        %dma_wait3A_175 = tpu.memref_slice %arg6[%dma_wait3A_169, %dma_wait3A_174] : memref<24x128xi32, #tpu.memory_space<vmem>> -> memref<1x128xi32, #tpu.memory_space<vmem>>
        %dma_wait3A_176 = tpu.memref_squeeze %dma_wait3A_175 : memref<1x128xi32, #tpu.memory_space<vmem>> -> memref<128xi32, #tpu.memory_space<vmem>>
        %dma_wait3A_177 = arith.constant 0 : i32
        %dma_wait3A_178 = arith.constant 0 : i32
        %dma_wait3A_179 = tpu.memref_slice %arg8[%dma_wait3A_177, %dma_wait3A_178] : memref<10000x128xf32, #tpu.memory_space<vmem_shared>> -> memref<10000x128xf32, #tpu.memory_space<vmem_shared>>
        tpu.wait_indirect_dma semaphore(%arg12 : memref<!tpu.dma_semaphore, #tpu.memory_space<semaphore_mem>>) src(%dma_wait3A_173 : memref<128x128xf32, #tpu.memory_space<vmem>>) dst(%dma_wait3A_179 : memref<10000x128xf32, #tpu.memory_space<vmem_shared>>)
      } else {
      }
      %mul3A_125 = arith.constant 2560 : i32
      %mul3A_126 = arith.muli %add3A, %mul3A_125 : i32
      %multiple_of3A_127 = tpu.assume_multiple %mul3A_126, 128 : i32
      %mul3A_128 = arith.constant 128 : i32
      %mul3A_129 = arith.muli %add3A_118, %mul3A_128 : i32
      %add3A_130 = arith.addi %multiple_of3A_127, %mul3A_129 : i32
      %dma_start3A_131 = arith.constant 1 : i32
      %dma_start3A_132 = arith.constant 0 : i32
      %dma_start3A_133 = arith.constant 0 : i32
      %dma_start3A_134 = tpu.memref_slice %arg7[%dma_start3A_131, %dma_start3A_132, %dma_start3A_133] : memref<2x128x128xf32, #tpu.memory_space<vmem>> -> memref<1x128x128xf32, #tpu.memory_space<vmem>>
      %dma_start3A_135 = tpu.memref_squeeze %dma_start3A_134 : memref<1x128x128xf32, #tpu.memory_space<vmem>> -> memref<128x128xf32, #tpu.memory_space<vmem>>
      %dma_start3A_136 = arith.constant 0 : i32
      %dma_start3A_137 = tpu.memref_slice %arg2[%add3A_130, %dma_start3A_136] : memref<81920x128xf32, #tpu.memory_space<hbm>> -> memref<128x128xf32, #tpu.memory_space<hbm>>
      %dma_start3A_138 = arith.constant 0 : i32
      %dma_start3A_139 = arith.constant 0 : i32
      %dma_start3A_140 = tpu.memref_slice %arg7[%dma_start3A_131, %dma_start3A_138, %dma_start3A_139] : memref<2x128x128xf32, #tpu.memory_space<vmem>> -> memref<1x128x128xf32, #tpu.memory_space<vmem>>
      %dma_start3A_141 = tpu.memref_squeeze %dma_start3A_140 : memref<1x128x128xf32, #tpu.memory_space<vmem>> -> memref<128x128xf32, #tpu.memory_space<vmem>>
      %dma_start3A_142 = arith.constant 0 : i32
      %dma_start3A_143 = tpu.memref_slice %arg2[%add3A_130, %dma_start3A_142] : memref<81920x128xf32, #tpu.memory_space<hbm>> -> memref<128x128xf32, #tpu.memory_space<hbm>>
      tpu.enqueue_dma source(%dma_start3A_143 : memref<128x128xf32, #tpu.memory_space<hbm>>) target(%dma_start3A_141 : memref<128x128xf32, #tpu.memory_space<vmem>>) target_semaphore(%arg10 : memref<!tpu.dma_semaphore, #tpu.memory_space<semaphore_mem>>)
      %dma_wait3A_144 = arith.constant 1 : i32
      %dma_wait3A_145 = arith.constant 0 : i32
      %dma_wait3A_146 = arith.constant 0 : i32
      %dma_wait3A_147 = tpu.memref_slice %arg7[%dma_wait3A_144, %dma_wait3A_145, %dma_wait3A_146] : memref<2x128x128xf32, #tpu.memory_space<vmem>> -> memref<1x128x128xf32, #tpu.memory_space<vmem>>
      %dma_wait3A_148 = tpu.memref_squeeze %dma_wait3A_147 : memref<1x128x128xf32, #tpu.memory_space<vmem>> -> memref<128x128xf32, #tpu.memory_space<vmem>>
      %dma_wait3A_149 = arith.constant 0 : i32
      %dma_wait3A_150 = tpu.memref_slice %arg2[%add3A_130, %dma_wait3A_149] : memref<81920x128xf32, #tpu.memory_space<hbm>> -> memref<128x128xf32, #tpu.memory_space<hbm>>
      %dma_wait3A_151 = arith.constant 0 : i32
      %dma_wait3A_152 = arith.constant 0 : i32
      %dma_wait3A_153 = tpu.memref_slice %arg7[%dma_wait3A_144, %dma_wait3A_151, %dma_wait3A_152] : memref<2x128x128xf32, #tpu.memory_space<vmem>> -> memref<1x128x128xf32, #tpu.memory_space<vmem>>
      %dma_wait3A_154 = tpu.memref_squeeze %dma_wait3A_153 : memref<1x128x128xf32, #tpu.memory_space<vmem>> -> memref<128x128xf32, #tpu.memory_space<vmem>>
      %dma_wait3A_155 = arith.constant 0 : i32
      %dma_wait3A_156 = tpu.memref_slice %arg2[%add3A_130, %dma_wait3A_155] : memref<81920x128xf32, #tpu.memory_space<hbm>> -> memref<128x128xf32, #tpu.memory_space<hbm>>
      tpu.wait_dma2 semaphore(%arg10 : memref<!tpu.dma_semaphore, #tpu.memory_space<semaphore_mem>>) src(%dma_wait3A_156 : memref<128x128xf32, #tpu.memory_space<hbm>>) dst(%dma_wait3A_154 : memref<128x128xf32, #tpu.memory_space<vmem>>)
      %add3A_157 = arith.addi %sub3A_28, %add3A_118 : i32
      %dma_start3A_158 = arith.constant 1 : i32
      %dma_start3A_159 = arith.constant 0 : i32
      %dma_start3A_160 = arith.constant 0 : i32
      %dma_start3A_161 = tpu.memref_slice %arg7[%dma_start3A_158, %dma_start3A_159, %dma_start3A_160] : memref<2x128x128xf32, #tpu.memory_space<vmem>> -> memref<1x128x128xf32, #tpu.memory_space<vmem>>
      %dma_start3A_162 = tpu.memref_squeeze %dma_start3A_161 : memref<1x128x128xf32, #tpu.memory_space<vmem>> -> memref<128x128xf32, #tpu.memory_space<vmem>>
      %dma_start3A_163 = arith.constant 0 : i32
      %dma_start3A_164 = tpu.memref_slice %arg6[%add3A_157, %dma_start3A_163] : memref<24x128xi32, #tpu.memory_space<vmem>> -> memref<1x128xi32, #tpu.memory_space<vmem>>
      %dma_start3A_165 = tpu.memref_squeeze %dma_start3A_164 : memref<1x128xi32, #tpu.memory_space<vmem>> -> memref<128xi32, #tpu.memory_space<vmem>>
      %dma_start3A_166 = arith.constant 0 : i32
      %dma_start3A_167 = arith.constant 0 : i32
      %dma_start3A_168 = tpu.memref_slice %arg8[%dma_start3A_166, %dma_start3A_167] : memref<10000x128xf32, #tpu.memory_space<vmem_shared>> -> memref<10000x128xf32, #tpu.memory_space<vmem_shared>>
      tpu.enqueue_indirect_dma source(%dma_start3A_162 : memref<128x128xf32, #tpu.memory_space<vmem>>) target(%dma_start3A_168 : memref<10000x128xf32, #tpu.memory_space<vmem_shared>>) offsets(%dma_start3A_165 : memref<128xi32, #tpu.memory_space<vmem>>) semaphore(%arg12 : memref<!tpu.dma_semaphore, #tpu.memory_space<semaphore_mem>>) {add = true}
    }
    %scan3A_32 = arith.constant 10 : i32
    %dma_wait3A = arith.constant 0 : i32
    %dma_wait3A_33 = arith.constant 0 : i32
    %dma_wait3A_34 = arith.constant 0 : i32
    %dma_wait3A_35 = arith.constant 0 : i32
    %dma_wait3A_36 = tpu.memref_slice %arg7[%dma_wait3A, %dma_wait3A_34, %dma_wait3A_35] : memref<2x128x128xf32, #tpu.memory_space<vmem>> -> memref<1x128x128xf32, #tpu.memory_space<vmem>>
    %dma_wait3A_37 = tpu.memref_squeeze %dma_wait3A_36 : memref<1x128x128xf32, #tpu.memory_space<vmem>> -> memref<128x128xf32, #tpu.memory_space<vmem>>
    %dma_wait3A_38 = arith.constant 0 : i32
    %dma_wait3A_39 = tpu.memref_slice %arg6[%dma_wait3A_33, %dma_wait3A_38] : memref<24x128xi32, #tpu.memory_space<vmem>> -> memref<1x128xi32, #tpu.memory_space<vmem>>
    %dma_wait3A_40 = tpu.memref_squeeze %dma_wait3A_39 : memref<1x128xi32, #tpu.memory_space<vmem>> -> memref<128xi32, #tpu.memory_space<vmem>>
    %dma_wait3A_41 = arith.constant 0 : i32
    %dma_wait3A_42 = arith.constant 0 : i32
    %dma_wait3A_43 = tpu.memref_slice %arg8[%dma_wait3A_41, %dma_wait3A_42] : memref<10000x128xf32, #tpu.memory_space<vmem_shared>> -> memref<10000x128xf32, #tpu.memory_space<vmem_shared>>
    tpu.wait_indirect_dma semaphore(%arg11 : memref<!tpu.dma_semaphore, #tpu.memory_space<semaphore_mem>>) src(%dma_wait3A_37 : memref<128x128xf32, #tpu.memory_space<vmem>>) dst(%dma_wait3A_43 : memref<10000x128xf32, #tpu.memory_space<vmem_shared>>)
    %dma_wait3A_44 = arith.constant 1 : i32
    %dma_wait3A_45 = arith.constant 0 : i32
    %dma_wait3A_46 = arith.constant 0 : i32
    %dma_wait3A_47 = arith.constant 0 : i32
    %dma_wait3A_48 = tpu.memref_slice %arg7[%dma_wait3A_44, %dma_wait3A_46, %dma_wait3A_47] : memref<2x128x128xf32, #tpu.memory_space<vmem>> -> memref<1x128x128xf32, #tpu.memory_space<vmem>>
    %dma_wait3A_49 = tpu.memref_squeeze %dma_wait3A_48 : memref<1x128x128xf32, #tpu.memory_space<vmem>> -> memref<128x128xf32, #tpu.memory_space<vmem>>
    %dma_wait3A_50 = arith.constant 0 : i32
    %dma_wait3A_51 = tpu.memref_slice %arg6[%dma_wait3A_45, %dma_wait3A_50] : memref<24x128xi32, #tpu.memory_space<vmem>> -> memref<1x128xi32, #tpu.memory_space<vmem>>
    %dma_wait3A_52 = tpu.memref_squeeze %dma_wait3A_51 : memref<1x128xi32, #tpu.memory_space<vmem>> -> memref<128xi32, #tpu.memory_space<vmem>>
    %dma_wait3A_53 = arith.constant 0 : i32
    %dma_wait3A_54 = arith.constant 0 : i32
    %dma_wait3A_55 = tpu.memref_slice %arg8[%dma_wait3A_53, %dma_wait3A_54] : memref<10000x128xf32, #tpu.memory_space<vmem_shared>> -> memref<10000x128xf32, #tpu.memory_space<vmem_shared>>
    tpu.wait_indirect_dma semaphore(%arg12 : memref<!tpu.dma_semaphore, #tpu.memory_space<semaphore_mem>>) src(%dma_wait3A_49 : memref<128x128xf32, #tpu.memory_space<vmem>>) dst(%dma_wait3A_55 : memref<10000x128xf32, #tpu.memory_space<vmem_shared>>)
    %barrier3A_56 = arith.constant 0 : index
    tpu.barrier barrier_id(%barrier3A_56)
    "tpu.region"() ({
      %run_scoped3A = tpu.sem_alloc : memref<!tpu.dma_semaphore, #tpu.memory_space<semaphore_mem>>
      %dma_start3A = arith.constant 0 : i32
      %dma_start3A_62 = tpu.memref_slice %arg5[%arg0, %multiple_of3A, %dma_start3A] : memref<2x10000x128xf32, #tpu.memory_space<hbm>> -> memref<1x624x128xf32, #tpu.memory_space<hbm>>
      %dma_start3A_63 = tpu.memref_squeeze %dma_start3A_62 : memref<1x624x128xf32, #tpu.memory_space<hbm>> -> memref<624x128xf32, #tpu.memory_space<hbm>>
      %dma_start3A_64 = arith.constant 0 : i32
      %dma_start3A_65 = tpu.memref_slice %arg8[%multiple_of3A, %dma_start3A_64] : memref<10000x128xf32, #tpu.memory_space<vmem_shared>> -> memref<624x128xf32, #tpu.memory_space<vmem_shared>>
      tpu.enqueue_dma source(%dma_start3A_65 : memref<624x128xf32, #tpu.memory_space<vmem_shared>>) target(%dma_start3A_63 : memref<624x128xf32, #tpu.memory_space<hbm>>) target_semaphore(%run_scoped3A : memref<!tpu.dma_semaphore, #tpu.memory_space<semaphore_mem>>)
      %dma_wait3A_66 = arith.constant 0 : i32
      %dma_wait3A_67 = tpu.memref_slice %arg5[%arg0, %multiple_of3A, %dma_wait3A_66] : memref<2x10000x128xf32, #tpu.memory_space<hbm>> -> memref<1x624x128xf32, #tpu.memory_space<hbm>>
      %dma_wait3A_68 = tpu.memref_squeeze %dma_wait3A_67 : memref<1x624x128xf32, #tpu.memory_space<hbm>> -> memref<624x128xf32, #tpu.memory_space<hbm>>
      %dma_wait3A_69 = arith.constant 0 : i32
      %dma_wait3A_70 = tpu.memref_slice %arg8[%multiple_of3A, %dma_wait3A_69] : memref<10000x128xf32, #tpu.memory_space<vmem_shared>> -> memref<624x128xf32, #tpu.memory_space<vmem_shared>>
      tpu.wait_dma2 semaphore(%run_scoped3A : memref<!tpu.dma_semaphore, #tpu.memory_space<semaphore_mem>>) src(%dma_wait3A_70 : memref<624x128xf32, #tpu.memory_space<vmem_shared>>) dst(%dma_wait3A_68 : memref<624x128xf32, #tpu.memory_space<hbm>>)
      tpu.yield
    }) : () -> ()
    %eq3A_57 = arith.constant 15 : i32
    %eq3A_58 = arith.cmpi eq, %arg1, %eq3A_57 : i32
    %convert_element_type3A_59 = arith.extui %eq3A_58 : i1 to i32
    %cond3A_60 = arith.constant 0 : i32
    %cond3A_61 = arith.cmpi ne, %convert_element_type3A_59, %cond3A_60 : i32
    scf.if %cond3A_61 {
      "tpu.region"() ({
        %run_scoped3A = tpu.sem_alloc : memref<!tpu.dma_semaphore, #tpu.memory_space<semaphore_mem>>
        %dma_start3A = arith.constant 9984 : i32
        %dma_start3A_62 = arith.constant 0 : i32
        %dma_start3A_63 = tpu.memref_slice %arg5[%arg0, %dma_start3A, %dma_start3A_62] : memref<2x10000x128xf32, #tpu.memory_space<hbm>> -> memref<1x16x128xf32, #tpu.memory_space<hbm>>
        %dma_start3A_64 = tpu.memref_squeeze %dma_start3A_63 : memref<1x16x128xf32, #tpu.memory_space<hbm>> -> memref<16x128xf32, #tpu.memory_space<hbm>>
        %dma_start3A_65 = arith.constant 9984 : i32
        %dma_start3A_66 = arith.constant 0 : i32
        %dma_start3A_67 = tpu.memref_slice %arg8[%dma_start3A_65, %dma_start3A_66] : memref<10000x128xf32, #tpu.memory_space<vmem_shared>> -> memref<16x128xf32, #tpu.memory_space<vmem_shared>>
        tpu.enqueue_dma source(%dma_start3A_67 : memref<16x128xf32, #tpu.memory_space<vmem_shared>>) target(%dma_start3A_64 : memref<16x128xf32, #tpu.memory_space<hbm>>) target_semaphore(%run_scoped3A : memref<!tpu.dma_semaphore, #tpu.memory_space<semaphore_mem>>)
        %dma_wait3A_68 = arith.constant 9984 : i32
        %dma_wait3A_69 = arith.constant 0 : i32
        %dma_wait3A_70 = tpu.memref_slice %arg5[%arg0, %dma_wait3A_68, %dma_wait3A_69] : memref<2x10000x128xf32, #tpu.memory_space<hbm>> -> memref<1x16x128xf32, #tpu.memory_space<hbm>>
        %dma_wait3A_71 = tpu.memref_squeeze %dma_wait3A_70 : memref<1x16x128xf32, #tpu.memory_space<hbm>> -> memref<16x128xf32, #tpu.memory_space<hbm>>
        %dma_wait3A_72 = arith.constant 9984 : i32
        %dma_wait3A_73 = arith.constant 0 : i32
        %dma_wait3A_74 = tpu.memref_slice %arg8[%dma_wait3A_72, %dma_wait3A_73] : memref<10000x128xf32, #tpu.memory_space<vmem_shared>> -> memref<16x128xf32, #tpu.memory_space<vmem_shared>>
        tpu.wait_dma2 semaphore(%run_scoped3A : memref<!tpu.dma_semaphore, #tpu.memory_space<semaphore_mem>>) src(%dma_wait3A_74 : memref<16x128xf32, #tpu.memory_space<vmem_shared>>) dst(%dma_wait3A_71 : memref<16x128xf32, #tpu.memory_space<hbm>>)
        tpu.yield
      }) : () -> ()
    } else {
    }
    return
  }
}

#map = affine_map<(d0, d1) -> (0, 0)>
module attributes {stable_mosaic.version = 14 : i64} {
  func.func @sc_gather(%arg0: i32, %arg1: i32, %arg2: memref<10240x128xf32, #tpu.memory_space<hbm>>, %arg3: memref<1280x128xi32, #tpu.memory_space<hbm>>, %arg4: memref<81920x128xf32, #tpu.memory_space<hbm>>, %arg5: memref<24x128xi32, #tpu.memory_space<vmem>>, %arg6: memref<2x256x128xf32, #tpu.memory_space<vmem>>, %arg7: memref<!tpu.dma_semaphore, #tpu.memory_space<semaphore_mem>>, %arg8: memref<!tpu.dma_semaphore, #tpu.memory_space<semaphore_mem>>, %arg9: memref<!tpu.dma_semaphore, #tpu.memory_space<semaphore_mem>>, %arg10: memref<!tpu.dma_semaphore, #tpu.memory_space<semaphore_mem>>) attributes {dimension_semantics = [#tpu.dimension_semantics<core_parallel>, #tpu.dimension_semantics<subcore_parallel>], iteration_bounds = array<i64: 2, 16>, scalar_prefetch = 0 : i64, scratch_operands = 6 : i64, tpu.core_type = #tpu.core_type<sc_vector_subcore>, window_params = [{transform_indices = #map}, {transform_indices = #map}, {transform_indices = #map}]} {
    %mul3A = arith.constant 2 : i32
    %mul3A_0 = arith.muli %arg1, %mul3A : i32
    %add3A = arith.addi %mul3A_0, %arg0 : i32
    %mul3A_1 = arith.constant 20 : i32
    %mul3A_2 = arith.muli %add3A, %mul3A_1 : i32
    %add3A_3 = arith.constant 0 : i32
    %add3A_4 = arith.addi %add3A_3, %mul3A_2 : i32
    %jit3A = arith.constant 8 : i32
    %div3A = arith.divsi %add3A_4, %jit3A : i32
    %sign3A = arith.constant 0 : i32
    %sign3A_5 = arith.cmpi sgt, %add3A_4, %sign3A : i32
    %sign3A_6 = arith.extui %sign3A_5 : i1 to i32
    %sign3A_7 = arith.constant 0 : i32
    %sign3A_8 = arith.cmpi slt, %add3A_4, %sign3A_7 : i32
    %sign3A_9 = arith.extui %sign3A_8 : i1 to i32
    %sign3A_10 = arith.subi %sign3A_6, %sign3A_9 : i32
    %sign3A_11 = arith.constant 0 : i32
    %sign3A_12 = arith.cmpi sgt, %jit3A, %sign3A_11 : i32
    %sign3A_13 = arith.extui %sign3A_12 : i1 to i32
    %sign3A_14 = arith.constant 0 : i32
    %sign3A_15 = arith.cmpi slt, %jit3A, %sign3A_14 : i32
    %sign3A_16 = arith.extui %sign3A_15 : i1 to i32
    %sign3A_17 = arith.subi %sign3A_13, %sign3A_16 : i32
    %ne3A = arith.cmpi ne, %sign3A_10, %sign3A_17 : i32
    %rem3A = arith.remsi %add3A_4, %jit3A : i32
    %ne3A_18 = arith.constant 0 : i32
    %ne3A_19 = arith.cmpi ne, %rem3A, %ne3A_18 : i32
    %and3A = arith.andi %ne3A, %ne3A_19 : i1
    %sub3A = arith.constant 1 : i32
    %sub3A_20 = arith.subi %div3A, %sub3A : i32
    %select_n3A = arith.select %and3A, %sub3A_20, %div3A : i32
    %mul3A_21 = arith.constant 8 : i32
    %mul3A_22 = arith.muli %select_n3A, %mul3A_21 : i32
    %multiple_of3A = tpu.assume_multiple %mul3A_22, 8 : i32
    %sub3A_23 = arith.subi %add3A_4, %multiple_of3A : i32
    "tpu.region"() ({
      %run_scoped3A = tpu.sem_alloc : memref<!tpu.dma_semaphore, #tpu.memory_space<semaphore_mem>>
      %dma_start3A = arith.constant 0 : i32
      %dma_start3A_57 = tpu.memref_slice %arg3[%multiple_of3A, %dma_start3A] : memref<1280x128xi32, #tpu.memory_space<hbm>> -> memref<24x128xi32, #tpu.memory_space<hbm>>
      %dma_start3A_58 = arith.constant 0 : i32
      %dma_start3A_59 = tpu.memref_slice %arg3[%multiple_of3A, %dma_start3A_58] : memref<1280x128xi32, #tpu.memory_space<hbm>> -> memref<24x128xi32, #tpu.memory_space<hbm>>
      tpu.enqueue_dma source(%dma_start3A_59 : memref<24x128xi32, #tpu.memory_space<hbm>>) target(%arg5 : memref<24x128xi32, #tpu.memory_space<vmem>>) target_semaphore(%run_scoped3A : memref<!tpu.dma_semaphore, #tpu.memory_space<semaphore_mem>>)
      %dma_wait3A_60 = arith.constant 0 : i32
      %dma_wait3A_61 = tpu.memref_slice %arg3[%multiple_of3A, %dma_wait3A_60] : memref<1280x128xi32, #tpu.memory_space<hbm>> -> memref<24x128xi32, #tpu.memory_space<hbm>>
      %dma_wait3A_62 = arith.constant 0 : i32
      %dma_wait3A_63 = tpu.memref_slice %arg3[%multiple_of3A, %dma_wait3A_62] : memref<1280x128xi32, #tpu.memory_space<hbm>> -> memref<24x128xi32, #tpu.memory_space<hbm>>
      tpu.wait_dma2 semaphore(%run_scoped3A : memref<!tpu.dma_semaphore, #tpu.memory_space<semaphore_mem>>) src(%dma_wait3A_63 : memref<24x128xi32, #tpu.memory_space<hbm>>) dst(%arg5 : memref<24x128xi32, #tpu.memory_space<vmem>>)
      tpu.yield
    }) : () -> ()
    %scan3A = arith.constant 0 : i32
    %scan3A_24 = arith.constant 5 : i32
    %scan3A_25 = arith.addi %scan3A, %scan3A_24 : i32
    %scan3A_26 = arith.constant 1 : i32
    scf.for %scan3A_57 = %scan3A to %scan3A_25 step %scan3A_26  : i32 {
      %mul3A_58 = arith.constant 2 : i32
      %mul3A_59 = arith.muli %scan3A_57, %mul3A_58 : i32
      %add3A_60 = arith.constant 0 : i32
      %add3A_61 = arith.addi %add3A_60, %mul3A_59 : i32
      %add3A_62 = arith.constant 0 : i32
      %add3A_63 = arith.addi %add3A_61, %add3A_62 : i32
      %ge3A = arith.constant 2 : i32
      %ge3A_64 = arith.cmpi sge, %add3A_63, %ge3A : i32
      %convert_element_type3A = arith.extui %ge3A_64 : i1 to i32
      %cond3A = arith.constant 0 : i32
      %cond3A_65 = arith.constant 0 : i32
      %cond3A_66 = arith.cmpi ne, %convert_element_type3A, %cond3A_65 : i32
      scf.if %cond3A_66 {
        %dma_wait3A_240 = arith.constant 0 : i32
        %dma_wait3A_241 = arith.constant 0 : i32
        %dma_wait3A_242 = tpu.memref_slice %arg6[%cond3A, %dma_wait3A_240, %dma_wait3A_241] : memref<2x256x128xf32, #tpu.memory_space<vmem>> -> memref<1x256x128xf32, #tpu.memory_space<vmem>>
        %dma_wait3A_243 = tpu.memref_squeeze %dma_wait3A_242 : memref<1x256x128xf32, #tpu.memory_space<vmem>> -> memref<256x128xf32, #tpu.memory_space<vmem>>
        %dma_wait3A_244 = arith.constant 0 : i32
        %dma_wait3A_245 = arith.constant 0 : i32
        %dma_wait3A_246 = tpu.memref_slice %arg4[%dma_wait3A_244, %dma_wait3A_245] : memref<81920x128xf32, #tpu.memory_space<hbm>> -> memref<256x128xf32, #tpu.memory_space<hbm>>
        %dma_wait3A_247 = arith.constant 0 : i32
        %dma_wait3A_248 = arith.constant 0 : i32
        %dma_wait3A_249 = tpu.memref_slice %arg4[%dma_wait3A_247, %dma_wait3A_248] : memref<81920x128xf32, #tpu.memory_space<hbm>> -> memref<256x128xf32, #tpu.memory_space<hbm>>
        %dma_wait3A_250 = arith.constant 0 : i32
        %dma_wait3A_251 = arith.constant 0 : i32
        %dma_wait3A_252 = tpu.memref_slice %arg6[%cond3A, %dma_wait3A_250, %dma_wait3A_251] : memref<2x256x128xf32, #tpu.memory_space<vmem>> -> memref<1x256x128xf32, #tpu.memory_space<vmem>>
        %dma_wait3A_253 = tpu.memref_squeeze %dma_wait3A_252 : memref<1x256x128xf32, #tpu.memory_space<vmem>> -> memref<256x128xf32, #tpu.memory_space<vmem>>
        tpu.wait_dma2 semaphore(%arg9 : memref<!tpu.dma_semaphore, #tpu.memory_space<semaphore_mem>>) src(%dma_wait3A_253 : memref<256x128xf32, #tpu.memory_space<vmem>>) dst(%dma_wait3A_249 : memref<256x128xf32, #tpu.memory_space<hbm>>)
      } else {
      }
      %mul3A_67 = arith.constant 2 : i32
      %mul3A_68 = arith.muli %mul3A_67, %add3A_63 : i32
      %add3A_69 = arith.addi %sub3A_23, %mul3A_68 : i32
      %dma_start3A = arith.constant 0 : i32
      %dma_start3A_70 = arith.constant 0 : i32
      %dma_start3A_71 = arith.constant 0 : i32
      %dma_start3A_72 = tpu.memref_slice %arg6[%dma_start3A, %dma_start3A_70, %dma_start3A_71] : memref<2x256x128xf32, #tpu.memory_space<vmem>> -> memref<1x256x128xf32, #tpu.memory_space<vmem>>
      %dma_start3A_73 = tpu.memref_squeeze %dma_start3A_72 : memref<1x256x128xf32, #tpu.memory_space<vmem>> -> memref<256x128xf32, #tpu.memory_space<vmem>>
      %dma_start3A_74 = arith.constant 0 : i32
      %dma_start3A_75 = arith.constant 0 : i32
      %dma_start3A_76 = tpu.memref_slice %dma_start3A_73[%dma_start3A_74, %dma_start3A_75] : memref<256x128xf32, #tpu.memory_space<vmem>> -> memref<128x128xf32, #tpu.memory_space<vmem>>
      %dma_start3A_77 = arith.constant 0 : i32
      %dma_start3A_78 = tpu.memref_slice %arg5[%add3A_69, %dma_start3A_77] : memref<24x128xi32, #tpu.memory_space<vmem>> -> memref<1x128xi32, #tpu.memory_space<vmem>>
      %dma_start3A_79 = tpu.memref_squeeze %dma_start3A_78 : memref<1x128xi32, #tpu.memory_space<vmem>> -> memref<128xi32, #tpu.memory_space<vmem>>
      %dma_start3A_80 = arith.constant 0 : i32
      %dma_start3A_81 = arith.constant 0 : i32
      %dma_start3A_82 = tpu.memref_slice %arg2[%dma_start3A_80, %dma_start3A_81] : memref<10240x128xf32, #tpu.memory_space<hbm>> -> memref<10240x128xf32, #tpu.memory_space<hbm>>
      tpu.enqueue_indirect_dma source(%dma_start3A_82 : memref<10240x128xf32, #tpu.memory_space<hbm>>) target(%dma_start3A_76 : memref<128x128xf32, #tpu.memory_space<vmem>>) offsets(%dma_start3A_79 : memref<128xi32, #tpu.memory_space<vmem>>) semaphore(%arg7 : memref<!tpu.dma_semaphore, #tpu.memory_space<semaphore_mem>>)
      %mul3A_83 = arith.constant 2 : i32
      %mul3A_84 = arith.muli %mul3A_83, %add3A_63 : i32
      %add3A_85 = arith.addi %sub3A_23, %mul3A_84 : i32
      %add3A_86 = arith.constant 1 : i32
      %add3A_87 = arith.addi %add3A_85, %add3A_86 : i32
      %dma_start3A_88 = arith.constant 0 : i32
      %dma_start3A_89 = arith.constant 0 : i32
      %dma_start3A_90 = arith.constant 0 : i32
      %dma_start3A_91 = tpu.memref_slice %arg6[%dma_start3A_88, %dma_start3A_89, %dma_start3A_90] : memref<2x256x128xf32, #tpu.memory_space<vmem>> -> memref<1x256x128xf32, #tpu.memory_space<vmem>>
      %dma_start3A_92 = tpu.memref_squeeze %dma_start3A_91 : memref<1x256x128xf32, #tpu.memory_space<vmem>> -> memref<256x128xf32, #tpu.memory_space<vmem>>
      %dma_start3A_93 = arith.constant 128 : i32
      %dma_start3A_94 = arith.constant 0 : i32
      %dma_start3A_95 = tpu.memref_slice %dma_start3A_92[%dma_start3A_93, %dma_start3A_94] : memref<256x128xf32, #tpu.memory_space<vmem>> -> memref<128x128xf32, #tpu.memory_space<vmem>>
      %dma_start3A_96 = arith.constant 0 : i32
      %dma_start3A_97 = tpu.memref_slice %arg5[%add3A_87, %dma_start3A_96] : memref<24x128xi32, #tpu.memory_space<vmem>> -> memref<1x128xi32, #tpu.memory_space<vmem>>
      %dma_start3A_98 = tpu.memref_squeeze %dma_start3A_97 : memref<1x128xi32, #tpu.memory_space<vmem>> -> memref<128xi32, #tpu.memory_space<vmem>>
      %dma_start3A_99 = arith.constant 0 : i32
      %dma_start3A_100 = arith.constant 0 : i32
      %dma_start3A_101 = tpu.memref_slice %arg2[%dma_start3A_99, %dma_start3A_100] : memref<10240x128xf32, #tpu.memory_space<hbm>> -> memref<10240x128xf32, #tpu.memory_space<hbm>>
      tpu.enqueue_indirect_dma source(%dma_start3A_101 : memref<10240x128xf32, #tpu.memory_space<hbm>>) target(%dma_start3A_95 : memref<128x128xf32, #tpu.memory_space<vmem>>) offsets(%dma_start3A_98 : memref<128xi32, #tpu.memory_space<vmem>>) semaphore(%arg7 : memref<!tpu.dma_semaphore, #tpu.memory_space<semaphore_mem>>)
      %dma_wait3A_102 = arith.constant 0 : i32
      %dma_wait3A_103 = arith.constant 0 : i32
      %dma_wait3A_104 = arith.constant 0 : i32
      %dma_wait3A_105 = tpu.memref_slice %arg6[%dma_wait3A_102, %dma_wait3A_103, %dma_wait3A_104] : memref<2x256x128xf32, #tpu.memory_space<vmem>> -> memref<1x256x128xf32, #tpu.memory_space<vmem>>
      %dma_wait3A_106 = tpu.memref_squeeze %dma_wait3A_105 : memref<1x256x128xf32, #tpu.memory_space<vmem>> -> memref<256x128xf32, #tpu.memory_space<vmem>>
      %dma_wait3A_107 = arith.constant 0 : i32
      %dma_wait3A_108 = arith.constant 0 : i32
      %dma_wait3A_109 = tpu.memref_slice %dma_wait3A_106[%dma_wait3A_107, %dma_wait3A_108] : memref<256x128xf32, #tpu.memory_space<vmem>> -> memref<128x128xf32, #tpu.memory_space<vmem>>
      %dma_wait3A_110 = arith.constant 0 : i32
      %dma_wait3A_111 = tpu.memref_slice %arg5[%add3A_69, %dma_wait3A_110] : memref<24x128xi32, #tpu.memory_space<vmem>> -> memref<1x128xi32, #tpu.memory_space<vmem>>
      %dma_wait3A_112 = tpu.memref_squeeze %dma_wait3A_111 : memref<1x128xi32, #tpu.memory_space<vmem>> -> memref<128xi32, #tpu.memory_space<vmem>>
      %dma_wait3A_113 = arith.constant 0 : i32
      %dma_wait3A_114 = arith.constant 0 : i32
      %dma_wait3A_115 = tpu.memref_slice %arg2[%dma_wait3A_113, %dma_wait3A_114] : memref<10240x128xf32, #tpu.memory_space<hbm>> -> memref<10240x128xf32, #tpu.memory_space<hbm>>
      tpu.wait_indirect_dma semaphore(%arg7 : memref<!tpu.dma_semaphore, #tpu.memory_space<semaphore_mem>>) src(%dma_wait3A_115 : memref<10240x128xf32, #tpu.memory_space<hbm>>) dst(%dma_wait3A_109 : memref<128x128xf32, #tpu.memory_space<vmem>>)
      %dma_wait3A_116 = arith.constant 0 : i32
      %dma_wait3A_117 = arith.constant 0 : i32
      %dma_wait3A_118 = arith.constant 0 : i32
      %dma_wait3A_119 = tpu.memref_slice %arg6[%dma_wait3A_116, %dma_wait3A_117, %dma_wait3A_118] : memref<2x256x128xf32, #tpu.memory_space<vmem>> -> memref<1x256x128xf32, #tpu.memory_space<vmem>>
      %dma_wait3A_120 = tpu.memref_squeeze %dma_wait3A_119 : memref<1x256x128xf32, #tpu.memory_space<vmem>> -> memref<256x128xf32, #tpu.memory_space<vmem>>
      %dma_wait3A_121 = arith.constant 128 : i32
      %dma_wait3A_122 = arith.constant 0 : i32
      %dma_wait3A_123 = tpu.memref_slice %dma_wait3A_120[%dma_wait3A_121, %dma_wait3A_122] : memref<256x128xf32, #tpu.memory_space<vmem>> -> memref<128x128xf32, #tpu.memory_space<vmem>>
      %dma_wait3A_124 = arith.constant 0 : i32
      %dma_wait3A_125 = tpu.memref_slice %arg5[%add3A_87, %dma_wait3A_124] : memref<24x128xi32, #tpu.memory_space<vmem>> -> memref<1x128xi32, #tpu.memory_space<vmem>>
      %dma_wait3A_126 = tpu.memref_squeeze %dma_wait3A_125 : memref<1x128xi32, #tpu.memory_space<vmem>> -> memref<128xi32, #tpu.memory_space<vmem>>
      %dma_wait3A_127 = arith.constant 0 : i32
      %dma_wait3A_128 = arith.constant 0 : i32
      %dma_wait3A_129 = tpu.memref_slice %arg2[%dma_wait3A_127, %dma_wait3A_128] : memref<10240x128xf32, #tpu.memory_space<hbm>> -> memref<10240x128xf32, #tpu.memory_space<hbm>>
      tpu.wait_indirect_dma semaphore(%arg7 : memref<!tpu.dma_semaphore, #tpu.memory_space<semaphore_mem>>) src(%dma_wait3A_129 : memref<10240x128xf32, #tpu.memory_space<hbm>>) dst(%dma_wait3A_123 : memref<128x128xf32, #tpu.memory_space<vmem>>)
      %mul3A_130 = arith.constant 2560 : i32
      %mul3A_131 = arith.muli %add3A, %mul3A_130 : i32
      %multiple_of3A_132 = tpu.assume_multiple %mul3A_131, 128 : i32
      %mul3A_133 = arith.constant 256 : i32
      %mul3A_134 = arith.muli %add3A_63, %mul3A_133 : i32
      %add3A_135 = arith.addi %multiple_of3A_132, %mul3A_134 : i32
      %dma_start3A_136 = arith.constant 0 : i32
      %dma_start3A_137 = arith.constant 0 : i32
      %dma_start3A_138 = arith.constant 0 : i32
      %dma_start3A_139 = tpu.memref_slice %arg6[%dma_start3A_136, %dma_start3A_137, %dma_start3A_138] : memref<2x256x128xf32, #tpu.memory_space<vmem>> -> memref<1x256x128xf32, #tpu.memory_space<vmem>>
      %dma_start3A_140 = tpu.memref_squeeze %dma_start3A_139 : memref<1x256x128xf32, #tpu.memory_space<vmem>> -> memref<256x128xf32, #tpu.memory_space<vmem>>
      %dma_start3A_141 = arith.constant 0 : i32
      %dma_start3A_142 = tpu.memref_slice %arg4[%add3A_135, %dma_start3A_141] : memref<81920x128xf32, #tpu.memory_space<hbm>> -> memref<256x128xf32, #tpu.memory_space<hbm>>
      %dma_start3A_143 = arith.constant 0 : i32
      %dma_start3A_144 = tpu.memref_slice %arg4[%add3A_135, %dma_start3A_143] : memref<81920x128xf32, #tpu.memory_space<hbm>> -> memref<256x128xf32, #tpu.memory_space<hbm>>
      %dma_start3A_145 = arith.constant 0 : i32
      %dma_start3A_146 = arith.constant 0 : i32
      %dma_start3A_147 = tpu.memref_slice %arg6[%dma_start3A_136, %dma_start3A_145, %dma_start3A_146] : memref<2x256x128xf32, #tpu.memory_space<vmem>> -> memref<1x256x128xf32, #tpu.memory_space<vmem>>
      %dma_start3A_148 = tpu.memref_squeeze %dma_start3A_147 : memref<1x256x128xf32, #tpu.memory_space<vmem>> -> memref<256x128xf32, #tpu.memory_space<vmem>>
      tpu.enqueue_dma source(%dma_start3A_148 : memref<256x128xf32, #tpu.memory_space<vmem>>) target(%dma_start3A_144 : memref<256x128xf32, #tpu.memory_space<hbm>>) target_semaphore(%arg9 : memref<!tpu.dma_semaphore, #tpu.memory_space<semaphore_mem>>)
      %add3A_149 = arith.constant 1 : i32
      %add3A_150 = arith.addi %add3A_61, %add3A_149 : i32
      %ge3A_151 = arith.constant 2 : i32
      %ge3A_152 = arith.cmpi sge, %add3A_150, %ge3A_151 : i32
      %convert_element_type3A_153 = arith.extui %ge3A_152 : i1 to i32
      %cond3A_154 = arith.constant 1 : i32
      %cond3A_155 = arith.constant 0 : i32
      %cond3A_156 = arith.cmpi ne, %convert_element_type3A_153, %cond3A_155 : i32
      scf.if %cond3A_156 {
        %dma_wait3A_240 = arith.constant 0 : i32
        %dma_wait3A_241 = arith.constant 0 : i32
        %dma_wait3A_242 = tpu.memref_slice %arg6[%cond3A_154, %dma_wait3A_240, %dma_wait3A_241] : memref<2x256x128xf32, #tpu.memory_space<vmem>> -> memref<1x256x128xf32, #tpu.memory_space<vmem>>
        %dma_wait3A_243 = tpu.memref_squeeze %dma_wait3A_242 : memref<1x256x128xf32, #tpu.memory_space<vmem>> -> memref<256x128xf32, #tpu.memory_space<vmem>>
        %dma_wait3A_244 = arith.constant 0 : i32
        %dma_wait3A_245 = arith.constant 0 : i32
        %dma_wait3A_246 = tpu.memref_slice %arg4[%dma_wait3A_244, %dma_wait3A_245] : memref<81920x128xf32, #tpu.memory_space<hbm>> -> memref<256x128xf32, #tpu.memory_space<hbm>>
        %dma_wait3A_247 = arith.constant 0 : i32
        %dma_wait3A_248 = arith.constant 0 : i32
        %dma_wait3A_249 = tpu.memref_slice %arg4[%dma_wait3A_247, %dma_wait3A_248] : memref<81920x128xf32, #tpu.memory_space<hbm>> -> memref<256x128xf32, #tpu.memory_space<hbm>>
        %dma_wait3A_250 = arith.constant 0 : i32
        %dma_wait3A_251 = arith.constant 0 : i32
        %dma_wait3A_252 = tpu.memref_slice %arg6[%cond3A_154, %dma_wait3A_250, %dma_wait3A_251] : memref<2x256x128xf32, #tpu.memory_space<vmem>> -> memref<1x256x128xf32, #tpu.memory_space<vmem>>
        %dma_wait3A_253 = tpu.memref_squeeze %dma_wait3A_252 : memref<1x256x128xf32, #tpu.memory_space<vmem>> -> memref<256x128xf32, #tpu.memory_space<vmem>>
        tpu.wait_dma2 semaphore(%arg10 : memref<!tpu.dma_semaphore, #tpu.memory_space<semaphore_mem>>) src(%dma_wait3A_253 : memref<256x128xf32, #tpu.memory_space<vmem>>) dst(%dma_wait3A_249 : memref<256x128xf32, #tpu.memory_space<hbm>>)
      } else {
      }
      %mul3A_157 = arith.constant 2 : i32
      %mul3A_158 = arith.muli %mul3A_157, %add3A_150 : i32
      %add3A_159 = arith.addi %sub3A_23, %mul3A_158 : i32
      %dma_start3A_160 = arith.constant 1 : i32
      %dma_start3A_161 = arith.constant 0 : i32
      %dma_start3A_162 = arith.constant 0 : i32
      %dma_start3A_163 = tpu.memref_slice %arg6[%dma_start3A_160, %dma_start3A_161, %dma_start3A_162] : memref<2x256x128xf32, #tpu.memory_space<vmem>> -> memref<1x256x128xf32, #tpu.memory_space<vmem>>
      %dma_start3A_164 = tpu.memref_squeeze %dma_start3A_163 : memref<1x256x128xf32, #tpu.memory_space<vmem>> -> memref<256x128xf32, #tpu.memory_space<vmem>>
      %dma_start3A_165 = arith.constant 0 : i32
      %dma_start3A_166 = arith.constant 0 : i32
      %dma_start3A_167 = tpu.memref_slice %dma_start3A_164[%dma_start3A_165, %dma_start3A_166] : memref<256x128xf32, #tpu.memory_space<vmem>> -> memref<128x128xf32, #tpu.memory_space<vmem>>
      %dma_start3A_168 = arith.constant 0 : i32
      %dma_start3A_169 = tpu.memref_slice %arg5[%add3A_159, %dma_start3A_168] : memref<24x128xi32, #tpu.memory_space<vmem>> -> memref<1x128xi32, #tpu.memory_space<vmem>>
      %dma_start3A_170 = tpu.memref_squeeze %dma_start3A_169 : memref<1x128xi32, #tpu.memory_space<vmem>> -> memref<128xi32, #tpu.memory_space<vmem>>
      %dma_start3A_171 = arith.constant 0 : i32
      %dma_start3A_172 = arith.constant 0 : i32
      %dma_start3A_173 = tpu.memref_slice %arg2[%dma_start3A_171, %dma_start3A_172] : memref<10240x128xf32, #tpu.memory_space<hbm>> -> memref<10240x128xf32, #tpu.memory_space<hbm>>
      tpu.enqueue_indirect_dma source(%dma_start3A_173 : memref<10240x128xf32, #tpu.memory_space<hbm>>) target(%dma_start3A_167 : memref<128x128xf32, #tpu.memory_space<vmem>>) offsets(%dma_start3A_170 : memref<128xi32, #tpu.memory_space<vmem>>) semaphore(%arg8 : memref<!tpu.dma_semaphore, #tpu.memory_space<semaphore_mem>>)
      %mul3A_174 = arith.constant 2 : i32
      %mul3A_175 = arith.muli %mul3A_174, %add3A_150 : i32
      %add3A_176 = arith.addi %sub3A_23, %mul3A_175 : i32
      %add3A_177 = arith.constant 1 : i32
      %add3A_178 = arith.addi %add3A_176, %add3A_177 : i32
      %dma_start3A_179 = arith.constant 1 : i32
      %dma_start3A_180 = arith.constant 0 : i32
      %dma_start3A_181 = arith.constant 0 : i32
      %dma_start3A_182 = tpu.memref_slice %arg6[%dma_start3A_179, %dma_start3A_180, %dma_start3A_181] : memref<2x256x128xf32, #tpu.memory_space<vmem>> -> memref<1x256x128xf32, #tpu.memory_space<vmem>>
      %dma_start3A_183 = tpu.memref_squeeze %dma_start3A_182 : memref<1x256x128xf32, #tpu.memory_space<vmem>> -> memref<256x128xf32, #tpu.memory_space<vmem>>
      %dma_start3A_184 = arith.constant 128 : i32
      %dma_start3A_185 = arith.constant 0 : i32
      %dma_start3A_186 = tpu.memref_slice %dma_start3A_183[%dma_start3A_184, %dma_start3A_185] : memref<256x128xf32, #tpu.memory_space<vmem>> -> memref<128x128xf32, #tpu.memory_space<vmem>>
      %dma_start3A_187 = arith.constant 0 : i32
      %dma_start3A_188 = tpu.memref_slice %arg5[%add3A_178, %dma_start3A_187] : memref<24x128xi32, #tpu.memory_space<vmem>> -> memref<1x128xi32, #tpu.memory_space<vmem>>
      %dma_start3A_189 = tpu.memref_squeeze %dma_start3A_188 : memref<1x128xi32, #tpu.memory_space<vmem>> -> memref<128xi32, #tpu.memory_space<vmem>>
      %dma_start3A_190 = arith.constant 0 : i32
      %dma_start3A_191 = arith.constant 0 : i32
      %dma_start3A_192 = tpu.memref_slice %arg2[%dma_start3A_190, %dma_start3A_191] : memref<10240x128xf32, #tpu.memory_space<hbm>> -> memref<10240x128xf32, #tpu.memory_space<hbm>>
      tpu.enqueue_indirect_dma source(%dma_start3A_192 : memref<10240x128xf32, #tpu.memory_space<hbm>>) target(%dma_start3A_186 : memref<128x128xf32, #tpu.memory_space<vmem>>) offsets(%dma_start3A_189 : memref<128xi32, #tpu.memory_space<vmem>>) semaphore(%arg8 : memref<!tpu.dma_semaphore, #tpu.memory_space<semaphore_mem>>)
      %dma_wait3A_193 = arith.constant 1 : i32
      %dma_wait3A_194 = arith.constant 0 : i32
      %dma_wait3A_195 = arith.constant 0 : i32
      %dma_wait3A_196 = tpu.memref_slice %arg6[%dma_wait3A_193, %dma_wait3A_194, %dma_wait3A_195] : memref<2x256x128xf32, #tpu.memory_space<vmem>> -> memref<1x256x128xf32, #tpu.memory_space<vmem>>
      %dma_wait3A_197 = tpu.memref_squeeze %dma_wait3A_196 : memref<1x256x128xf32, #tpu.memory_space<vmem>> -> memref<256x128xf32, #tpu.memory_space<vmem>>
      %dma_wait3A_198 = arith.constant 0 : i32
      %dma_wait3A_199 = arith.constant 0 : i32
      %dma_wait3A_200 = tpu.memref_slice %dma_wait3A_197[%dma_wait3A_198, %dma_wait3A_199] : memref<256x128xf32, #tpu.memory_space<vmem>> -> memref<128x128xf32, #tpu.memory_space<vmem>>
      %dma_wait3A_201 = arith.constant 0 : i32
      %dma_wait3A_202 = tpu.memref_slice %arg5[%add3A_159, %dma_wait3A_201] : memref<24x128xi32, #tpu.memory_space<vmem>> -> memref<1x128xi32, #tpu.memory_space<vmem>>
      %dma_wait3A_203 = tpu.memref_squeeze %dma_wait3A_202 : memref<1x128xi32, #tpu.memory_space<vmem>> -> memref<128xi32, #tpu.memory_space<vmem>>
      %dma_wait3A_204 = arith.constant 0 : i32
      %dma_wait3A_205 = arith.constant 0 : i32
      %dma_wait3A_206 = tpu.memref_slice %arg2[%dma_wait3A_204, %dma_wait3A_205] : memref<10240x128xf32, #tpu.memory_space<hbm>> -> memref<10240x128xf32, #tpu.memory_space<hbm>>
      tpu.wait_indirect_dma semaphore(%arg8 : memref<!tpu.dma_semaphore, #tpu.memory_space<semaphore_mem>>) src(%dma_wait3A_206 : memref<10240x128xf32, #tpu.memory_space<hbm>>) dst(%dma_wait3A_200 : memref<128x128xf32, #tpu.memory_space<vmem>>)
      %dma_wait3A_207 = arith.constant 1 : i32
      %dma_wait3A_208 = arith.constant 0 : i32
      %dma_wait3A_209 = arith.constant 0 : i32
      %dma_wait3A_210 = tpu.memref_slice %arg6[%dma_wait3A_207, %dma_wait3A_208, %dma_wait3A_209] : memref<2x256x128xf32, #tpu.memory_space<vmem>> -> memref<1x256x128xf32, #tpu.memory_space<vmem>>
      %dma_wait3A_211 = tpu.memref_squeeze %dma_wait3A_210 : memref<1x256x128xf32, #tpu.memory_space<vmem>> -> memref<256x128xf32, #tpu.memory_space<vmem>>
      %dma_wait3A_212 = arith.constant 128 : i32
      %dma_wait3A_213 = arith.constant 0 : i32
      %dma_wait3A_214 = tpu.memref_slice %dma_wait3A_211[%dma_wait3A_212, %dma_wait3A_213] : memref<256x128xf32, #tpu.memory_space<vmem>> -> memref<128x128xf32, #tpu.memory_space<vmem>>
      %dma_wait3A_215 = arith.constant 0 : i32
      %dma_wait3A_216 = tpu.memref_slice %arg5[%add3A_178, %dma_wait3A_215] : memref<24x128xi32, #tpu.memory_space<vmem>> -> memref<1x128xi32, #tpu.memory_space<vmem>>
      %dma_wait3A_217 = tpu.memref_squeeze %dma_wait3A_216 : memref<1x128xi32, #tpu.memory_space<vmem>> -> memref<128xi32, #tpu.memory_space<vmem>>
      %dma_wait3A_218 = arith.constant 0 : i32
      %dma_wait3A_219 = arith.constant 0 : i32
      %dma_wait3A_220 = tpu.memref_slice %arg2[%dma_wait3A_218, %dma_wait3A_219] : memref<10240x128xf32, #tpu.memory_space<hbm>> -> memref<10240x128xf32, #tpu.memory_space<hbm>>
      tpu.wait_indirect_dma semaphore(%arg8 : memref<!tpu.dma_semaphore, #tpu.memory_space<semaphore_mem>>) src(%dma_wait3A_220 : memref<10240x128xf32, #tpu.memory_space<hbm>>) dst(%dma_wait3A_214 : memref<128x128xf32, #tpu.memory_space<vmem>>)
      %mul3A_221 = arith.constant 2560 : i32
      %mul3A_222 = arith.muli %add3A, %mul3A_221 : i32
      %multiple_of3A_223 = tpu.assume_multiple %mul3A_222, 128 : i32
      %mul3A_224 = arith.constant 256 : i32
      %mul3A_225 = arith.muli %add3A_150, %mul3A_224 : i32
      %add3A_226 = arith.addi %multiple_of3A_223, %mul3A_225 : i32
      %dma_start3A_227 = arith.constant 1 : i32
      %dma_start3A_228 = arith.constant 0 : i32
      %dma_start3A_229 = arith.constant 0 : i32
      %dma_start3A_230 = tpu.memref_slice %arg6[%dma_start3A_227, %dma_start3A_228, %dma_start3A_229] : memref<2x256x128xf32, #tpu.memory_space<vmem>> -> memref<1x256x128xf32, #tpu.memory_space<vmem>>
      %dma_start3A_231 = tpu.memref_squeeze %dma_start3A_230 : memref<1x256x128xf32, #tpu.memory_space<vmem>> -> memref<256x128xf32, #tpu.memory_space<vmem>>
      %dma_start3A_232 = arith.constant 0 : i32
      %dma_start3A_233 = tpu.memref_slice %arg4[%add3A_226, %dma_start3A_232] : memref<81920x128xf32, #tpu.memory_space<hbm>> -> memref<256x128xf32, #tpu.memory_space<hbm>>
      %dma_start3A_234 = arith.constant 0 : i32
      %dma_start3A_235 = tpu.memref_slice %arg4[%add3A_226, %dma_start3A_234] : memref<81920x128xf32, #tpu.memory_space<hbm>> -> memref<256x128xf32, #tpu.memory_space<hbm>>
      %dma_start3A_236 = arith.constant 0 : i32
      %dma_start3A_237 = arith.constant 0 : i32
      %dma_start3A_238 = tpu.memref_slice %arg6[%dma_start3A_227, %dma_start3A_236, %dma_start3A_237] : memref<2x256x128xf32, #tpu.memory_space<vmem>> -> memref<1x256x128xf32, #tpu.memory_space<vmem>>
      %dma_start3A_239 = tpu.memref_squeeze %dma_start3A_238 : memref<1x256x128xf32, #tpu.memory_space<vmem>> -> memref<256x128xf32, #tpu.memory_space<vmem>>
      tpu.enqueue_dma source(%dma_start3A_239 : memref<256x128xf32, #tpu.memory_space<vmem>>) target(%dma_start3A_235 : memref<256x128xf32, #tpu.memory_space<hbm>>) target_semaphore(%arg10 : memref<!tpu.dma_semaphore, #tpu.memory_space<semaphore_mem>>)
    }
    %scan3A_27 = arith.constant 5 : i32
    %dma_wait3A = arith.constant 0 : i32
    %dma_wait3A_28 = arith.constant 0 : i32
    %dma_wait3A_29 = arith.constant 0 : i32
    %dma_wait3A_30 = tpu.memref_slice %arg6[%dma_wait3A, %dma_wait3A_28, %dma_wait3A_29] : memref<2x256x128xf32, #tpu.memory_space<vmem>> -> memref<1x256x128xf32, #tpu.memory_space<vmem>>
    %dma_wait3A_31 = tpu.memref_squeeze %dma_wait3A_30 : memref<1x256x128xf32, #tpu.memory_space<vmem>> -> memref<256x128xf32, #tpu.memory_space<vmem>>
    %dma_wait3A_32 = arith.constant 0 : i32
    %dma_wait3A_33 = arith.constant 0 : i32
    %dma_wait3A_34 = tpu.memref_slice %arg4[%dma_wait3A_32, %dma_wait3A_33] : memref<81920x128xf32, #tpu.memory_space<hbm>> -> memref<256x128xf32, #tpu.memory_space<hbm>>
    %dma_wait3A_35 = arith.constant 0 : i32
    %dma_wait3A_36 = arith.constant 0 : i32
    %dma_wait3A_37 = tpu.memref_slice %arg4[%dma_wait3A_35, %dma_wait3A_36] : memref<81920x128xf32, #tpu.memory_space<hbm>> -> memref<256x128xf32, #tpu.memory_space<hbm>>
    %dma_wait3A_38 = arith.constant 0 : i32
    %dma_wait3A_39 = arith.constant 0 : i32
    %dma_wait3A_40 = tpu.memref_slice %arg6[%dma_wait3A, %dma_wait3A_38, %dma_wait3A_39] : memref<2x256x128xf32, #tpu.memory_space<vmem>> -> memref<1x256x128xf32, #tpu.memory_space<vmem>>
    %dma_wait3A_41 = tpu.memref_squeeze %dma_wait3A_40 : memref<1x256x128xf32, #tpu.memory_space<vmem>> -> memref<256x128xf32, #tpu.memory_space<vmem>>
    tpu.wait_dma2 semaphore(%arg9 : memref<!tpu.dma_semaphore, #tpu.memory_space<semaphore_mem>>) src(%dma_wait3A_41 : memref<256x128xf32, #tpu.memory_space<vmem>>) dst(%dma_wait3A_37 : memref<256x128xf32, #tpu.memory_space<hbm>>)
    %dma_wait3A_42 = arith.constant 1 : i32
    %dma_wait3A_43 = arith.constant 0 : i32
    %dma_wait3A_44 = arith.constant 0 : i32
    %dma_wait3A_45 = tpu.memref_slice %arg6[%dma_wait3A_42, %dma_wait3A_43, %dma_wait3A_44] : memref<2x256x128xf32, #tpu.memory_space<vmem>> -> memref<1x256x128xf32, #tpu.memory_space<vmem>>
    %dma_wait3A_46 = tpu.memref_squeeze %dma_wait3A_45 : memref<1x256x128xf32, #tpu.memory_space<vmem>> -> memref<256x128xf32, #tpu.memory_space<vmem>>
    %dma_wait3A_47 = arith.constant 0 : i32
    %dma_wait3A_48 = arith.constant 0 : i32
    %dma_wait3A_49 = tpu.memref_slice %arg4[%dma_wait3A_47, %dma_wait3A_48] : memref<81920x128xf32, #tpu.memory_space<hbm>> -> memref<256x128xf32, #tpu.memory_space<hbm>>
    %dma_wait3A_50 = arith.constant 0 : i32
    %dma_wait3A_51 = arith.constant 0 : i32
    %dma_wait3A_52 = tpu.memref_slice %arg4[%dma_wait3A_50, %dma_wait3A_51] : memref<81920x128xf32, #tpu.memory_space<hbm>> -> memref<256x128xf32, #tpu.memory_space<hbm>>
    %dma_wait3A_53 = arith.constant 0 : i32
    %dma_wait3A_54 = arith.constant 0 : i32
    %dma_wait3A_55 = tpu.memref_slice %arg6[%dma_wait3A_42, %dma_wait3A_53, %dma_wait3A_54] : memref<2x256x128xf32, #tpu.memory_space<vmem>> -> memref<1x256x128xf32, #tpu.memory_space<vmem>>
    %dma_wait3A_56 = tpu.memref_squeeze %dma_wait3A_55 : memref<1x256x128xf32, #tpu.memory_space<vmem>> -> memref<256x128xf32, #tpu.memory_space<vmem>>
    tpu.wait_dma2 semaphore(%arg10 : memref<!tpu.dma_semaphore, #tpu.memory_space<semaphore_mem>>) src(%dma_wait3A_56 : memref<256x128xf32, #tpu.memory_space<vmem>>) dst(%dma_wait3A_52 : memref<256x128xf32, #tpu.memory_space<hbm>>)
    return
  }
}

#map = affine_map<(d0, d1) -> (0, 0)>
module attributes {stable_mosaic.version = 14 : i64} {
  func.func @sc_gather(%arg0: i32, %arg1: i32, %arg2: memref<10240x128xf32, #tpu.memory_space<hbm>>, %arg3: memref<1280x128xi32, #tpu.memory_space<hbm>>, %arg4: memref<81920x128xf32, #tpu.memory_space<hbm>>, %arg5: memref<24x128xi32, #tpu.memory_space<vmem>>, %arg6: memref<2x256x128xf32, #tpu.memory_space<vmem>>, %arg7: memref<!tpu.dma_semaphore, #tpu.memory_space<semaphore_mem>>, %arg8: memref<!tpu.dma_semaphore, #tpu.memory_space<semaphore_mem>>, %arg9: memref<!tpu.dma_semaphore, #tpu.memory_space<semaphore_mem>>, %arg10: memref<!tpu.dma_semaphore, #tpu.memory_space<semaphore_mem>>) attributes {dimension_semantics = [#tpu.dimension_semantics<core_parallel>, #tpu.dimension_semantics<subcore_parallel>], iteration_bounds = array<i64: 2, 16>, scalar_prefetch = 0 : i64, scratch_operands = 6 : i64, tpu.core_type = #tpu.core_type<sc_vector_subcore>, window_params = [{transform_indices = #map}, {transform_indices = #map}, {transform_indices = #map}]} {
    %mul3A = arith.constant 2 : i32
    %mul3A_0 = arith.muli %arg1, %mul3A : i32
    %add3A = arith.addi %mul3A_0, %arg0 : i32
    %mul3A_1 = arith.constant 20 : i32
    %mul3A_2 = arith.muli %add3A, %mul3A_1 : i32
    %add3A_3 = arith.constant 640 : i32
    %add3A_4 = arith.addi %add3A_3, %mul3A_2 : i32
    %jit3A = arith.constant 8 : i32
    %div3A = arith.divsi %add3A_4, %jit3A : i32
    %sign3A = arith.constant 0 : i32
    %sign3A_5 = arith.cmpi sgt, %add3A_4, %sign3A : i32
    %sign3A_6 = arith.extui %sign3A_5 : i1 to i32
    %sign3A_7 = arith.constant 0 : i32
    %sign3A_8 = arith.cmpi slt, %add3A_4, %sign3A_7 : i32
    %sign3A_9 = arith.extui %sign3A_8 : i1 to i32
    %sign3A_10 = arith.subi %sign3A_6, %sign3A_9 : i32
    %sign3A_11 = arith.constant 0 : i32
    %sign3A_12 = arith.cmpi sgt, %jit3A, %sign3A_11 : i32
    %sign3A_13 = arith.extui %sign3A_12 : i1 to i32
    %sign3A_14 = arith.constant 0 : i32
    %sign3A_15 = arith.cmpi slt, %jit3A, %sign3A_14 : i32
    %sign3A_16 = arith.extui %sign3A_15 : i1 to i32
    %sign3A_17 = arith.subi %sign3A_13, %sign3A_16 : i32
    %ne3A = arith.cmpi ne, %sign3A_10, %sign3A_17 : i32
    %rem3A = arith.remsi %add3A_4, %jit3A : i32
    %ne3A_18 = arith.constant 0 : i32
    %ne3A_19 = arith.cmpi ne, %rem3A, %ne3A_18 : i32
    %and3A = arith.andi %ne3A, %ne3A_19 : i1
    %sub3A = arith.constant 1 : i32
    %sub3A_20 = arith.subi %div3A, %sub3A : i32
    %select_n3A = arith.select %and3A, %sub3A_20, %div3A : i32
    %mul3A_21 = arith.constant 8 : i32
    %mul3A_22 = arith.muli %select_n3A, %mul3A_21 : i32
    %multiple_of3A = tpu.assume_multiple %mul3A_22, 8 : i32
    %sub3A_23 = arith.subi %add3A_4, %multiple_of3A : i32
    "tpu.region"() ({
      %run_scoped3A = tpu.sem_alloc : memref<!tpu.dma_semaphore, #tpu.memory_space<semaphore_mem>>
      %dma_start3A = arith.constant 0 : i32
      %dma_start3A_57 = tpu.memref_slice %arg3[%multiple_of3A, %dma_start3A] : memref<1280x128xi32, #tpu.memory_space<hbm>> -> memref<24x128xi32, #tpu.memory_space<hbm>>
      %dma_start3A_58 = arith.constant 0 : i32
      %dma_start3A_59 = tpu.memref_slice %arg3[%multiple_of3A, %dma_start3A_58] : memref<1280x128xi32, #tpu.memory_space<hbm>> -> memref<24x128xi32, #tpu.memory_space<hbm>>
      tpu.enqueue_dma source(%dma_start3A_59 : memref<24x128xi32, #tpu.memory_space<hbm>>) target(%arg5 : memref<24x128xi32, #tpu.memory_space<vmem>>) target_semaphore(%run_scoped3A : memref<!tpu.dma_semaphore, #tpu.memory_space<semaphore_mem>>)
      %dma_wait3A_60 = arith.constant 0 : i32
      %dma_wait3A_61 = tpu.memref_slice %arg3[%multiple_of3A, %dma_wait3A_60] : memref<1280x128xi32, #tpu.memory_space<hbm>> -> memref<24x128xi32, #tpu.memory_space<hbm>>
      %dma_wait3A_62 = arith.constant 0 : i32
      %dma_wait3A_63 = tpu.memref_slice %arg3[%multiple_of3A, %dma_wait3A_62] : memref<1280x128xi32, #tpu.memory_space<hbm>> -> memref<24x128xi32, #tpu.memory_space<hbm>>
      tpu.wait_dma2 semaphore(%run_scoped3A : memref<!tpu.dma_semaphore, #tpu.memory_space<semaphore_mem>>) src(%dma_wait3A_63 : memref<24x128xi32, #tpu.memory_space<hbm>>) dst(%arg5 : memref<24x128xi32, #tpu.memory_space<vmem>>)
      tpu.yield
    }) : () -> ()
    %scan3A = arith.constant 0 : i32
    %scan3A_24 = arith.constant 5 : i32
    %scan3A_25 = arith.addi %scan3A, %scan3A_24 : i32
    %scan3A_26 = arith.constant 1 : i32
    scf.for %scan3A_57 = %scan3A to %scan3A_25 step %scan3A_26  : i32 {
      %mul3A_58 = arith.constant 2 : i32
      %mul3A_59 = arith.muli %scan3A_57, %mul3A_58 : i32
      %add3A_60 = arith.constant 0 : i32
      %add3A_61 = arith.addi %add3A_60, %mul3A_59 : i32
      %add3A_62 = arith.constant 0 : i32
      %add3A_63 = arith.addi %add3A_61, %add3A_62 : i32
      %ge3A = arith.constant 2 : i32
      %ge3A_64 = arith.cmpi sge, %add3A_63, %ge3A : i32
      %convert_element_type3A = arith.extui %ge3A_64 : i1 to i32
      %cond3A = arith.constant 0 : i32
      %cond3A_65 = arith.constant 0 : i32
      %cond3A_66 = arith.cmpi ne, %convert_element_type3A, %cond3A_65 : i32
      scf.if %cond3A_66 {
        %dma_wait3A_240 = arith.constant 0 : i32
        %dma_wait3A_241 = arith.constant 0 : i32
        %dma_wait3A_242 = tpu.memref_slice %arg6[%cond3A, %dma_wait3A_240, %dma_wait3A_241] : memref<2x256x128xf32, #tpu.memory_space<vmem>> -> memref<1x256x128xf32, #tpu.memory_space<vmem>>
        %dma_wait3A_243 = tpu.memref_squeeze %dma_wait3A_242 : memref<1x256x128xf32, #tpu.memory_space<vmem>> -> memref<256x128xf32, #tpu.memory_space<vmem>>
        %dma_wait3A_244 = arith.constant 0 : i32
        %dma_wait3A_245 = arith.constant 0 : i32
        %dma_wait3A_246 = tpu.memref_slice %arg4[%dma_wait3A_244, %dma_wait3A_245] : memref<81920x128xf32, #tpu.memory_space<hbm>> -> memref<256x128xf32, #tpu.memory_space<hbm>>
        %dma_wait3A_247 = arith.constant 0 : i32
        %dma_wait3A_248 = arith.constant 0 : i32
        %dma_wait3A_249 = tpu.memref_slice %arg4[%dma_wait3A_247, %dma_wait3A_248] : memref<81920x128xf32, #tpu.memory_space<hbm>> -> memref<256x128xf32, #tpu.memory_space<hbm>>
        %dma_wait3A_250 = arith.constant 0 : i32
        %dma_wait3A_251 = arith.constant 0 : i32
        %dma_wait3A_252 = tpu.memref_slice %arg6[%cond3A, %dma_wait3A_250, %dma_wait3A_251] : memref<2x256x128xf32, #tpu.memory_space<vmem>> -> memref<1x256x128xf32, #tpu.memory_space<vmem>>
        %dma_wait3A_253 = tpu.memref_squeeze %dma_wait3A_252 : memref<1x256x128xf32, #tpu.memory_space<vmem>> -> memref<256x128xf32, #tpu.memory_space<vmem>>
        tpu.wait_dma2 semaphore(%arg9 : memref<!tpu.dma_semaphore, #tpu.memory_space<semaphore_mem>>) src(%dma_wait3A_253 : memref<256x128xf32, #tpu.memory_space<vmem>>) dst(%dma_wait3A_249 : memref<256x128xf32, #tpu.memory_space<hbm>>)
      } else {
      }
      %mul3A_67 = arith.constant 2 : i32
      %mul3A_68 = arith.muli %mul3A_67, %add3A_63 : i32
      %add3A_69 = arith.addi %sub3A_23, %mul3A_68 : i32
      %dma_start3A = arith.constant 0 : i32
      %dma_start3A_70 = arith.constant 0 : i32
      %dma_start3A_71 = arith.constant 0 : i32
      %dma_start3A_72 = tpu.memref_slice %arg6[%dma_start3A, %dma_start3A_70, %dma_start3A_71] : memref<2x256x128xf32, #tpu.memory_space<vmem>> -> memref<1x256x128xf32, #tpu.memory_space<vmem>>
      %dma_start3A_73 = tpu.memref_squeeze %dma_start3A_72 : memref<1x256x128xf32, #tpu.memory_space<vmem>> -> memref<256x128xf32, #tpu.memory_space<vmem>>
      %dma_start3A_74 = arith.constant 0 : i32
      %dma_start3A_75 = arith.constant 0 : i32
      %dma_start3A_76 = tpu.memref_slice %dma_start3A_73[%dma_start3A_74, %dma_start3A_75] : memref<256x128xf32, #tpu.memory_space<vmem>> -> memref<128x128xf32, #tpu.memory_space<vmem>>
      %dma_start3A_77 = arith.constant 0 : i32
      %dma_start3A_78 = tpu.memref_slice %arg5[%add3A_69, %dma_start3A_77] : memref<24x128xi32, #tpu.memory_space<vmem>> -> memref<1x128xi32, #tpu.memory_space<vmem>>
      %dma_start3A_79 = tpu.memref_squeeze %dma_start3A_78 : memref<1x128xi32, #tpu.memory_space<vmem>> -> memref<128xi32, #tpu.memory_space<vmem>>
      %dma_start3A_80 = arith.constant 0 : i32
      %dma_start3A_81 = arith.constant 0 : i32
      %dma_start3A_82 = tpu.memref_slice %arg2[%dma_start3A_80, %dma_start3A_81] : memref<10240x128xf32, #tpu.memory_space<hbm>> -> memref<10240x128xf32, #tpu.memory_space<hbm>>
      tpu.enqueue_indirect_dma source(%dma_start3A_82 : memref<10240x128xf32, #tpu.memory_space<hbm>>) target(%dma_start3A_76 : memref<128x128xf32, #tpu.memory_space<vmem>>) offsets(%dma_start3A_79 : memref<128xi32, #tpu.memory_space<vmem>>) semaphore(%arg7 : memref<!tpu.dma_semaphore, #tpu.memory_space<semaphore_mem>>)
      %mul3A_83 = arith.constant 2 : i32
      %mul3A_84 = arith.muli %mul3A_83, %add3A_63 : i32
      %add3A_85 = arith.addi %sub3A_23, %mul3A_84 : i32
      %add3A_86 = arith.constant 1 : i32
      %add3A_87 = arith.addi %add3A_85, %add3A_86 : i32
      %dma_start3A_88 = arith.constant 0 : i32
      %dma_start3A_89 = arith.constant 0 : i32
      %dma_start3A_90 = arith.constant 0 : i32
      %dma_start3A_91 = tpu.memref_slice %arg6[%dma_start3A_88, %dma_start3A_89, %dma_start3A_90] : memref<2x256x128xf32, #tpu.memory_space<vmem>> -> memref<1x256x128xf32, #tpu.memory_space<vmem>>
      %dma_start3A_92 = tpu.memref_squeeze %dma_start3A_91 : memref<1x256x128xf32, #tpu.memory_space<vmem>> -> memref<256x128xf32, #tpu.memory_space<vmem>>
      %dma_start3A_93 = arith.constant 128 : i32
      %dma_start3A_94 = arith.constant 0 : i32
      %dma_start3A_95 = tpu.memref_slice %dma_start3A_92[%dma_start3A_93, %dma_start3A_94] : memref<256x128xf32, #tpu.memory_space<vmem>> -> memref<128x128xf32, #tpu.memory_space<vmem>>
      %dma_start3A_96 = arith.constant 0 : i32
      %dma_start3A_97 = tpu.memref_slice %arg5[%add3A_87, %dma_start3A_96] : memref<24x128xi32, #tpu.memory_space<vmem>> -> memref<1x128xi32, #tpu.memory_space<vmem>>
      %dma_start3A_98 = tpu.memref_squeeze %dma_start3A_97 : memref<1x128xi32, #tpu.memory_space<vmem>> -> memref<128xi32, #tpu.memory_space<vmem>>
      %dma_start3A_99 = arith.constant 0 : i32
      %dma_start3A_100 = arith.constant 0 : i32
      %dma_start3A_101 = tpu.memref_slice %arg2[%dma_start3A_99, %dma_start3A_100] : memref<10240x128xf32, #tpu.memory_space<hbm>> -> memref<10240x128xf32, #tpu.memory_space<hbm>>
      tpu.enqueue_indirect_dma source(%dma_start3A_101 : memref<10240x128xf32, #tpu.memory_space<hbm>>) target(%dma_start3A_95 : memref<128x128xf32, #tpu.memory_space<vmem>>) offsets(%dma_start3A_98 : memref<128xi32, #tpu.memory_space<vmem>>) semaphore(%arg7 : memref<!tpu.dma_semaphore, #tpu.memory_space<semaphore_mem>>)
      %dma_wait3A_102 = arith.constant 0 : i32
      %dma_wait3A_103 = arith.constant 0 : i32
      %dma_wait3A_104 = arith.constant 0 : i32
      %dma_wait3A_105 = tpu.memref_slice %arg6[%dma_wait3A_102, %dma_wait3A_103, %dma_wait3A_104] : memref<2x256x128xf32, #tpu.memory_space<vmem>> -> memref<1x256x128xf32, #tpu.memory_space<vmem>>
      %dma_wait3A_106 = tpu.memref_squeeze %dma_wait3A_105 : memref<1x256x128xf32, #tpu.memory_space<vmem>> -> memref<256x128xf32, #tpu.memory_space<vmem>>
      %dma_wait3A_107 = arith.constant 0 : i32
      %dma_wait3A_108 = arith.constant 0 : i32
      %dma_wait3A_109 = tpu.memref_slice %dma_wait3A_106[%dma_wait3A_107, %dma_wait3A_108] : memref<256x128xf32, #tpu.memory_space<vmem>> -> memref<128x128xf32, #tpu.memory_space<vmem>>
      %dma_wait3A_110 = arith.constant 0 : i32
      %dma_wait3A_111 = tpu.memref_slice %arg5[%add3A_69, %dma_wait3A_110] : memref<24x128xi32, #tpu.memory_space<vmem>> -> memref<1x128xi32, #tpu.memory_space<vmem>>
      %dma_wait3A_112 = tpu.memref_squeeze %dma_wait3A_111 : memref<1x128xi32, #tpu.memory_space<vmem>> -> memref<128xi32, #tpu.memory_space<vmem>>
      %dma_wait3A_113 = arith.constant 0 : i32
      %dma_wait3A_114 = arith.constant 0 : i32
      %dma_wait3A_115 = tpu.memref_slice %arg2[%dma_wait3A_113, %dma_wait3A_114] : memref<10240x128xf32, #tpu.memory_space<hbm>> -> memref<10240x128xf32, #tpu.memory_space<hbm>>
      tpu.wait_indirect_dma semaphore(%arg7 : memref<!tpu.dma_semaphore, #tpu.memory_space<semaphore_mem>>) src(%dma_wait3A_115 : memref<10240x128xf32, #tpu.memory_space<hbm>>) dst(%dma_wait3A_109 : memref<128x128xf32, #tpu.memory_space<vmem>>)
      %dma_wait3A_116 = arith.constant 0 : i32
      %dma_wait3A_117 = arith.constant 0 : i32
      %dma_wait3A_118 = arith.constant 0 : i32
      %dma_wait3A_119 = tpu.memref_slice %arg6[%dma_wait3A_116, %dma_wait3A_117, %dma_wait3A_118] : memref<2x256x128xf32, #tpu.memory_space<vmem>> -> memref<1x256x128xf32, #tpu.memory_space<vmem>>
      %dma_wait3A_120 = tpu.memref_squeeze %dma_wait3A_119 : memref<1x256x128xf32, #tpu.memory_space<vmem>> -> memref<256x128xf32, #tpu.memory_space<vmem>>
      %dma_wait3A_121 = arith.constant 128 : i32
      %dma_wait3A_122 = arith.constant 0 : i32
      %dma_wait3A_123 = tpu.memref_slice %dma_wait3A_120[%dma_wait3A_121, %dma_wait3A_122] : memref<256x128xf32, #tpu.memory_space<vmem>> -> memref<128x128xf32, #tpu.memory_space<vmem>>
      %dma_wait3A_124 = arith.constant 0 : i32
      %dma_wait3A_125 = tpu.memref_slice %arg5[%add3A_87, %dma_wait3A_124] : memref<24x128xi32, #tpu.memory_space<vmem>> -> memref<1x128xi32, #tpu.memory_space<vmem>>
      %dma_wait3A_126 = tpu.memref_squeeze %dma_wait3A_125 : memref<1x128xi32, #tpu.memory_space<vmem>> -> memref<128xi32, #tpu.memory_space<vmem>>
      %dma_wait3A_127 = arith.constant 0 : i32
      %dma_wait3A_128 = arith.constant 0 : i32
      %dma_wait3A_129 = tpu.memref_slice %arg2[%dma_wait3A_127, %dma_wait3A_128] : memref<10240x128xf32, #tpu.memory_space<hbm>> -> memref<10240x128xf32, #tpu.memory_space<hbm>>
      tpu.wait_indirect_dma semaphore(%arg7 : memref<!tpu.dma_semaphore, #tpu.memory_space<semaphore_mem>>) src(%dma_wait3A_129 : memref<10240x128xf32, #tpu.memory_space<hbm>>) dst(%dma_wait3A_123 : memref<128x128xf32, #tpu.memory_space<vmem>>)
      %mul3A_130 = arith.constant 2560 : i32
      %mul3A_131 = arith.muli %add3A, %mul3A_130 : i32
      %multiple_of3A_132 = tpu.assume_multiple %mul3A_131, 128 : i32
      %mul3A_133 = arith.constant 256 : i32
      %mul3A_134 = arith.muli %add3A_63, %mul3A_133 : i32
      %add3A_135 = arith.addi %multiple_of3A_132, %mul3A_134 : i32
      %dma_start3A_136 = arith.constant 0 : i32
      %dma_start3A_137 = arith.constant 0 : i32
      %dma_start3A_138 = arith.constant 0 : i32
      %dma_start3A_139 = tpu.memref_slice %arg6[%dma_start3A_136, %dma_start3A_137, %dma_start3A_138] : memref<2x256x128xf32, #tpu.memory_space<vmem>> -> memref<1x256x128xf32, #tpu.memory_space<vmem>>
      %dma_start3A_140 = tpu.memref_squeeze %dma_start3A_139 : memref<1x256x128xf32, #tpu.memory_space<vmem>> -> memref<256x128xf32, #tpu.memory_space<vmem>>
      %dma_start3A_141 = arith.constant 0 : i32
      %dma_start3A_142 = tpu.memref_slice %arg4[%add3A_135, %dma_start3A_141] : memref<81920x128xf32, #tpu.memory_space<hbm>> -> memref<256x128xf32, #tpu.memory_space<hbm>>
      %dma_start3A_143 = arith.constant 0 : i32
      %dma_start3A_144 = tpu.memref_slice %arg4[%add3A_135, %dma_start3A_143] : memref<81920x128xf32, #tpu.memory_space<hbm>> -> memref<256x128xf32, #tpu.memory_space<hbm>>
      %dma_start3A_145 = arith.constant 0 : i32
      %dma_start3A_146 = arith.constant 0 : i32
      %dma_start3A_147 = tpu.memref_slice %arg6[%dma_start3A_136, %dma_start3A_145, %dma_start3A_146] : memref<2x256x128xf32, #tpu.memory_space<vmem>> -> memref<1x256x128xf32, #tpu.memory_space<vmem>>
      %dma_start3A_148 = tpu.memref_squeeze %dma_start3A_147 : memref<1x256x128xf32, #tpu.memory_space<vmem>> -> memref<256x128xf32, #tpu.memory_space<vmem>>
      tpu.enqueue_dma source(%dma_start3A_148 : memref<256x128xf32, #tpu.memory_space<vmem>>) target(%dma_start3A_144 : memref<256x128xf32, #tpu.memory_space<hbm>>) target_semaphore(%arg9 : memref<!tpu.dma_semaphore, #tpu.memory_space<semaphore_mem>>)
      %add3A_149 = arith.constant 1 : i32
      %add3A_150 = arith.addi %add3A_61, %add3A_149 : i32
      %ge3A_151 = arith.constant 2 : i32
      %ge3A_152 = arith.cmpi sge, %add3A_150, %ge3A_151 : i32
      %convert_element_type3A_153 = arith.extui %ge3A_152 : i1 to i32
      %cond3A_154 = arith.constant 1 : i32
      %cond3A_155 = arith.constant 0 : i32
      %cond3A_156 = arith.cmpi ne, %convert_element_type3A_153, %cond3A_155 : i32
      scf.if %cond3A_156 {
        %dma_wait3A_240 = arith.constant 0 : i32
        %dma_wait3A_241 = arith.constant 0 : i32
        %dma_wait3A_242 = tpu.memref_slice %arg6[%cond3A_154, %dma_wait3A_240, %dma_wait3A_241] : memref<2x256x128xf32, #tpu.memory_space<vmem>> -> memref<1x256x128xf32, #tpu.memory_space<vmem>>
        %dma_wait3A_243 = tpu.memref_squeeze %dma_wait3A_242 : memref<1x256x128xf32, #tpu.memory_space<vmem>> -> memref<256x128xf32, #tpu.memory_space<vmem>>
        %dma_wait3A_244 = arith.constant 0 : i32
        %dma_wait3A_245 = arith.constant 0 : i32
        %dma_wait3A_246 = tpu.memref_slice %arg4[%dma_wait3A_244, %dma_wait3A_245] : memref<81920x128xf32, #tpu.memory_space<hbm>> -> memref<256x128xf32, #tpu.memory_space<hbm>>
        %dma_wait3A_247 = arith.constant 0 : i32
        %dma_wait3A_248 = arith.constant 0 : i32
        %dma_wait3A_249 = tpu.memref_slice %arg4[%dma_wait3A_247, %dma_wait3A_248] : memref<81920x128xf32, #tpu.memory_space<hbm>> -> memref<256x128xf32, #tpu.memory_space<hbm>>
        %dma_wait3A_250 = arith.constant 0 : i32
        %dma_wait3A_251 = arith.constant 0 : i32
        %dma_wait3A_252 = tpu.memref_slice %arg6[%cond3A_154, %dma_wait3A_250, %dma_wait3A_251] : memref<2x256x128xf32, #tpu.memory_space<vmem>> -> memref<1x256x128xf32, #tpu.memory_space<vmem>>
        %dma_wait3A_253 = tpu.memref_squeeze %dma_wait3A_252 : memref<1x256x128xf32, #tpu.memory_space<vmem>> -> memref<256x128xf32, #tpu.memory_space<vmem>>
        tpu.wait_dma2 semaphore(%arg10 : memref<!tpu.dma_semaphore, #tpu.memory_space<semaphore_mem>>) src(%dma_wait3A_253 : memref<256x128xf32, #tpu.memory_space<vmem>>) dst(%dma_wait3A_249 : memref<256x128xf32, #tpu.memory_space<hbm>>)
      } else {
      }
      %mul3A_157 = arith.constant 2 : i32
      %mul3A_158 = arith.muli %mul3A_157, %add3A_150 : i32
      %add3A_159 = arith.addi %sub3A_23, %mul3A_158 : i32
      %dma_start3A_160 = arith.constant 1 : i32
      %dma_start3A_161 = arith.constant 0 : i32
      %dma_start3A_162 = arith.constant 0 : i32
      %dma_start3A_163 = tpu.memref_slice %arg6[%dma_start3A_160, %dma_start3A_161, %dma_start3A_162] : memref<2x256x128xf32, #tpu.memory_space<vmem>> -> memref<1x256x128xf32, #tpu.memory_space<vmem>>
      %dma_start3A_164 = tpu.memref_squeeze %dma_start3A_163 : memref<1x256x128xf32, #tpu.memory_space<vmem>> -> memref<256x128xf32, #tpu.memory_space<vmem>>
      %dma_start3A_165 = arith.constant 0 : i32
      %dma_start3A_166 = arith.constant 0 : i32
      %dma_start3A_167 = tpu.memref_slice %dma_start3A_164[%dma_start3A_165, %dma_start3A_166] : memref<256x128xf32, #tpu.memory_space<vmem>> -> memref<128x128xf32, #tpu.memory_space<vmem>>
      %dma_start3A_168 = arith.constant 0 : i32
      %dma_start3A_169 = tpu.memref_slice %arg5[%add3A_159, %dma_start3A_168] : memref<24x128xi32, #tpu.memory_space<vmem>> -> memref<1x128xi32, #tpu.memory_space<vmem>>
      %dma_start3A_170 = tpu.memref_squeeze %dma_start3A_169 : memref<1x128xi32, #tpu.memory_space<vmem>> -> memref<128xi32, #tpu.memory_space<vmem>>
      %dma_start3A_171 = arith.constant 0 : i32
      %dma_start3A_172 = arith.constant 0 : i32
      %dma_start3A_173 = tpu.memref_slice %arg2[%dma_start3A_171, %dma_start3A_172] : memref<10240x128xf32, #tpu.memory_space<hbm>> -> memref<10240x128xf32, #tpu.memory_space<hbm>>
      tpu.enqueue_indirect_dma source(%dma_start3A_173 : memref<10240x128xf32, #tpu.memory_space<hbm>>) target(%dma_start3A_167 : memref<128x128xf32, #tpu.memory_space<vmem>>) offsets(%dma_start3A_170 : memref<128xi32, #tpu.memory_space<vmem>>) semaphore(%arg8 : memref<!tpu.dma_semaphore, #tpu.memory_space<semaphore_mem>>)
      %mul3A_174 = arith.constant 2 : i32
      %mul3A_175 = arith.muli %mul3A_174, %add3A_150 : i32
      %add3A_176 = arith.addi %sub3A_23, %mul3A_175 : i32
      %add3A_177 = arith.constant 1 : i32
      %add3A_178 = arith.addi %add3A_176, %add3A_177 : i32
      %dma_start3A_179 = arith.constant 1 : i32
      %dma_start3A_180 = arith.constant 0 : i32
      %dma_start3A_181 = arith.constant 0 : i32
      %dma_start3A_182 = tpu.memref_slice %arg6[%dma_start3A_179, %dma_start3A_180, %dma_start3A_181] : memref<2x256x128xf32, #tpu.memory_space<vmem>> -> memref<1x256x128xf32, #tpu.memory_space<vmem>>
      %dma_start3A_183 = tpu.memref_squeeze %dma_start3A_182 : memref<1x256x128xf32, #tpu.memory_space<vmem>> -> memref<256x128xf32, #tpu.memory_space<vmem>>
      %dma_start3A_184 = arith.constant 128 : i32
      %dma_start3A_185 = arith.constant 0 : i32
      %dma_start3A_186 = tpu.memref_slice %dma_start3A_183[%dma_start3A_184, %dma_start3A_185] : memref<256x128xf32, #tpu.memory_space<vmem>> -> memref<128x128xf32, #tpu.memory_space<vmem>>
      %dma_start3A_187 = arith.constant 0 : i32
      %dma_start3A_188 = tpu.memref_slice %arg5[%add3A_178, %dma_start3A_187] : memref<24x128xi32, #tpu.memory_space<vmem>> -> memref<1x128xi32, #tpu.memory_space<vmem>>
      %dma_start3A_189 = tpu.memref_squeeze %dma_start3A_188 : memref<1x128xi32, #tpu.memory_space<vmem>> -> memref<128xi32, #tpu.memory_space<vmem>>
      %dma_start3A_190 = arith.constant 0 : i32
      %dma_start3A_191 = arith.constant 0 : i32
      %dma_start3A_192 = tpu.memref_slice %arg2[%dma_start3A_190, %dma_start3A_191] : memref<10240x128xf32, #tpu.memory_space<hbm>> -> memref<10240x128xf32, #tpu.memory_space<hbm>>
      tpu.enqueue_indirect_dma source(%dma_start3A_192 : memref<10240x128xf32, #tpu.memory_space<hbm>>) target(%dma_start3A_186 : memref<128x128xf32, #tpu.memory_space<vmem>>) offsets(%dma_start3A_189 : memref<128xi32, #tpu.memory_space<vmem>>) semaphore(%arg8 : memref<!tpu.dma_semaphore, #tpu.memory_space<semaphore_mem>>)
      %dma_wait3A_193 = arith.constant 1 : i32
      %dma_wait3A_194 = arith.constant 0 : i32
      %dma_wait3A_195 = arith.constant 0 : i32
      %dma_wait3A_196 = tpu.memref_slice %arg6[%dma_wait3A_193, %dma_wait3A_194, %dma_wait3A_195] : memref<2x256x128xf32, #tpu.memory_space<vmem>> -> memref<1x256x128xf32, #tpu.memory_space<vmem>>
      %dma_wait3A_197 = tpu.memref_squeeze %dma_wait3A_196 : memref<1x256x128xf32, #tpu.memory_space<vmem>> -> memref<256x128xf32, #tpu.memory_space<vmem>>
      %dma_wait3A_198 = arith.constant 0 : i32
      %dma_wait3A_199 = arith.constant 0 : i32
      %dma_wait3A_200 = tpu.memref_slice %dma_wait3A_197[%dma_wait3A_198, %dma_wait3A_199] : memref<256x128xf32, #tpu.memory_space<vmem>> -> memref<128x128xf32, #tpu.memory_space<vmem>>
      %dma_wait3A_201 = arith.constant 0 : i32
      %dma_wait3A_202 = tpu.memref_slice %arg5[%add3A_159, %dma_wait3A_201] : memref<24x128xi32, #tpu.memory_space<vmem>> -> memref<1x128xi32, #tpu.memory_space<vmem>>
      %dma_wait3A_203 = tpu.memref_squeeze %dma_wait3A_202 : memref<1x128xi32, #tpu.memory_space<vmem>> -> memref<128xi32, #tpu.memory_space<vmem>>
      %dma_wait3A_204 = arith.constant 0 : i32
      %dma_wait3A_205 = arith.constant 0 : i32
      %dma_wait3A_206 = tpu.memref_slice %arg2[%dma_wait3A_204, %dma_wait3A_205] : memref<10240x128xf32, #tpu.memory_space<hbm>> -> memref<10240x128xf32, #tpu.memory_space<hbm>>
      tpu.wait_indirect_dma semaphore(%arg8 : memref<!tpu.dma_semaphore, #tpu.memory_space<semaphore_mem>>) src(%dma_wait3A_206 : memref<10240x128xf32, #tpu.memory_space<hbm>>) dst(%dma_wait3A_200 : memref<128x128xf32, #tpu.memory_space<vmem>>)
      %dma_wait3A_207 = arith.constant 1 : i32
      %dma_wait3A_208 = arith.constant 0 : i32
      %dma_wait3A_209 = arith.constant 0 : i32
      %dma_wait3A_210 = tpu.memref_slice %arg6[%dma_wait3A_207, %dma_wait3A_208, %dma_wait3A_209] : memref<2x256x128xf32, #tpu.memory_space<vmem>> -> memref<1x256x128xf32, #tpu.memory_space<vmem>>
      %dma_wait3A_211 = tpu.memref_squeeze %dma_wait3A_210 : memref<1x256x128xf32, #tpu.memory_space<vmem>> -> memref<256x128xf32, #tpu.memory_space<vmem>>
      %dma_wait3A_212 = arith.constant 128 : i32
      %dma_wait3A_213 = arith.constant 0 : i32
      %dma_wait3A_214 = tpu.memref_slice %dma_wait3A_211[%dma_wait3A_212, %dma_wait3A_213] : memref<256x128xf32, #tpu.memory_space<vmem>> -> memref<128x128xf32, #tpu.memory_space<vmem>>
      %dma_wait3A_215 = arith.constant 0 : i32
      %dma_wait3A_216 = tpu.memref_slice %arg5[%add3A_178, %dma_wait3A_215] : memref<24x128xi32, #tpu.memory_space<vmem>> -> memref<1x128xi32, #tpu.memory_space<vmem>>
      %dma_wait3A_217 = tpu.memref_squeeze %dma_wait3A_216 : memref<1x128xi32, #tpu.memory_space<vmem>> -> memref<128xi32, #tpu.memory_space<vmem>>
      %dma_wait3A_218 = arith.constant 0 : i32
      %dma_wait3A_219 = arith.constant 0 : i32
      %dma_wait3A_220 = tpu.memref_slice %arg2[%dma_wait3A_218, %dma_wait3A_219] : memref<10240x128xf32, #tpu.memory_space<hbm>> -> memref<10240x128xf32, #tpu.memory_space<hbm>>
      tpu.wait_indirect_dma semaphore(%arg8 : memref<!tpu.dma_semaphore, #tpu.memory_space<semaphore_mem>>) src(%dma_wait3A_220 : memref<10240x128xf32, #tpu.memory_space<hbm>>) dst(%dma_wait3A_214 : memref<128x128xf32, #tpu.memory_space<vmem>>)
      %mul3A_221 = arith.constant 2560 : i32
      %mul3A_222 = arith.muli %add3A, %mul3A_221 : i32
      %multiple_of3A_223 = tpu.assume_multiple %mul3A_222, 128 : i32
      %mul3A_224 = arith.constant 256 : i32
      %mul3A_225 = arith.muli %add3A_150, %mul3A_224 : i32
      %add3A_226 = arith.addi %multiple_of3A_223, %mul3A_225 : i32
      %dma_start3A_227 = arith.constant 1 : i32
      %dma_start3A_228 = arith.constant 0 : i32
      %dma_start3A_229 = arith.constant 0 : i32
      %dma_start3A_230 = tpu.memref_slice %arg6[%dma_start3A_227, %dma_start3A_228, %dma_start3A_229] : memref<2x256x128xf32, #tpu.memory_space<vmem>> -> memref<1x256x128xf32, #tpu.memory_space<vmem>>
      %dma_start3A_231 = tpu.memref_squeeze %dma_start3A_230 : memref<1x256x128xf32, #tpu.memory_space<vmem>> -> memref<256x128xf32, #tpu.memory_space<vmem>>
      %dma_start3A_232 = arith.constant 0 : i32
      %dma_start3A_233 = tpu.memref_slice %arg4[%add3A_226, %dma_start3A_232] : memref<81920x128xf32, #tpu.memory_space<hbm>> -> memref<256x128xf32, #tpu.memory_space<hbm>>
      %dma_start3A_234 = arith.constant 0 : i32
      %dma_start3A_235 = tpu.memref_slice %arg4[%add3A_226, %dma_start3A_234] : memref<81920x128xf32, #tpu.memory_space<hbm>> -> memref<256x128xf32, #tpu.memory_space<hbm>>
      %dma_start3A_236 = arith.constant 0 : i32
      %dma_start3A_237 = arith.constant 0 : i32
      %dma_start3A_238 = tpu.memref_slice %arg6[%dma_start3A_227, %dma_start3A_236, %dma_start3A_237] : memref<2x256x128xf32, #tpu.memory_space<vmem>> -> memref<1x256x128xf32, #tpu.memory_space<vmem>>
      %dma_start3A_239 = tpu.memref_squeeze %dma_start3A_238 : memref<1x256x128xf32, #tpu.memory_space<vmem>> -> memref<256x128xf32, #tpu.memory_space<vmem>>
      tpu.enqueue_dma source(%dma_start3A_239 : memref<256x128xf32, #tpu.memory_space<vmem>>) target(%dma_start3A_235 : memref<256x128xf32, #tpu.memory_space<hbm>>) target_semaphore(%arg10 : memref<!tpu.dma_semaphore, #tpu.memory_space<semaphore_mem>>)
    }
    %scan3A_27 = arith.constant 5 : i32
    %dma_wait3A = arith.constant 0 : i32
    %dma_wait3A_28 = arith.constant 0 : i32
    %dma_wait3A_29 = arith.constant 0 : i32
    %dma_wait3A_30 = tpu.memref_slice %arg6[%dma_wait3A, %dma_wait3A_28, %dma_wait3A_29] : memref<2x256x128xf32, #tpu.memory_space<vmem>> -> memref<1x256x128xf32, #tpu.memory_space<vmem>>
    %dma_wait3A_31 = tpu.memref_squeeze %dma_wait3A_30 : memref<1x256x128xf32, #tpu.memory_space<vmem>> -> memref<256x128xf32, #tpu.memory_space<vmem>>
    %dma_wait3A_32 = arith.constant 0 : i32
    %dma_wait3A_33 = arith.constant 0 : i32
    %dma_wait3A_34 = tpu.memref_slice %arg4[%dma_wait3A_32, %dma_wait3A_33] : memref<81920x128xf32, #tpu.memory_space<hbm>> -> memref<256x128xf32, #tpu.memory_space<hbm>>
    %dma_wait3A_35 = arith.constant 0 : i32
    %dma_wait3A_36 = arith.constant 0 : i32
    %dma_wait3A_37 = tpu.memref_slice %arg4[%dma_wait3A_35, %dma_wait3A_36] : memref<81920x128xf32, #tpu.memory_space<hbm>> -> memref<256x128xf32, #tpu.memory_space<hbm>>
    %dma_wait3A_38 = arith.constant 0 : i32
    %dma_wait3A_39 = arith.constant 0 : i32
    %dma_wait3A_40 = tpu.memref_slice %arg6[%dma_wait3A, %dma_wait3A_38, %dma_wait3A_39] : memref<2x256x128xf32, #tpu.memory_space<vmem>> -> memref<1x256x128xf32, #tpu.memory_space<vmem>>
    %dma_wait3A_41 = tpu.memref_squeeze %dma_wait3A_40 : memref<1x256x128xf32, #tpu.memory_space<vmem>> -> memref<256x128xf32, #tpu.memory_space<vmem>>
    tpu.wait_dma2 semaphore(%arg9 : memref<!tpu.dma_semaphore, #tpu.memory_space<semaphore_mem>>) src(%dma_wait3A_41 : memref<256x128xf32, #tpu.memory_space<vmem>>) dst(%dma_wait3A_37 : memref<256x128xf32, #tpu.memory_space<hbm>>)
    %dma_wait3A_42 = arith.constant 1 : i32
    %dma_wait3A_43 = arith.constant 0 : i32
    %dma_wait3A_44 = arith.constant 0 : i32
    %dma_wait3A_45 = tpu.memref_slice %arg6[%dma_wait3A_42, %dma_wait3A_43, %dma_wait3A_44] : memref<2x256x128xf32, #tpu.memory_space<vmem>> -> memref<1x256x128xf32, #tpu.memory_space<vmem>>
    %dma_wait3A_46 = tpu.memref_squeeze %dma_wait3A_45 : memref<1x256x128xf32, #tpu.memory_space<vmem>> -> memref<256x128xf32, #tpu.memory_space<vmem>>
    %dma_wait3A_47 = arith.constant 0 : i32
    %dma_wait3A_48 = arith.constant 0 : i32
    %dma_wait3A_49 = tpu.memref_slice %arg4[%dma_wait3A_47, %dma_wait3A_48] : memref<81920x128xf32, #tpu.memory_space<hbm>> -> memref<256x128xf32, #tpu.memory_space<hbm>>
    %dma_wait3A_50 = arith.constant 0 : i32
    %dma_wait3A_51 = arith.constant 0 : i32
    %dma_wait3A_52 = tpu.memref_slice %arg4[%dma_wait3A_50, %dma_wait3A_51] : memref<81920x128xf32, #tpu.memory_space<hbm>> -> memref<256x128xf32, #tpu.memory_space<hbm>>
    %dma_wait3A_53 = arith.constant 0 : i32
    %dma_wait3A_54 = arith.constant 0 : i32
    %dma_wait3A_55 = tpu.memref_slice %arg6[%dma_wait3A_42, %dma_wait3A_53, %dma_wait3A_54] : memref<2x256x128xf32, #tpu.memory_space<vmem>> -> memref<1x256x128xf32, #tpu.memory_space<vmem>>
    %dma_wait3A_56 = tpu.memref_squeeze %dma_wait3A_55 : memref<1x256x128xf32, #tpu.memory_space<vmem>> -> memref<256x128xf32, #tpu.memory_space<vmem>>
    tpu.wait_dma2 semaphore(%arg10 : memref<!tpu.dma_semaphore, #tpu.memory_space<semaphore_mem>>) src(%dma_wait3A_56 : memref<256x128xf32, #tpu.memory_space<vmem>>) dst(%dma_wait3A_52 : memref<256x128xf32, #tpu.memory_space<hbm>>)
    return
  }
}

#map = affine_map<(d0, d1) -> (0, 0)>
#map1 = affine_map<(d0, d1) -> (0, 0, 0)>
module attributes {stable_mosaic.version = 14 : i64} {
  func.func @sc_scatter(%arg0: i32, %arg1: i32, %arg2: memref<81920x128xf32, #tpu.memory_space<hbm>>, %arg3: memref<1280x128xi32, #tpu.memory_space<hbm>>, %arg4: memref<624x128xf32, #tpu.memory_space<hbm>>, %arg5: memref<2x10000x128xf32, #tpu.memory_space<hbm>>, %arg6: memref<24x128xi32, #tpu.memory_space<vmem>>, %arg7: memref<2x128x128xf32, #tpu.memory_space<vmem>>, %arg8: memref<10000x128xf32, #tpu.memory_space<vmem_shared>>, %arg9: memref<!tpu.dma_semaphore, #tpu.memory_space<semaphore_mem>>, %arg10: memref<!tpu.dma_semaphore, #tpu.memory_space<semaphore_mem>>, %arg11: memref<!tpu.dma_semaphore, #tpu.memory_space<semaphore_mem>>, %arg12: memref<!tpu.dma_semaphore, #tpu.memory_space<semaphore_mem>>) attributes {dimension_semantics = [#tpu.dimension_semantics<core_parallel>, #tpu.dimension_semantics<subcore_parallel>], iteration_bounds = array<i64: 2, 16>, scalar_prefetch = 0 : i64, scratch_operands = 7 : i64, tpu.core_type = #tpu.core_type<sc_vector_subcore>, window_params = [{transform_indices = #map}, {transform_indices = #map}, {transform_indices = #map}, {transform_indices = #map1}]} {
    %mul3A = arith.constant 2 : i32
    %mul3A_0 = arith.muli %arg1, %mul3A : i32
    %add3A = arith.addi %mul3A_0, %arg0 : i32
    %mul3A_1 = arith.constant 624 : i32
    %mul3A_2 = arith.muli %arg1, %mul3A_1 : i32
    %multiple_of3A = tpu.assume_multiple %mul3A_2, 8 : i32
    "tpu.region"() ({
      %run_scoped3A = tpu.sem_alloc : memref<!tpu.dma_semaphore, #tpu.memory_space<semaphore_mem>>
      %dma_start3A = arith.constant 0 : i32
      %dma_start3A_62 = tpu.memref_slice %arg8[%multiple_of3A, %dma_start3A] : memref<10000x128xf32, #tpu.memory_space<vmem_shared>> -> memref<624x128xf32, #tpu.memory_space<vmem_shared>>
      %dma_start3A_63 = arith.constant 0 : i32
      %dma_start3A_64 = arith.constant 0 : i32
      %dma_start3A_65 = tpu.memref_slice %arg4[%dma_start3A_63, %dma_start3A_64] : memref<624x128xf32, #tpu.memory_space<hbm>> -> memref<624x128xf32, #tpu.memory_space<hbm>>
      tpu.enqueue_dma source(%dma_start3A_65 : memref<624x128xf32, #tpu.memory_space<hbm>>) target(%dma_start3A_62 : memref<624x128xf32, #tpu.memory_space<vmem_shared>>) target_semaphore(%run_scoped3A : memref<!tpu.dma_semaphore, #tpu.memory_space<semaphore_mem>>)
      %dma_wait3A_66 = arith.constant 0 : i32
      %dma_wait3A_67 = tpu.memref_slice %arg8[%multiple_of3A, %dma_wait3A_66] : memref<10000x128xf32, #tpu.memory_space<vmem_shared>> -> memref<624x128xf32, #tpu.memory_space<vmem_shared>>
      %dma_wait3A_68 = arith.constant 0 : i32
      %dma_wait3A_69 = arith.constant 0 : i32
      %dma_wait3A_70 = tpu.memref_slice %arg4[%dma_wait3A_68, %dma_wait3A_69] : memref<624x128xf32, #tpu.memory_space<hbm>> -> memref<624x128xf32, #tpu.memory_space<hbm>>
      tpu.wait_dma2 semaphore(%run_scoped3A : memref<!tpu.dma_semaphore, #tpu.memory_space<semaphore_mem>>) src(%dma_wait3A_70 : memref<624x128xf32, #tpu.memory_space<hbm>>) dst(%dma_wait3A_67 : memref<624x128xf32, #tpu.memory_space<vmem_shared>>)
      tpu.yield
    }) : () -> ()
    %eq3A = arith.constant 15 : i32
    %eq3A_3 = arith.cmpi eq, %arg1, %eq3A : i32
    %convert_element_type3A = arith.extui %eq3A_3 : i1 to i32
    %cond3A = arith.constant 0 : i32
    %cond3A_4 = arith.cmpi ne, %convert_element_type3A, %cond3A : i32
    scf.if %cond3A_4 {
      "tpu.region"() ({
        %run_scoped3A = tpu.sem_alloc : memref<!tpu.dma_semaphore, #tpu.memory_space<semaphore_mem>>
        %dma_start3A = arith.constant 9984 : i32
        %dma_start3A_62 = arith.constant 0 : i32
        %dma_start3A_63 = tpu.memref_slice %arg8[%dma_start3A, %dma_start3A_62] : memref<10000x128xf32, #tpu.memory_space<vmem_shared>> -> memref<16x128xf32, #tpu.memory_space<vmem_shared>>
        %dma_start3A_64 = arith.constant 0 : i32
        %dma_start3A_65 = arith.constant 0 : i32
        %dma_start3A_66 = tpu.memref_slice %arg4[%dma_start3A_64, %dma_start3A_65] : memref<624x128xf32, #tpu.memory_space<hbm>> -> memref<16x128xf32, #tpu.memory_space<hbm>>
        tpu.enqueue_dma source(%dma_start3A_66 : memref<16x128xf32, #tpu.memory_space<hbm>>) target(%dma_start3A_63 : memref<16x128xf32, #tpu.memory_space<vmem_shared>>) target_semaphore(%run_scoped3A : memref<!tpu.dma_semaphore, #tpu.memory_space<semaphore_mem>>)
        %dma_wait3A_67 = arith.constant 9984 : i32
        %dma_wait3A_68 = arith.constant 0 : i32
        %dma_wait3A_69 = tpu.memref_slice %arg8[%dma_wait3A_67, %dma_wait3A_68] : memref<10000x128xf32, #tpu.memory_space<vmem_shared>> -> memref<16x128xf32, #tpu.memory_space<vmem_shared>>
        %dma_wait3A_70 = arith.constant 0 : i32
        %dma_wait3A_71 = arith.constant 0 : i32
        %dma_wait3A_72 = tpu.memref_slice %arg4[%dma_wait3A_70, %dma_wait3A_71] : memref<624x128xf32, #tpu.memory_space<hbm>> -> memref<16x128xf32, #tpu.memory_space<hbm>>
        tpu.wait_dma2 semaphore(%run_scoped3A : memref<!tpu.dma_semaphore, #tpu.memory_space<semaphore_mem>>) src(%dma_wait3A_72 : memref<16x128xf32, #tpu.memory_space<hbm>>) dst(%dma_wait3A_69 : memref<16x128xf32, #tpu.memory_space<vmem_shared>>)
        tpu.yield
      }) : () -> ()
    } else {
    }
    %mul3A_5 = arith.constant 20 : i32
    %mul3A_6 = arith.muli %add3A, %mul3A_5 : i32
    %add3A_7 = arith.constant 0 : i32
    %add3A_8 = arith.addi %add3A_7, %mul3A_6 : i32
    %jit3A = arith.constant 8 : i32
    %div3A = arith.divsi %add3A_8, %jit3A : i32
    %sign3A = arith.constant 0 : i32
    %sign3A_9 = arith.cmpi sgt, %add3A_8, %sign3A : i32
    %sign3A_10 = arith.extui %sign3A_9 : i1 to i32
    %sign3A_11 = arith.constant 0 : i32
    %sign3A_12 = arith.cmpi slt, %add3A_8, %sign3A_11 : i32
    %sign3A_13 = arith.extui %sign3A_12 : i1 to i32
    %sign3A_14 = arith.subi %sign3A_10, %sign3A_13 : i32
    %sign3A_15 = arith.constant 0 : i32
    %sign3A_16 = arith.cmpi sgt, %jit3A, %sign3A_15 : i32
    %sign3A_17 = arith.extui %sign3A_16 : i1 to i32
    %sign3A_18 = arith.constant 0 : i32
    %sign3A_19 = arith.cmpi slt, %jit3A, %sign3A_18 : i32
    %sign3A_20 = arith.extui %sign3A_19 : i1 to i32
    %sign3A_21 = arith.subi %sign3A_17, %sign3A_20 : i32
    %ne3A = arith.cmpi ne, %sign3A_14, %sign3A_21 : i32
    %rem3A = arith.remsi %add3A_8, %jit3A : i32
    %ne3A_22 = arith.constant 0 : i32
    %ne3A_23 = arith.cmpi ne, %rem3A, %ne3A_22 : i32
    %and3A = arith.andi %ne3A, %ne3A_23 : i1
    %sub3A = arith.constant 1 : i32
    %sub3A_24 = arith.subi %div3A, %sub3A : i32
    %select_n3A = arith.select %and3A, %sub3A_24, %div3A : i32
    %mul3A_25 = arith.constant 8 : i32
    %mul3A_26 = arith.muli %select_n3A, %mul3A_25 : i32
    %multiple_of3A_27 = tpu.assume_multiple %mul3A_26, 8 : i32
    %sub3A_28 = arith.subi %add3A_8, %multiple_of3A_27 : i32
    "tpu.region"() ({
      %run_scoped3A = tpu.sem_alloc : memref<!tpu.dma_semaphore, #tpu.memory_space<semaphore_mem>>
      %dma_start3A = arith.constant 0 : i32
      %dma_start3A_62 = tpu.memref_slice %arg3[%multiple_of3A_27, %dma_start3A] : memref<1280x128xi32, #tpu.memory_space<hbm>> -> memref<24x128xi32, #tpu.memory_space<hbm>>
      %dma_start3A_63 = arith.constant 0 : i32
      %dma_start3A_64 = tpu.memref_slice %arg3[%multiple_of3A_27, %dma_start3A_63] : memref<1280x128xi32, #tpu.memory_space<hbm>> -> memref<24x128xi32, #tpu.memory_space<hbm>>
      tpu.enqueue_dma source(%dma_start3A_64 : memref<24x128xi32, #tpu.memory_space<hbm>>) target(%arg6 : memref<24x128xi32, #tpu.memory_space<vmem>>) target_semaphore(%run_scoped3A : memref<!tpu.dma_semaphore, #tpu.memory_space<semaphore_mem>>)
      %dma_wait3A_65 = arith.constant 0 : i32
      %dma_wait3A_66 = tpu.memref_slice %arg3[%multiple_of3A_27, %dma_wait3A_65] : memref<1280x128xi32, #tpu.memory_space<hbm>> -> memref<24x128xi32, #tpu.memory_space<hbm>>
      %dma_wait3A_67 = arith.constant 0 : i32
      %dma_wait3A_68 = tpu.memref_slice %arg3[%multiple_of3A_27, %dma_wait3A_67] : memref<1280x128xi32, #tpu.memory_space<hbm>> -> memref<24x128xi32, #tpu.memory_space<hbm>>
      tpu.wait_dma2 semaphore(%run_scoped3A : memref<!tpu.dma_semaphore, #tpu.memory_space<semaphore_mem>>) src(%dma_wait3A_68 : memref<24x128xi32, #tpu.memory_space<hbm>>) dst(%arg6 : memref<24x128xi32, #tpu.memory_space<vmem>>)
      tpu.yield
    }) : () -> ()
    %barrier3A = arith.constant 0 : index
    tpu.barrier barrier_id(%barrier3A)
    %scan3A = arith.constant 0 : i32
    %scan3A_29 = arith.constant 10 : i32
    %scan3A_30 = arith.addi %scan3A, %scan3A_29 : i32
    %scan3A_31 = arith.constant 1 : i32
    scf.for %scan3A_62 = %scan3A to %scan3A_30 step %scan3A_31  : i32 {
      %mul3A_63 = arith.constant 2 : i32
      %mul3A_64 = arith.muli %scan3A_62, %mul3A_63 : i32
      %add3A_65 = arith.constant 0 : i32
      %add3A_66 = arith.addi %add3A_65, %mul3A_64 : i32
      %add3A_67 = arith.constant 0 : i32
      %add3A_68 = arith.addi %add3A_66, %add3A_67 : i32
      %ge3A = arith.constant 2 : i32
      %ge3A_69 = arith.cmpi sge, %add3A_68, %ge3A : i32
      %convert_element_type3A_70 = arith.extui %ge3A_69 : i1 to i32
      %cond3A_71 = arith.constant 0 : i32
      %cond3A_72 = arith.constant 0 : i32
      %cond3A_73 = arith.cmpi ne, %convert_element_type3A_70, %cond3A_72 : i32
      scf.if %cond3A_73 {
        %dma_wait3A_169 = arith.constant 0 : i32
        %dma_wait3A_170 = arith.constant 0 : i32
        %dma_wait3A_171 = arith.constant 0 : i32
        %dma_wait3A_172 = tpu.memref_slice %arg7[%cond3A_71, %dma_wait3A_170, %dma_wait3A_171] : memref<2x128x128xf32, #tpu.memory_space<vmem>> -> memref<1x128x128xf32, #tpu.memory_space<vmem>>
        %dma_wait3A_173 = tpu.memref_squeeze %dma_wait3A_172 : memref<1x128x128xf32, #tpu.memory_space<vmem>> -> memref<128x128xf32, #tpu.memory_space<vmem>>
        %dma_wait3A_174 = arith.constant 0 : i32
        %dma_wait3A_175 = tpu.memref_slice %arg6[%dma_wait3A_169, %dma_wait3A_174] : memref<24x128xi32, #tpu.memory_space<vmem>> -> memref<1x128xi32, #tpu.memory_space<vmem>>
        %dma_wait3A_176 = tpu.memref_squeeze %dma_wait3A_175 : memref<1x128xi32, #tpu.memory_space<vmem>> -> memref<128xi32, #tpu.memory_space<vmem>>
        %dma_wait3A_177 = arith.constant 0 : i32
        %dma_wait3A_178 = arith.constant 0 : i32
        %dma_wait3A_179 = tpu.memref_slice %arg8[%dma_wait3A_177, %dma_wait3A_178] : memref<10000x128xf32, #tpu.memory_space<vmem_shared>> -> memref<10000x128xf32, #tpu.memory_space<vmem_shared>>
        tpu.wait_indirect_dma semaphore(%arg11 : memref<!tpu.dma_semaphore, #tpu.memory_space<semaphore_mem>>) src(%dma_wait3A_173 : memref<128x128xf32, #tpu.memory_space<vmem>>) dst(%dma_wait3A_179 : memref<10000x128xf32, #tpu.memory_space<vmem_shared>>)
      } else {
      }
      %mul3A_74 = arith.constant 2560 : i32
      %mul3A_75 = arith.muli %add3A, %mul3A_74 : i32
      %multiple_of3A_76 = tpu.assume_multiple %mul3A_75, 128 : i32
      %mul3A_77 = arith.constant 128 : i32
      %mul3A_78 = arith.muli %add3A_68, %mul3A_77 : i32
      %add3A_79 = arith.addi %multiple_of3A_76, %mul3A_78 : i32
      %dma_start3A = arith.constant 0 : i32
      %dma_start3A_80 = arith.constant 0 : i32
      %dma_start3A_81 = arith.constant 0 : i32
      %dma_start3A_82 = tpu.memref_slice %arg7[%dma_start3A, %dma_start3A_80, %dma_start3A_81] : memref<2x128x128xf32, #tpu.memory_space<vmem>> -> memref<1x128x128xf32, #tpu.memory_space<vmem>>
      %dma_start3A_83 = tpu.memref_squeeze %dma_start3A_82 : memref<1x128x128xf32, #tpu.memory_space<vmem>> -> memref<128x128xf32, #tpu.memory_space<vmem>>
      %dma_start3A_84 = arith.constant 0 : i32
      %dma_start3A_85 = tpu.memref_slice %arg2[%add3A_79, %dma_start3A_84] : memref<81920x128xf32, #tpu.memory_space<hbm>> -> memref<128x128xf32, #tpu.memory_space<hbm>>
      %dma_start3A_86 = arith.constant 0 : i32
      %dma_start3A_87 = arith.constant 0 : i32
      %dma_start3A_88 = tpu.memref_slice %arg7[%dma_start3A, %dma_start3A_86, %dma_start3A_87] : memref<2x128x128xf32, #tpu.memory_space<vmem>> -> memref<1x128x128xf32, #tpu.memory_space<vmem>>
      %dma_start3A_89 = tpu.memref_squeeze %dma_start3A_88 : memref<1x128x128xf32, #tpu.memory_space<vmem>> -> memref<128x128xf32, #tpu.memory_space<vmem>>
      %dma_start3A_90 = arith.constant 0 : i32
      %dma_start3A_91 = tpu.memref_slice %arg2[%add3A_79, %dma_start3A_90] : memref<81920x128xf32, #tpu.memory_space<hbm>> -> memref<128x128xf32, #tpu.memory_space<hbm>>
      tpu.enqueue_dma source(%dma_start3A_91 : memref<128x128xf32, #tpu.memory_space<hbm>>) target(%dma_start3A_89 : memref<128x128xf32, #tpu.memory_space<vmem>>) target_semaphore(%arg9 : memref<!tpu.dma_semaphore, #tpu.memory_space<semaphore_mem>>)
      %dma_wait3A_92 = arith.constant 0 : i32
      %dma_wait3A_93 = arith.constant 0 : i32
      %dma_wait3A_94 = arith.constant 0 : i32
      %dma_wait3A_95 = tpu.memref_slice %arg7[%dma_wait3A_92, %dma_wait3A_93, %dma_wait3A_94] : memref<2x128x128xf32, #tpu.memory_space<vmem>> -> memref<1x128x128xf32, #tpu.memory_space<vmem>>
      %dma_wait3A_96 = tpu.memref_squeeze %dma_wait3A_95 : memref<1x128x128xf32, #tpu.memory_space<vmem>> -> memref<128x128xf32, #tpu.memory_space<vmem>>
      %dma_wait3A_97 = arith.constant 0 : i32
      %dma_wait3A_98 = tpu.memref_slice %arg2[%add3A_79, %dma_wait3A_97] : memref<81920x128xf32, #tpu.memory_space<hbm>> -> memref<128x128xf32, #tpu.memory_space<hbm>>
      %dma_wait3A_99 = arith.constant 0 : i32
      %dma_wait3A_100 = arith.constant 0 : i32
      %dma_wait3A_101 = tpu.memref_slice %arg7[%dma_wait3A_92, %dma_wait3A_99, %dma_wait3A_100] : memref<2x128x128xf32, #tpu.memory_space<vmem>> -> memref<1x128x128xf32, #tpu.memory_space<vmem>>
      %dma_wait3A_102 = tpu.memref_squeeze %dma_wait3A_101 : memref<1x128x128xf32, #tpu.memory_space<vmem>> -> memref<128x128xf32, #tpu.memory_space<vmem>>
      %dma_wait3A_103 = arith.constant 0 : i32
      %dma_wait3A_104 = tpu.memref_slice %arg2[%add3A_79, %dma_wait3A_103] : memref<81920x128xf32, #tpu.memory_space<hbm>> -> memref<128x128xf32, #tpu.memory_space<hbm>>
      tpu.wait_dma2 semaphore(%arg9 : memref<!tpu.dma_semaphore, #tpu.memory_space<semaphore_mem>>) src(%dma_wait3A_104 : memref<128x128xf32, #tpu.memory_space<hbm>>) dst(%dma_wait3A_102 : memref<128x128xf32, #tpu.memory_space<vmem>>)
      %add3A_105 = arith.addi %sub3A_28, %add3A_68 : i32
      %dma_start3A_106 = arith.constant 0 : i32
      %dma_start3A_107 = arith.constant 0 : i32
      %dma_start3A_108 = arith.constant 0 : i32
      %dma_start3A_109 = tpu.memref_slice %arg7[%dma_start3A_106, %dma_start3A_107, %dma_start3A_108] : memref<2x128x128xf32, #tpu.memory_space<vmem>> -> memref<1x128x128xf32, #tpu.memory_space<vmem>>
      %dma_start3A_110 = tpu.memref_squeeze %dma_start3A_109 : memref<1x128x128xf32, #tpu.memory_space<vmem>> -> memref<128x128xf32, #tpu.memory_space<vmem>>
      %dma_start3A_111 = arith.constant 0 : i32
      %dma_start3A_112 = tpu.memref_slice %arg6[%add3A_105, %dma_start3A_111] : memref<24x128xi32, #tpu.memory_space<vmem>> -> memref<1x128xi32, #tpu.memory_space<vmem>>
      %dma_start3A_113 = tpu.memref_squeeze %dma_start3A_112 : memref<1x128xi32, #tpu.memory_space<vmem>> -> memref<128xi32, #tpu.memory_space<vmem>>
      %dma_start3A_114 = arith.constant 0 : i32
      %dma_start3A_115 = arith.constant 0 : i32
      %dma_start3A_116 = tpu.memref_slice %arg8[%dma_start3A_114, %dma_start3A_115] : memref<10000x128xf32, #tpu.memory_space<vmem_shared>> -> memref<10000x128xf32, #tpu.memory_space<vmem_shared>>
      tpu.enqueue_indirect_dma source(%dma_start3A_110 : memref<128x128xf32, #tpu.memory_space<vmem>>) target(%dma_start3A_116 : memref<10000x128xf32, #tpu.memory_space<vmem_shared>>) offsets(%dma_start3A_113 : memref<128xi32, #tpu.memory_space<vmem>>) semaphore(%arg11 : memref<!tpu.dma_semaphore, #tpu.memory_space<semaphore_mem>>) {add = true}
      %add3A_117 = arith.constant 1 : i32
      %add3A_118 = arith.addi %add3A_66, %add3A_117 : i32
      %ge3A_119 = arith.constant 2 : i32
      %ge3A_120 = arith.cmpi sge, %add3A_118, %ge3A_119 : i32
      %convert_element_type3A_121 = arith.extui %ge3A_120 : i1 to i32
      %cond3A_122 = arith.constant 1 : i32
      %cond3A_123 = arith.constant 0 : i32
      %cond3A_124 = arith.cmpi ne, %convert_element_type3A_121, %cond3A_123 : i32
      scf.if %cond3A_124 {
        %dma_wait3A_169 = arith.constant 0 : i32
        %dma_wait3A_170 = arith.constant 0 : i32
        %dma_wait3A_171 = arith.constant 0 : i32
        %dma_wait3A_172 = tpu.memref_slice %arg7[%cond3A_122, %dma_wait3A_170, %dma_wait3A_171] : memref<2x128x128xf32, #tpu.memory_space<vmem>> -> memref<1x128x128xf32, #tpu.memory_space<vmem>>
        %dma_wait3A_173 = tpu.memref_squeeze %dma_wait3A_172 : memref<1x128x128xf32, #tpu.memory_space<vmem>> -> memref<128x128xf32, #tpu.memory_space<vmem>>
        %dma_wait3A_174 = arith.constant 0 : i32
        %dma_wait3A_175 = tpu.memref_slice %arg6[%dma_wait3A_169, %dma_wait3A_174] : memref<24x128xi32, #tpu.memory_space<vmem>> -> memref<1x128xi32, #tpu.memory_space<vmem>>
        %dma_wait3A_176 = tpu.memref_squeeze %dma_wait3A_175 : memref<1x128xi32, #tpu.memory_space<vmem>> -> memref<128xi32, #tpu.memory_space<vmem>>
        %dma_wait3A_177 = arith.constant 0 : i32
        %dma_wait3A_178 = arith.constant 0 : i32
        %dma_wait3A_179 = tpu.memref_slice %arg8[%dma_wait3A_177, %dma_wait3A_178] : memref<10000x128xf32, #tpu.memory_space<vmem_shared>> -> memref<10000x128xf32, #tpu.memory_space<vmem_shared>>
        tpu.wait_indirect_dma semaphore(%arg12 : memref<!tpu.dma_semaphore, #tpu.memory_space<semaphore_mem>>) src(%dma_wait3A_173 : memref<128x128xf32, #tpu.memory_space<vmem>>) dst(%dma_wait3A_179 : memref<10000x128xf32, #tpu.memory_space<vmem_shared>>)
      } else {
      }
      %mul3A_125 = arith.constant 2560 : i32
      %mul3A_126 = arith.muli %add3A, %mul3A_125 : i32
      %multiple_of3A_127 = tpu.assume_multiple %mul3A_126, 128 : i32
      %mul3A_128 = arith.constant 128 : i32
      %mul3A_129 = arith.muli %add3A_118, %mul3A_128 : i32
      %add3A_130 = arith.addi %multiple_of3A_127, %mul3A_129 : i32
      %dma_start3A_131 = arith.constant 1 : i32
      %dma_start3A_132 = arith.constant 0 : i32
      %dma_start3A_133 = arith.constant 0 : i32
      %dma_start3A_134 = tpu.memref_slice %arg7[%dma_start3A_131, %dma_start3A_132, %dma_start3A_133] : memref<2x128x128xf32, #tpu.memory_space<vmem>> -> memref<1x128x128xf32, #tpu.memory_space<vmem>>
      %dma_start3A_135 = tpu.memref_squeeze %dma_start3A_134 : memref<1x128x128xf32, #tpu.memory_space<vmem>> -> memref<128x128xf32, #tpu.memory_space<vmem>>
      %dma_start3A_136 = arith.constant 0 : i32
      %dma_start3A_137 = tpu.memref_slice %arg2[%add3A_130, %dma_start3A_136] : memref<81920x128xf32, #tpu.memory_space<hbm>> -> memref<128x128xf32, #tpu.memory_space<hbm>>
      %dma_start3A_138 = arith.constant 0 : i32
      %dma_start3A_139 = arith.constant 0 : i32
      %dma_start3A_140 = tpu.memref_slice %arg7[%dma_start3A_131, %dma_start3A_138, %dma_start3A_139] : memref<2x128x128xf32, #tpu.memory_space<vmem>> -> memref<1x128x128xf32, #tpu.memory_space<vmem>>
      %dma_start3A_141 = tpu.memref_squeeze %dma_start3A_140 : memref<1x128x128xf32, #tpu.memory_space<vmem>> -> memref<128x128xf32, #tpu.memory_space<vmem>>
      %dma_start3A_142 = arith.constant 0 : i32
      %dma_start3A_143 = tpu.memref_slice %arg2[%add3A_130, %dma_start3A_142] : memref<81920x128xf32, #tpu.memory_space<hbm>> -> memref<128x128xf32, #tpu.memory_space<hbm>>
      tpu.enqueue_dma source(%dma_start3A_143 : memref<128x128xf32, #tpu.memory_space<hbm>>) target(%dma_start3A_141 : memref<128x128xf32, #tpu.memory_space<vmem>>) target_semaphore(%arg10 : memref<!tpu.dma_semaphore, #tpu.memory_space<semaphore_mem>>)
      %dma_wait3A_144 = arith.constant 1 : i32
      %dma_wait3A_145 = arith.constant 0 : i32
      %dma_wait3A_146 = arith.constant 0 : i32
      %dma_wait3A_147 = tpu.memref_slice %arg7[%dma_wait3A_144, %dma_wait3A_145, %dma_wait3A_146] : memref<2x128x128xf32, #tpu.memory_space<vmem>> -> memref<1x128x128xf32, #tpu.memory_space<vmem>>
      %dma_wait3A_148 = tpu.memref_squeeze %dma_wait3A_147 : memref<1x128x128xf32, #tpu.memory_space<vmem>> -> memref<128x128xf32, #tpu.memory_space<vmem>>
      %dma_wait3A_149 = arith.constant 0 : i32
      %dma_wait3A_150 = tpu.memref_slice %arg2[%add3A_130, %dma_wait3A_149] : memref<81920x128xf32, #tpu.memory_space<hbm>> -> memref<128x128xf32, #tpu.memory_space<hbm>>
      %dma_wait3A_151 = arith.constant 0 : i32
      %dma_wait3A_152 = arith.constant 0 : i32
      %dma_wait3A_153 = tpu.memref_slice %arg7[%dma_wait3A_144, %dma_wait3A_151, %dma_wait3A_152] : memref<2x128x128xf32, #tpu.memory_space<vmem>> -> memref<1x128x128xf32, #tpu.memory_space<vmem>>
      %dma_wait3A_154 = tpu.memref_squeeze %dma_wait3A_153 : memref<1x128x128xf32, #tpu.memory_space<vmem>> -> memref<128x128xf32, #tpu.memory_space<vmem>>
      %dma_wait3A_155 = arith.constant 0 : i32
      %dma_wait3A_156 = tpu.memref_slice %arg2[%add3A_130, %dma_wait3A_155] : memref<81920x128xf32, #tpu.memory_space<hbm>> -> memref<128x128xf32, #tpu.memory_space<hbm>>
      tpu.wait_dma2 semaphore(%arg10 : memref<!tpu.dma_semaphore, #tpu.memory_space<semaphore_mem>>) src(%dma_wait3A_156 : memref<128x128xf32, #tpu.memory_space<hbm>>) dst(%dma_wait3A_154 : memref<128x128xf32, #tpu.memory_space<vmem>>)
      %add3A_157 = arith.addi %sub3A_28, %add3A_118 : i32
      %dma_start3A_158 = arith.constant 1 : i32
      %dma_start3A_159 = arith.constant 0 : i32
      %dma_start3A_160 = arith.constant 0 : i32
      %dma_start3A_161 = tpu.memref_slice %arg7[%dma_start3A_158, %dma_start3A_159, %dma_start3A_160] : memref<2x128x128xf32, #tpu.memory_space<vmem>> -> memref<1x128x128xf32, #tpu.memory_space<vmem>>
      %dma_start3A_162 = tpu.memref_squeeze %dma_start3A_161 : memref<1x128x128xf32, #tpu.memory_space<vmem>> -> memref<128x128xf32, #tpu.memory_space<vmem>>
      %dma_start3A_163 = arith.constant 0 : i32
      %dma_start3A_164 = tpu.memref_slice %arg6[%add3A_157, %dma_start3A_163] : memref<24x128xi32, #tpu.memory_space<vmem>> -> memref<1x128xi32, #tpu.memory_space<vmem>>
      %dma_start3A_165 = tpu.memref_squeeze %dma_start3A_164 : memref<1x128xi32, #tpu.memory_space<vmem>> -> memref<128xi32, #tpu.memory_space<vmem>>
      %dma_start3A_166 = arith.constant 0 : i32
      %dma_start3A_167 = arith.constant 0 : i32
      %dma_start3A_168 = tpu.memref_slice %arg8[%dma_start3A_166, %dma_start3A_167] : memref<10000x128xf32, #tpu.memory_space<vmem_shared>> -> memref<10000x128xf32, #tpu.memory_space<vmem_shared>>
      tpu.enqueue_indirect_dma source(%dma_start3A_162 : memref<128x128xf32, #tpu.memory_space<vmem>>) target(%dma_start3A_168 : memref<10000x128xf32, #tpu.memory_space<vmem_shared>>) offsets(%dma_start3A_165 : memref<128xi32, #tpu.memory_space<vmem>>) semaphore(%arg12 : memref<!tpu.dma_semaphore, #tpu.memory_space<semaphore_mem>>) {add = true}
    }
    %scan3A_32 = arith.constant 10 : i32
    %dma_wait3A = arith.constant 0 : i32
    %dma_wait3A_33 = arith.constant 0 : i32
    %dma_wait3A_34 = arith.constant 0 : i32
    %dma_wait3A_35 = arith.constant 0 : i32
    %dma_wait3A_36 = tpu.memref_slice %arg7[%dma_wait3A, %dma_wait3A_34, %dma_wait3A_35] : memref<2x128x128xf32, #tpu.memory_space<vmem>> -> memref<1x128x128xf32, #tpu.memory_space<vmem>>
    %dma_wait3A_37 = tpu.memref_squeeze %dma_wait3A_36 : memref<1x128x128xf32, #tpu.memory_space<vmem>> -> memref<128x128xf32, #tpu.memory_space<vmem>>
    %dma_wait3A_38 = arith.constant 0 : i32
    %dma_wait3A_39 = tpu.memref_slice %arg6[%dma_wait3A_33, %dma_wait3A_38] : memref<24x128xi32, #tpu.memory_space<vmem>> -> memref<1x128xi32, #tpu.memory_space<vmem>>
    %dma_wait3A_40 = tpu.memref_squeeze %dma_wait3A_39 : memref<1x128xi32, #tpu.memory_space<vmem>> -> memref<128xi32, #tpu.memory_space<vmem>>
    %dma_wait3A_41 = arith.constant 0 : i32
    %dma_wait3A_42 = arith.constant 0 : i32
    %dma_wait3A_43 = tpu.memref_slice %arg8[%dma_wait3A_41, %dma_wait3A_42] : memref<10000x128xf32, #tpu.memory_space<vmem_shared>> -> memref<10000x128xf32, #tpu.memory_space<vmem_shared>>
    tpu.wait_indirect_dma semaphore(%arg11 : memref<!tpu.dma_semaphore, #tpu.memory_space<semaphore_mem>>) src(%dma_wait3A_37 : memref<128x128xf32, #tpu.memory_space<vmem>>) dst(%dma_wait3A_43 : memref<10000x128xf32, #tpu.memory_space<vmem_shared>>)
    %dma_wait3A_44 = arith.constant 1 : i32
    %dma_wait3A_45 = arith.constant 0 : i32
    %dma_wait3A_46 = arith.constant 0 : i32
    %dma_wait3A_47 = arith.constant 0 : i32
    %dma_wait3A_48 = tpu.memref_slice %arg7[%dma_wait3A_44, %dma_wait3A_46, %dma_wait3A_47] : memref<2x128x128xf32, #tpu.memory_space<vmem>> -> memref<1x128x128xf32, #tpu.memory_space<vmem>>
    %dma_wait3A_49 = tpu.memref_squeeze %dma_wait3A_48 : memref<1x128x128xf32, #tpu.memory_space<vmem>> -> memref<128x128xf32, #tpu.memory_space<vmem>>
    %dma_wait3A_50 = arith.constant 0 : i32
    %dma_wait3A_51 = tpu.memref_slice %arg6[%dma_wait3A_45, %dma_wait3A_50] : memref<24x128xi32, #tpu.memory_space<vmem>> -> memref<1x128xi32, #tpu.memory_space<vmem>>
    %dma_wait3A_52 = tpu.memref_squeeze %dma_wait3A_51 : memref<1x128xi32, #tpu.memory_space<vmem>> -> memref<128xi32, #tpu.memory_space<vmem>>
    %dma_wait3A_53 = arith.constant 0 : i32
    %dma_wait3A_54 = arith.constant 0 : i32
    %dma_wait3A_55 = tpu.memref_slice %arg8[%dma_wait3A_53, %dma_wait3A_54] : memref<10000x128xf32, #tpu.memory_space<vmem_shared>> -> memref<10000x128xf32, #tpu.memory_space<vmem_shared>>
    tpu.wait_indirect_dma semaphore(%arg12 : memref<!tpu.dma_semaphore, #tpu.memory_space<semaphore_mem>>) src(%dma_wait3A_49 : memref<128x128xf32, #tpu.memory_space<vmem>>) dst(%dma_wait3A_55 : memref<10000x128xf32, #tpu.memory_space<vmem_shared>>)
    %barrier3A_56 = arith.constant 0 : index
    tpu.barrier barrier_id(%barrier3A_56)
    "tpu.region"() ({
      %run_scoped3A = tpu.sem_alloc : memref<!tpu.dma_semaphore, #tpu.memory_space<semaphore_mem>>
      %dma_start3A = arith.constant 0 : i32
      %dma_start3A_62 = tpu.memref_slice %arg5[%arg0, %multiple_of3A, %dma_start3A] : memref<2x10000x128xf32, #tpu.memory_space<hbm>> -> memref<1x624x128xf32, #tpu.memory_space<hbm>>
      %dma_start3A_63 = tpu.memref_squeeze %dma_start3A_62 : memref<1x624x128xf32, #tpu.memory_space<hbm>> -> memref<624x128xf32, #tpu.memory_space<hbm>>
      %dma_start3A_64 = arith.constant 0 : i32
      %dma_start3A_65 = tpu.memref_slice %arg8[%multiple_of3A, %dma_start3A_64] : memref<10000x128xf32, #tpu.memory_space<vmem_shared>> -> memref<624x128xf32, #tpu.memory_space<vmem_shared>>
      tpu.enqueue_dma source(%dma_start3A_65 : memref<624x128xf32, #tpu.memory_space<vmem_shared>>) target(%dma_start3A_63 : memref<624x128xf32, #tpu.memory_space<hbm>>) target_semaphore(%run_scoped3A : memref<!tpu.dma_semaphore, #tpu.memory_space<semaphore_mem>>)
      %dma_wait3A_66 = arith.constant 0 : i32
      %dma_wait3A_67 = tpu.memref_slice %arg5[%arg0, %multiple_of3A, %dma_wait3A_66] : memref<2x10000x128xf32, #tpu.memory_space<hbm>> -> memref<1x624x128xf32, #tpu.memory_space<hbm>>
      %dma_wait3A_68 = tpu.memref_squeeze %dma_wait3A_67 : memref<1x624x128xf32, #tpu.memory_space<hbm>> -> memref<624x128xf32, #tpu.memory_space<hbm>>
      %dma_wait3A_69 = arith.constant 0 : i32
      %dma_wait3A_70 = tpu.memref_slice %arg8[%multiple_of3A, %dma_wait3A_69] : memref<10000x128xf32, #tpu.memory_space<vmem_shared>> -> memref<624x128xf32, #tpu.memory_space<vmem_shared>>
      tpu.wait_dma2 semaphore(%run_scoped3A : memref<!tpu.dma_semaphore, #tpu.memory_space<semaphore_mem>>) src(%dma_wait3A_70 : memref<624x128xf32, #tpu.memory_space<vmem_shared>>) dst(%dma_wait3A_68 : memref<624x128xf32, #tpu.memory_space<hbm>>)
      tpu.yield
    }) : () -> ()
    %eq3A_57 = arith.constant 15 : i32
    %eq3A_58 = arith.cmpi eq, %arg1, %eq3A_57 : i32
    %convert_element_type3A_59 = arith.extui %eq3A_58 : i1 to i32
    %cond3A_60 = arith.constant 0 : i32
    %cond3A_61 = arith.cmpi ne, %convert_element_type3A_59, %cond3A_60 : i32
    scf.if %cond3A_61 {
      "tpu.region"() ({
        %run_scoped3A = tpu.sem_alloc : memref<!tpu.dma_semaphore, #tpu.memory_space<semaphore_mem>>
        %dma_start3A = arith.constant 9984 : i32
        %dma_start3A_62 = arith.constant 0 : i32
        %dma_start3A_63 = tpu.memref_slice %arg5[%arg0, %dma_start3A, %dma_start3A_62] : memref<2x10000x128xf32, #tpu.memory_space<hbm>> -> memref<1x16x128xf32, #tpu.memory_space<hbm>>
        %dma_start3A_64 = tpu.memref_squeeze %dma_start3A_63 : memref<1x16x128xf32, #tpu.memory_space<hbm>> -> memref<16x128xf32, #tpu.memory_space<hbm>>
        %dma_start3A_65 = arith.constant 9984 : i32
        %dma_start3A_66 = arith.constant 0 : i32
        %dma_start3A_67 = tpu.memref_slice %arg8[%dma_start3A_65, %dma_start3A_66] : memref<10000x128xf32, #tpu.memory_space<vmem_shared>> -> memref<16x128xf32, #tpu.memory_space<vmem_shared>>
        tpu.enqueue_dma source(%dma_start3A_67 : memref<16x128xf32, #tpu.memory_space<vmem_shared>>) target(%dma_start3A_64 : memref<16x128xf32, #tpu.memory_space<hbm>>) target_semaphore(%run_scoped3A : memref<!tpu.dma_semaphore, #tpu.memory_space<semaphore_mem>>)
        %dma_wait3A_68 = arith.constant 9984 : i32
        %dma_wait3A_69 = arith.constant 0 : i32
        %dma_wait3A_70 = tpu.memref_slice %arg5[%arg0, %dma_wait3A_68, %dma_wait3A_69] : memref<2x10000x128xf32, #tpu.memory_space<hbm>> -> memref<1x16x128xf32, #tpu.memory_space<hbm>>
        %dma_wait3A_71 = tpu.memref_squeeze %dma_wait3A_70 : memref<1x16x128xf32, #tpu.memory_space<hbm>> -> memref<16x128xf32, #tpu.memory_space<hbm>>
        %dma_wait3A_72 = arith.constant 9984 : i32
        %dma_wait3A_73 = arith.constant 0 : i32
        %dma_wait3A_74 = tpu.memref_slice %arg8[%dma_wait3A_72, %dma_wait3A_73] : memref<10000x128xf32, #tpu.memory_space<vmem_shared>> -> memref<16x128xf32, #tpu.memory_space<vmem_shared>>
        tpu.wait_dma2 semaphore(%run_scoped3A : memref<!tpu.dma_semaphore, #tpu.memory_space<semaphore_mem>>) src(%dma_wait3A_74 : memref<16x128xf32, #tpu.memory_space<vmem_shared>>) dst(%dma_wait3A_71 : memref<16x128xf32, #tpu.memory_space<hbm>>)
        tpu.yield
      }) : () -> ()
    } else {
    }
    return
  }
}

module attributes {stable_mosaic.version = 14 : i64} {
  func.func @_nsq_body(%arg0: i32, %arg1: memref<1024x128xf32, #tpu.memory_space<vmem>>, %arg2: memref<8x128xf32, #tpu.memory_space<vmem>>) attributes {dimension_semantics = [#tpu.dimension_semantics<arbitrary>], iteration_bounds = array<i64: 10>, scalar_prefetch = 0 : i64, scratch_operands = 0 : i64, tpu.core_type = #tpu.core_type<tc>, window_params = [{transform_indices = @transform_0, window_bounds = array<i64: 1024, 128>}, {transform_indices = @transform_1, window_bounds = array<i64: 8, 128>}]} {
    %get3A = arith.constant 0 : index
    %get3A_0 = arith.constant 0 : index
    %get3A_1 = vector.load %arg1[%get3A, %get3A_0] : memref<1024x128xf32, #tpu.memory_space<vmem>>, vector<1024x128xf32>
    %mul3A = arith.mulf %get3A_1, %get3A_1 : vector<1024x128xf32>
    %iota3A = tpu.iota {dimensions = array<i32: 1>} : vector<1x128xi32>
    %ge3A = arith.constant 0 : i32
    %ge3A_2 = vector.broadcast %ge3A : i32 to vector<1x128xi32>
    %ge3A_3 = arith.cmpi sge, %iota3A, %ge3A_2 : vector<1x128xi32>
    %convert_element_type3A = arith.extui %ge3A_3 : vector<1x128xi1> to vector<1x128xi32>
    %convert_element_type3A_4 = arith.sitofp %convert_element_type3A : vector<1x128xi32> to vector<1x128xf32>
    %slice3A = vector.extract_strided_slice %mul3A {offsets = [0, 0], sizes = [128, 128], strides = [1, 1]} : vector<1024x128xf32> to vector<128x128xf32>
    %dot_general3A = arith.constant dense<0.000000e+00> : vector<1x128xf32>
    %dot_general3A_5 = tpu.matmul %convert_element_type3A_4, %slice3A, %dot_general3A {dimension_numbers = #tpu.dot_dimension_numbers<[1], [1], [0], [0], [0, 0, 1, 0], [], []>, transpose_lhs_hint = false} : vector<1x128xf32>, vector<128x128xf32>, vector<1x128xf32> -> vector<1x128xf32>
    %slice3A_6 = vector.extract_strided_slice %mul3A {offsets = [128, 0], sizes = [128, 128], strides = [1, 1]} : vector<1024x128xf32> to vector<128x128xf32>
    %dot_general3A_7 = arith.constant dense<0.000000e+00> : vector<1x128xf32>
    %dot_general3A_8 = tpu.matmul %convert_element_type3A_4, %slice3A_6, %dot_general3A_7 {dimension_numbers = #tpu.dot_dimension_numbers<[1], [1], [0], [0], [0, 0, 1, 0], [], []>, transpose_lhs_hint = false} : vector<1x128xf32>, vector<128x128xf32>, vector<1x128xf32> -> vector<1x128xf32>
    %slice3A_9 = vector.extract_strided_slice %mul3A {offsets = [256, 0], sizes = [128, 128], strides = [1, 1]} : vector<1024x128xf32> to vector<128x128xf32>
    %dot_general3A_10 = arith.constant dense<0.000000e+00> : vector<1x128xf32>
    %dot_general3A_11 = tpu.matmul %convert_element_type3A_4, %slice3A_9, %dot_general3A_10 {dimension_numbers = #tpu.dot_dimension_numbers<[1], [1], [0], [0], [0, 0, 1, 0], [], []>, transpose_lhs_hint = false} : vector<1x128xf32>, vector<128x128xf32>, vector<1x128xf32> -> vector<1x128xf32>
    %slice3A_12 = vector.extract_strided_slice %mul3A {offsets = [384, 0], sizes = [128, 128], strides = [1, 1]} : vector<1024x128xf32> to vector<128x128xf32>
    %dot_general3A_13 = arith.constant dense<0.000000e+00> : vector<1x128xf32>
    %dot_general3A_14 = tpu.matmul %convert_element_type3A_4, %slice3A_12, %dot_general3A_13 {dimension_numbers = #tpu.dot_dimension_numbers<[1], [1], [0], [0], [0, 0, 1, 0], [], []>, transpose_lhs_hint = false} : vector<1x128xf32>, vector<128x128xf32>, vector<1x128xf32> -> vector<1x128xf32>
    %slice3A_15 = vector.extract_strided_slice %mul3A {offsets = [512, 0], sizes = [128, 128], strides = [1, 1]} : vector<1024x128xf32> to vector<128x128xf32>
    %dot_general3A_16 = arith.constant dense<0.000000e+00> : vector<1x128xf32>
    %dot_general3A_17 = tpu.matmul %convert_element_type3A_4, %slice3A_15, %dot_general3A_16 {dimension_numbers = #tpu.dot_dimension_numbers<[1], [1], [0], [0], [0, 0, 1, 0], [], []>, transpose_lhs_hint = false} : vector<1x128xf32>, vector<128x128xf32>, vector<1x128xf32> -> vector<1x128xf32>
    %slice3A_18 = vector.extract_strided_slice %mul3A {offsets = [640, 0], sizes = [128, 128], strides = [1, 1]} : vector<1024x128xf32> to vector<128x128xf32>
    %dot_general3A_19 = arith.constant dense<0.000000e+00> : vector<1x128xf32>
    %dot_general3A_20 = tpu.matmul %convert_element_type3A_4, %slice3A_18, %dot_general3A_19 {dimension_numbers = #tpu.dot_dimension_numbers<[1], [1], [0], [0], [0, 0, 1, 0], [], []>, transpose_lhs_hint = false} : vector<1x128xf32>, vector<128x128xf32>, vector<1x128xf32> -> vector<1x128xf32>
    %slice3A_21 = vector.extract_strided_slice %mul3A {offsets = [768, 0], sizes = [128, 128], strides = [1, 1]} : vector<1024x128xf32> to vector<128x128xf32>
    %dot_general3A_22 = arith.constant dense<0.000000e+00> : vector<1x128xf32>
    %dot_general3A_23 = tpu.matmul %convert_element_type3A_4, %slice3A_21, %dot_general3A_22 {dimension_numbers = #tpu.dot_dimension_numbers<[1], [1], [0], [0], [0, 0, 1, 0], [], []>, transpose_lhs_hint = false} : vector<1x128xf32>, vector<128x128xf32>, vector<1x128xf32> -> vector<1x128xf32>
    %slice3A_24 = vector.extract_strided_slice %mul3A {offsets = [896, 0], sizes = [128, 128], strides = [1, 1]} : vector<1024x128xf32> to vector<128x128xf32>
    %dot_general3A_25 = arith.constant dense<0.000000e+00> : vector<1x128xf32>
    %dot_general3A_26 = tpu.matmul %convert_element_type3A_4, %slice3A_24, %dot_general3A_25 {dimension_numbers = #tpu.dot_dimension_numbers<[1], [1], [0], [0], [0, 0, 1, 0], [], []>, transpose_lhs_hint = false} : vector<1x128xf32>, vector<128x128xf32>, vector<1x128xf32> -> vector<1x128xf32>
    %concatenate3A = tpu.concatenate %dot_general3A_5, %dot_general3A_8, %dot_general3A_11, %dot_general3A_14, %dot_general3A_17, %dot_general3A_20, %dot_general3A_23, %dot_general3A_26 in 0 : vector<1x128xf32>, vector<1x128xf32>, vector<1x128xf32>, vector<1x128xf32>, vector<1x128xf32>, vector<1x128xf32>, vector<1x128xf32>, vector<1x128xf32> -> vector<8x128xf32>
    %swap3A = arith.constant 0 : index
    %swap3A_27 = arith.constant 0 : index
    %swap3A_28 = vector.load %arg2[%swap3A, %swap3A_27] : memref<8x128xf32, #tpu.memory_space<vmem>>, vector<8x128xf32>
    tpu.vector_store %arg2[%swap3A, %swap3A_27], %concatenate3A {strides = array<i32>} : memref<8x128xf32, #tpu.memory_space<vmem>>, vector<8x128xf32>,
    return
  }
  func.func @transform_0(%arg0: i32) -> (i32, i32) {
    %c0_i32 = arith.constant 0 : i32
    %c0_i32_0 = arith.constant 0 : i32
    return %arg0, %c0_i32 : i32, i32
  }
  func.func @transform_1(%arg0: i32) -> (i32, i32) {
    %c0_i32 = arith.constant 0 : i32
    %c0_i32_0 = arith.constant 0 : i32
    return %arg0, %c0_i32 : i32, i32
  }
}

module attributes {stable_mosaic.version = 14 : i64} {
  func.func @_easum_body(%arg0: i32, %arg1: memref<2000x16xf32, #tpu.memory_space<vmem>>, %arg2: memref<2000x16xf32, #tpu.memory_space<vmem>>, %arg3: memref<8x128xf32, #tpu.memory_space<vmem>>) attributes {dimension_semantics = [#tpu.dimension_semantics<arbitrary>], iteration_bounds = array<i64: 80>, scalar_prefetch = 0 : i64, scratch_operands = 0 : i64, tpu.core_type = #tpu.core_type<tc>, window_params = [{transform_indices = @transform_0, window_bounds = array<i64: 2000, 16>}, {transform_indices = @transform_1, window_bounds = array<i64: 2000, 16>}, {pipeline_mode = #tpu.pipeline_mode<synchronous>, transform_indices = @transform_2, window_bounds = array<i64: 8, 128>}]} {
    %get3A = arith.constant 0 : index
    %get3A_0 = arith.constant 0 : index
    %get3A_1 = vector.load %arg1[%get3A, %get3A_0] : memref<2000x16xf32, #tpu.memory_space<vmem>>, vector<2000x16xf32>
    %get3A_2 = arith.constant 0 : index
    %get3A_3 = arith.constant 0 : index
    %get3A_4 = vector.load %arg2[%get3A_2, %get3A_3] : memref<2000x16xf32, #tpu.memory_space<vmem>>, vector<2000x16xf32>
    %mul3A = arith.mulf %get3A_1, %get3A_1 : vector<2000x16xf32>
    %reduce_sum3A = vector.shape_cast %mul3A : vector<2000x16xf32> to vector<1x2000x16xf32>
    %reduce_sum3A_5 = arith.constant dense<0.000000e+00> : vector<1xf32>
    %reduce_sum3A_6 = vector.multi_reduction <add>, %reduce_sum3A, %reduce_sum3A_5 [1, 2] : vector<1x2000x16xf32> to vector<1xf32>
    %reduce_sum3A_7 = vector.shape_cast %reduce_sum3A_6 : vector<1xf32> to vector<1x1x1xf32>
    %reduce_sum3A_8 = vector.extract %reduce_sum3A_7[0, 0, 0] : f32 from vector<1x1x1xf32>
    %mul3A_9 = arith.mulf %get3A_4, %get3A_4 : vector<2000x16xf32>
    %reduce_sum3A_10 = vector.shape_cast %mul3A_9 : vector<2000x16xf32> to vector<1x2000x16xf32>
    %reduce_sum3A_11 = arith.constant dense<0.000000e+00> : vector<1xf32>
    %reduce_sum3A_12 = vector.multi_reduction <add>, %reduce_sum3A_10, %reduce_sum3A_11 [1, 2] : vector<1x2000x16xf32> to vector<1xf32>
    %reduce_sum3A_13 = vector.shape_cast %reduce_sum3A_12 : vector<1xf32> to vector<1x1x1xf32>
    %reduce_sum3A_14 = vector.extract %reduce_sum3A_13[0, 0, 0] : f32 from vector<1x1x1xf32>
    %add3A = arith.addf %reduce_sum3A_8, %reduce_sum3A_14 : f32
    %broadcast_in_dim3A = vector.broadcast %add3A : f32 to vector<8x128xf32>
    %eq3A = arith.constant 0 : i32
    %eq3A_15 = arith.cmpi eq, %arg0, %eq3A : i32
    %convert_element_type3A = arith.extui %eq3A_15 : i1 to i32
    %cond3A = arith.constant 0 : i32
    %cond3A_16 = arith.cmpi ne, %convert_element_type3A, %cond3A : i32
    scf.if %cond3A_16 {
      %broadcast_in_dim3A_23 = arith.constant 0.000000e+00 : f32
      %broadcast_in_dim3A_24 = vector.broadcast %broadcast_in_dim3A_23 : f32 to vector<8x128xf32>
      %swap3A_25 = arith.constant 0 : index
      %swap3A_26 = arith.constant 0 : index
      %swap3A_27 = vector.load %arg3[%swap3A_25, %swap3A_26] : memref<8x128xf32, #tpu.memory_space<vmem>>, vector<8x128xf32>
      tpu.vector_store %arg3[%swap3A_25, %swap3A_26], %broadcast_in_dim3A_24 {strides = array<i32>} : memref<8x128xf32, #tpu.memory_space<vmem>>, vector<8x128xf32>,
    } else {
    }
    %get3A_17 = arith.constant 0 : index
    %get3A_18 = arith.constant 0 : index
    %get3A_19 = vector.load %arg3[%get3A_17, %get3A_18] : memref<8x128xf32, #tpu.memory_space<vmem>>, vector<8x128xf32>
    %add3A_20 = arith.addf %get3A_19, %broadcast_in_dim3A : vector<8x128xf32>
    %swap3A = arith.constant 0 : index
    %swap3A_21 = arith.constant 0 : index
    %swap3A_22 = vector.load %arg3[%swap3A, %swap3A_21] : memref<8x128xf32, #tpu.memory_space<vmem>>, vector<8x128xf32>
    tpu.vector_store %arg3[%swap3A, %swap3A_21], %add3A_20 {strides = array<i32>} : memref<8x128xf32, #tpu.memory_space<vmem>>, vector<8x128xf32>,
    return
  }
  func.func @transform_0(%arg0: i32) -> (i32, i32) {
    %c0_i32 = arith.constant 0 : i32
    %c0_i32_0 = arith.constant 0 : i32
    return %arg0, %c0_i32 : i32, i32
  }
  func.func @transform_1(%arg0: i32) -> (i32, i32) {
    %c0_i32 = arith.constant 0 : i32
    %c0_i32_0 = arith.constant 0 : i32
    return %arg0, %c0_i32 : i32, i32
  }
  func.func @transform_2(%arg0: i32) -> (i32, i32) {
    %c0_i32 = arith.constant 0 : i32
    %c0_i32_0 = arith.constant 0 : i32
    %c0_i32_1 = arith.constant 0 : i32
    return %c0_i32, %c0_i32_0 : i32, i32
  }
}

module attributes {stable_mosaic.version = 14 : i64} {
  func.func @_prep_body(%arg0: memref<3x160x128xf32, #tpu.memory_space<vmem>>, %arg1: memref<3x160x128xf32, #tpu.memory_space<vmem>>, %arg2: memref<384x128xf32, #tpu.memory_space<vmem>>, %arg3: memref<128x128xf32, #tpu.memory_space<vmem>>, %arg4: memref<1x128xf32, #tpu.memory_space<vmem>>, %arg5: memref<1x128xf32, #tpu.memory_space<vmem>>, %arg6: memref<3x1xf32, #tpu.memory_space<vmem>>, %arg7: memref<160x160xf32, #tpu.memory_space<vmem>>, %arg8: memref<160x160xf32, #tpu.memory_space<vmem>>, %arg9: memref<384x384xf32, #tpu.memory_space<vmem>>, %arg10: memref<384x384xf32, #tpu.memory_space<vmem>>, %arg11: memref<160x384xf32, #tpu.memory_space<vmem>>, %arg12: memref<160x384xf32, #tpu.memory_space<vmem>>, %arg13: memref<384x128xf32, #tpu.memory_space<vmem>>, %arg14: memref<384x128xf32, #tpu.memory_space<vmem>>, %arg15: memref<1x128xf32, #tpu.memory_space<vmem>>, %arg16: memref<3x1xf32, #tpu.memory_space<vmem>>, %arg17: memref<3x1xf32, #tpu.memory_space<vmem>>) attributes {dimension_semantics = [], scalar_prefetch = 0 : i64, scratch_operands = 0 : i64, tpu.core_type = #tpu.core_type<tc>} {
    %get3A = arith.constant 0 : index
    %get3A_0 = arith.constant 0 : index
    %get3A_1 = arith.constant 0 : index
    %get3A_2 = vector.load %arg0[%get3A, %get3A_0, %get3A_1] : memref<3x160x128xf32, #tpu.memory_space<vmem>>, vector<1x160x128xf32>
    %get3A_3 = vector.shape_cast %get3A_2 : vector<1x160x128xf32> to vector<160x128xf32>
    %get3A_4 = arith.constant 1 : index
    %get3A_5 = arith.constant 0 : index
    %get3A_6 = arith.constant 0 : index
    %get3A_7 = vector.load %arg0[%get3A_4, %get3A_5, %get3A_6] : memref<3x160x128xf32, #tpu.memory_space<vmem>>, vector<1x160x128xf32>
    %get3A_8 = vector.shape_cast %get3A_7 : vector<1x160x128xf32> to vector<160x128xf32>
    %get3A_9 = arith.constant 2 : index
    %get3A_10 = arith.constant 0 : index
    %get3A_11 = arith.constant 0 : index
    %get3A_12 = vector.load %arg0[%get3A_9, %get3A_10, %get3A_11] : memref<3x160x128xf32, #tpu.memory_space<vmem>>, vector<1x160x128xf32>
    %get3A_13 = vector.shape_cast %get3A_12 : vector<1x160x128xf32> to vector<160x128xf32>
    %concatenate3A = tpu.concatenate %get3A_3, %get3A_8, %get3A_13 in 1 : vector<160x128xf32>, vector<160x128xf32>, vector<160x128xf32> -> vector<160x384xf32>
    %get3A_14 = arith.constant 0 : index
    %get3A_15 = arith.constant 0 : index
    %get3A_16 = arith.constant 0 : index
    %get3A_17 = vector.load %arg1[%get3A_14, %get3A_15, %get3A_16] : memref<3x160x128xf32, #tpu.memory_space<vmem>>, vector<1x160x128xf32>
    %get3A_18 = vector.shape_cast %get3A_17 : vector<1x160x128xf32> to vector<160x128xf32>
    %get3A_19 = arith.constant 1 : index
    %get3A_20 = arith.constant 0 : index
    %get3A_21 = arith.constant 0 : index
    %get3A_22 = vector.load %arg1[%get3A_19, %get3A_20, %get3A_21] : memref<3x160x128xf32, #tpu.memory_space<vmem>>, vector<1x160x128xf32>
    %get3A_23 = vector.shape_cast %get3A_22 : vector<1x160x128xf32> to vector<160x128xf32>
    %get3A_24 = arith.constant 2 : index
    %get3A_25 = arith.constant 0 : index
    %get3A_26 = arith.constant 0 : index
    %get3A_27 = vector.load %arg1[%get3A_24, %get3A_25, %get3A_26] : memref<3x160x128xf32, #tpu.memory_space<vmem>>, vector<1x160x128xf32>
    %get3A_28 = vector.shape_cast %get3A_27 : vector<1x160x128xf32> to vector<160x128xf32>
    %concatenate3A_29 = tpu.concatenate %get3A_18, %get3A_23, %get3A_28 in 1 : vector<160x128xf32>, vector<160x128xf32>, vector<160x128xf32> -> vector<160x384xf32>
    %get3A_30 = arith.constant 0 : index
    %get3A_31 = arith.constant 0 : index
    %get3A_32 = vector.load %arg7[%get3A_30, %get3A_31] : memref<160x160xf32, #tpu.memory_space<vmem>>, vector<160x160xf32>
    %get3A_33 = arith.constant 0 : index
    %get3A_34 = arith.constant 0 : index
    %get3A_35 = vector.load %arg8[%get3A_33, %get3A_34] : memref<160x160xf32, #tpu.memory_space<vmem>>, vector<160x160xf32>
    %dot_general3A = arith.constant dense<0.000000e+00> : vector<160x384xf32>
    %dot_general3A_36 = tpu.matmul %get3A_32, %concatenate3A, %dot_general3A {dimension_numbers = #tpu.dot_dimension_numbers<[1], [0], [0], [1], [0, 0, 1, 1], [], []>, precision = #tpu.contract_precision<fp32>, transpose_lhs_hint = false} : vector<160x160xf32>, vector<160x384xf32>, vector<160x384xf32> -> vector<160x384xf32>
    %dot_general3A_37 = arith.constant dense<0.000000e+00> : vector<160x384xf32>
    %dot_general3A_38 = tpu.matmul %get3A_35, %concatenate3A_29, %dot_general3A_37 {dimension_numbers = #tpu.dot_dimension_numbers<[1], [0], [0], [1], [0, 0, 1, 1], [], []>, precision = #tpu.contract_precision<fp32>, transpose_lhs_hint = false} : vector<160x160xf32>, vector<160x384xf32>, vector<160x384xf32> -> vector<160x384xf32>
    %sub3A = arith.subf %dot_general3A_36, %dot_general3A_38 : vector<160x384xf32>
    %swap3A = arith.constant 0 : index
    %swap3A_39 = arith.constant 0 : index
    %swap3A_40 = vector.load %arg11[%swap3A, %swap3A_39] : memref<160x384xf32, #tpu.memory_space<vmem>>, vector<160x384xf32>
    tpu.vector_store %arg11[%swap3A, %swap3A_39], %sub3A {strides = array<i32>} : memref<160x384xf32, #tpu.memory_space<vmem>>, vector<160x384xf32>,
    %dot_general3A_41 = arith.constant dense<0.000000e+00> : vector<160x384xf32>
    %dot_general3A_42 = tpu.matmul %get3A_35, %concatenate3A, %dot_general3A_41 {dimension_numbers = #tpu.dot_dimension_numbers<[1], [0], [0], [1], [0, 0, 1, 1], [], []>, precision = #tpu.contract_precision<fp32>, transpose_lhs_hint = false} : vector<160x160xf32>, vector<160x384xf32>, vector<160x384xf32> -> vector<160x384xf32>
    %dot_general3A_43 = arith.constant dense<0.000000e+00> : vector<160x384xf32>
    %dot_general3A_44 = tpu.matmul %get3A_32, %concatenate3A_29, %dot_general3A_43 {dimension_numbers = #tpu.dot_dimension_numbers<[1], [0], [0], [1], [0, 0, 1, 1], [], []>, precision = #tpu.contract_precision<fp32>, transpose_lhs_hint = false} : vector<160x160xf32>, vector<160x384xf32>, vector<160x384xf32> -> vector<160x384xf32>
    %add3A = arith.addf %dot_general3A_42, %dot_general3A_44 : vector<160x384xf32>
    %swap3A_45 = arith.constant 0 : index
    %swap3A_46 = arith.constant 0 : index
    %swap3A_47 = vector.load %arg12[%swap3A_45, %swap3A_46] : memref<160x384xf32, #tpu.memory_space<vmem>>, vector<160x384xf32>
    tpu.vector_store %arg12[%swap3A_45, %swap3A_46], %add3A {strides = array<i32>} : memref<160x384xf32, #tpu.memory_space<vmem>>, vector<160x384xf32>,
    %get3A_48 = arith.constant 0 : index
    %get3A_49 = arith.constant 0 : index
    %get3A_50 = vector.load %arg2[%get3A_48, %get3A_49] : memref<384x128xf32, #tpu.memory_space<vmem>>, vector<384x128xf32>
    %get3A_51 = arith.constant 0 : index
    %get3A_52 = arith.constant 0 : index
    %get3A_53 = vector.load %arg3[%get3A_51, %get3A_52] : memref<128x128xf32, #tpu.memory_space<vmem>>, vector<128x128xf32>
    %dot_general3A_54 = arith.constant dense<0.000000e+00> : vector<384x128xf32>
    %dot_general3A_55 = tpu.matmul %get3A_50, %get3A_53, %dot_general3A_54 {dimension_numbers = #tpu.dot_dimension_numbers<[1], [0], [0], [1], [0, 0, 1, 1], [], []>, precision = #tpu.contract_precision<fp32>, transpose_lhs_hint = false} : vector<384x128xf32>, vector<128x128xf32>, vector<384x128xf32> -> vector<384x128xf32>
    %get3A_56 = arith.constant 0 : index
    %get3A_57 = arith.constant 0 : index
    %get3A_58 = vector.load %arg9[%get3A_56, %get3A_57] : memref<384x384xf32, #tpu.memory_space<vmem>>, vector<384x384xf32>
    %dot_general3A_59 = arith.constant dense<0.000000e+00> : vector<384x128xf32>
    %dot_general3A_60 = tpu.matmul %get3A_58, %dot_general3A_55, %dot_general3A_59 {dimension_numbers = #tpu.dot_dimension_numbers<[1], [0], [0], [1], [0, 0, 1, 1], [], []>, precision = #tpu.contract_precision<fp32>, transpose_lhs_hint = false} : vector<384x384xf32>, vector<384x128xf32>, vector<384x128xf32> -> vector<384x128xf32>
    %swap3A_61 = arith.constant 0 : index
    %swap3A_62 = arith.constant 0 : index
    %swap3A_63 = vector.load %arg13[%swap3A_61, %swap3A_62] : memref<384x128xf32, #tpu.memory_space<vmem>>, vector<384x128xf32>
    tpu.vector_store %arg13[%swap3A_61, %swap3A_62], %dot_general3A_60 {strides = array<i32>} : memref<384x128xf32, #tpu.memory_space<vmem>>, vector<384x128xf32>,
    %get3A_64 = arith.constant 0 : index
    %get3A_65 = arith.constant 0 : index
    %get3A_66 = vector.load %arg10[%get3A_64, %get3A_65] : memref<384x384xf32, #tpu.memory_space<vmem>>, vector<384x384xf32>
    %dot_general3A_67 = arith.constant dense<0.000000e+00> : vector<384x128xf32>
    %dot_general3A_68 = tpu.matmul %get3A_66, %dot_general3A_55, %dot_general3A_67 {dimension_numbers = #tpu.dot_dimension_numbers<[1], [0], [0], [1], [0, 0, 1, 1], [], []>, precision = #tpu.contract_precision<fp32>, transpose_lhs_hint = false} : vector<384x384xf32>, vector<384x128xf32>, vector<384x128xf32> -> vector<384x128xf32>
    %swap3A_69 = arith.constant 0 : index
    %swap3A_70 = arith.constant 0 : index
    %swap3A_71 = vector.load %arg14[%swap3A_69, %swap3A_70] : memref<384x128xf32, #tpu.memory_space<vmem>>, vector<384x128xf32>
    tpu.vector_store %arg14[%swap3A_69, %swap3A_70], %dot_general3A_68 {strides = array<i32>} : memref<384x128xf32, #tpu.memory_space<vmem>>, vector<384x128xf32>,
    %get3A_72 = arith.constant 0 : index
    %get3A_73 = arith.constant 0 : index
    %get3A_74 = vector.load %arg4[%get3A_72, %get3A_73] : memref<1x128xf32, #tpu.memory_space<vmem>>, vector<1x128xf32>
    %get3A_75 = arith.constant 0 : index
    %get3A_76 = arith.constant 0 : index
    %get3A_77 = vector.load %arg3[%get3A_75, %get3A_76] : memref<128x128xf32, #tpu.memory_space<vmem>>, vector<128x128xf32>
    %dot_general3A_78 = arith.constant dense<0.000000e+00> : vector<1x128xf32>
    %dot_general3A_79 = tpu.matmul %get3A_74, %get3A_77, %dot_general3A_78 {dimension_numbers = #tpu.dot_dimension_numbers<[1], [0], [0], [1], [0, 0, 1, 1], [], []>, precision = #tpu.contract_precision<fp32>, transpose_lhs_hint = false} : vector<1x128xf32>, vector<128x128xf32>, vector<1x128xf32> -> vector<1x128xf32>
    %get3A_80 = arith.constant 0 : index
    %get3A_81 = arith.constant 0 : index
    %get3A_82 = vector.load %arg5[%get3A_80, %get3A_81] : memref<1x128xf32, #tpu.memory_space<vmem>>, vector<1x128xf32>
    %add3A_83 = arith.addf %dot_general3A_79, %get3A_82 : vector<1x128xf32>
    %swap3A_84 = arith.constant 0 : index
    %swap3A_85 = arith.constant 0 : index
    %swap3A_86 = vector.load %arg15[%swap3A_84, %swap3A_85] : memref<1x128xf32, #tpu.memory_space<vmem>>, vector<1x128xf32>
    tpu.vector_store %arg15[%swap3A_84, %swap3A_85], %add3A_83 {strides = array<i32>} : memref<1x128xf32, #tpu.memory_space<vmem>>, vector<1x128xf32>,
    %get3A_87 = arith.constant 0 : index
    %get3A_88 = arith.constant 0 : index
    %get3A_89 = vector.load %arg6[%get3A_87, %get3A_88] : memref<3x1xf32, #tpu.memory_space<vmem>>, vector<3x1xf32>
    %iota3A = tpu.iota {dimensions = array<i32: 0>} : vector<3x1xi32>
    %convert_element_type3A = arith.sitofp %iota3A : vector<3x1xi32> to vector<3x1xf32>
    %mul3A = arith.constant 2.000000e+00 : f32
    %mul3A_90 = vector.broadcast %mul3A : f32 to vector<3x1xf32>
    %mul3A_91 = arith.mulf %mul3A_90, %convert_element_type3A : vector<3x1xf32>
    %add3A_92 = arith.constant 1.000000e+00 : f32
    %add3A_93 = vector.broadcast %add3A_92 : f32 to vector<3x1xf32>
    %add3A_94 = arith.addf %mul3A_91, %add3A_93 : vector<3x1xf32>
    %div3A = arith.constant 6.000000e+00 : f32
    %div3A_95 = vector.broadcast %div3A : f32 to vector<3x1xf32>
    %div3A_96 = arith.divf %add3A_94, %div3A_95 : vector<3x1xf32>
    %mul3A_97 = arith.mulf %get3A_89, %div3A_96 : vector<3x1xf32>
    %div3A_98 = arith.constant 0.166666672 : f32
    %div3A_99 = vector.broadcast %div3A_98 : f32 to vector<3x1xf32>
    %div3A_100 = arith.divf %div3A_99, %get3A_89 : vector<3x1xf32>
    %sub3A_101 = arith.subf %mul3A_97, %div3A_100 : vector<3x1xf32>
    %swap3A_102 = arith.constant 0 : index
    %swap3A_103 = arith.constant 0 : index
    %swap3A_104 = vector.load %arg16[%swap3A_102, %swap3A_103] : memref<3x1xf32, #tpu.memory_space<vmem>>, vector<3x1xf32>
    tpu.vector_store %arg16[%swap3A_102, %swap3A_103], %sub3A_101 {strides = array<i32>} : memref<3x1xf32, #tpu.memory_space<vmem>>, vector<3x1xf32>,
    %mul3A_105 = arith.mulf %get3A_89, %div3A_96 : vector<3x1xf32>
    %div3A_106 = arith.constant 0.166666672 : f32
    %div3A_107 = vector.broadcast %div3A_106 : f32 to vector<3x1xf32>
    %div3A_108 = arith.divf %div3A_107, %get3A_89 : vector<3x1xf32>
    %add3A_109 = arith.addf %mul3A_105, %div3A_108 : vector<3x1xf32>
    %swap3A_110 = arith.constant 0 : index
    %swap3A_111 = arith.constant 0 : index
    %swap3A_112 = vector.load %arg17[%swap3A_110, %swap3A_111] : memref<3x1xf32, #tpu.memory_space<vmem>>, vector<3x1xf32>
    tpu.vector_store %arg17[%swap3A_110, %swap3A_111], %add3A_109 {strides = array<i32>} : memref<3x1xf32, #tpu.memory_space<vmem>>, vector<3x1xf32>,
    return
  }
}

module attributes {stable_mosaic.version = 14 : i64} {
  func.func @_main_body(%arg0: i32, %arg1: memref<2048x128xf32, #tpu.memory_space<vmem>>, %arg2: memref<2048x16xf32, #tpu.memory_space<vmem>>, %arg3: memref<2048x16xf32, #tpu.memory_space<vmem>>, %arg4: memref<160x384xf32, #tpu.memory_space<vmem>>, %arg5: memref<160x384xf32, #tpu.memory_space<vmem>>, %arg6: memref<384x128xf32, #tpu.memory_space<vmem>>, %arg7: memref<384x128xf32, #tpu.memory_space<vmem>>, %arg8: memref<1x128xf32, #tpu.memory_space<vmem>>, %arg9: memref<3x128xf32, #tpu.memory_space<vmem>>, %arg10: memref<3x128xf32, #tpu.memory_space<vmem>>, %arg11: memref<3x1xf32, #tpu.memory_space<vmem>>, %arg12: memref<3x1xf32, #tpu.memory_space<vmem>>, %arg13: memref<8x128xf32, #tpu.memory_space<vmem>>, %arg14: memref<4x128xf32, #tpu.memory_space<vmem>>, %arg15: memref<2048x128xf32, #tpu.memory_space<vmem>>) attributes {dimension_semantics = [#tpu.dimension_semantics<arbitrary>], iteration_bounds = array<i64: 40>, scalar_prefetch = 0 : i64, scratch_operands = 0 : i64, tpu.core_type = #tpu.core_type<tc>, window_params = [{transform_indices = @transform_0, window_bounds = array<i64: 2048, 128>}, {transform_indices = @transform_1, window_bounds = array<i64: 2048, 16>}, {transform_indices = @transform_2, window_bounds = array<i64: 2048, 16>}, {pipeline_mode = #tpu.pipeline_mode<synchronous>, transform_indices = @transform_3, window_bounds = array<i64: 160, 384>}, {pipeline_mode = #tpu.pipeline_mode<synchronous>, transform_indices = @transform_4, window_bounds = array<i64: 160, 384>}, {pipeline_mode = #tpu.pipeline_mode<synchronous>, transform_indices = @transform_5, window_bounds = array<i64: 384, 128>}, {pipeline_mode = #tpu.pipeline_mode<synchronous>, transform_indices = @transform_6, window_bounds = array<i64: 384, 128>}, {pipeline_mode = #tpu.pipeline_mode<synchronous>, transform_indices = @transform_7, window_bounds = array<i64: 1, 128>}, {pipeline_mode = #tpu.pipeline_mode<synchronous>, transform_indices = @transform_8, window_bounds = array<i64: 3, 128>}, {pipeline_mode = #tpu.pipeline_mode<synchronous>, transform_indices = @transform_9, window_bounds = array<i64: 3, 128>}, {pipeline_mode = #tpu.pipeline_mode<synchronous>, transform_indices = @transform_10, window_bounds = array<i64: 3, 1>}, {pipeline_mode = #tpu.pipeline_mode<synchronous>, transform_indices = @transform_11, window_bounds = array<i64: 3, 1>}, {pipeline_mode = #tpu.pipeline_mode<synchronous>, transform_indices = @transform_12, window_bounds = array<i64: 8, 128>}, {pipeline_mode = #tpu.pipeline_mode<synchronous>, transform_indices = @transform_13, window_bounds = array<i64: 4, 128>}, {transform_indices = @transform_14, window_bounds = array<i64: 2048, 128>}]} {
    %get3A = arith.constant 0 : index
    %get3A_0 = arith.constant 0 : index
    %get3A_1 = vector.load %arg1[%get3A, %get3A_0] : memref<2048x128xf32, #tpu.memory_space<vmem>>, vector<2048x128xf32>
    %get3A_2 = arith.constant 0 : index
    %get3A_3 = arith.constant 0 : index
    %get3A_4 = vector.load %arg2[%get3A_2, %get3A_3] : memref<2048x16xf32, #tpu.memory_space<vmem>>, vector<2048x16xf32>
    %get3A_5 = arith.constant 0 : index
    %get3A_6 = arith.constant 0 : index
    %get3A_7 = vector.load %arg3[%get3A_5, %get3A_6] : memref<2048x16xf32, #tpu.memory_space<vmem>>, vector<2048x16xf32>
    %concatenate3A = tpu.concatenate %get3A_1, %get3A_4, %get3A_7 in 1 : vector<2048x128xf32>, vector<2048x16xf32>, vector<2048x16xf32> -> vector<2048x160xf32>
    %convert_element_type3A = arith.truncf %concatenate3A : vector<2048x160xf32> to vector<2048x160xbf16>
    %get3A_8 = arith.constant 0 : index
    %get3A_9 = arith.constant 0 : index
    %get3A_10 = vector.load %arg4[%get3A_8, %get3A_9] : memref<160x384xf32, #tpu.memory_space<vmem>>, vector<160x384xf32>
    %convert_element_type3A_11 = arith.truncf %get3A_10 : vector<160x384xf32> to vector<160x384xbf16>
    %dot_general3A = arith.constant dense<0.000000e+00> : vector<2048x384xf32>
    %dot_general3A_12 = tpu.matmul %convert_element_type3A, %convert_element_type3A_11, %dot_general3A {dimension_numbers = #tpu.dot_dimension_numbers<[1], [0], [0], [1], [0, 0, 1, 1], [], []>, transpose_lhs_hint = false} : vector<2048x160xbf16>, vector<160x384xbf16>, vector<2048x384xf32> -> vector<2048x384xf32>
    %get3A_13 = arith.constant 0 : index
    %get3A_14 = arith.constant 0 : index
    %get3A_15 = vector.load %arg5[%get3A_13, %get3A_14] : memref<160x384xf32, #tpu.memory_space<vmem>>, vector<160x384xf32>
    %convert_element_type3A_16 = arith.truncf %get3A_15 : vector<160x384xf32> to vector<160x384xbf16>
    %dot_general3A_17 = arith.constant dense<0.000000e+00> : vector<2048x384xf32>
    %dot_general3A_18 = tpu.matmul %convert_element_type3A, %convert_element_type3A_16, %dot_general3A_17 {dimension_numbers = #tpu.dot_dimension_numbers<[1], [0], [0], [1], [0, 0, 1, 1], [], []>, transpose_lhs_hint = false} : vector<2048x160xbf16>, vector<160x384xbf16>, vector<2048x384xf32> -> vector<2048x384xf32>
    %mul3A = arith.mulf %concatenate3A, %concatenate3A : vector<2048x160xf32>
    %reduce_sum3A = arith.constant dense<0.000000e+00> : vector<2048xf32>
    %reduce_sum3A_19 = vector.multi_reduction <add>, %mul3A, %reduce_sum3A [1] : vector<2048x160xf32> to vector<2048xf32>
    %broadcast_in_dim3A = vector.shape_cast %reduce_sum3A_19 : vector<2048xf32> to vector<2048x1xf32>
    %mul3A_20 = arith.constant 1.600000e+02 : f32
    %mul3A_21 = vector.broadcast %mul3A_20 : f32 to vector<2048x1xf32>
    %mul3A_22 = arith.mulf %mul3A_21, %broadcast_in_dim3A : vector<2048x1xf32>
    %get3A_23 = arith.constant 0 : index
    %get3A_24 = arith.constant 0 : index
    %get3A_25 = vector.load %arg13[%get3A_23, %get3A_24] : memref<8x128xf32, #tpu.memory_space<vmem>>, vector<1x1xf32>
    %get3A_26 = arith.constant 0 : index
    %get3A_27 = arith.constant 0 : index
    %get3A_28 = vector.load %arg14[%get3A_26, %get3A_27] : memref<4x128xf32, #tpu.memory_space<vmem>>, vector<4x128xf32>
    %reduce_sum3A_29 = vector.shape_cast %get3A_28 : vector<4x128xf32> to vector<1x4x128xf32>
    %reduce_sum3A_30 = arith.constant dense<0.000000e+00> : vector<1xf32>
    %reduce_sum3A_31 = vector.multi_reduction <add>, %reduce_sum3A_29, %reduce_sum3A_30 [1, 2] : vector<1x4x128xf32> to vector<1xf32>
    %reduce_sum3A_32 = vector.shape_cast %reduce_sum3A_31 : vector<1xf32> to vector<1x1x1xf32>
    %reduce_sum3A_33 = vector.extract %reduce_sum3A_32[0, 0, 0] : f32 from vector<1x1x1xf32>
    %add3A = vector.broadcast %reduce_sum3A_33 : f32 to vector<1x1xf32>
    %add3A_34 = arith.addf %get3A_25, %add3A : vector<1x1xf32>
    %mul3A_35 = arith.constant 1.600000e+02 : f32
    %mul3A_36 = vector.broadcast %mul3A_35 : f32 to vector<1x1xf32>
    %mul3A_37 = arith.mulf %mul3A_36, %add3A_34 : vector<1x1xf32>
    %get3A_38 = arith.constant 0 : index
    %get3A_39 = arith.constant 0 : index
    %get3A_40 = vector.load %arg11[%get3A_38, %get3A_39] : memref<3x1xf32, #tpu.memory_space<vmem>>, vector<1x1xf32>
    %mul3A_41 = arith.mulf %get3A_40, %mul3A_37 : vector<1x1xf32>
    %get3A_42 = arith.constant 0 : index
    %get3A_43 = arith.constant 0 : index
    %get3A_44 = vector.load %arg12[%get3A_42, %get3A_43] : memref<3x1xf32, #tpu.memory_space<vmem>>, vector<1x1xf32>
    %mul3A_45 = arith.mulf %get3A_44, %mul3A_37 : vector<1x1xf32>
    %ge3A = vector.broadcast %mul3A_41 : vector<1x1xf32> to vector<2048x1xf32>
    %ge3A_46 = arith.cmpf oge, %mul3A_22, %ge3A : vector<2048x1xf32>
    %le3A = vector.broadcast %mul3A_45 : vector<1x1xf32> to vector<2048x1xf32>
    %le3A_47 = arith.cmpf ole, %mul3A_22, %le3A : vector<2048x1xf32>
    %and3A = arith.andi %ge3A_46, %le3A_47 : vector<2048x1xi1>
    %convert_element_type3A_48 = arith.extui %and3A : vector<2048x1xi1> to vector<2048x1xi32>
    %convert_element_type3A_49 = arith.sitofp %convert_element_type3A_48 : vector<2048x1xi32> to vector<2048x1xf32>
    %slice3A = vector.extract_strided_slice %dot_general3A_12 {offsets = [0, 0], sizes = [2048, 128], strides = [1, 1]} : vector<2048x384xf32> to vector<2048x128xf32>
    %mul3A_50 = vector.broadcast %convert_element_type3A_49 : vector<2048x1xf32> to vector<2048x128xf32>
    %mul3A_51 = arith.mulf %mul3A_50, %slice3A : vector<2048x128xf32>
    %get3A_52 = arith.constant 0 : index
    %get3A_53 = arith.constant 0 : index
    %get3A_54 = vector.load %arg9[%get3A_52, %get3A_53] : memref<3x128xf32, #tpu.memory_space<vmem>>, vector<1x128xf32>
    %add3A_55 = vector.broadcast %get3A_54 : vector<1x128xf32> to vector<2048x128xf32>
    %add3A_56 = arith.addf %mul3A_51, %add3A_55 : vector<2048x128xf32>
    %slice3A_57 = vector.extract_strided_slice %dot_general3A_18 {offsets = [0, 0], sizes = [2048, 128], strides = [1, 1]} : vector<2048x384xf32> to vector<2048x128xf32>
    %mul3A_58 = vector.broadcast %convert_element_type3A_49 : vector<2048x1xf32> to vector<2048x128xf32>
    %mul3A_59 = arith.mulf %mul3A_58, %slice3A_57 : vector<2048x128xf32>
    %get3A_60 = arith.constant 0 : index
    %get3A_61 = arith.constant 0 : index
    %get3A_62 = vector.load %arg10[%get3A_60, %get3A_61] : memref<3x128xf32, #tpu.memory_space<vmem>>, vector<1x128xf32>
    %add3A_63 = vector.broadcast %get3A_62 : vector<1x128xf32> to vector<2048x128xf32>
    %add3A_64 = arith.addf %mul3A_59, %add3A_63 : vector<2048x128xf32>
    %max3A = arith.constant 0.000000e+00 : f32
    %max3A_65 = vector.broadcast %max3A : f32 to vector<2048x128xf32>
    %max3A_66 = arith.maximumf %add3A_56, %max3A_65 : vector<2048x128xf32>
    %gt3A = arith.constant 0.00999999977 : f32
    %gt3A_67 = vector.broadcast %gt3A : f32 to vector<2048x128xf32>
    %gt3A_68 = arith.cmpf ogt, %max3A_66, %gt3A_67 : vector<2048x128xf32>
    %sub3A = arith.constant 0.00999999977 : f32
    %sub3A_69 = vector.broadcast %sub3A : f32 to vector<2048x128xf32>
    %sub3A_70 = arith.subf %max3A_66, %sub3A_69 : vector<2048x128xf32>
    %lt3A = arith.constant -0.00999999977 : f32
    %lt3A_71 = vector.broadcast %lt3A : f32 to vector<2048x128xf32>
    %lt3A_72 = arith.cmpf olt, %max3A_66, %lt3A_71 : vector<2048x128xf32>
    %add3A_73 = arith.constant 0.00999999977 : f32
    %add3A_74 = vector.broadcast %add3A_73 : f32 to vector<2048x128xf32>
    %add3A_75 = arith.addf %max3A_66, %add3A_74 : vector<2048x128xf32>
    %jit3A = arith.constant 0.000000e+00 : f32
    %broadcast_in_dim3A_76 = vector.broadcast %jit3A : f32 to vector<2048x128xf32>
    %select_n3A = arith.select %lt3A_72, %add3A_75, %broadcast_in_dim3A_76 : vector<2048x128xi1>, vector<2048x128xf32>
    %select_n3A_77 = arith.select %gt3A_68, %sub3A_70, %select_n3A : vector<2048x128xi1>, vector<2048x128xf32>
    %max3A_78 = arith.constant 0.000000e+00 : f32
    %max3A_79 = vector.broadcast %max3A_78 : f32 to vector<2048x128xf32>
    %max3A_80 = arith.maximumf %add3A_64, %max3A_79 : vector<2048x128xf32>
    %gt3A_81 = arith.constant 0.00999999977 : f32
    %gt3A_82 = vector.broadcast %gt3A_81 : f32 to vector<2048x128xf32>
    %gt3A_83 = arith.cmpf ogt, %max3A_80, %gt3A_82 : vector<2048x128xf32>
    %sub3A_84 = arith.constant 0.00999999977 : f32
    %sub3A_85 = vector.broadcast %sub3A_84 : f32 to vector<2048x128xf32>
    %sub3A_86 = arith.subf %max3A_80, %sub3A_85 : vector<2048x128xf32>
    %lt3A_87 = arith.constant -0.00999999977 : f32
    %lt3A_88 = vector.broadcast %lt3A_87 : f32 to vector<2048x128xf32>
    %lt3A_89 = arith.cmpf olt, %max3A_80, %lt3A_88 : vector<2048x128xf32>
    %add3A_90 = arith.constant 0.00999999977 : f32
    %add3A_91 = vector.broadcast %add3A_90 : f32 to vector<2048x128xf32>
    %add3A_92 = arith.addf %max3A_80, %add3A_91 : vector<2048x128xf32>
    %jit3A_93 = arith.constant 0.000000e+00 : f32
    %broadcast_in_dim3A_94 = vector.broadcast %jit3A_93 : f32 to vector<2048x128xf32>
    %select_n3A_95 = arith.select %lt3A_89, %add3A_92, %broadcast_in_dim3A_94 : vector<2048x128xi1>, vector<2048x128xf32>
    %select_n3A_96 = arith.select %gt3A_83, %sub3A_86, %select_n3A_95 : vector<2048x128xi1>, vector<2048x128xf32>
    %get3A_97 = arith.constant 1 : index
    %get3A_98 = arith.constant 0 : index
    %get3A_99 = vector.load %arg11[%get3A_97, %get3A_98] : memref<3x1xf32, #tpu.memory_space<vmem>>, vector<1x1xf32>
    %mul3A_100 = arith.mulf %get3A_99, %mul3A_37 : vector<1x1xf32>
    %get3A_101 = arith.constant 1 : index
    %get3A_102 = arith.constant 0 : index
    %get3A_103 = vector.load %arg12[%get3A_101, %get3A_102] : memref<3x1xf32, #tpu.memory_space<vmem>>, vector<1x1xf32>
    %mul3A_104 = arith.mulf %get3A_103, %mul3A_37 : vector<1x1xf32>
    %ge3A_105 = vector.broadcast %mul3A_100 : vector<1x1xf32> to vector<2048x1xf32>
    %ge3A_106 = arith.cmpf oge, %mul3A_22, %ge3A_105 : vector<2048x1xf32>
    %le3A_107 = vector.broadcast %mul3A_104 : vector<1x1xf32> to vector<2048x1xf32>
    %le3A_108 = arith.cmpf ole, %mul3A_22, %le3A_107 : vector<2048x1xf32>
    %and3A_109 = arith.andi %ge3A_106, %le3A_108 : vector<2048x1xi1>
    %convert_element_type3A_110 = arith.extui %and3A_109 : vector<2048x1xi1> to vector<2048x1xi32>
    %convert_element_type3A_111 = arith.sitofp %convert_element_type3A_110 : vector<2048x1xi32> to vector<2048x1xf32>
    %slice3A_112 = vector.extract_strided_slice %dot_general3A_12 {offsets = [0, 128], sizes = [2048, 128], strides = [1, 1]} : vector<2048x384xf32> to vector<2048x128xf32>
    %mul3A_113 = vector.broadcast %convert_element_type3A_111 : vector<2048x1xf32> to vector<2048x128xf32>
    %mul3A_114 = arith.mulf %mul3A_113, %slice3A_112 : vector<2048x128xf32>
    %get3A_115 = arith.constant 1 : index
    %get3A_116 = arith.constant 0 : index
    %get3A_117 = vector.load %arg9[%get3A_115, %get3A_116] : memref<3x128xf32, #tpu.memory_space<vmem>>, vector<1x128xf32>
    %add3A_118 = vector.broadcast %get3A_117 : vector<1x128xf32> to vector<2048x128xf32>
    %add3A_119 = arith.addf %mul3A_114, %add3A_118 : vector<2048x128xf32>
    %slice3A_120 = vector.extract_strided_slice %dot_general3A_18 {offsets = [0, 128], sizes = [2048, 128], strides = [1, 1]} : vector<2048x384xf32> to vector<2048x128xf32>
    %mul3A_121 = vector.broadcast %convert_element_type3A_111 : vector<2048x1xf32> to vector<2048x128xf32>
    %mul3A_122 = arith.mulf %mul3A_121, %slice3A_120 : vector<2048x128xf32>
    %get3A_123 = arith.constant 1 : index
    %get3A_124 = arith.constant 0 : index
    %get3A_125 = vector.load %arg10[%get3A_123, %get3A_124] : memref<3x128xf32, #tpu.memory_space<vmem>>, vector<1x128xf32>
    %add3A_126 = vector.broadcast %get3A_125 : vector<1x128xf32> to vector<2048x128xf32>
    %add3A_127 = arith.addf %mul3A_122, %add3A_126 : vector<2048x128xf32>
    %max3A_128 = arith.constant 0.000000e+00 : f32
    %max3A_129 = vector.broadcast %max3A_128 : f32 to vector<2048x128xf32>
    %max3A_130 = arith.maximumf %add3A_119, %max3A_129 : vector<2048x128xf32>
    %gt3A_131 = arith.constant 0.00999999977 : f32
    %gt3A_132 = vector.broadcast %gt3A_131 : f32 to vector<2048x128xf32>
    %gt3A_133 = arith.cmpf ogt, %max3A_130, %gt3A_132 : vector<2048x128xf32>
    %sub3A_134 = arith.constant 0.00999999977 : f32
    %sub3A_135 = vector.broadcast %sub3A_134 : f32 to vector<2048x128xf32>
    %sub3A_136 = arith.subf %max3A_130, %sub3A_135 : vector<2048x128xf32>
    %lt3A_137 = arith.constant -0.00999999977 : f32
    %lt3A_138 = vector.broadcast %lt3A_137 : f32 to vector<2048x128xf32>
    %lt3A_139 = arith.cmpf olt, %max3A_130, %lt3A_138 : vector<2048x128xf32>
    %add3A_140 = arith.constant 0.00999999977 : f32
    %add3A_141 = vector.broadcast %add3A_140 : f32 to vector<2048x128xf32>
    %add3A_142 = arith.addf %max3A_130, %add3A_141 : vector<2048x128xf32>
    %jit3A_143 = arith.constant 0.000000e+00 : f32
    %broadcast_in_dim3A_144 = vector.broadcast %jit3A_143 : f32 to vector<2048x128xf32>
    %select_n3A_145 = arith.select %lt3A_139, %add3A_142, %broadcast_in_dim3A_144 : vector<2048x128xi1>, vector<2048x128xf32>
    %select_n3A_146 = arith.select %gt3A_133, %sub3A_136, %select_n3A_145 : vector<2048x128xi1>, vector<2048x128xf32>
    %max3A_147 = arith.constant 0.000000e+00 : f32
    %max3A_148 = vector.broadcast %max3A_147 : f32 to vector<2048x128xf32>
    %max3A_149 = arith.maximumf %add3A_127, %max3A_148 : vector<2048x128xf32>
    %gt3A_150 = arith.constant 0.00999999977 : f32
    %gt3A_151 = vector.broadcast %gt3A_150 : f32 to vector<2048x128xf32>
    %gt3A_152 = arith.cmpf ogt, %max3A_149, %gt3A_151 : vector<2048x128xf32>
    %sub3A_153 = arith.constant 0.00999999977 : f32
    %sub3A_154 = vector.broadcast %sub3A_153 : f32 to vector<2048x128xf32>
    %sub3A_155 = arith.subf %max3A_149, %sub3A_154 : vector<2048x128xf32>
    %lt3A_156 = arith.constant -0.00999999977 : f32
    %lt3A_157 = vector.broadcast %lt3A_156 : f32 to vector<2048x128xf32>
    %lt3A_158 = arith.cmpf olt, %max3A_149, %lt3A_157 : vector<2048x128xf32>
    %add3A_159 = arith.constant 0.00999999977 : f32
    %add3A_160 = vector.broadcast %add3A_159 : f32 to vector<2048x128xf32>
    %add3A_161 = arith.addf %max3A_149, %add3A_160 : vector<2048x128xf32>
    %jit3A_162 = arith.constant 0.000000e+00 : f32
    %broadcast_in_dim3A_163 = vector.broadcast %jit3A_162 : f32 to vector<2048x128xf32>
    %select_n3A_164 = arith.select %lt3A_158, %add3A_161, %broadcast_in_dim3A_163 : vector<2048x128xi1>, vector<2048x128xf32>
    %select_n3A_165 = arith.select %gt3A_152, %sub3A_155, %select_n3A_164 : vector<2048x128xi1>, vector<2048x128xf32>
    %get3A_166 = arith.constant 2 : index
    %get3A_167 = arith.constant 0 : index
    %get3A_168 = vector.load %arg11[%get3A_166, %get3A_167] : memref<3x1xf32, #tpu.memory_space<vmem>>, vector<1x1xf32>
    %mul3A_169 = arith.mulf %get3A_168, %mul3A_37 : vector<1x1xf32>
    %get3A_170 = arith.constant 2 : index
    %get3A_171 = arith.constant 0 : index
    %get3A_172 = vector.load %arg12[%get3A_170, %get3A_171] : memref<3x1xf32, #tpu.memory_space<vmem>>, vector<1x1xf32>
    %mul3A_173 = arith.mulf %get3A_172, %mul3A_37 : vector<1x1xf32>
    %ge3A_174 = vector.broadcast %mul3A_169 : vector<1x1xf32> to vector<2048x1xf32>
    %ge3A_175 = arith.cmpf oge, %mul3A_22, %ge3A_174 : vector<2048x1xf32>
    %le3A_176 = vector.broadcast %mul3A_173 : vector<1x1xf32> to vector<2048x1xf32>
    %le3A_177 = arith.cmpf ole, %mul3A_22, %le3A_176 : vector<2048x1xf32>
    %and3A_178 = arith.andi %ge3A_175, %le3A_177 : vector<2048x1xi1>
    %convert_element_type3A_179 = arith.extui %and3A_178 : vector<2048x1xi1> to vector<2048x1xi32>
    %convert_element_type3A_180 = arith.sitofp %convert_element_type3A_179 : vector<2048x1xi32> to vector<2048x1xf32>
    %slice3A_181 = vector.extract_strided_slice %dot_general3A_12 {offsets = [0, 256], sizes = [2048, 128], strides = [1, 1]} : vector<2048x384xf32> to vector<2048x128xf32>
    %mul3A_182 = vector.broadcast %convert_element_type3A_180 : vector<2048x1xf32> to vector<2048x128xf32>
    %mul3A_183 = arith.mulf %mul3A_182, %slice3A_181 : vector<2048x128xf32>
    %get3A_184 = arith.constant 2 : index
    %get3A_185 = arith.constant 0 : index
    %get3A_186 = vector.load %arg9[%get3A_184, %get3A_185] : memref<3x128xf32, #tpu.memory_space<vmem>>, vector<1x128xf32>
    %add3A_187 = vector.broadcast %get3A_186 : vector<1x128xf32> to vector<2048x128xf32>
    %add3A_188 = arith.addf %mul3A_183, %add3A_187 : vector<2048x128xf32>
    %slice3A_189 = vector.extract_strided_slice %dot_general3A_18 {offsets = [0, 256], sizes = [2048, 128], strides = [1, 1]} : vector<2048x384xf32> to vector<2048x128xf32>
    %mul3A_190 = vector.broadcast %convert_element_type3A_180 : vector<2048x1xf32> to vector<2048x128xf32>
    %mul3A_191 = arith.mulf %mul3A_190, %slice3A_189 : vector<2048x128xf32>
    %get3A_192 = arith.constant 2 : index
    %get3A_193 = arith.constant 0 : index
    %get3A_194 = vector.load %arg10[%get3A_192, %get3A_193] : memref<3x128xf32, #tpu.memory_space<vmem>>, vector<1x128xf32>
    %add3A_195 = vector.broadcast %get3A_194 : vector<1x128xf32> to vector<2048x128xf32>
    %add3A_196 = arith.addf %mul3A_191, %add3A_195 : vector<2048x128xf32>
    %max3A_197 = arith.constant 0.000000e+00 : f32
    %max3A_198 = vector.broadcast %max3A_197 : f32 to vector<2048x128xf32>
    %max3A_199 = arith.maximumf %add3A_188, %max3A_198 : vector<2048x128xf32>
    %gt3A_200 = arith.constant 0.00999999977 : f32
    %gt3A_201 = vector.broadcast %gt3A_200 : f32 to vector<2048x128xf32>
    %gt3A_202 = arith.cmpf ogt, %max3A_199, %gt3A_201 : vector<2048x128xf32>
    %sub3A_203 = arith.constant 0.00999999977 : f32
    %sub3A_204 = vector.broadcast %sub3A_203 : f32 to vector<2048x128xf32>
    %sub3A_205 = arith.subf %max3A_199, %sub3A_204 : vector<2048x128xf32>
    %lt3A_206 = arith.constant -0.00999999977 : f32
    %lt3A_207 = vector.broadcast %lt3A_206 : f32 to vector<2048x128xf32>
    %lt3A_208 = arith.cmpf olt, %max3A_199, %lt3A_207 : vector<2048x128xf32>
    %add3A_209 = arith.constant 0.00999999977 : f32
    %add3A_210 = vector.broadcast %add3A_209 : f32 to vector<2048x128xf32>
    %add3A_211 = arith.addf %max3A_199, %add3A_210 : vector<2048x128xf32>
    %jit3A_212 = arith.constant 0.000000e+00 : f32
    %broadcast_in_dim3A_213 = vector.broadcast %jit3A_212 : f32 to vector<2048x128xf32>
    %select_n3A_214 = arith.select %lt3A_208, %add3A_211, %broadcast_in_dim3A_213 : vector<2048x128xi1>, vector<2048x128xf32>
    %select_n3A_215 = arith.select %gt3A_202, %sub3A_205, %select_n3A_214 : vector<2048x128xi1>, vector<2048x128xf32>
    %max3A_216 = arith.constant 0.000000e+00 : f32
    %max3A_217 = vector.broadcast %max3A_216 : f32 to vector<2048x128xf32>
    %max3A_218 = arith.maximumf %add3A_196, %max3A_217 : vector<2048x128xf32>
    %gt3A_219 = arith.constant 0.00999999977 : f32
    %gt3A_220 = vector.broadcast %gt3A_219 : f32 to vector<2048x128xf32>
    %gt3A_221 = arith.cmpf ogt, %max3A_218, %gt3A_220 : vector<2048x128xf32>
    %sub3A_222 = arith.constant 0.00999999977 : f32
    %sub3A_223 = vector.broadcast %sub3A_222 : f32 to vector<2048x128xf32>
    %sub3A_224 = arith.subf %max3A_218, %sub3A_223 : vector<2048x128xf32>
    %lt3A_225 = arith.constant -0.00999999977 : f32
    %lt3A_226 = vector.broadcast %lt3A_225 : f32 to vector<2048x128xf32>
    %lt3A_227 = arith.cmpf olt, %max3A_218, %lt3A_226 : vector<2048x128xf32>
    %add3A_228 = arith.constant 0.00999999977 : f32
    %add3A_229 = vector.broadcast %add3A_228 : f32 to vector<2048x128xf32>
    %add3A_230 = arith.addf %max3A_218, %add3A_229 : vector<2048x128xf32>
    %jit3A_231 = arith.constant 0.000000e+00 : f32
    %broadcast_in_dim3A_232 = vector.broadcast %jit3A_231 : f32 to vector<2048x128xf32>
    %select_n3A_233 = arith.select %lt3A_227, %add3A_230, %broadcast_in_dim3A_232 : vector<2048x128xi1>, vector<2048x128xf32>
    %select_n3A_234 = arith.select %gt3A_221, %sub3A_224, %select_n3A_233 : vector<2048x128xi1>, vector<2048x128xf32>
    %concatenate3A_235 = tpu.concatenate %select_n3A_77, %select_n3A_146, %select_n3A_215 in 1 : vector<2048x128xf32>, vector<2048x128xf32>, vector<2048x128xf32> -> vector<2048x384xf32>
    %convert_element_type3A_236 = arith.truncf %concatenate3A_235 : vector<2048x384xf32> to vector<2048x384xbf16>
    %concatenate3A_237 = tpu.concatenate %select_n3A_96, %select_n3A_165, %select_n3A_234 in 1 : vector<2048x128xf32>, vector<2048x128xf32>, vector<2048x128xf32> -> vector<2048x384xf32>
    %convert_element_type3A_238 = arith.truncf %concatenate3A_237 : vector<2048x384xf32> to vector<2048x384xbf16>
    %get3A_239 = arith.constant 0 : index
    %get3A_240 = arith.constant 0 : index
    %get3A_241 = vector.load %arg6[%get3A_239, %get3A_240] : memref<384x128xf32, #tpu.memory_space<vmem>>, vector<384x128xf32>
    %convert_element_type3A_242 = arith.truncf %get3A_241 : vector<384x128xf32> to vector<384x128xbf16>
    %dot_general3A_243 = arith.constant dense<0.000000e+00> : vector<2048x128xf32>
    %dot_general3A_244 = tpu.matmul %convert_element_type3A_236, %convert_element_type3A_242, %dot_general3A_243 {dimension_numbers = #tpu.dot_dimension_numbers<[1], [0], [0], [1], [0, 0, 1, 1], [], []>, transpose_lhs_hint = false} : vector<2048x384xbf16>, vector<384x128xbf16>, vector<2048x128xf32> -> vector<2048x128xf32>
    %get3A_245 = arith.constant 0 : index
    %get3A_246 = arith.constant 0 : index
    %get3A_247 = vector.load %arg7[%get3A_245, %get3A_246] : memref<384x128xf32, #tpu.memory_space<vmem>>, vector<384x128xf32>
    %convert_element_type3A_248 = arith.truncf %get3A_247 : vector<384x128xf32> to vector<384x128xbf16>
    %dot_general3A_249 = arith.constant dense<0.000000e+00> : vector<2048x128xf32>
    %dot_general3A_250 = tpu.matmul %convert_element_type3A_238, %convert_element_type3A_248, %dot_general3A_249 {dimension_numbers = #tpu.dot_dimension_numbers<[1], [0], [0], [1], [0, 0, 1, 1], [], []>, transpose_lhs_hint = false} : vector<2048x384xbf16>, vector<384x128xbf16>, vector<2048x128xf32> -> vector<2048x128xf32>
    %add3A_251 = arith.addf %dot_general3A_244, %dot_general3A_250 : vector<2048x128xf32>
    %get3A_252 = arith.constant 0 : index
    %get3A_253 = arith.constant 0 : index
    %get3A_254 = vector.load %arg8[%get3A_252, %get3A_253] : memref<1x128xf32, #tpu.memory_space<vmem>>, vector<1x128xf32>
    %add3A_255 = vector.broadcast %get3A_254 : vector<1x128xf32> to vector<2048x128xf32>
    %add3A_256 = arith.addf %add3A_251, %add3A_255 : vector<2048x128xf32>
    %add3A_257 = arith.constant 40 : i32
    %add3A_258 = arith.addi %add3A_257, %arg0 : i32
    %mul3A_259 = arith.constant 2048 : i32
    %mul3A_260 = arith.muli %add3A_258, %mul3A_259 : i32
    %iota3A = tpu.iota {dimensions = array<i32: 0>} : vector<2048x1xi32>
    %add3A_261 = vector.broadcast %mul3A_260 : i32 to vector<2048x1xi32>
    %add3A_262 = arith.addi %add3A_261, %iota3A : vector<2048x1xi32>
    %lt3A_263 = arith.constant 160000 : i32
    %lt3A_264 = vector.broadcast %lt3A_263 : i32 to vector<2048x1xi32>
    %lt3A_265 = arith.cmpi slt, %add3A_262, %lt3A_264 : vector<2048x1xi32>
    %jit3A_266 = arith.constant 0.000000e+00 : f32
    %broadcast_in_dim3A_267 = vector.shape_cast %lt3A_265 : vector<2048x1xi1> to vector<2048x1xi1>
    %broadcast_in_dim3A_268 = vector.broadcast %broadcast_in_dim3A_267 : vector<2048x1xi1> to vector<2048x128xi1>
    %broadcast_in_dim3A_269 = vector.broadcast %jit3A_266 : f32 to vector<2048x128xf32>
    %select_n3A_270 = arith.select %broadcast_in_dim3A_268, %add3A_256, %broadcast_in_dim3A_269 : vector<2048x128xi1>, vector<2048x128xf32>
    %swap3A = arith.constant 0 : index
    %swap3A_271 = arith.constant 0 : index
    %swap3A_272 = vector.load %arg15[%swap3A, %swap3A_271] : memref<2048x128xf32, #tpu.memory_space<vmem>>, vector<2048x128xf32>
    tpu.vector_store %arg15[%swap3A, %swap3A_271], %select_n3A_270 {strides = array<i32>} : memref<2048x128xf32, #tpu.memory_space<vmem>>, vector<2048x128xf32>,
    return
  }
  func.func @transform_0(%arg0: i32) -> (i32, i32) {
    %c0_i32 = arith.constant 0 : i32
    %c0_i32_0 = arith.constant 0 : i32
    return %arg0, %c0_i32 : i32, i32
  }
  func.func @transform_1(%arg0: i32) -> (i32, i32) {
    %add3A = arith.constant 40 : i32
    %add3A_0 = arith.addi %arg0, %add3A : i32
    %min3A = arith.constant 78 : i32
    %min3A_1 = arith.minsi %add3A_0, %min3A : i32
    %c0_i32 = arith.constant 0 : i32
    %c0_i32_2 = arith.constant 0 : i32
    return %min3A_1, %c0_i32 : i32, i32
  }
  func.func @transform_2(%arg0: i32) -> (i32, i32) {
    %add3A = arith.constant 40 : i32
    %add3A_0 = arith.addi %arg0, %add3A : i32
    %min3A = arith.constant 78 : i32
    %min3A_1 = arith.minsi %add3A_0, %min3A : i32
    %c0_i32 = arith.constant 0 : i32
    %c0_i32_2 = arith.constant 0 : i32
    return %min3A_1, %c0_i32 : i32, i32
  }
  func.func @transform_3(%arg0: i32) -> (i32, i32) {
    %c0_i32 = arith.constant 0 : i32
    %c0_i32_0 = arith.constant 0 : i32
    %c0_i32_1 = arith.constant 0 : i32
    return %c0_i32, %c0_i32_0 : i32, i32
  }
  func.func @transform_4(%arg0: i32) -> (i32, i32) {
    %c0_i32 = arith.constant 0 : i32
    %c0_i32_0 = arith.constant 0 : i32
    %c0_i32_1 = arith.constant 0 : i32
    return %c0_i32, %c0_i32_0 : i32, i32
  }
  func.func @transform_5(%arg0: i32) -> (i32, i32) {
    %c0_i32 = arith.constant 0 : i32
    %c0_i32_0 = arith.constant 0 : i32
    %c0_i32_1 = arith.constant 0 : i32
    return %c0_i32, %c0_i32_0 : i32, i32
  }
  func.func @transform_6(%arg0: i32) -> (i32, i32) {
    %c0_i32 = arith.constant 0 : i32
    %c0_i32_0 = arith.constant 0 : i32
    %c0_i32_1 = arith.constant 0 : i32
    return %c0_i32, %c0_i32_0 : i32, i32
  }
  func.func @transform_7(%arg0: i32) -> (i32, i32) {
    %c0_i32 = arith.constant 0 : i32
    %c0_i32_0 = arith.constant 0 : i32
    %c0_i32_1 = arith.constant 0 : i32
    return %c0_i32, %c0_i32_0 : i32, i32
  }
  func.func @transform_8(%arg0: i32) -> (i32, i32) {
    %c0_i32 = arith.constant 0 : i32
    %c0_i32_0 = arith.constant 0 : i32
    %c0_i32_1 = arith.constant 0 : i32
    return %c0_i32, %c0_i32_0 : i32, i32
  }
  func.func @transform_9(%arg0: i32) -> (i32, i32) {
    %c0_i32 = arith.constant 0 : i32
    %c0_i32_0 = arith.constant 0 : i32
    %c0_i32_1 = arith.constant 0 : i32
    return %c0_i32, %c0_i32_0 : i32, i32
  }
  func.func @transform_10(%arg0: i32) -> (i32, i32) {
    %c0_i32 = arith.constant 0 : i32
    %c0_i32_0 = arith.constant 0 : i32
    %c0_i32_1 = arith.constant 0 : i32
    return %c0_i32, %c0_i32_0 : i32, i32
  }
  func.func @transform_11(%arg0: i32) -> (i32, i32) {
    %c0_i32 = arith.constant 0 : i32
    %c0_i32_0 = arith.constant 0 : i32
    %c0_i32_1 = arith.constant 0 : i32
    return %c0_i32, %c0_i32_0 : i32, i32
  }
  func.func @transform_12(%arg0: i32) -> (i32, i32) {
    %c0_i32 = arith.constant 0 : i32
    %c0_i32_0 = arith.constant 0 : i32
    %c0_i32_1 = arith.constant 0 : i32
    return %c0_i32, %c0_i32_0 : i32, i32
  }
  func.func @transform_13(%arg0: i32) -> (i32, i32) {
    %c0_i32 = arith.constant 0 : i32
    %c0_i32_0 = arith.constant 0 : i32
    %c0_i32_1 = arith.constant 0 : i32
    return %c0_i32, %c0_i32_0 : i32, i32
  }
  func.func @transform_14(%arg0: i32) -> (i32, i32) {
    %c0_i32 = arith.constant 0 : i32
    %c0_i32_0 = arith.constant 0 : i32
    return %arg0, %c0_i32 : i32, i32
  }
}

module attributes {stable_mosaic.version = 14 : i64} {
  func.func @_main_body(%arg0: i32, %arg1: memref<2048x128xf32, #tpu.memory_space<vmem>>, %arg2: memref<2048x16xf32, #tpu.memory_space<vmem>>, %arg3: memref<2048x16xf32, #tpu.memory_space<vmem>>, %arg4: memref<160x384xf32, #tpu.memory_space<vmem>>, %arg5: memref<160x384xf32, #tpu.memory_space<vmem>>, %arg6: memref<384x128xf32, #tpu.memory_space<vmem>>, %arg7: memref<384x128xf32, #tpu.memory_space<vmem>>, %arg8: memref<1x128xf32, #tpu.memory_space<vmem>>, %arg9: memref<3x128xf32, #tpu.memory_space<vmem>>, %arg10: memref<3x128xf32, #tpu.memory_space<vmem>>, %arg11: memref<3x1xf32, #tpu.memory_space<vmem>>, %arg12: memref<3x1xf32, #tpu.memory_space<vmem>>, %arg13: memref<8x128xf32, #tpu.memory_space<vmem>>, %arg14: memref<4x128xf32, #tpu.memory_space<vmem>>, %arg15: memref<2048x128xf32, #tpu.memory_space<vmem>>) attributes {dimension_semantics = [#tpu.dimension_semantics<arbitrary>], iteration_bounds = array<i64: 40>, scalar_prefetch = 0 : i64, scratch_operands = 0 : i64, tpu.core_type = #tpu.core_type<tc>, window_params = [{transform_indices = @transform_0, window_bounds = array<i64: 2048, 128>}, {transform_indices = @transform_1, window_bounds = array<i64: 2048, 16>}, {transform_indices = @transform_2, window_bounds = array<i64: 2048, 16>}, {pipeline_mode = #tpu.pipeline_mode<synchronous>, transform_indices = @transform_3, window_bounds = array<i64: 160, 384>}, {pipeline_mode = #tpu.pipeline_mode<synchronous>, transform_indices = @transform_4, window_bounds = array<i64: 160, 384>}, {pipeline_mode = #tpu.pipeline_mode<synchronous>, transform_indices = @transform_5, window_bounds = array<i64: 384, 128>}, {pipeline_mode = #tpu.pipeline_mode<synchronous>, transform_indices = @transform_6, window_bounds = array<i64: 384, 128>}, {pipeline_mode = #tpu.pipeline_mode<synchronous>, transform_indices = @transform_7, window_bounds = array<i64: 1, 128>}, {pipeline_mode = #tpu.pipeline_mode<synchronous>, transform_indices = @transform_8, window_bounds = array<i64: 3, 128>}, {pipeline_mode = #tpu.pipeline_mode<synchronous>, transform_indices = @transform_9, window_bounds = array<i64: 3, 128>}, {pipeline_mode = #tpu.pipeline_mode<synchronous>, transform_indices = @transform_10, window_bounds = array<i64: 3, 1>}, {pipeline_mode = #tpu.pipeline_mode<synchronous>, transform_indices = @transform_11, window_bounds = array<i64: 3, 1>}, {pipeline_mode = #tpu.pipeline_mode<synchronous>, transform_indices = @transform_12, window_bounds = array<i64: 8, 128>}, {pipeline_mode = #tpu.pipeline_mode<synchronous>, transform_indices = @transform_13, window_bounds = array<i64: 4, 128>}, {transform_indices = @transform_14, window_bounds = array<i64: 2048, 128>}]} {
    %get3A = arith.constant 0 : index
    %get3A_0 = arith.constant 0 : index
    %get3A_1 = vector.load %arg1[%get3A, %get3A_0] : memref<2048x128xf32, #tpu.memory_space<vmem>>, vector<2048x128xf32>
    %get3A_2 = arith.constant 0 : index
    %get3A_3 = arith.constant 0 : index
    %get3A_4 = vector.load %arg2[%get3A_2, %get3A_3] : memref<2048x16xf32, #tpu.memory_space<vmem>>, vector<2048x16xf32>
    %get3A_5 = arith.constant 0 : index
    %get3A_6 = arith.constant 0 : index
    %get3A_7 = vector.load %arg3[%get3A_5, %get3A_6] : memref<2048x16xf32, #tpu.memory_space<vmem>>, vector<2048x16xf32>
    %concatenate3A = tpu.concatenate %get3A_1, %get3A_4, %get3A_7 in 1 : vector<2048x128xf32>, vector<2048x16xf32>, vector<2048x16xf32> -> vector<2048x160xf32>
    %convert_element_type3A = arith.truncf %concatenate3A : vector<2048x160xf32> to vector<2048x160xbf16>
    %get3A_8 = arith.constant 0 : index
    %get3A_9 = arith.constant 0 : index
    %get3A_10 = vector.load %arg4[%get3A_8, %get3A_9] : memref<160x384xf32, #tpu.memory_space<vmem>>, vector<160x384xf32>
    %convert_element_type3A_11 = arith.truncf %get3A_10 : vector<160x384xf32> to vector<160x384xbf16>
    %dot_general3A = arith.constant dense<0.000000e+00> : vector<2048x384xf32>
    %dot_general3A_12 = tpu.matmul %convert_element_type3A, %convert_element_type3A_11, %dot_general3A {dimension_numbers = #tpu.dot_dimension_numbers<[1], [0], [0], [1], [0, 0, 1, 1], [], []>, transpose_lhs_hint = false} : vector<2048x160xbf16>, vector<160x384xbf16>, vector<2048x384xf32> -> vector<2048x384xf32>
    %get3A_13 = arith.constant 0 : index
    %get3A_14 = arith.constant 0 : index
    %get3A_15 = vector.load %arg5[%get3A_13, %get3A_14] : memref<160x384xf32, #tpu.memory_space<vmem>>, vector<160x384xf32>
    %convert_element_type3A_16 = arith.truncf %get3A_15 : vector<160x384xf32> to vector<160x384xbf16>
    %dot_general3A_17 = arith.constant dense<0.000000e+00> : vector<2048x384xf32>
    %dot_general3A_18 = tpu.matmul %convert_element_type3A, %convert_element_type3A_16, %dot_general3A_17 {dimension_numbers = #tpu.dot_dimension_numbers<[1], [0], [0], [1], [0, 0, 1, 1], [], []>, transpose_lhs_hint = false} : vector<2048x160xbf16>, vector<160x384xbf16>, vector<2048x384xf32> -> vector<2048x384xf32>
    %mul3A = arith.mulf %concatenate3A, %concatenate3A : vector<2048x160xf32>
    %reduce_sum3A = arith.constant dense<0.000000e+00> : vector<2048xf32>
    %reduce_sum3A_19 = vector.multi_reduction <add>, %mul3A, %reduce_sum3A [1] : vector<2048x160xf32> to vector<2048xf32>
    %broadcast_in_dim3A = vector.shape_cast %reduce_sum3A_19 : vector<2048xf32> to vector<2048x1xf32>
    %mul3A_20 = arith.constant 1.600000e+02 : f32
    %mul3A_21 = vector.broadcast %mul3A_20 : f32 to vector<2048x1xf32>
    %mul3A_22 = arith.mulf %mul3A_21, %broadcast_in_dim3A : vector<2048x1xf32>
    %get3A_23 = arith.constant 0 : index
    %get3A_24 = arith.constant 0 : index
    %get3A_25 = vector.load %arg13[%get3A_23, %get3A_24] : memref<8x128xf32, #tpu.memory_space<vmem>>, vector<1x1xf32>
    %get3A_26 = arith.constant 0 : index
    %get3A_27 = arith.constant 0 : index
    %get3A_28 = vector.load %arg14[%get3A_26, %get3A_27] : memref<4x128xf32, #tpu.memory_space<vmem>>, vector<4x128xf32>
    %reduce_sum3A_29 = vector.shape_cast %get3A_28 : vector<4x128xf32> to vector<1x4x128xf32>
    %reduce_sum3A_30 = arith.constant dense<0.000000e+00> : vector<1xf32>
    %reduce_sum3A_31 = vector.multi_reduction <add>, %reduce_sum3A_29, %reduce_sum3A_30 [1, 2] : vector<1x4x128xf32> to vector<1xf32>
    %reduce_sum3A_32 = vector.shape_cast %reduce_sum3A_31 : vector<1xf32> to vector<1x1x1xf32>
    %reduce_sum3A_33 = vector.extract %reduce_sum3A_32[0, 0, 0] : f32 from vector<1x1x1xf32>
    %add3A = vector.broadcast %reduce_sum3A_33 : f32 to vector<1x1xf32>
    %add3A_34 = arith.addf %get3A_25, %add3A : vector<1x1xf32>
    %mul3A_35 = arith.constant 1.600000e+02 : f32
    %mul3A_36 = vector.broadcast %mul3A_35 : f32 to vector<1x1xf32>
    %mul3A_37 = arith.mulf %mul3A_36, %add3A_34 : vector<1x1xf32>
    %get3A_38 = arith.constant 0 : index
    %get3A_39 = arith.constant 0 : index
    %get3A_40 = vector.load %arg11[%get3A_38, %get3A_39] : memref<3x1xf32, #tpu.memory_space<vmem>>, vector<1x1xf32>
    %mul3A_41 = arith.mulf %get3A_40, %mul3A_37 : vector<1x1xf32>
    %get3A_42 = arith.constant 0 : index
    %get3A_43 = arith.constant 0 : index
    %get3A_44 = vector.load %arg12[%get3A_42, %get3A_43] : memref<3x1xf32, #tpu.memory_space<vmem>>, vector<1x1xf32>
    %mul3A_45 = arith.mulf %get3A_44, %mul3A_37 : vector<1x1xf32>
    %ge3A = vector.broadcast %mul3A_41 : vector<1x1xf32> to vector<2048x1xf32>
    %ge3A_46 = arith.cmpf oge, %mul3A_22, %ge3A : vector<2048x1xf32>
    %le3A = vector.broadcast %mul3A_45 : vector<1x1xf32> to vector<2048x1xf32>
    %le3A_47 = arith.cmpf ole, %mul3A_22, %le3A : vector<2048x1xf32>
    %and3A = arith.andi %ge3A_46, %le3A_47 : vector<2048x1xi1>
    %convert_element_type3A_48 = arith.extui %and3A : vector<2048x1xi1> to vector<2048x1xi32>
    %convert_element_type3A_49 = arith.sitofp %convert_element_type3A_48 : vector<2048x1xi32> to vector<2048x1xf32>
    %slice3A = vector.extract_strided_slice %dot_general3A_12 {offsets = [0, 0], sizes = [2048, 128], strides = [1, 1]} : vector<2048x384xf32> to vector<2048x128xf32>
    %mul3A_50 = vector.broadcast %convert_element_type3A_49 : vector<2048x1xf32> to vector<2048x128xf32>
    %mul3A_51 = arith.mulf %mul3A_50, %slice3A : vector<2048x128xf32>
    %get3A_52 = arith.constant 0 : index
    %get3A_53 = arith.constant 0 : index
    %get3A_54 = vector.load %arg9[%get3A_52, %get3A_53] : memref<3x128xf32, #tpu.memory_space<vmem>>, vector<1x128xf32>
    %add3A_55 = vector.broadcast %get3A_54 : vector<1x128xf32> to vector<2048x128xf32>
    %add3A_56 = arith.addf %mul3A_51, %add3A_55 : vector<2048x128xf32>
    %slice3A_57 = vector.extract_strided_slice %dot_general3A_18 {offsets = [0, 0], sizes = [2048, 128], strides = [1, 1]} : vector<2048x384xf32> to vector<2048x128xf32>
    %mul3A_58 = vector.broadcast %convert_element_type3A_49 : vector<2048x1xf32> to vector<2048x128xf32>
    %mul3A_59 = arith.mulf %mul3A_58, %slice3A_57 : vector<2048x128xf32>
    %get3A_60 = arith.constant 0 : index
    %get3A_61 = arith.constant 0 : index
    %get3A_62 = vector.load %arg10[%get3A_60, %get3A_61] : memref<3x128xf32, #tpu.memory_space<vmem>>, vector<1x128xf32>
    %add3A_63 = vector.broadcast %get3A_62 : vector<1x128xf32> to vector<2048x128xf32>
    %add3A_64 = arith.addf %mul3A_59, %add3A_63 : vector<2048x128xf32>
    %max3A = arith.constant 0.000000e+00 : f32
    %max3A_65 = vector.broadcast %max3A : f32 to vector<2048x128xf32>
    %max3A_66 = arith.maximumf %add3A_56, %max3A_65 : vector<2048x128xf32>
    %gt3A = arith.constant 0.00999999977 : f32
    %gt3A_67 = vector.broadcast %gt3A : f32 to vector<2048x128xf32>
    %gt3A_68 = arith.cmpf ogt, %max3A_66, %gt3A_67 : vector<2048x128xf32>
    %sub3A = arith.constant 0.00999999977 : f32
    %sub3A_69 = vector.broadcast %sub3A : f32 to vector<2048x128xf32>
    %sub3A_70 = arith.subf %max3A_66, %sub3A_69 : vector<2048x128xf32>
    %lt3A = arith.constant -0.00999999977 : f32
    %lt3A_71 = vector.broadcast %lt3A : f32 to vector<2048x128xf32>
    %lt3A_72 = arith.cmpf olt, %max3A_66, %lt3A_71 : vector<2048x128xf32>
    %add3A_73 = arith.constant 0.00999999977 : f32
    %add3A_74 = vector.broadcast %add3A_73 : f32 to vector<2048x128xf32>
    %add3A_75 = arith.addf %max3A_66, %add3A_74 : vector<2048x128xf32>
    %jit3A = arith.constant 0.000000e+00 : f32
    %broadcast_in_dim3A_76 = vector.broadcast %jit3A : f32 to vector<2048x128xf32>
    %select_n3A = arith.select %lt3A_72, %add3A_75, %broadcast_in_dim3A_76 : vector<2048x128xi1>, vector<2048x128xf32>
    %select_n3A_77 = arith.select %gt3A_68, %sub3A_70, %select_n3A : vector<2048x128xi1>, vector<2048x128xf32>
    %max3A_78 = arith.constant 0.000000e+00 : f32
    %max3A_79 = vector.broadcast %max3A_78 : f32 to vector<2048x128xf32>
    %max3A_80 = arith.maximumf %add3A_64, %max3A_79 : vector<2048x128xf32>
    %gt3A_81 = arith.constant 0.00999999977 : f32
    %gt3A_82 = vector.broadcast %gt3A_81 : f32 to vector<2048x128xf32>
    %gt3A_83 = arith.cmpf ogt, %max3A_80, %gt3A_82 : vector<2048x128xf32>
    %sub3A_84 = arith.constant 0.00999999977 : f32
    %sub3A_85 = vector.broadcast %sub3A_84 : f32 to vector<2048x128xf32>
    %sub3A_86 = arith.subf %max3A_80, %sub3A_85 : vector<2048x128xf32>
    %lt3A_87 = arith.constant -0.00999999977 : f32
    %lt3A_88 = vector.broadcast %lt3A_87 : f32 to vector<2048x128xf32>
    %lt3A_89 = arith.cmpf olt, %max3A_80, %lt3A_88 : vector<2048x128xf32>
    %add3A_90 = arith.constant 0.00999999977 : f32
    %add3A_91 = vector.broadcast %add3A_90 : f32 to vector<2048x128xf32>
    %add3A_92 = arith.addf %max3A_80, %add3A_91 : vector<2048x128xf32>
    %jit3A_93 = arith.constant 0.000000e+00 : f32
    %broadcast_in_dim3A_94 = vector.broadcast %jit3A_93 : f32 to vector<2048x128xf32>
    %select_n3A_95 = arith.select %lt3A_89, %add3A_92, %broadcast_in_dim3A_94 : vector<2048x128xi1>, vector<2048x128xf32>
    %select_n3A_96 = arith.select %gt3A_83, %sub3A_86, %select_n3A_95 : vector<2048x128xi1>, vector<2048x128xf32>
    %get3A_97 = arith.constant 1 : index
    %get3A_98 = arith.constant 0 : index
    %get3A_99 = vector.load %arg11[%get3A_97, %get3A_98] : memref<3x1xf32, #tpu.memory_space<vmem>>, vector<1x1xf32>
    %mul3A_100 = arith.mulf %get3A_99, %mul3A_37 : vector<1x1xf32>
    %get3A_101 = arith.constant 1 : index
    %get3A_102 = arith.constant 0 : index
    %get3A_103 = vector.load %arg12[%get3A_101, %get3A_102] : memref<3x1xf32, #tpu.memory_space<vmem>>, vector<1x1xf32>
    %mul3A_104 = arith.mulf %get3A_103, %mul3A_37 : vector<1x1xf32>
    %ge3A_105 = vector.broadcast %mul3A_100 : vector<1x1xf32> to vector<2048x1xf32>
    %ge3A_106 = arith.cmpf oge, %mul3A_22, %ge3A_105 : vector<2048x1xf32>
    %le3A_107 = vector.broadcast %mul3A_104 : vector<1x1xf32> to vector<2048x1xf32>
    %le3A_108 = arith.cmpf ole, %mul3A_22, %le3A_107 : vector<2048x1xf32>
    %and3A_109 = arith.andi %ge3A_106, %le3A_108 : vector<2048x1xi1>
    %convert_element_type3A_110 = arith.extui %and3A_109 : vector<2048x1xi1> to vector<2048x1xi32>
    %convert_element_type3A_111 = arith.sitofp %convert_element_type3A_110 : vector<2048x1xi32> to vector<2048x1xf32>
    %slice3A_112 = vector.extract_strided_slice %dot_general3A_12 {offsets = [0, 128], sizes = [2048, 128], strides = [1, 1]} : vector<2048x384xf32> to vector<2048x128xf32>
    %mul3A_113 = vector.broadcast %convert_element_type3A_111 : vector<2048x1xf32> to vector<2048x128xf32>
    %mul3A_114 = arith.mulf %mul3A_113, %slice3A_112 : vector<2048x128xf32>
    %get3A_115 = arith.constant 1 : index
    %get3A_116 = arith.constant 0 : index
    %get3A_117 = vector.load %arg9[%get3A_115, %get3A_116] : memref<3x128xf32, #tpu.memory_space<vmem>>, vector<1x128xf32>
    %add3A_118 = vector.broadcast %get3A_117 : vector<1x128xf32> to vector<2048x128xf32>
    %add3A_119 = arith.addf %mul3A_114, %add3A_118 : vector<2048x128xf32>
    %slice3A_120 = vector.extract_strided_slice %dot_general3A_18 {offsets = [0, 128], sizes = [2048, 128], strides = [1, 1]} : vector<2048x384xf32> to vector<2048x128xf32>
    %mul3A_121 = vector.broadcast %convert_element_type3A_111 : vector<2048x1xf32> to vector<2048x128xf32>
    %mul3A_122 = arith.mulf %mul3A_121, %slice3A_120 : vector<2048x128xf32>
    %get3A_123 = arith.constant 1 : index
    %get3A_124 = arith.constant 0 : index
    %get3A_125 = vector.load %arg10[%get3A_123, %get3A_124] : memref<3x128xf32, #tpu.memory_space<vmem>>, vector<1x128xf32>
    %add3A_126 = vector.broadcast %get3A_125 : vector<1x128xf32> to vector<2048x128xf32>
    %add3A_127 = arith.addf %mul3A_122, %add3A_126 : vector<2048x128xf32>
    %max3A_128 = arith.constant 0.000000e+00 : f32
    %max3A_129 = vector.broadcast %max3A_128 : f32 to vector<2048x128xf32>
    %max3A_130 = arith.maximumf %add3A_119, %max3A_129 : vector<2048x128xf32>
    %gt3A_131 = arith.constant 0.00999999977 : f32
    %gt3A_132 = vector.broadcast %gt3A_131 : f32 to vector<2048x128xf32>
    %gt3A_133 = arith.cmpf ogt, %max3A_130, %gt3A_132 : vector<2048x128xf32>
    %sub3A_134 = arith.constant 0.00999999977 : f32
    %sub3A_135 = vector.broadcast %sub3A_134 : f32 to vector<2048x128xf32>
    %sub3A_136 = arith.subf %max3A_130, %sub3A_135 : vector<2048x128xf32>
    %lt3A_137 = arith.constant -0.00999999977 : f32
    %lt3A_138 = vector.broadcast %lt3A_137 : f32 to vector<2048x128xf32>
    %lt3A_139 = arith.cmpf olt, %max3A_130, %lt3A_138 : vector<2048x128xf32>
    %add3A_140 = arith.constant 0.00999999977 : f32
    %add3A_141 = vector.broadcast %add3A_140 : f32 to vector<2048x128xf32>
    %add3A_142 = arith.addf %max3A_130, %add3A_141 : vector<2048x128xf32>
    %jit3A_143 = arith.constant 0.000000e+00 : f32
    %broadcast_in_dim3A_144 = vector.broadcast %jit3A_143 : f32 to vector<2048x128xf32>
    %select_n3A_145 = arith.select %lt3A_139, %add3A_142, %broadcast_in_dim3A_144 : vector<2048x128xi1>, vector<2048x128xf32>
    %select_n3A_146 = arith.select %gt3A_133, %sub3A_136, %select_n3A_145 : vector<2048x128xi1>, vector<2048x128xf32>
    %max3A_147 = arith.constant 0.000000e+00 : f32
    %max3A_148 = vector.broadcast %max3A_147 : f32 to vector<2048x128xf32>
    %max3A_149 = arith.maximumf %add3A_127, %max3A_148 : vector<2048x128xf32>
    %gt3A_150 = arith.constant 0.00999999977 : f32
    %gt3A_151 = vector.broadcast %gt3A_150 : f32 to vector<2048x128xf32>
    %gt3A_152 = arith.cmpf ogt, %max3A_149, %gt3A_151 : vector<2048x128xf32>
    %sub3A_153 = arith.constant 0.00999999977 : f32
    %sub3A_154 = vector.broadcast %sub3A_153 : f32 to vector<2048x128xf32>
    %sub3A_155 = arith.subf %max3A_149, %sub3A_154 : vector<2048x128xf32>
    %lt3A_156 = arith.constant -0.00999999977 : f32
    %lt3A_157 = vector.broadcast %lt3A_156 : f32 to vector<2048x128xf32>
    %lt3A_158 = arith.cmpf olt, %max3A_149, %lt3A_157 : vector<2048x128xf32>
    %add3A_159 = arith.constant 0.00999999977 : f32
    %add3A_160 = vector.broadcast %add3A_159 : f32 to vector<2048x128xf32>
    %add3A_161 = arith.addf %max3A_149, %add3A_160 : vector<2048x128xf32>
    %jit3A_162 = arith.constant 0.000000e+00 : f32
    %broadcast_in_dim3A_163 = vector.broadcast %jit3A_162 : f32 to vector<2048x128xf32>
    %select_n3A_164 = arith.select %lt3A_158, %add3A_161, %broadcast_in_dim3A_163 : vector<2048x128xi1>, vector<2048x128xf32>
    %select_n3A_165 = arith.select %gt3A_152, %sub3A_155, %select_n3A_164 : vector<2048x128xi1>, vector<2048x128xf32>
    %get3A_166 = arith.constant 2 : index
    %get3A_167 = arith.constant 0 : index
    %get3A_168 = vector.load %arg11[%get3A_166, %get3A_167] : memref<3x1xf32, #tpu.memory_space<vmem>>, vector<1x1xf32>
    %mul3A_169 = arith.mulf %get3A_168, %mul3A_37 : vector<1x1xf32>
    %get3A_170 = arith.constant 2 : index
    %get3A_171 = arith.constant 0 : index
    %get3A_172 = vector.load %arg12[%get3A_170, %get3A_171] : memref<3x1xf32, #tpu.memory_space<vmem>>, vector<1x1xf32>
    %mul3A_173 = arith.mulf %get3A_172, %mul3A_37 : vector<1x1xf32>
    %ge3A_174 = vector.broadcast %mul3A_169 : vector<1x1xf32> to vector<2048x1xf32>
    %ge3A_175 = arith.cmpf oge, %mul3A_22, %ge3A_174 : vector<2048x1xf32>
    %le3A_176 = vector.broadcast %mul3A_173 : vector<1x1xf32> to vector<2048x1xf32>
    %le3A_177 = arith.cmpf ole, %mul3A_22, %le3A_176 : vector<2048x1xf32>
    %and3A_178 = arith.andi %ge3A_175, %le3A_177 : vector<2048x1xi1>
    %convert_element_type3A_179 = arith.extui %and3A_178 : vector<2048x1xi1> to vector<2048x1xi32>
    %convert_element_type3A_180 = arith.sitofp %convert_element_type3A_179 : vector<2048x1xi32> to vector<2048x1xf32>
    %slice3A_181 = vector.extract_strided_slice %dot_general3A_12 {offsets = [0, 256], sizes = [2048, 128], strides = [1, 1]} : vector<2048x384xf32> to vector<2048x128xf32>
    %mul3A_182 = vector.broadcast %convert_element_type3A_180 : vector<2048x1xf32> to vector<2048x128xf32>
    %mul3A_183 = arith.mulf %mul3A_182, %slice3A_181 : vector<2048x128xf32>
    %get3A_184 = arith.constant 2 : index
    %get3A_185 = arith.constant 0 : index
    %get3A_186 = vector.load %arg9[%get3A_184, %get3A_185] : memref<3x128xf32, #tpu.memory_space<vmem>>, vector<1x128xf32>
    %add3A_187 = vector.broadcast %get3A_186 : vector<1x128xf32> to vector<2048x128xf32>
    %add3A_188 = arith.addf %mul3A_183, %add3A_187 : vector<2048x128xf32>
    %slice3A_189 = vector.extract_strided_slice %dot_general3A_18 {offsets = [0, 256], sizes = [2048, 128], strides = [1, 1]} : vector<2048x384xf32> to vector<2048x128xf32>
    %mul3A_190 = vector.broadcast %convert_element_type3A_180 : vector<2048x1xf32> to vector<2048x128xf32>
    %mul3A_191 = arith.mulf %mul3A_190, %slice3A_189 : vector<2048x128xf32>
    %get3A_192 = arith.constant 2 : index
    %get3A_193 = arith.constant 0 : index
    %get3A_194 = vector.load %arg10[%get3A_192, %get3A_193] : memref<3x128xf32, #tpu.memory_space<vmem>>, vector<1x128xf32>
    %add3A_195 = vector.broadcast %get3A_194 : vector<1x128xf32> to vector<2048x128xf32>
    %add3A_196 = arith.addf %mul3A_191, %add3A_195 : vector<2048x128xf32>
    %max3A_197 = arith.constant 0.000000e+00 : f32
    %max3A_198 = vector.broadcast %max3A_197 : f32 to vector<2048x128xf32>
    %max3A_199 = arith.maximumf %add3A_188, %max3A_198 : vector<2048x128xf32>
    %gt3A_200 = arith.constant 0.00999999977 : f32
    %gt3A_201 = vector.broadcast %gt3A_200 : f32 to vector<2048x128xf32>
    %gt3A_202 = arith.cmpf ogt, %max3A_199, %gt3A_201 : vector<2048x128xf32>
    %sub3A_203 = arith.constant 0.00999999977 : f32
    %sub3A_204 = vector.broadcast %sub3A_203 : f32 to vector<2048x128xf32>
    %sub3A_205 = arith.subf %max3A_199, %sub3A_204 : vector<2048x128xf32>
    %lt3A_206 = arith.constant -0.00999999977 : f32
    %lt3A_207 = vector.broadcast %lt3A_206 : f32 to vector<2048x128xf32>
    %lt3A_208 = arith.cmpf olt, %max3A_199, %lt3A_207 : vector<2048x128xf32>
    %add3A_209 = arith.constant 0.00999999977 : f32
    %add3A_210 = vector.broadcast %add3A_209 : f32 to vector<2048x128xf32>
    %add3A_211 = arith.addf %max3A_199, %add3A_210 : vector<2048x128xf32>
    %jit3A_212 = arith.constant 0.000000e+00 : f32
    %broadcast_in_dim3A_213 = vector.broadcast %jit3A_212 : f32 to vector<2048x128xf32>
    %select_n3A_214 = arith.select %lt3A_208, %add3A_211, %broadcast_in_dim3A_213 : vector<2048x128xi1>, vector<2048x128xf32>
    %select_n3A_215 = arith.select %gt3A_202, %sub3A_205, %select_n3A_214 : vector<2048x128xi1>, vector<2048x128xf32>
    %max3A_216 = arith.constant 0.000000e+00 : f32
    %max3A_217 = vector.broadcast %max3A_216 : f32 to vector<2048x128xf32>
    %max3A_218 = arith.maximumf %add3A_196, %max3A_217 : vector<2048x128xf32>
    %gt3A_219 = arith.constant 0.00999999977 : f32
    %gt3A_220 = vector.broadcast %gt3A_219 : f32 to vector<2048x128xf32>
    %gt3A_221 = arith.cmpf ogt, %max3A_218, %gt3A_220 : vector<2048x128xf32>
    %sub3A_222 = arith.constant 0.00999999977 : f32
    %sub3A_223 = vector.broadcast %sub3A_222 : f32 to vector<2048x128xf32>
    %sub3A_224 = arith.subf %max3A_218, %sub3A_223 : vector<2048x128xf32>
    %lt3A_225 = arith.constant -0.00999999977 : f32
    %lt3A_226 = vector.broadcast %lt3A_225 : f32 to vector<2048x128xf32>
    %lt3A_227 = arith.cmpf olt, %max3A_218, %lt3A_226 : vector<2048x128xf32>
    %add3A_228 = arith.constant 0.00999999977 : f32
    %add3A_229 = vector.broadcast %add3A_228 : f32 to vector<2048x128xf32>
    %add3A_230 = arith.addf %max3A_218, %add3A_229 : vector<2048x128xf32>
    %jit3A_231 = arith.constant 0.000000e+00 : f32
    %broadcast_in_dim3A_232 = vector.broadcast %jit3A_231 : f32 to vector<2048x128xf32>
    %select_n3A_233 = arith.select %lt3A_227, %add3A_230, %broadcast_in_dim3A_232 : vector<2048x128xi1>, vector<2048x128xf32>
    %select_n3A_234 = arith.select %gt3A_221, %sub3A_224, %select_n3A_233 : vector<2048x128xi1>, vector<2048x128xf32>
    %concatenate3A_235 = tpu.concatenate %select_n3A_77, %select_n3A_146, %select_n3A_215 in 1 : vector<2048x128xf32>, vector<2048x128xf32>, vector<2048x128xf32> -> vector<2048x384xf32>
    %convert_element_type3A_236 = arith.truncf %concatenate3A_235 : vector<2048x384xf32> to vector<2048x384xbf16>
    %concatenate3A_237 = tpu.concatenate %select_n3A_96, %select_n3A_165, %select_n3A_234 in 1 : vector<2048x128xf32>, vector<2048x128xf32>, vector<2048x128xf32> -> vector<2048x384xf32>
    %convert_element_type3A_238 = arith.truncf %concatenate3A_237 : vector<2048x384xf32> to vector<2048x384xbf16>
    %get3A_239 = arith.constant 0 : index
    %get3A_240 = arith.constant 0 : index
    %get3A_241 = vector.load %arg6[%get3A_239, %get3A_240] : memref<384x128xf32, #tpu.memory_space<vmem>>, vector<384x128xf32>
    %convert_element_type3A_242 = arith.truncf %get3A_241 : vector<384x128xf32> to vector<384x128xbf16>
    %dot_general3A_243 = arith.constant dense<0.000000e+00> : vector<2048x128xf32>
    %dot_general3A_244 = tpu.matmul %convert_element_type3A_236, %convert_element_type3A_242, %dot_general3A_243 {dimension_numbers = #tpu.dot_dimension_numbers<[1], [0], [0], [1], [0, 0, 1, 1], [], []>, transpose_lhs_hint = false} : vector<2048x384xbf16>, vector<384x128xbf16>, vector<2048x128xf32> -> vector<2048x128xf32>
    %get3A_245 = arith.constant 0 : index
    %get3A_246 = arith.constant 0 : index
    %get3A_247 = vector.load %arg7[%get3A_245, %get3A_246] : memref<384x128xf32, #tpu.memory_space<vmem>>, vector<384x128xf32>
    %convert_element_type3A_248 = arith.truncf %get3A_247 : vector<384x128xf32> to vector<384x128xbf16>
    %dot_general3A_249 = arith.constant dense<0.000000e+00> : vector<2048x128xf32>
    %dot_general3A_250 = tpu.matmul %convert_element_type3A_238, %convert_element_type3A_248, %dot_general3A_249 {dimension_numbers = #tpu.dot_dimension_numbers<[1], [0], [0], [1], [0, 0, 1, 1], [], []>, transpose_lhs_hint = false} : vector<2048x384xbf16>, vector<384x128xbf16>, vector<2048x128xf32> -> vector<2048x128xf32>
    %add3A_251 = arith.addf %dot_general3A_244, %dot_general3A_250 : vector<2048x128xf32>
    %get3A_252 = arith.constant 0 : index
    %get3A_253 = arith.constant 0 : index
    %get3A_254 = vector.load %arg8[%get3A_252, %get3A_253] : memref<1x128xf32, #tpu.memory_space<vmem>>, vector<1x128xf32>
    %add3A_255 = vector.broadcast %get3A_254 : vector<1x128xf32> to vector<2048x128xf32>
    %add3A_256 = arith.addf %add3A_251, %add3A_255 : vector<2048x128xf32>
    %add3A_257 = arith.constant 0 : i32
    %add3A_258 = arith.addi %add3A_257, %arg0 : i32
    %mul3A_259 = arith.constant 2048 : i32
    %mul3A_260 = arith.muli %add3A_258, %mul3A_259 : i32
    %iota3A = tpu.iota {dimensions = array<i32: 0>} : vector<2048x1xi32>
    %add3A_261 = vector.broadcast %mul3A_260 : i32 to vector<2048x1xi32>
    %add3A_262 = arith.addi %add3A_261, %iota3A : vector<2048x1xi32>
    %lt3A_263 = arith.constant 160000 : i32
    %lt3A_264 = vector.broadcast %lt3A_263 : i32 to vector<2048x1xi32>
    %lt3A_265 = arith.cmpi slt, %add3A_262, %lt3A_264 : vector<2048x1xi32>
    %jit3A_266 = arith.constant 0.000000e+00 : f32
    %broadcast_in_dim3A_267 = vector.shape_cast %lt3A_265 : vector<2048x1xi1> to vector<2048x1xi1>
    %broadcast_in_dim3A_268 = vector.broadcast %broadcast_in_dim3A_267 : vector<2048x1xi1> to vector<2048x128xi1>
    %broadcast_in_dim3A_269 = vector.broadcast %jit3A_266 : f32 to vector<2048x128xf32>
    %select_n3A_270 = arith.select %broadcast_in_dim3A_268, %add3A_256, %broadcast_in_dim3A_269 : vector<2048x128xi1>, vector<2048x128xf32>
    %swap3A = arith.constant 0 : index
    %swap3A_271 = arith.constant 0 : index
    %swap3A_272 = vector.load %arg15[%swap3A, %swap3A_271] : memref<2048x128xf32, #tpu.memory_space<vmem>>, vector<2048x128xf32>
    tpu.vector_store %arg15[%swap3A, %swap3A_271], %select_n3A_270 {strides = array<i32>} : memref<2048x128xf32, #tpu.memory_space<vmem>>, vector<2048x128xf32>,
    return
  }
  func.func @transform_0(%arg0: i32) -> (i32, i32) {
    %c0_i32 = arith.constant 0 : i32
    %c0_i32_0 = arith.constant 0 : i32
    return %arg0, %c0_i32 : i32, i32
  }
  func.func @transform_1(%arg0: i32) -> (i32, i32) {
    %add3A = arith.constant 0 : i32
    %add3A_0 = arith.addi %arg0, %add3A : i32
    %min3A = arith.constant 78 : i32
    %min3A_1 = arith.minsi %add3A_0, %min3A : i32
    %c0_i32 = arith.constant 0 : i32
    %c0_i32_2 = arith.constant 0 : i32
    return %min3A_1, %c0_i32 : i32, i32
  }
  func.func @transform_2(%arg0: i32) -> (i32, i32) {
    %add3A = arith.constant 0 : i32
    %add3A_0 = arith.addi %arg0, %add3A : i32
    %min3A = arith.constant 78 : i32
    %min3A_1 = arith.minsi %add3A_0, %min3A : i32
    %c0_i32 = arith.constant 0 : i32
    %c0_i32_2 = arith.constant 0 : i32
    return %min3A_1, %c0_i32 : i32, i32
  }
  func.func @transform_3(%arg0: i32) -> (i32, i32) {
    %c0_i32 = arith.constant 0 : i32
    %c0_i32_0 = arith.constant 0 : i32
    %c0_i32_1 = arith.constant 0 : i32
    return %c0_i32, %c0_i32_0 : i32, i32
  }
  func.func @transform_4(%arg0: i32) -> (i32, i32) {
    %c0_i32 = arith.constant 0 : i32
    %c0_i32_0 = arith.constant 0 : i32
    %c0_i32_1 = arith.constant 0 : i32
    return %c0_i32, %c0_i32_0 : i32, i32
  }
  func.func @transform_5(%arg0: i32) -> (i32, i32) {
    %c0_i32 = arith.constant 0 : i32
    %c0_i32_0 = arith.constant 0 : i32
    %c0_i32_1 = arith.constant 0 : i32
    return %c0_i32, %c0_i32_0 : i32, i32
  }
  func.func @transform_6(%arg0: i32) -> (i32, i32) {
    %c0_i32 = arith.constant 0 : i32
    %c0_i32_0 = arith.constant 0 : i32
    %c0_i32_1 = arith.constant 0 : i32
    return %c0_i32, %c0_i32_0 : i32, i32
  }
  func.func @transform_7(%arg0: i32) -> (i32, i32) {
    %c0_i32 = arith.constant 0 : i32
    %c0_i32_0 = arith.constant 0 : i32
    %c0_i32_1 = arith.constant 0 : i32
    return %c0_i32, %c0_i32_0 : i32, i32
  }
  func.func @transform_8(%arg0: i32) -> (i32, i32) {
    %c0_i32 = arith.constant 0 : i32
    %c0_i32_0 = arith.constant 0 : i32
    %c0_i32_1 = arith.constant 0 : i32
    return %c0_i32, %c0_i32_0 : i32, i32
  }
  func.func @transform_9(%arg0: i32) -> (i32, i32) {
    %c0_i32 = arith.constant 0 : i32
    %c0_i32_0 = arith.constant 0 : i32
    %c0_i32_1 = arith.constant 0 : i32
    return %c0_i32, %c0_i32_0 : i32, i32
  }
  func.func @transform_10(%arg0: i32) -> (i32, i32) {
    %c0_i32 = arith.constant 0 : i32
    %c0_i32_0 = arith.constant 0 : i32
    %c0_i32_1 = arith.constant 0 : i32
    return %c0_i32, %c0_i32_0 : i32, i32
  }
  func.func @transform_11(%arg0: i32) -> (i32, i32) {
    %c0_i32 = arith.constant 0 : i32
    %c0_i32_0 = arith.constant 0 : i32
    %c0_i32_1 = arith.constant 0 : i32
    return %c0_i32, %c0_i32_0 : i32, i32
  }
  func.func @transform_12(%arg0: i32) -> (i32, i32) {
    %c0_i32 = arith.constant 0 : i32
    %c0_i32_0 = arith.constant 0 : i32
    %c0_i32_1 = arith.constant 0 : i32
    return %c0_i32, %c0_i32_0 : i32, i32
  }
  func.func @transform_13(%arg0: i32) -> (i32, i32) {
    %c0_i32 = arith.constant 0 : i32
    %c0_i32_0 = arith.constant 0 : i32
    %c0_i32_1 = arith.constant 0 : i32
    return %c0_i32, %c0_i32_0 : i32, i32
  }
  func.func @transform_14(%arg0: i32) -> (i32, i32) {
    %c0_i32 = arith.constant 0 : i32
    %c0_i32_0 = arith.constant 0 : i32
    return %arg0, %c0_i32 : i32, i32
  }
}

module attributes {stable_mosaic.version = 14 : i64} {
  func.func @_final_body(%arg0: i32, %arg1: memref<2x2000x128xf32, #tpu.memory_space<vmem>>, %arg2: memref<2x2000x128xf32, #tpu.memory_space<vmem>>, %arg3: memref<2000x128xf32, #tpu.memory_space<vmem>>, %arg4: memref<128x128xf32, #tpu.memory_space<vmem>>, %arg5: memref<1x128xf32, #tpu.memory_space<vmem>>, %arg6: memref<1x128xf32, #tpu.memory_space<vmem>>, %arg7: memref<1x128xf32, #tpu.memory_space<vmem>>, %arg8: memref<2000x128xf32, #tpu.memory_space<vmem>>) attributes {dimension_semantics = [#tpu.dimension_semantics<arbitrary>], iteration_bounds = array<i64: 5>, scalar_prefetch = 0 : i64, scratch_operands = 0 : i64, tpu.core_type = #tpu.core_type<tc>, window_params = [{transform_indices = @transform_0, window_bounds = array<i64: 2, 2000, 128>}, {transform_indices = @transform_1, window_bounds = array<i64: 2, 2000, 128>}, {transform_indices = @transform_2, window_bounds = array<i64: 2000, 128>}, {pipeline_mode = #tpu.pipeline_mode<synchronous>, transform_indices = @transform_3, window_bounds = array<i64: 128, 128>}, {pipeline_mode = #tpu.pipeline_mode<synchronous>, transform_indices = @transform_4, window_bounds = array<i64: 1, 128>}, {pipeline_mode = #tpu.pipeline_mode<synchronous>, transform_indices = @transform_5, window_bounds = array<i64: 1, 128>}, {pipeline_mode = #tpu.pipeline_mode<synchronous>, transform_indices = @transform_6, window_bounds = array<i64: 1, 128>}, {transform_indices = @transform_7, window_bounds = array<i64: 2000, 128>}]} {
    %get3A = arith.constant 0 : index
    %get3A_0 = arith.constant 0 : index
    %get3A_1 = arith.constant 0 : index
    %get3A_2 = vector.load %arg1[%get3A, %get3A_0, %get3A_1] : memref<2x2000x128xf32, #tpu.memory_space<vmem>>, vector<1x2000x128xf32>
    %get3A_3 = vector.shape_cast %get3A_2 : vector<1x2000x128xf32> to vector<2000x128xf32>
    %get3A_4 = arith.constant 1 : index
    %get3A_5 = arith.constant 0 : index
    %get3A_6 = arith.constant 0 : index
    %get3A_7 = vector.load %arg1[%get3A_4, %get3A_5, %get3A_6] : memref<2x2000x128xf32, #tpu.memory_space<vmem>>, vector<1x2000x128xf32>
    %get3A_8 = vector.shape_cast %get3A_7 : vector<1x2000x128xf32> to vector<2000x128xf32>
    %add3A = arith.addf %get3A_3, %get3A_8 : vector<2000x128xf32>
    %get3A_9 = arith.constant 0 : index
    %get3A_10 = arith.constant 0 : index
    %get3A_11 = arith.constant 0 : index
    %get3A_12 = vector.load %arg2[%get3A_9, %get3A_10, %get3A_11] : memref<2x2000x128xf32, #tpu.memory_space<vmem>>, vector<1x2000x128xf32>
    %get3A_13 = vector.shape_cast %get3A_12 : vector<1x2000x128xf32> to vector<2000x128xf32>
    %add3A_14 = arith.addf %add3A, %get3A_13 : vector<2000x128xf32>
    %get3A_15 = arith.constant 1 : index
    %get3A_16 = arith.constant 0 : index
    %get3A_17 = arith.constant 0 : index
    %get3A_18 = vector.load %arg2[%get3A_15, %get3A_16, %get3A_17] : memref<2x2000x128xf32, #tpu.memory_space<vmem>>, vector<1x2000x128xf32>
    %get3A_19 = vector.shape_cast %get3A_18 : vector<1x2000x128xf32> to vector<2000x128xf32>
    %add3A_20 = arith.addf %add3A_14, %get3A_19 : vector<2000x128xf32>
    %get3A_21 = arith.constant 0 : index
    %get3A_22 = arith.constant 0 : index
    %get3A_23 = vector.load %arg3[%get3A_21, %get3A_22] : memref<2000x128xf32, #tpu.memory_space<vmem>>, vector<2000x128xf32>
    %add3A_24 = arith.addf %add3A_20, %get3A_23 : vector<2000x128xf32>
    %get3A_25 = arith.constant 0 : index
    %get3A_26 = arith.constant 0 : index
    %get3A_27 = vector.load %arg4[%get3A_25, %get3A_26] : memref<128x128xf32, #tpu.memory_space<vmem>>, vector<128x128xf32>
    %dot_general3A = arith.constant dense<0.000000e+00> : vector<2000x128xf32>
    %dot_general3A_28 = tpu.matmul %add3A_24, %get3A_27, %dot_general3A {dimension_numbers = #tpu.dot_dimension_numbers<[1], [0], [0], [1], [0, 0, 1, 1], [], []>, transpose_lhs_hint = false} : vector<2000x128xf32>, vector<128x128xf32>, vector<2000x128xf32> -> vector<2000x128xf32>
    %get3A_29 = arith.constant 0 : index
    %get3A_30 = arith.constant 0 : index
    %get3A_31 = vector.load %arg5[%get3A_29, %get3A_30] : memref<1x128xf32, #tpu.memory_space<vmem>>, vector<1x128xf32>
    %add3A_32 = vector.broadcast %get3A_31 : vector<1x128xf32> to vector<2000x128xf32>
    %add3A_33 = arith.addf %dot_general3A_28, %add3A_32 : vector<2000x128xf32>
    %reduce_sum3A = arith.constant dense<0.000000e+00> : vector<2000xf32>
    %reduce_sum3A_34 = vector.multi_reduction <add>, %add3A_33, %reduce_sum3A [1] : vector<2000x128xf32> to vector<2000xf32>
    %broadcast_in_dim3A = vector.shape_cast %reduce_sum3A_34 : vector<2000xf32> to vector<2000x1xf32>
    %div3A = arith.constant 1.280000e+02 : f32
    %div3A_35 = vector.broadcast %div3A : f32 to vector<2000x1xf32>
    %div3A_36 = arith.divf %broadcast_in_dim3A, %div3A_35 : vector<2000x1xf32>
    %sub3A = vector.broadcast %div3A_36 : vector<2000x1xf32> to vector<2000x128xf32>
    %sub3A_37 = arith.subf %add3A_33, %sub3A : vector<2000x128xf32>
    %mul3A = arith.mulf %sub3A_37, %sub3A_37 : vector<2000x128xf32>
    %reduce_sum3A_38 = arith.constant dense<0.000000e+00> : vector<2000xf32>
    %reduce_sum3A_39 = vector.multi_reduction <add>, %mul3A, %reduce_sum3A_38 [1] : vector<2000x128xf32> to vector<2000xf32>
    %broadcast_in_dim3A_40 = vector.shape_cast %reduce_sum3A_39 : vector<2000xf32> to vector<2000x1xf32>
    %div3A_41 = arith.constant 1.280000e+02 : f32
    %div3A_42 = vector.broadcast %div3A_41 : f32 to vector<2000x1xf32>
    %div3A_43 = arith.divf %broadcast_in_dim3A_40, %div3A_42 : vector<2000x1xf32>
    %add3A_44 = arith.constant 9.99999974E-6 : f32
    %add3A_45 = vector.broadcast %add3A_44 : f32 to vector<2000x1xf32>
    %add3A_46 = arith.addf %div3A_43, %add3A_45 : vector<2000x1xf32>
    %rsqrt3A = math.rsqrt %add3A_46 : vector<2000x1xf32>
    %mul3A_47 = vector.broadcast %rsqrt3A : vector<2000x1xf32> to vector<2000x128xf32>
    %mul3A_48 = arith.mulf %sub3A_37, %mul3A_47 : vector<2000x128xf32>
    %get3A_49 = arith.constant 0 : index
    %get3A_50 = arith.constant 0 : index
    %get3A_51 = vector.load %arg6[%get3A_49, %get3A_50] : memref<1x128xf32, #tpu.memory_space<vmem>>, vector<1x128xf32>
    %mul3A_52 = vector.broadcast %get3A_51 : vector<1x128xf32> to vector<2000x128xf32>
    %mul3A_53 = arith.mulf %mul3A_48, %mul3A_52 : vector<2000x128xf32>
    %get3A_54 = arith.constant 0 : index
    %get3A_55 = arith.constant 0 : index
    %get3A_56 = vector.load %arg7[%get3A_54, %get3A_55] : memref<1x128xf32, #tpu.memory_space<vmem>>, vector<1x128xf32>
    %add3A_57 = vector.broadcast %get3A_56 : vector<1x128xf32> to vector<2000x128xf32>
    %add3A_58 = arith.addf %mul3A_53, %add3A_57 : vector<2000x128xf32>
    %max3A = arith.constant 0.000000e+00 : f32
    %max3A_59 = vector.broadcast %max3A : f32 to vector<2000x128xf32>
    %max3A_60 = arith.maximumf %add3A_58, %max3A_59 : vector<2000x128xf32>
    %swap3A = arith.constant 0 : index
    %swap3A_61 = arith.constant 0 : index
    %swap3A_62 = vector.load %arg8[%swap3A, %swap3A_61] : memref<2000x128xf32, #tpu.memory_space<vmem>>, vector<2000x128xf32>
    tpu.vector_store %arg8[%swap3A, %swap3A_61], %max3A_60 {strides = array<i32>} : memref<2000x128xf32, #tpu.memory_space<vmem>>, vector<2000x128xf32>,
    return
  }
  func.func @transform_0(%arg0: i32) -> (i32, i32, i32) {
    %c0_i32 = arith.constant 0 : i32
    %c0_i32_0 = arith.constant 0 : i32
    %c0_i32_1 = arith.constant 0 : i32
    return %c0_i32, %arg0, %c0_i32_0 : i32, i32, i32
  }
  func.func @transform_1(%arg0: i32) -> (i32, i32, i32) {
    %c0_i32 = arith.constant 0 : i32
    %c0_i32_0 = arith.constant 0 : i32
    %c0_i32_1 = arith.constant 0 : i32
    return %c0_i32, %arg0, %c0_i32_0 : i32, i32, i32
  }
  func.func @transform_2(%arg0: i32) -> (i32, i32) {
    %c0_i32 = arith.constant 0 : i32
    %c0_i32_0 = arith.constant 0 : i32
    return %arg0, %c0_i32 : i32, i32
  }
  func.func @transform_3(%arg0: i32) -> (i32, i32) {
    %c0_i32 = arith.constant 0 : i32
    %c0_i32_0 = arith.constant 0 : i32
    %c0_i32_1 = arith.constant 0 : i32
    return %c0_i32, %c0_i32_0 : i32, i32
  }
  func.func @transform_4(%arg0: i32) -> (i32, i32) {
    %c0_i32 = arith.constant 0 : i32
    %c0_i32_0 = arith.constant 0 : i32
    %c0_i32_1 = arith.constant 0 : i32
    return %c0_i32, %c0_i32_0 : i32, i32
  }
  func.func @transform_5(%arg0: i32) -> (i32, i32) {
    %c0_i32 = arith.constant 0 : i32
    %c0_i32_0 = arith.constant 0 : i32
    %c0_i32_1 = arith.constant 0 : i32
    return %c0_i32, %c0_i32_0 : i32, i32
  }
  func.func @transform_6(%arg0: i32) -> (i32, i32) {
    %c0_i32 = arith.constant 0 : i32
    %c0_i32_0 = arith.constant 0 : i32
    %c0_i32_1 = arith.constant 0 : i32
    return %c0_i32, %c0_i32_0 : i32, i32
  }
  func.func @transform_7(%arg0: i32) -> (i32, i32) {
    %c0_i32 = arith.constant 0 : i32
    %c0_i32_0 = arith.constant 0 : i32
    return %arg0, %c0_i32 : i32, i32
  }
}

</mosaic_0001>

<sc_bundles>
// kernel: kernel.13.cloned.1.call-start
scs
__scs_entry_jumppad:
0x0: {  	(pc) =	sbr.rel $0x88, $3  }
0x1: {  	(tag) =	ssettag $0x0;
	lr =	simm.s32 $0x1  }
0x2: {  	[smem:$0x3F8F] =	sst lr;
	_ =	strace $0xD0000000  }
0x3: {  	_ = 	snop  }
0x4: {  	_ = 	snop  }
0x5: {  	_ = 	snop  }
0x6: {  	_ = 	snop  }
0x7: {  	_ = 	snop  }
__scs_overlays_trampoline_lowered:
0x8: {  	[smem:$0x3F9E] =	sst s0  }
0x9: {  	[smem:$0x3F9F] =	sst s1  }
0xa: {  	[smem:$0x3FA0] =	sst s2  }
0xb: {  	[smem:$0x3FA1] =	sst s3  }
0xc: {  	[smem:$0x3FA2] =	sst s4  }
0xd: {  	[smem:$0x3FA3] =	sst s5  }
0xe: {  	[smem:$0x3FA4] =	sst s6  }
0xf: {  	[smem:$0x3FA5] =	sst s7  }
0x10: {  	[smem:$0x3FA6] =	sst s8  }
0x11: {  	[smem:$0x3FA7] =	sst s9;
	s0 =	simm.s32 @!p0 $0x0  }
0x12: {  	s1 =	sld [smem:$0x3F8D];
	s0 =	simm.s32 @p0 $0x1  }
0x13: {  	[smem:$0x3FA8] =	sst s0;
	s0 =	simm.s32 @!p1 $0x0  }
0x14: {  	s2 =	sld [smem:$0x3F8C];
	s0 =	simm.s32 @p1 $0x1  }
0x15: {  	[smem:$0x3FA9] =	sst s0;
	s0 =	simm.s32 @!p2 $0x0  }
0x16: {  	s3 =	sld [smem:$0x3FDB];
	s0 =	simm.s32 @p2 $0x1  }
0x17: {  	s4 =	simm.s32 $0x1BF5;
	[smem:$0x3FAB] =	sst s0  }
0x18: {  	s0 =	sld [smem:$0x3F8E];
	_ =	swait.ge [sflag:s4], $0x0  }
0x19: {  	s7 =	sld [smem:$0x3F8F]  }
0x1a: {  	s8 =	sadd.s32 $0xFFFFE003, lr  }
0x1b: {  	s9 =	sadd.s32 $0xFFFFFEF7, lr;
	s5 =	simm.s32 $0xFFFFFFFF;
	p2 =	slt.u32 s8, $0xFFFFF086  }
0x1c: {  	p1 =	slt.u32 s9, $0xF7A;
	s5 =	simm.s32 @!p2 $0x0  }
0x1d: {  	s5 =	simm.s32 @p1 $0x1;
	p0 =	seq.s32 s7, s2  }
0x1e: {  	s7 =	smul.u32 @!p0 $0xF7A, s2;
	p2 =	seq.s32 @!p0 s5, $0x0  }
0x1f: {  	s9 =	smul.u32 $0xF7A, s1;
	s8 =	simm.s32 @!p0 $0x1BF5;
	p2 =	por !p2, p0  }
0x20: {  	[sflag:s8] =	ssyncset.s32 @!p0 $0xFFFFF086;
	s6 =	sadd.s32 @!p0 s3, s7;
	s7 =	simm.s32 @!p0 $0x108  }
0x21: {  	s3 =	sadd.s32 s3, s9;
	s6 =	sadd.s32 @!p0 $0x88, s6;
	s7 =	simm.s32 @p2 $0x1082  }
0x22: {  	[simem:s7], [sflag:s8] =	dma.local @!p0 [hbm:s6], $0xF7A  }
0x23: {  	s9 =	sor.u32 $0xD0000000, s2;
	s6 =	simm.s32 $0x108;
	_ =	swait.ge @!p0 [sflag:s8], $0x0  }
0x24: {  	s3 =	sadd.s32 $0x88, s3;
	s6 =	simm.s32 @!p1 $0x1082;
	[sflag:s4] =	ssyncset.s32 $0xFFFFF086  }
0x25: {  	[simem:s6], [sflag:s4] =	dma.local [hbm:s3], $0xF7A  }
0x26: {  	[smem:$0x3F8F] =	sst s1;
	(tag) =	ssettag s2;
	_ =	strace s9  }
0x27: {  	s1 =	sld [smem:$0x3F9F]  }
0x28: {  	s2 =	sld [smem:$0x3FA0]  }
0x29: {  	s4 =	sld [smem:$0x3FA2]  }
0x2a: {  	p0 =	seq.s32 s5, $0x0;
	s5 =	sld [smem:$0x3FA3]  }
0x2b: {  	s6 =	sld [smem:$0x3FA4]  }
0x2c: {  	s7 =	sld [smem:$0x3FA5]  }
0x2d: {  	s3 =	simm.s32 $0x108;
	s8 =	sld [smem:$0x3FA6]  }
0x2e: {  	s3 =	simm.s32 @!p0 $0x1082;
	s9 =	sld [smem:$0x3FA7]  }
0x2f: {  	lr =	sadd.s32 s0, s3;
	s0 =	sld [smem:$0x3F9E]  }
0x30: {  	s3 =	sld [smem:$0x3FA1]  }
0x31: {  	[smem:$0x3FAA] =	sst s10  }
0x32: {  	s10 =	sld [smem:$0x3FA8];
	_ =	sdelay $0x3  }
0x33: {  	p0 =	seq.s32 s10, $0x1;
	s10 =	sld [smem:$0x3FAA];
	_ =	sdelay $0x3  }
0x34: {  	[smem:$0x3FAA] =	sst s10  }
0x35: {  	s10 =	sld [smem:$0x3FA9];
	_ =	sdelay $0x3  }
0x36: {  	p1 =	seq.s32 s10, $0x1;
	s10 =	sld [smem:$0x3FAA];
	_ =	sdelay $0x3  }
0x37: {  	[smem:$0x3FAA] =	sst s10  }
0x38: {  	s10 =	sld [smem:$0x3FAB]  }
0x39: {  	_ = 	snop;
	(pc) =	sbr.ind lr, $3  }
0x3a: {  	_ = 	snop  }
0x3b: {  	_ = 	snop  }
0x3c: {  	p2 =	seq.s32 s10, $0x1;
	s10 =	sld [smem:$0x3FAA]  }
0x3d: {  	_ =	shalt  }
0x3e: {  	_ =	shalt  }
0x3f: {  	_ =	shalt  }
0x40: {  	_ =	shalt  }
0x41: {  	_ =	shalt  }
0x42: {  	_ =	shalt  }
0x43: {  	_ =	shalt  }
0x44: {  	_ =	shalt  }
0x45: {  	_ =	shalt  }
0x46: {  	_ =	shalt  }
0x47: {  	_ =	shalt  }
0x48: {  	_ =	shalt  }
0x49: {  	_ =	shalt  }
0x4a: {  	_ =	shalt  }
0x4b: {  	_ =	shalt  }
0x4c: {  	_ =	shalt  }
0x4d: {  	_ =	shalt  }
0x4e: {  	_ =	shalt  }
0x4f: {  	_ =	shalt  }
0x50: {  	_ =	shalt  }
0x51: {  	_ =	shalt  }
0x52: {  	_ =	shalt  }
0x53: {  	_ =	shalt  }
0x54: {  	_ =	shalt  }
0x55: {  	_ =	shalt  }
0x56: {  	_ =	shalt  }
0x57: {  	_ =	shalt  }
0x58: {  	_ =	shalt  }
0x59: {  	_ =	shalt  }
0x5a: {  	_ =	shalt  }
0x5b: {  	_ =	shalt  }
0x5c: {  	_ =	shalt  }
0x5d: {  	_ =	shalt  }
0x5e: {  	_ =	shalt  }
0x5f: {  	_ =	shalt  }
0x60: {  	_ =	shalt  }
0x61: {  	_ =	shalt  }
0x62: {  	_ =	shalt  }
0x63: {  	_ =	shalt  }
0x64: {  	_ =	shalt  }
0x65: {  	_ =	shalt  }
0x66: {  	_ =	shalt  }
0x67: {  	_ =	shalt  }
0x68: {  	_ =	shalt  }
0x69: {  	_ =	shalt  }
0x6a: {  	_ =	shalt  }
0x6b: {  	_ =	shalt  }
0x6c: {  	_ =	shalt  }
0x6d: {  	_ =	shalt  }
0x6e: {  	_ =	shalt  }
0x6f: {  	_ =	shalt  }
0x70: {  	_ =	shalt  }
0x71: {  	_ =	shalt  }
0x72: {  	_ =	shalt  }
0x73: {  	_ =	shalt  }
0x74: {  	_ =	shalt  }
0x75: {  	_ =	shalt  }
0x76: {  	_ =	shalt  }
0x77: {  	_ =	shalt  }
0x78: {  	_ =	shalt  }
0x79: {  	_ =	shalt  }
0x7a: {  	_ =	shalt  }
0x7b: {  	_ =	shalt  }
0x7c: {  	_ =	shalt  }
0x7d: {  	_ =	shalt  }
0x7e: {  	_ =	shalt  }
0x7f: {  	_ =	shalt  }
0x80: {  	_ =	shalt  }
0x81: {  	_ =	shalt  }
0x82: {  	_ =	shalt  }
0x83: {  	_ =	shalt  }
0x84: {  	_ =	shalt  }
0x85: {  	_ =	shalt  }
0x86: {  	_ =	shalt  }
0x87: {  	_ =	shalt  }
.Lfunc_end0:
.L_simem_size_0:
called_computation_lowered:
.L_overlay_start_0:
0x88: {  	s2 =	sld [smem:$0x3FD9]  }
0x89: {  	s3 =	sld [smem:$0x3FFE];
	_ =	sdelay $0x1  }
0x8a: {  	s1 =	srdreg.scid  }
0x8b: {  	s0 =	sand.u32 $0x1, s1  }
0x8c: {  	s16 =	sshll.u32 s0, $0xA;
	s2 =	sadd.s32 s3, s2  }
0x8d: {  	s2 =	sadd.s32 s2, s16  }
0x8e: {  	[smem:$0x3FB6] =	sst s2  }
0x8f: {  	_ = 	snop  }
0x90: {  	(tm) =	ssettm $0x1  }
0x91: {  	s17 =	sld [smem:$0x3FFB];
	_ =	sdelay $0x3  }
0x92: {  	_ =	strace s17  }
0x93: {  	s2 =	sld [smem:$0x3FFC];
	_ =	sdelay $0x3  }
0x94: {  	_ =	strace s2  }
0x95: {  	s2 =	sld [smem:$0x3FFD];
	_ =	sdelay $0x3  }
0x96: {  	_ =	strace s2  }
0x97: {  	_ =	strace $0x8FFFFFFF  }
0x98: {  	s18 =	sld [smem:$0x3FDB];
	_ =	sdelay $0x1  }
0x99: {  	s19 =	simm.s32 $_scs_section_size  }
0x9a: {  	s4 =	simm.s32 $_size__tile_overlayer_lowered;
	s5 =	simm.s32 $_tile_overlayer_lowered  }
0x9b: {  	s22 =	simm.s32 $0x1BFF;
	s21 =	sshll.u32 s5, $0x1;
	s2 =	sadd.s32 s19, s18  }
0x9c: {  	s6 =	simm.s32 $0x0;
	s20 =	sshll.u32 s4, $0x1;
	s4 =	sadd.s32 s21, s2  }
0x9d: {  	[timem:s6], [sflag:s22] =	dma.local [hbm:s4], s20  }
0x9e: {  	_ =	swait.ge [sflag:s22], s20  }
0x9f: {  	s3 =	ssub.s32 $0x0, s20;
	[sflag:s22] =	ssyncset.done $0x0  }
0xa0: {  	[sflag:s22] =	ssyncadd.s32 s3;
	_ =	sdelay $0x1  }
0xa1: {  	s23 =	simm.s32 $0x1B8B  }
0xa2: {  	_ =	swait.ge [sflag:s23], $0x1  }
0xa3: {  	[sflag:s23] =	ssyncset.done $0x0  }
0xa4: {  	s25 =	simm.s32 $0x1B8E;
	s24 =	sld [smem:$0x3FFE];
	[sflag:s23] =	ssyncadd.s32 $0xFFFFFFFF  }
0xa5: {  	s26 =	simm.s32 $execute0_lowered;
	[smem:$0x3FD2] =	sst s25  }
0xa6: {  	s4 =	sshll.u32 s26, $0x1;
	_ =	strace $0x80000046;
	[dreg:$0x1] =	wrdreg $0xFFFFFFFF  }
0xa7: {  	s28 =	simm.s32 $_size_execute0_lowered;
	s2 =	sadd.s32 s2, s4;
	[dreg:$0x0] =	wrdreg $0x0  }
0xa8: {  	s4 =	sshll.u32 s28, $0x1;
	[dreg:$0x2] =	wrdreg s2  }
0xa9: {  	[dreg:$0x3] =	wrdreg s4  }
0xaa: {  	[dreg:$0x4] =	wrdreg $0xC0  }
0xab: {  	_ =	task [dreg:s6], $0x5FFFF  }
0xac: {  	[dreg:$0x1] =	wrdreg $0xFFFFFFFF  }
0xad: {  	[dreg:$0x0] =	wrdreg $0x60  }
0xae: {  	[dreg:$0x2] =	wrdreg s24  }
0xaf: {  	[dreg:$0x3] =	wrdreg $0xA  }
0xb0: {  	_ =	task.clear_ibuf [dreg:s6], $0x4FFFF;
	_ =	strace $0x90000046  }
0xb1: {  	s29 =	simm.s32 $0xA;
	_ =	strace $0x80000048  }
0xb2: {  	_ =	swait.ge [sflag:s29], $0x1  }
0xb3: {  	[sflag:s29] =	ssyncadd.s32 $0xFFFFFFFF  }
0xb4: {  	_ =	strace $0x90000048  }
0xb5: {  	_ =	sfence  }
0xb6: {  	s30 =	sld [smem:$0x0];
	_ =	sdelay $0x2  }
0xb7: {  	s31 =	sshll.u32 s1, $0xD;
	s1 =	sshrl.u32 s1, $0x2  }
0xb8: {  	s3 =	sand.u32 $0x4000, s31;
	s1 =	sadd.s32 s1, s30  }
0xb9: {  	s0 =	sor.u32 s3, s0;
	s1 =	sshll.u32 s1, $0x11  }
0xba: {  	s0 =	sor.u32 s1, s0  }
0xbb: {  	s0 =	sadd.s32 $0x8F2B, s0  }
0xbc: {  	[sflag:s0] =	ssyncadd.remote.s32 $0x1  }
0xbd: {  	_ =	sfence.sel $0xFFFF  }
0xbe: {  	[dreg:$0x0] =	wrdreg $0xFFFFFFFF;
	(pc) =	sbr.abs _section_cstart, $3  }
0xbf: {  	[dreg:$0x1] =	wrdreg $0xFFFFFFFF  }
0xc0: {  	_ =	task.clear_ibuf [dreg:s6], $0x2FFFF;
	_ =	strace $0x9FFFFFFF  }
0xc1: {  	(tm) =	ssettm $0x7FFFFFFF  }
tec
execute0_lowered:
.L_overlay_start_1:
0x0: {  	(tag) =	ssettag $0x1  }
0x1: {  	s1 =	srdreg.scid  }
0x2: {  	s0 =	stileid.u32;
	s4 =	rddreg [dreg:$0x0];
	s2 =	simm.s32 $0x0  }
0x3: {  	s9 =	simm.s32 $0x3C00;
	s3 =	sand.u32 $0x1, s1;
	s1 =	rddreg [dreg:$0x1]  }
0x4: {  	s10 =	simm.s32 $0x0;
	s31 =	sshll.u32 s0, $0x1;
	[smem:$0x7FF] =	sst s2  }
0x5: {  	s5 =	sor.u32 s3, s31;
	_ =	strace $0x80000047;
	s7 =	ssub.s32 $0x2, s3  }
0x6: {  	s6 =	smul.u32 $0x280, s5;
	s5 =	sshll.u32 s5, $0x1;
	s8 =	sshrl.u32 s7, $0x1  }
0x7: {  	s3 =	sadd.s32 $0x2D400, s4;
	s5 =	sadd.s32 s5, s4;
	s7 =	ssub.s32 s7, s8  }
0x8: {  	s8 =	simm.s32 $0x1400;
	s6 =	sadd.s32 s6, s4;
	s5 =	sadd.s32 $0x32A00, s5  }
0x9: {  	s4 =	sadd.s32 $0x2DA00, s6;
	s6 =	smax.u32 s7, $0x1;
	s7 =	simm.s32 $0x1  }
.LBB2_1:
0xa: {  	[tilespmem:s2], [sflag:$0x1] =	stream.linear.gather [hbm4b:s4+s2], $0x1400, $0x38;
	[tilespmem:$0x3C80] =	vst v63  }
0xb: {  	_ =	swait.ge [sflag:s7], $0x1400  }
0xc: {  	[sflag:s7] =	ssyncset.done $0x0  }
0xd: {  	[sflag:s7] =	ssyncadd.s32 $0xFFFFEC00  }
0xe: {  	[tilespmem:s8], [sflag:$0x1] =	stream.linear.gather [hbm4b:s3+s2], $0x2800, $0x38;
	[tilespmem:$0x3C80] =	vst v63  }
0xf: {  	_ =	swait.ge [sflag:s7], $0x2800  }
0x10: {  	[sflag:s7] =	ssyncset.done $0x0  }
0x11: {  	s11 =	simm.s32 $0x0;
	[sflag:s7] =	ssyncadd.s32 $0xFFFFD800  }
0x12: {  	v0 =	vld [tilespmem:s11+$0x0]  }
0x13: {  	v1 =	vld [tilespmem:s11+$0x10];
	_ =	sdelay $0x1  }
0x14: {  	v4 =	vld [tilespmem:s11+$0x20];
	_ =	sdelay $0x1  }
0x15: {  	v7 =	vld [tilespmem:s11+$0x30]  }
0x16: {  	v3 =	vld [tilespmem:s11+$0x40]  }
0x17: {  	v2 =	vld [tilespmem:s11+$0x50]  }
0x18: {  	v8 =	vld.idx.msk [tilespmem:v0+s8+$0x0], $0xffff  }
0x19: {  	v6 =	vld.idx.msk [tilespmem:v1+s8+$0x0], $0xffff  }
0x1a: {  	v1 =	vld [tilespmem:s11+$0x60]  }
0x1b: {  	v5 =	vld.idx.msk [tilespmem:v4+s8+$0x0], $0xffff  }
0x1c: {  	v0 =	vld [tilespmem:s11+$0x70];
	v4 =	vimm.f32 $0.0e+00  }
0x1d: {  	s11 =	simm.s32 $0x80;
	v7 =	vld.idx.msk [tilespmem:v7+s8+$0x0], $0xffff;
	v8 =	vadd.f32 v8, v4  }
0x1e: {  	s12 =	simm.s32 $0x400;
	v4 =	vld [tilespmem:s11+$0x0]  }
.LBB2_2:
0x1f: {  	p0 =	sne.s32 s12, $0x4E00;
	v6 =	vadd.f32 v6, v8;
	v3 =	vld.idx.msk [tilespmem:v3+s8+$0x0], $0xffff  }
0x20: {  	v8 =	vld [tilespmem:s11+$0x10]  }
0x21: {  	v5 =	vadd.f32 v5, v6;
	v2 =	vld.idx.msk [tilespmem:v2+s8+$0x0], $0xffff  }
0x22: {  	v9 =	vld [tilespmem:s11+$0x20]  }
0x23: {  	v5 =	vadd.f32 v7, v5;
	v1 =	vld.idx.msk [tilespmem:v1+s8+$0x0], $0xffff  }
0x24: {  	v7 =	vld [tilespmem:s11+$0x30]  }
0x25: {  	v5 =	vadd.f32 v3, v5;
	v0 =	vld.idx.msk [tilespmem:v0+s8+$0x0], $0xffff  }
0x26: {  	v3 =	vld [tilespmem:s11+$0x40]  }
0x27: {  	v4 =	vld.idx.msk [tilespmem:v4+s8+$0x0], $0xffff;
	v5 =	vadd.f32 v2, v5  }
0x28: {  	v2 =	vld [tilespmem:s11+$0x50]  }
0x29: {  	v6 =	vld.idx.msk [tilespmem:v8+s8+$0x0], $0xffff;
	v8 =	vadd.f32 v1, v5  }
.Ltmp0:
0x2a: {  	v1 =	vld [tilespmem:s11+$0x60];
	(pc) =	sbr.rel @p0 .LBB2_2-.Ltmp0, $4  }
0x2b: {  	v5 =	vld.idx.msk [tilespmem:v9+s8+$0x0], $0xffff;
	v8 =	vadd.f32 v0, v8  }
0x2c: {  	v0 =	vld [tilespmem:s11+$0x70]  }
0x2d: {  	s11 =	sshra.s32 s12, $0x2;
	v8 =	vadd.f32 v4, v8;
	v7 =	vld.idx.msk [tilespmem:v7+s8+$0x0], $0xffff  }
0x2e: {  	s12 =	sadd.s32 $0x200, s12;
	v4 =	vld [tilespmem:s11+$0x0]  }
0x2f: {  	_ =	sdelay $0x2  }
0x30: {  	v6 =	vadd.f32 v6, v8  }
0x31: {  	v3 =	vld.idx.msk [tilespmem:v3+s8+$0x0], $0xffff  }
0x32: {  	v49 =	vld [tilespmem:s11+$0x10];
	v5 =	vadd.f32 v5, v6  }
0x33: {  	v2 =	vld.idx.msk [tilespmem:v2+s8+$0x0], $0xffff  }
0x34: {  	v50 =	vld [tilespmem:s11+$0x20];
	v5 =	vadd.f32 v7, v5  }
0x35: {  	v1 =	vld.idx.msk [tilespmem:v1+s8+$0x0], $0xffff  }
0x36: {  	v51 =	vld [tilespmem:s11+$0x30];
	v3 =	vadd.f32 v3, v5  }
0x37: {  	v0 =	vld.idx.msk [tilespmem:v0+s8+$0x0], $0xffff  }
0x38: {  	v52 =	vld [tilespmem:s11+$0x40];
	v2 =	vadd.f32 v2, v3  }
0x39: {  	v53 =	vld.idx.msk [tilespmem:v4+s8+$0x0], $0xffff  }
0x3a: {  	v54 =	vld [tilespmem:s11+$0x50];
	v1 =	vadd.f32 v1, v2  }
0x3b: {  	v55 =	vld.idx.msk [tilespmem:v49+s8+$0x0], $0xffff  }
0x3c: {  	v56 =	vld [tilespmem:s11+$0x60];
	v0 =	vadd.f32 v0, v1  }
0x3d: {  	v57 =	vld.idx.msk [tilespmem:v50+s8+$0x0], $0xffff  }
0x3e: {  	v58 =	vld [tilespmem:s11+$0x70];
	v0 =	vadd.f32 v53, v0  }
0x3f: {  	v59 =	vld.idx.msk [tilespmem:v51+s8+$0x0], $0xffff  }
0x40: {  	v0 =	vadd.f32 v55, v0  }
0x41: {  	v60 =	vld.idx.msk [tilespmem:v52+s8+$0x0], $0xffff  }
0x42: {  	v0 =	vadd.f32 v57, v0  }
0x43: {  	v61 =	vld.idx.msk [tilespmem:v54+s8+$0x0], $0xffff  }
0x44: {  	v0 =	vadd.f32 v59, v0  }
0x45: {  	v62 =	vld.idx.msk [tilespmem:v56+s8+$0x0], $0xffff  }
0x46: {  	v0 =	vadd.f32 v60, v0  }
0x47: {  	v63 =	vld.idx.msk [tilespmem:v58+s8+$0x0], $0xffff  }
0x48: {  	v0 =	vadd.f32 v61, v0;
	_ =	sdelay $0x1  }
0x49: {  	v0 =	vadd.f32 v62, v0;
	_ =	sdelay $0x1  }
0x4a: {  	s10 =	sadd.s32 $0x1, s10;
	v0 =	vadd.f32 v63, v0  }
0x4b: {  	p0 =	sne.s32 s10, s6  }
.Ltmp1:
0x4c: {  	[tilespmem:$0x3C00] =	vst v0;
	(pc) =	sbr.rel @p0 .LBB2_1-.Ltmp1, $4  }
0x4d: {  	[hbm4b:s5+s2] =	stream.linear.scatter [tilespmem:s9], [sflag:$0x1], $0x10, $0x38;
	[tilespmem:$0x3C80] =	vst v63  }
0x4e: {  	_ =	swait.ge [sflag:s7], $0x10  }
0x4f: {  	[sflag:s7] =	ssyncset.done $0x0  }
0x50: {  	[sflag:s7] =	ssyncadd.s32 $0xFFFFFFF0  }
0x51: {  	_ =	sfence.sel $0x180000  }
0x52: {  	[bflag:$0x0] =	sbarrier.arrive $0xFFFF  }
0x53: {  	p0 =	sne.s32 s0, $0x0;
	_ =	strace $0x90000047  }
0x54: {  	s0 =	sadd.s32 @!p0 $0x100000, s1;
	[bflag:$0x2] =	sbarrier.arrive $0xFFFF  }
0x55: {  	[sflag:s0] =	ssyncadd.tile.s32 @!p0 $0x1;
	_ =	shalt  }
.Lfunc_end2:
_tile_overlayer_lowered:
.L_overlay_start_2:
0x56: {  	(tag) =	ssettag $0x2  }
0x57: {  	s0 =	rddreg [dreg:$0x0];
	s2 =	stileid.u32  }
0x58: {  	s1 =	rddreg [dreg:$0x1];
	p0 =	sne.s32 s2, $0x0  }
0x59: {  	s3 =	rddreg [dreg:$0x2];
	[bflag:$0x3] =	sbarrier.arrive $0xFFFF;
	s2 =	simm.s32 @!p0 $0x1C01  }
0x5a: {  	[timem:s3], [sflag:s2] =	dma.local @!p0 [hbm:s0], s1  }
0x5b: {  	s0 =	simm.s32 @!p0 $0x1  }
0x5c: {  	_ =	swait.ge @!p0 [sflag:s0], s1  }
0x5d: {  	s1 =	ssub.s32 @!p0 $0x0, s1;
	[sflag:s0] =	ssyncset.done @!p0 $0x0  }
0x5e: {  	[sflag:s0] =	ssyncadd.s32 @!p0 s1  }
0x5f: {  	[bflag:$0x3] =	sbarrier.arrive $0xFFFF  }
0x60: {  	_ =	shalt  }

// kernel: kernel.16.cloned.1.call-start
scs
__scs_entry_jumppad:
0x0: {  	(pc) =	sbr.rel $0x88, $3  }
0x1: {  	(tag) =	ssettag $0x0;
	lr =	simm.s32 $0x1  }
0x2: {  	[smem:$0x3F8F] =	sst lr;
	_ =	strace $0xD0000000  }
0x3: {  	_ = 	snop  }
0x4: {  	_ = 	snop  }
0x5: {  	_ = 	snop  }
0x6: {  	_ = 	snop  }
0x7: {  	_ = 	snop  }
__scs_overlays_trampoline_lowered:
0x8: {  	[smem:$0x3F9E] =	sst s0  }
0x9: {  	[smem:$0x3F9F] =	sst s1  }
0xa: {  	[smem:$0x3FA0] =	sst s2  }
0xb: {  	[smem:$0x3FA1] =	sst s3  }
0xc: {  	[smem:$0x3FA2] =	sst s4  }
0xd: {  	[smem:$0x3FA3] =	sst s5  }
0xe: {  	[smem:$0x3FA4] =	sst s6  }
0xf: {  	[smem:$0x3FA5] =	sst s7  }
0x10: {  	[smem:$0x3FA6] =	sst s8  }
0x11: {  	[smem:$0x3FA7] =	sst s9;
	s0 =	simm.s32 @!p0 $0x0  }
0x12: {  	s1 =	sld [smem:$0x3F8D];
	s0 =	simm.s32 @p0 $0x1  }
0x13: {  	[smem:$0x3FA8] =	sst s0;
	s0 =	simm.s32 @!p1 $0x0  }
0x14: {  	s2 =	sld [smem:$0x3F8C];
	s0 =	simm.s32 @p1 $0x1  }
0x15: {  	[smem:$0x3FA9] =	sst s0;
	s0 =	simm.s32 @!p2 $0x0  }
0x16: {  	s3 =	sld [smem:$0x3FDB];
	s0 =	simm.s32 @p2 $0x1  }
0x17: {  	s4 =	simm.s32 $0x1BF5;
	[smem:$0x3FAB] =	sst s0  }
0x18: {  	s0 =	sld [smem:$0x3F8E];
	_ =	swait.ge [sflag:s4], $0x0  }
0x19: {  	s7 =	sld [smem:$0x3F8F]  }
0x1a: {  	s8 =	sadd.s32 $0xFFFFE003, lr  }
0x1b: {  	s9 =	sadd.s32 $0xFFFFFEF7, lr;
	s5 =	simm.s32 $0xFFFFFFFF;
	p2 =	slt.u32 s8, $0xFFFFF086  }
0x1c: {  	p1 =	slt.u32 s9, $0xF7A;
	s5 =	simm.s32 @!p2 $0x0  }
0x1d: {  	s5 =	simm.s32 @p1 $0x1;
	p0 =	seq.s32 s7, s2  }
0x1e: {  	s7 =	smul.u32 @!p0 $0xF7A, s2;
	p2 =	seq.s32 @!p0 s5, $0x0  }
0x1f: {  	s9 =	smul.u32 $0xF7A, s1;
	s8 =	simm.s32 @!p0 $0x1BF5;
	p2 =	por !p2, p0  }
0x20: {  	[sflag:s8] =	ssyncset.s32 @!p0 $0xFFFFF086;
	s6 =	sadd.s32 @!p0 s3, s7;
	s7 =	simm.s32 @!p0 $0x108  }
0x21: {  	s3 =	sadd.s32 s3, s9;
	s6 =	sadd.s32 @!p0 $0x88, s6;
	s7 =	simm.s32 @p2 $0x1082  }
0x22: {  	[simem:s7], [sflag:s8] =	dma.local @!p0 [hbm:s6], $0xF7A  }
0x23: {  	s9 =	sor.u32 $0xD0000000, s2;
	s6 =	simm.s32 $0x108;
	_ =	swait.ge @!p0 [sflag:s8], $0x0  }
0x24: {  	s3 =	sadd.s32 $0x88, s3;
	s6 =	simm.s32 @!p1 $0x1082;
	[sflag:s4] =	ssyncset.s32 $0xFFFFF086  }
0x25: {  	[simem:s6], [sflag:s4] =	dma.local [hbm:s3], $0xF7A  }
0x26: {  	[smem:$0x3F8F] =	sst s1;
	(tag) =	ssettag s2;
	_ =	strace s9  }
0x27: {  	s1 =	sld [smem:$0x3F9F]  }
0x28: {  	s2 =	sld [smem:$0x3FA0]  }
0x29: {  	s4 =	sld [smem:$0x3FA2]  }
0x2a: {  	p0 =	seq.s32 s5, $0x0;
	s5 =	sld [smem:$0x3FA3]  }
0x2b: {  	s6 =	sld [smem:$0x3FA4]  }
0x2c: {  	s7 =	sld [smem:$0x3FA5]  }
0x2d: {  	s3 =	simm.s32 $0x108;
	s8 =	sld [smem:$0x3FA6]  }
0x2e: {  	s3 =	simm.s32 @!p0 $0x1082;
	s9 =	sld [smem:$0x3FA7]  }
0x2f: {  	lr =	sadd.s32 s0, s3;
	s0 =	sld [smem:$0x3F9E]  }
0x30: {  	s3 =	sld [smem:$0x3FA1]  }
0x31: {  	[smem:$0x3FAA] =	sst s10  }
0x32: {  	s10 =	sld [smem:$0x3FA8];
	_ =	sdelay $0x3  }
0x33: {  	p0 =	seq.s32 s10, $0x1;
	s10 =	sld [smem:$0x3FAA];
	_ =	sdelay $0x3  }
0x34: {  	[smem:$0x3FAA] =	sst s10  }
0x35: {  	s10 =	sld [smem:$0x3FA9];
	_ =	sdelay $0x3  }
0x36: {  	p1 =	seq.s32 s10, $0x1;
	s10 =	sld [smem:$0x3FAA];
	_ =	sdelay $0x3  }
0x37: {  	[smem:$0x3FAA] =	sst s10  }
0x38: {  	s10 =	sld [smem:$0x3FAB]  }
0x39: {  	_ = 	snop;
	(pc) =	sbr.ind lr, $3  }
0x3a: {  	_ = 	snop  }
0x3b: {  	_ = 	snop  }
0x3c: {  	p2 =	seq.s32 s10, $0x1;
	s10 =	sld [smem:$0x3FAA]  }
0x3d: {  	_ =	shalt  }
0x3e: {  	_ =	shalt  }
0x3f: {  	_ =	shalt  }
0x40: {  	_ =	shalt  }
0x41: {  	_ =	shalt  }
0x42: {  	_ =	shalt  }
0x43: {  	_ =	shalt  }
0x44: {  	_ =	shalt  }
0x45: {  	_ =	shalt  }
0x46: {  	_ =	shalt  }
0x47: {  	_ =	shalt  }
0x48: {  	_ =	shalt  }
0x49: {  	_ =	shalt  }
0x4a: {  	_ =	shalt  }
0x4b: {  	_ =	shalt  }
0x4c: {  	_ =	shalt  }
0x4d: {  	_ =	shalt  }
0x4e: {  	_ =	shalt  }
0x4f: {  	_ =	shalt  }
0x50: {  	_ =	shalt  }
0x51: {  	_ =	shalt  }
0x52: {  	_ =	shalt  }
0x53: {  	_ =	shalt  }
0x54: {  	_ =	shalt  }
0x55: {  	_ =	shalt  }
0x56: {  	_ =	shalt  }
0x57: {  	_ =	shalt  }
0x58: {  	_ =	shalt  }
0x59: {  	_ =	shalt  }
0x5a: {  	_ =	shalt  }
0x5b: {  	_ =	shalt  }
0x5c: {  	_ =	shalt  }
0x5d: {  	_ =	shalt  }
0x5e: {  	_ =	shalt  }
0x5f: {  	_ =	shalt  }
0x60: {  	_ =	shalt  }
0x61: {  	_ =	shalt  }
0x62: {  	_ =	shalt  }
0x63: {  	_ =	shalt  }
0x64: {  	_ =	shalt  }
0x65: {  	_ =	shalt  }
0x66: {  	_ =	shalt  }
0x67: {  	_ =	shalt  }
0x68: {  	_ =	shalt  }
0x69: {  	_ =	shalt  }
0x6a: {  	_ =	shalt  }
0x6b: {  	_ =	shalt  }
0x6c: {  	_ =	shalt  }
0x6d: {  	_ =	shalt  }
0x6e: {  	_ =	shalt  }
0x6f: {  	_ =	shalt  }
0x70: {  	_ =	shalt  }
0x71: {  	_ =	shalt  }
0x72: {  	_ =	shalt  }
0x73: {  	_ =	shalt  }
0x74: {  	_ =	shalt  }
0x75: {  	_ =	shalt  }
0x76: {  	_ =	shalt  }
0x77: {  	_ =	shalt  }
0x78: {  	_ =	shalt  }
0x79: {  	_ =	shalt  }
0x7a: {  	_ =	shalt  }
0x7b: {  	_ =	shalt  }
0x7c: {  	_ =	shalt  }
0x7d: {  	_ =	shalt  }
0x7e: {  	_ =	shalt  }
0x7f: {  	_ =	shalt  }
0x80: {  	_ =	shalt  }
0x81: {  	_ =	shalt  }
0x82: {  	_ =	shalt  }
0x83: {  	_ =	shalt  }
0x84: {  	_ =	shalt  }
0x85: {  	_ =	shalt  }
0x86: {  	_ =	shalt  }
0x87: {  	_ =	shalt  }
.Lfunc_end0:
.L_simem_size_0:
called_computation.1_lowered:
.L_overlay_start_0:
0x88: {  	s2 =	sld [smem:$0x3FD9]  }
0x89: {  	s3 =	sld [smem:$0x3FFE];
	_ =	sdelay $0x1  }
0x8a: {  	s1 =	srdreg.scid  }
0x8b: {  	s0 =	sand.u32 $0x1, s1  }
0x8c: {  	s17 =	sshll.u32 s0, $0xA;
	s2 =	sadd.s32 s3, s2  }
0x8d: {  	s2 =	sadd.s32 s2, s17  }
0x8e: {  	[smem:$0x3FB6] =	sst s2  }
0x8f: {  	_ = 	snop  }
0x90: {  	(tm) =	ssettm $0x1  }
0x91: {  	s18 =	sld [smem:$0x3FFB];
	_ =	sdelay $0x3  }
0x92: {  	_ =	strace s18  }
0x93: {  	s2 =	sld [smem:$0x3FFC];
	_ =	sdelay $0x3  }
0x94: {  	_ =	strace s2  }
0x95: {  	s2 =	sld [smem:$0x3FFD];
	_ =	sdelay $0x3  }
0x96: {  	_ =	strace s2  }
0x97: {  	_ =	strace $0x8FFFFFFF  }
0x98: {  	s19 =	sld [smem:$0x3FDB];
	_ =	sdelay $0x1  }
0x99: {  	s20 =	simm.s32 $_scs_section_size  }
0x9a: {  	s4 =	simm.s32 $_size__tile_overlayer_lowered;
	s5 =	simm.s32 $_tile_overlayer_lowered  }
0x9b: {  	s6 =	simm.s32 $0x1BFF;
	s21 =	sshll.u32 s5, $0x1;
	s3 =	sadd.s32 s20, s19  }
0x9c: {  	s22 =	simm.s32 $0x0;
	s4 =	sshll.u32 s4, $0x1;
	s5 =	sadd.s32 s21, s3  }
0x9d: {  	[timem:s22], [sflag:s6] =	dma.local [hbm:s5], s4  }
0x9e: {  	_ =	swait.ge [sflag:s6], s4  }
0x9f: {  	s4 =	ssub.s32 $0x0, s4;
	[sflag:s6] =	ssyncset.done $0x0  }
0xa0: {  	[sflag:s6] =	ssyncadd.s32 s4;
	_ =	sdelay $0x1  }
0xa1: {  	s23 =	simm.s32 $0x1B8B  }
0xa2: {  	_ =	swait.ge [sflag:s23], $0x1  }
0xa3: {  	[sflag:s23] =	ssyncset.done $0x0  }
0xa4: {  	[sflag:s23] =	ssyncadd.s32 $0xFFFFFFFF  }
0xa5: {  	s4 =	sld [smem:$0x0]  }
0xa6: {  	s5 =	sand.u32 $0xFFFFFFFE, s1  }
0xa7: {  	p0 =	sne.s32 s1, s5  }
0xa8: {  	s5 =	sshll.u32 @p0 s5, $0xE  }
0xa9: {  	s5 =	sadd.s32 @p0 $0x11B8D, s5;
	s6 =	sshll.u32 @p0 s4, $0x11  }
0xaa: {  	s5 =	sor.u32 @p0 s6, s5  }
0xab: {  	[sflag:s5] =	ssyncadd.remote.s32 @p0 $0x1;
	_ =	sdelay $0x1  }
0xac: {  	s5 =	simm.s32 @p0 $0x1B8D  }
0xad: {  	_ =	swait.eq @p0 [sflag:s5], $0x1  }
0xae: {  	[sflag:s5] =	ssyncadd.s32 @p0 $0xFFFFFFFF  }
0xaf: {  	s6 =	sshll.u32 @!p0 s1, $0xE  }
0xb0: {  	s6 =	sor.u32 @!p0 $0x4000, s6;
	s5 =	simm.s32 @!p0 $0x1B8D  }
0xb1: {  	s4 =	sshll.u32 @!p0 s4, $0x11;
	s6 =	sadd.s32 @!p0 $0x11B8D, s6;
	_ =	swait.eq @!p0 [sflag:s5], $0x1  }
0xb2: {  	s4 =	sor.u32 @!p0 s4, s6;
	[sflag:s5] =	ssyncadd.s32 @!p0 $0xFFFFFFFF  }
0xb3: {  	s25 =	simm.s32 $0x1B8E;
	s24 =	sld [smem:$0x3FFE];
	[sflag:s4] =	ssyncadd.remote.s32 @!p0 $0x1  }
0xb4: {  	s26 =	simm.s32 $execute0_lowered;
	[smem:$0x3FD2] =	sst s25  }
0xb5: {  	s5 =	sshll.u32 s26, $0x1;
	_ =	strace $0x8000004C;
	[dreg:$0x1] =	wrdreg $0xFFFFFFFF  }
0xb6: {  	s28 =	simm.s32 $_size_execute0_lowered;
	s3 =	sadd.s32 s3, s5;
	[dreg:$0x0] =	wrdreg $0x0  }
0xb7: {  	s5 =	sshll.u32 s28, $0x1;
	[dreg:$0x2] =	wrdreg s3  }
0xb8: {  	[dreg:$0x3] =	wrdreg s5  }
0xb9: {  	[dreg:$0x4] =	wrdreg $0xC0  }
0xba: {  	_ =	task [dreg:s22], $0x5FFFF  }
0xbb: {  	[dreg:$0x1] =	wrdreg $0xFFFFFFFF  }
0xbc: {  	[dreg:$0x0] =	wrdreg $0x60  }
0xbd: {  	[dreg:$0x2] =	wrdreg s24  }
0xbe: {  	[dreg:$0x3] =	wrdreg $0x9  }
0xbf: {  	_ =	task.clear_ibuf [dreg:s22], $0x4FFFF;
	_ =	strace $0x9000004C  }
0xc0: {  	s29 =	simm.s32 $0x9;
	_ =	strace $0x8000004E  }
0xc1: {  	_ =	swait.ge [sflag:s29], $0x1  }
0xc2: {  	[sflag:s29] =	ssyncadd.s32 $0xFFFFFFFF  }
0xc3: {  	_ =	strace $0x9000004E  }
0xc4: {  	_ =	sfence  }
0xc5: {  	s30 =	sld [smem:$0x0];
	_ =	sdelay $0x2  }
0xc6: {  	s31 =	sshll.u32 s1, $0xD;
	s1 =	sshrl.u32 s1, $0x2  }
0xc7: {  	s4 =	sand.u32 $0x4000, s31;
	s1 =	sadd.s32 s1, s30  }
0xc8: {  	s0 =	sor.u32 s4, s0;
	s1 =	sshll.u32 s1, $0x11  }
0xc9: {  	s0 =	sor.u32 s1, s0  }
0xca: {  	s0 =	sadd.s32 $0x8F2B, s0  }
0xcb: {  	[sflag:s0] =	ssyncadd.remote.s32 $0x1  }
0xcc: {  	_ =	sfence.sel $0xFFFF  }
0xcd: {  	[dreg:$0x0] =	wrdreg $0xFFFFFFFF;
	(pc) =	sbr.abs _section_cstart, $3  }
0xce: {  	[dreg:$0x1] =	wrdreg $0xFFFFFFFF  }
0xcf: {  	_ =	task.clear_ibuf [dreg:s22], $0x2FFFF;
	_ =	strace $0x9FFFFFFF  }
0xd0: {  	(tm) =	ssettm $0x7FFFFFFF  }
0xd1: {  	_ =	shalt  }
tec
execute0_lowered:
.L_overlay_start_1:
0x0: {  	(tag) =	ssettag $0x1  }
0x1: {  	s0 =	srdreg.scid;
	s1 =	stileid.u32  }
0x2: {  	s3 =	rddreg [dreg:$0x0];
	s2 =	simm.s32 $0x0;
	s31 =	simm.s32 $0x5  }
0x3: {  	s9 =	simm.s32 $0x80;
	p0 =	por $0x0, $0x0;
	s10 =	simm.s32 $0x8C00  }
0x4: {  	s12 =	simm.s32 $0x2;
	s11 =	simm.s32 $0x3;
	s0 =	sand.u32 $0x1, s0  }
0x5: {  	s7 =	simm.s32 $0x4;
	s1 =	sshll.u32 s1, $0x1;
	s30 =	sshll.u32 s0, $0x9  }
0x6: {  	[smem:$0x7FF] =	sst s2;
	s1 =	sor.u32 s0, s1;
	s14 =	sor.u32 $0x80, s30  }
0x7: {  	_ =	strace $0x8000004D;
	s16 =	sor.u32 $0x100, s30;
	[dreg:$0x3] =	wrdreg s14  }
0x8: {  	s0 =	ssub.s32 $0x2, s0;
	s17 =	sor.u32 $0x180, s30;
	[dreg:$0x5] =	wrdreg s16  }
0x9: {  	s4 =	smul.u32 $0x140, s1;
	s19 =	sadd.s32 $0x200, s30;
	[dreg:$0x6] =	wrdreg s17  }
0xa: {  	s1 =	smul.u32 $0x50000, s1;
	s20 =	sadd.s32 $0x280, s30;
	[dreg:$0x8] =	wrdreg s19  }
0xb: {  	s22 =	sadd.s32 $0x300, s30;
	s23 =	sadd.s32 $0x380, s30;
	[dreg:$0x9] =	wrdreg s20  }
0xc: {  	s5 =	sshrl.u32 s0, $0x1;
	s25 =	sor.u32 $0x400, s30;
	[dreg:$0xb] =	wrdreg s22  }
0xd: {  	s26 =	sor.u32 $0x480, s30;
	s28 =	sor.u32 $0x580, s30;
	[dreg:$0xc] =	wrdreg s23  }
0xe: {  	s13 =	sor.u32 $0x800, s30;
	s6 =	sor.u32 $0x980, s30;
	[dreg:$0xe] =	wrdreg s25  }
0xf: {  	s0 =	ssub.s32 s0, s5;
	[dreg:$0xf] =	wrdreg s26;
	s26 =	sor.u32 $0x500, s30  }
0x10: {  	s23 =	sadd.s32 $0x600, s30;
	s20 =	sadd.s32 $0x700, s30;
	s14 =	sor.u32 $0x880, s30  }
0x11: {  	s5 =	sor.u32 $0x900, s30;
	s19 =	simm.s32 $0x4C00;
	s16 =	simm.s32 $0xCC00  }
0x12: {  	s4 =	sand.u32 $0x3F80, s4;
	s1 =	sshrl.u32 s1, $0x3;
	s0 =	smax.u32 s0, $0x1  }
0x13: {  	s4 =	sadd.s32 s4, s3;
	s1 =	sadd.s32 s1, s3;
	s3 =	sadd.s32 $0x5400, s3  }
0x14: {  	p1 =	sne.s32 s0, $0x1;
	s4 =	sadd.s32 $0x2DA00, s4;
	s15 =	sadd.s32 $0x172C00, s1  }
0x15: {  	s18 =	sadd.s32 $0x173C00, s1;
	s21 =	sadd.s32 $0x174C00, s1;
	[dreg:$0x2] =	wrdreg s4  }
0x16: {  	s24 =	sadd.s32 $0x175C00, s1;
	s29 =	sadd.s32 $0x176C00, s1;
	[dreg:$0x4] =	wrdreg s15  }
.Ltmp0:
0x17: {  	s25 =	sadd.s32 $0x177C00, s1;
	[dreg:$0x7] =	wrdreg s18;
	(pc) =	sbr.rel @!p1 .LBB2_3-.Ltmp0, $4  }
0x18: {  	s22 =	sadd.s32 $0x178C00, s1;
	s17 =	sadd.s32 $0x179C00, s1;
	[dreg:$0xa] =	wrdreg s21  }
0x19: {  	s8 =	sadd.s32 $0x17AC00, s1;
	[dreg:$0xd] =	wrdreg s24;
	s24 =	sadd.s32 $0x680, s30  }
0x1a: {  	s21 =	sadd.s32 $0x780, s30;
	s4 =	sadd.s32 $0x17BC00, s1;
	s15 =	simm.s32 $0xC00  }
0x1b: {  	s1 =	sadd.s32 $0xFFFFFFFF, s0;
	s18 =	simm.s32 $0x1;
	s0 =	rddreg [dreg:$0x2]  }
0x1c: {  	[tilespmem:s2], [sflag:$0x5] =	stream.linear.gather [hbm4b:s0+s2], $0xC00, $0x38;
	[tilespmem:$0x10C00] =	vst v63  }
0x1d: {  	_ =	swait.ge [sflag:s31], $0xC00  }
0x1e: {  	[sflag:s31] =	ssyncset.done $0x0  }
0x1f: {  	[sflag:s31] =	ssyncadd.s32 $0xFFFFF400  }
0x20: {  	[tilespmem:s15], [sflag:$0x1] =	stream.indirect.gather [hbm4b:s3+s9], $0x80, s30, s9, $0xb8;
	[tilespmem:$0x10C00] =	vst v63  }
0x21: {  	s0 =	rddreg [dreg:$0x3]  }
0x22: {  	[tilespmem:s19], [sflag:$0x1] =	stream.indirect.gather [hbm4b:s3+s9], $0x80, s0, s9, $0xb8;
	[tilespmem:$0x10C00] =	vst v63  }
0x23: {  	_ =	swait.ge [sflag:s18], $0x4000  }
0x24: {  	[sflag:s18] =	ssyncset.done $0x0  }
0x25: {  	[sflag:s18] =	ssyncadd.s32 $0xFFFFC000  }
0x26: {  	_ =	swait.ge [sflag:s18], $0x4000  }
0x27: {  	[dreg:$0x10] =	wrdreg s1;
	[sflag:s18] =	ssyncset.done $0x0  }
0x28: {  	s0 =	rddreg [dreg:$0x4];
	[sflag:s18] =	ssyncadd.s32 $0xFFFFC000  }
0x29: {  	[hbm4b:s0+s2] =	stream.linear.scatter [tilespmem:s15], [sflag:$0x3], $0x8000, $0x38;
	[tilespmem:$0x10C00] =	vst v63  }
0x2a: {  	s1 =	rddreg [dreg:$0x5]  }
0x2b: {  	[tilespmem:s10], [sflag:$0x2] =	stream.indirect.gather [hbm4b:s3+s9], $0x80, s1, s9, $0xb8;
	[tilespmem:$0x10C00] =	vst v63  }
0x2c: {  	s0 =	rddreg [dreg:$0x6]  }
0x2d: {  	[tilespmem:s16], [sflag:$0x2] =	stream.indirect.gather [hbm4b:s3+s9], $0x80, s0, s9, $0xb8;
	[tilespmem:$0x10C00] =	vst v63  }
0x2e: {  	_ =	swait.ge [sflag:s12], $0x4000  }
0x2f: {  	[sflag:s12] =	ssyncset.done $0x0  }
0x30: {  	[sflag:s12] =	ssyncadd.s32 $0xFFFFC000  }
0x31: {  	_ =	swait.ge [sflag:s12], $0x4000  }
0x32: {  	[sflag:s12] =	ssyncset.done $0x0  }
0x33: {  	s1 =	rddreg [dreg:$0x7];
	[sflag:s12] =	ssyncadd.s32 $0xFFFFC000  }
0x34: {  	[hbm4b:s1+s2] =	stream.linear.scatter [tilespmem:s10], [sflag:$0x4], $0x8000, $0x38;
	[tilespmem:$0x10C00] =	vst v63  }
0x35: {  	_ =	swait.ge [sflag:s11], $0x8000  }
0x36: {  	[sflag:s11] =	ssyncset.done $0x0  }
0x37: {  	s0 =	rddreg [dreg:$0x8];
	[sflag:s11] =	ssyncadd.s32 $0xFFFF8000  }
0x38: {  	[tilespmem:s15], [sflag:$0x1] =	stream.indirect.gather [hbm4b:s3+s9], $0x80, s0, s9, $0xb8;
	[tilespmem:$0x10C00] =	vst v63  }
0x39: {  	s1 =	rddreg [dreg:$0x9]  }
0x3a: {  	[tilespmem:s19], [sflag:$0x1] =	stream.indirect.gather [hbm4b:s3+s9], $0x80, s1, s9, $0xb8;
	[tilespmem:$0x10C00] =	vst v63  }
0x3b: {  	_ =	swait.ge [sflag:s18], $0x4000  }
0x3c: {  	[sflag:s18] =	ssyncset.done $0x0  }
0x3d: {  	[sflag:s18] =	ssyncadd.s32 $0xFFFFC000  }
0x3e: {  	_ =	swait.ge [sflag:s18], $0x4000  }
0x3f: {  	[sflag:s18] =	ssyncset.done $0x0  }
0x40: {  	s1 =	rddreg [dreg:$0xa];
	[sflag:s18] =	ssyncadd.s32 $0xFFFFC000  }
0x41: {  	[hbm4b:s1+s2] =	stream.linear.scatter [tilespmem:s15], [sflag:$0x3], $0x8000, $0x38;
	[tilespmem:$0x10C00] =	vst v63  }
0x42: {  	_ =	swait.ge [sflag:s7], $0x8000  }
0x43: {  	[sflag:s7] =	ssyncset.done $0x0  }
0x44: {  	s0 =	rddreg [dreg:$0xb];
	[sflag:s7] =	ssyncadd.s32 $0xFFFF8000  }
0x45: {  	[tilespmem:s10], [sflag:$0x2] =	stream.indirect.gather [hbm4b:s3+s9], $0x80, s0, s9, $0xb8;
	[tilespmem:$0x10C00] =	vst v63  }
0x46: {  	s1 =	rddreg [dreg:$0xc]  }
0x47: {  	[tilespmem:s16], [sflag:$0x2] =	stream.indirect.gather [hbm4b:s3+s9], $0x80, s1, s9, $0xb8;
	[tilespmem:$0x10C00] =	vst v63  }
0x48: {  	_ =	swait.ge [sflag:s12], $0x4000  }
0x49: {  	[sflag:s12] =	ssyncset.done $0x0  }
0x4a: {  	[sflag:s12] =	ssyncadd.s32 $0xFFFFC000  }
0x4b: {  	_ =	swait.ge [sflag:s12], $0x4000  }
0x4c: {  	[sflag:s12] =	ssyncset.done $0x0  }
0x4d: {  	s1 =	rddreg [dreg:$0xd];
	[sflag:s12] =	ssyncadd.s32 $0xFFFFC000  }
0x4e: {  	[hbm4b:s1+s2] =	stream.linear.scatter [tilespmem:s10], [sflag:$0x4], $0x8000, $0x38;
	[tilespmem:$0x10C00] =	vst v63  }
0x4f: {  	_ =	swait.ge [sflag:s11], $0x8000  }
0x50: {  	[sflag:s11] =	ssyncset.done $0x0  }
0x51: {  	s0 =	rddreg [dreg:$0xe];
	[sflag:s11] =	ssyncadd.s32 $0xFFFF8000  }
0x52: {  	[tilespmem:s15], [sflag:$0x1] =	stream.indirect.gather [hbm4b:s3+s9], $0x80, s0, s9, $0xb8;
	[tilespmem:$0x10C00] =	vst v63  }
0x53: {  	s1 =	rddreg [dreg:$0xf]  }
0x54: {  	[tilespmem:s19], [sflag:$0x1] =	stream.indirect.gather [hbm4b:s3+s9], $0x80, s1, s9, $0xb8;
	[tilespmem:$0x10C00] =	vst v63  }
0x55: {  	_ =	swait.ge [sflag:s18], $0x4000  }
0x56: {  	[sflag:s18] =	ssyncset.done $0x0  }
0x57: {  	[sflag:s18] =	ssyncadd.s32 $0xFFFFC000  }
0x58: {  	_ =	swait.ge [sflag:s18], $0x4000  }
0x59: {  	[sflag:s18] =	ssyncset.done $0x0  }
0x5a: {  	[sflag:s18] =	ssyncadd.s32 $0xFFFFC000  }
0x5b: {  	[hbm4b:s29+s2] =	stream.linear.scatter [tilespmem:s15], [sflag:$0x3], $0x8000, $0x38;
	[tilespmem:$0x10C00] =	vst v63  }
0x5c: {  	_ =	swait.ge [sflag:s7], $0x8000  }
0x5d: {  	[sflag:s7] =	ssyncset.done $0x0  }
0x5e: {  	[sflag:s7] =	ssyncadd.s32 $0xFFFF8000  }
0x5f: {  	[tilespmem:s10], [sflag:$0x2] =	stream.indirect.gather [hbm4b:s3+s9], $0x80, s26, s9, $0xb8;
	[tilespmem:$0x10C00] =	vst v63  }
0x60: {  	_ = 	snop  }
0x61: {  	[tilespmem:s16], [sflag:$0x2] =	stream.indirect.gather [hbm4b:s3+s9], $0x80, s28, s9, $0xb8;
	[tilespmem:$0x10C00] =	vst v63  }
0x62: {  	_ =	swait.ge [sflag:s12], $0x4000  }
0x63: {  	[sflag:s12] =	ssyncset.done $0x0  }
0x64: {  	[sflag:s12] =	ssyncadd.s32 $0xFFFFC000  }
0x65: {  	_ =	swait.ge [sflag:s12], $0x4000  }
0x66: {  	[sflag:s12] =	ssyncset.done $0x0  }
0x67: {  	[sflag:s12] =	ssyncadd.s32 $0xFFFFC000  }
0x68: {  	[hbm4b:s25+s2] =	stream.linear.scatter [tilespmem:s10], [sflag:$0x4], $0x8000, $0x38;
	[tilespmem:$0x10C00] =	vst v63  }
0x69: {  	_ =	swait.ge [sflag:s11], $0x8000  }
0x6a: {  	[sflag:s11] =	ssyncset.done $0x0  }
0x6b: {  	[sflag:s11] =	ssyncadd.s32 $0xFFFF8000  }
0x6c: {  	[tilespmem:s15], [sflag:$0x1] =	stream.indirect.gather [hbm4b:s3+s9], $0x80, s23, s9, $0xb8;
	[tilespmem:$0x10C00] =	vst v63  }
0x6d: {  	_ = 	snop  }
0x6e: {  	[tilespmem:s19], [sflag:$0x1] =	stream.indirect.gather [hbm4b:s3+s9], $0x80, s24, s9, $0xb8;
	[tilespmem:$0x10C00] =	vst v63  }
0x6f: {  	_ =	swait.ge [sflag:s18], $0x4000  }
0x70: {  	[sflag:s18] =	ssyncset.done $0x0  }
0x71: {  	[sflag:s18] =	ssyncadd.s32 $0xFFFFC000  }
0x72: {  	_ =	swait.ge [sflag:s18], $0x4000  }
0x73: {  	[sflag:s18] =	ssyncset.done $0x0  }
0x74: {  	[sflag:s18] =	ssyncadd.s32 $0xFFFFC000  }
0x75: {  	[hbm4b:s22+s2] =	stream.linear.scatter [tilespmem:s15], [sflag:$0x3], $0x8000, $0x38;
	[tilespmem:$0x10C00] =	vst v63  }
0x76: {  	_ =	swait.ge [sflag:s7], $0x8000  }
0x77: {  	[sflag:s7] =	ssyncset.done $0x0  }
0x78: {  	[sflag:s7] =	ssyncadd.s32 $0xFFFF8000  }
0x79: {  	[tilespmem:s10], [sflag:$0x2] =	stream.indirect.gather [hbm4b:s3+s9], $0x80, s20, s9, $0xb8;
	[tilespmem:$0x10C00] =	vst v63  }
0x7a: {  	_ = 	snop  }
0x7b: {  	[tilespmem:s16], [sflag:$0x2] =	stream.indirect.gather [hbm4b:s3+s9], $0x80, s21, s9, $0xb8;
	[tilespmem:$0x10C00] =	vst v63  }
0x7c: {  	_ =	swait.ge [sflag:s12], $0x4000  }
0x7d: {  	[sflag:s12] =	ssyncset.done $0x0  }
0x7e: {  	[sflag:s12] =	ssyncadd.s32 $0xFFFFC000  }
0x7f: {  	_ =	swait.ge [sflag:s12], $0x4000  }
0x80: {  	[sflag:s12] =	ssyncset.done $0x0  }
0x81: {  	[sflag:s12] =	ssyncadd.s32 $0xFFFFC000  }
0x82: {  	[hbm4b:s17+s2] =	stream.linear.scatter [tilespmem:s10], [sflag:$0x4], $0x8000, $0x38;
	[tilespmem:$0x10C00] =	vst v63  }
0x83: {  	_ =	swait.ge [sflag:s11], $0x8000  }
0x84: {  	[sflag:s11] =	ssyncset.done $0x0  }
0x85: {  	[sflag:s11] =	ssyncadd.s32 $0xFFFF8000  }
0x86: {  	[tilespmem:s15], [sflag:$0x1] =	stream.indirect.gather [hbm4b:s3+s9], $0x80, s13, s9, $0xb8;
	[tilespmem:$0x10C00] =	vst v63  }
0x87: {  	_ = 	snop  }
0x88: {  	[tilespmem:s19], [sflag:$0x1] =	stream.indirect.gather [hbm4b:s3+s9], $0x80, s14, s9, $0xb8;
	[tilespmem:$0x10C00] =	vst v63  }
0x89: {  	_ =	swait.ge [sflag:s18], $0x4000  }
0x8a: {  	[sflag:s18] =	ssyncset.done $0x0  }
0x8b: {  	[sflag:s18] =	ssyncadd.s32 $0xFFFFC000  }
0x8c: {  	_ =	swait.ge [sflag:s18], $0x4000  }
0x8d: {  	[sflag:s18] =	ssyncset.done $0x0  }
0x8e: {  	[sflag:s18] =	ssyncadd.s32 $0xFFFFC000  }
0x8f: {  	[hbm4b:s8+s2] =	stream.linear.scatter [tilespmem:s15], [sflag:$0x3], $0x8000, $0x38;
	[tilespmem:$0x10C00] =	vst v63  }
0x90: {  	_ =	swait.ge [sflag:s7], $0x8000  }
0x91: {  	[sflag:s7] =	ssyncset.done $0x0  }
0x92: {  	[sflag:s7] =	ssyncadd.s32 $0xFFFF8000  }
0x93: {  	[tilespmem:s10], [sflag:$0x2] =	stream.indirect.gather [hbm4b:s3+s9], $0x80, s5, s9, $0xb8;
	[tilespmem:$0x10C00] =	vst v63  }
0x94: {  	_ = 	snop  }
0x95: {  	[tilespmem:s16], [sflag:$0x2] =	stream.indirect.gather [hbm4b:s3+s9], $0x80, s6, s9, $0xb8;
	[tilespmem:$0x10C00] =	vst v63  }
0x96: {  	_ =	swait.ge [sflag:s12], $0x4000  }
0x97: {  	[sflag:s12] =	ssyncset.done $0x0  }
0x98: {  	[sflag:s12] =	ssyncadd.s32 $0xFFFFC000  }
0x99: {  	_ =	swait.ge [sflag:s12], $0x4000  }
0x9a: {  	[sflag:s12] =	ssyncset.done $0x0  }
0x9b: {  	[sflag:s12] =	ssyncadd.s32 $0xFFFFC000  }
0x9c: {  	[hbm4b:s4+s2] =	stream.linear.scatter [tilespmem:s10], [sflag:$0x4], $0x8000, $0x38;
	[tilespmem:$0x10C00] =	vst v63  }
0x9d: {  	_ =	swait.ge [sflag:s11], $0x8000  }
0x9e: {  	s1 =	rddreg [dreg:$0x10]  }
0x9f: {  	p1 =	sne.s32 s1, $0x1  }
.Ltmp1:
0xa0: {  	_ = 	snop;
	(pc) =	sbr.rel @!p1 .LBB2_3-.Ltmp1, $4  }
0xa1: {  	[sflag:s11] =	ssyncset.done $0x0  }
0xa2: {  	[sflag:s11] =	ssyncadd.s32 $0xFFFF8000  }
0xa3: {  	p0 =	por $0x1, $0x1;
	_ =	swait.ge [sflag:s7], $0x8000  }
0xa4: {  	s1 =	sadd.s32 $0xFFFFFFFF, s1;
	s0 =	rddreg [dreg:$0x2];
	[sflag:s7] =	ssyncset.done $0x0  }
.LBB2_2:
0xa5: {  	[sflag:s7] =	ssyncadd.s32 $0xFFFF8000  }
0xa6: {  	[tilespmem:s2], [sflag:$0x5] =	stream.linear.gather [hbm4b:s0+s2], $0xC00, $0x38;
	[tilespmem:$0x10C00] =	vst v63  }
0xa7: {  	_ =	swait.ge [sflag:s31], $0xC00  }
0xa8: {  	[sflag:s31] =	ssyncset.done $0x0  }
0xa9: {  	s0 =	rddreg [dreg:$0x3];
	[sflag:s31] =	ssyncadd.s32 $0xFFFFF400;
	s31 =	smov.u32 s30  }
0xaa: {  	[tilespmem:s15], [sflag:$0x1] =	stream.indirect.gather [hbm4b:s3+s9], $0x80, s30, s9, $0xb8;
	[tilespmem:$0x10C00] =	vst v63  }
0xab: {  	s30 =	smov.u32 s29;
	s29 =	smov.u32 s28;
	s28 =	smov.u32 s26  }
0xac: {  	[tilespmem:s19], [sflag:$0x1] =	stream.indirect.gather [hbm4b:s3+s9], $0x80, s0, s9, $0xb8;
	[tilespmem:$0x10C00] =	vst v63  }
0xad: {  	s26 =	smov.u32 s25;
	s25 =	smov.u32 s24;
	_ =	swait.ge [sflag:s18], $0x4000  }
0xae: {  	s24 =	smov.u32 s23;
	s23 =	smov.u32 s22;
	[sflag:s18] =	ssyncset.done $0x0  }
0xaf: {  	s22 =	smov.u32 s21;
	s21 =	smov.u32 s20;
	[sflag:s18] =	ssyncadd.s32 $0xFFFFC000  }
0xb0: {  	s20 =	smov.u32 s17;
	s17 =	smov.u32 s14;
	_ =	swait.ge [sflag:s18], $0x4000  }
0xb1: {  	s14 =	smov.u32 s13;
	s13 =	smov.u32 s8;
	[sflag:s18] =	ssyncset.done $0x0  }
0xb2: {  	s8 =	smov.u32 s6;
	s0 =	rddreg [dreg:$0x4];
	[sflag:s18] =	ssyncadd.s32 $0xFFFFC000  }
0xb3: {  	[hbm4b:s0+s2] =	stream.linear.scatter [tilespmem:s15], [sflag:$0x3], $0x8000, $0x38;
	[tilespmem:$0x10C00] =	vst v63  }
0xb4: {  	s6 =	smov.u32 s5;
	s5 =	smov.u32 s4;
	s4 =	rddreg [dreg:$0x5]  }
0xb5: {  	[tilespmem:s10], [sflag:$0x2] =	stream.indirect.gather [hbm4b:s3+s9], $0x80, s4, s9, $0xb8;
	[tilespmem:$0x10C00] =	vst v63  }
0xb6: {  	s0 =	rddreg [dreg:$0x6]  }
0xb7: {  	[tilespmem:s16], [sflag:$0x2] =	stream.indirect.gather [hbm4b:s3+s9], $0x80, s0, s9, $0xb8;
	[tilespmem:$0x10C00] =	vst v63  }
0xb8: {  	_ =	swait.ge [sflag:s12], $0x4000  }
0xb9: {  	[sflag:s12] =	ssyncset.done $0x0  }
0xba: {  	[sflag:s12] =	ssyncadd.s32 $0xFFFFC000  }
0xbb: {  	_ =	swait.ge [sflag:s12], $0x4000  }
0xbc: {  	[sflag:s12] =	ssyncset.done $0x0  }
0xbd: {  	s4 =	rddreg [dreg:$0x7];
	[sflag:s12] =	ssyncadd.s32 $0xFFFFC000  }
0xbe: {  	[hbm4b:s4+s2] =	stream.linear.scatter [tilespmem:s10], [sflag:$0x4], $0x8000, $0x38;
	[tilespmem:$0x10C00] =	vst v63  }
0xbf: {  	_ =	swait.ge [sflag:s11], $0x8000  }
0xc0: {  	[sflag:s11] =	ssyncset.done $0x0  }
0xc1: {  	s0 =	rddreg [dreg:$0x8];
	[sflag:s11] =	ssyncadd.s32 $0xFFFF8000  }
0xc2: {  	[tilespmem:s15], [sflag:$0x1] =	stream.indirect.gather [hbm4b:s3+s9], $0x80, s0, s9, $0xb8;
	[tilespmem:$0x10C00] =	vst v63  }
0xc3: {  	s4 =	rddreg [dreg:$0x9]  }
0xc4: {  	[tilespmem:s19], [sflag:$0x1] =	stream.indirect.gather [hbm4b:s3+s9], $0x80, s4, s9, $0xb8;
	[tilespmem:$0x10C00] =	vst v63  }
0xc5: {  	_ =	swait.ge [sflag:s18], $0x4000  }
0xc6: {  	[sflag:s18] =	ssyncset.done $0x0  }
0xc7: {  	[sflag:s18] =	ssyncadd.s32 $0xFFFFC000  }
0xc8: {  	_ =	swait.ge [sflag:s18], $0x4000  }
0xc9: {  	[sflag:s18] =	ssyncset.done $0x0  }
0xca: {  	s4 =	rddreg [dreg:$0xa];
	[sflag:s18] =	ssyncadd.s32 $0xFFFFC000  }
0xcb: {  	[hbm4b:s4+s2] =	stream.linear.scatter [tilespmem:s15], [sflag:$0x3], $0x8000, $0x38;
	[tilespmem:$0x10C00] =	vst v63  }
0xcc: {  	_ =	swait.ge [sflag:s7], $0x8000  }
0xcd: {  	[sflag:s7] =	ssyncset.done $0x0  }
0xce: {  	s0 =	rddreg [dreg:$0xb];
	[sflag:s7] =	ssyncadd.s32 $0xFFFF8000  }
0xcf: {  	[tilespmem:s10], [sflag:$0x2] =	stream.indirect.gather [hbm4b:s3+s9], $0x80, s0, s9, $0xb8;
	[tilespmem:$0x10C00] =	vst v63  }
0xd0: {  	s4 =	rddreg [dreg:$0xc]  }
0xd1: {  	[tilespmem:s16], [sflag:$0x2] =	stream.indirect.gather [hbm4b:s3+s9], $0x80, s4, s9, $0xb8;
	[tilespmem:$0x10C00] =	vst v63  }
0xd2: {  	_ =	swait.ge [sflag:s12], $0x4000  }
0xd3: {  	[sflag:s12] =	ssyncset.done $0x0  }
0xd4: {  	[sflag:s12] =	ssyncadd.s32 $0xFFFFC000  }
0xd5: {  	_ =	swait.ge [sflag:s12], $0x4000  }
0xd6: {  	[sflag:s12] =	ssyncset.done $0x0  }
0xd7: {  	s4 =	rddreg [dreg:$0xd];
	[sflag:s12] =	ssyncadd.s32 $0xFFFFC000  }
0xd8: {  	[hbm4b:s4+s2] =	stream.linear.scatter [tilespmem:s10], [sflag:$0x4], $0x8000, $0x38;
	[tilespmem:$0x10C00] =	vst v63  }
0xd9: {  	_ =	swait.ge [sflag:s11], $0x8000  }
0xda: {  	[sflag:s11] =	ssyncset.done $0x0  }
0xdb: {  	s0 =	rddreg [dreg:$0xe];
	[sflag:s11] =	ssyncadd.s32 $0xFFFF8000  }
0xdc: {  	[tilespmem:s15], [sflag:$0x1] =	stream.indirect.gather [hbm4b:s3+s9], $0x80, s0, s9, $0xb8;
	[tilespmem:$0x10C00] =	vst v63  }
0xdd: {  	s4 =	rddreg [dreg:$0xf]  }
0xde: {  	[tilespmem:s19], [sflag:$0x1] =	stream.indirect.gather [hbm4b:s3+s9], $0x80, s4, s9, $0xb8;
	[tilespmem:$0x10C00] =	vst v63  }
0xdf: {  	s4 =	smov.u32 s5  }
0xe0: {  	s5 =	smov.u32 s6;
	s6 =	smov.u32 s8;
	s8 =	smov.u32 s13  }
0xe1: {  	s13 =	smov.u32 s14;
	s14 =	smov.u32 s17;
	_ =	swait.ge [sflag:s18], $0x4000  }
0xe2: {  	s17 =	smov.u32 s20;
	s20 =	smov.u32 s21;
	[sflag:s18] =	ssyncset.done $0x0  }
0xe3: {  	s21 =	smov.u32 s22;
	s22 =	smov.u32 s23;
	[sflag:s18] =	ssyncadd.s32 $0xFFFFC000  }
0xe4: {  	s23 =	smov.u32 s24;
	s24 =	smov.u32 s25;
	_ =	swait.ge [sflag:s18], $0x4000  }
0xe5: {  	s25 =	smov.u32 s26;
	s26 =	smov.u32 s28;
	[sflag:s18] =	ssyncset.done $0x0  }
0xe6: {  	s28 =	smov.u32 s29;
	s29 =	smov.u32 s30;
	[sflag:s18] =	ssyncadd.s32 $0xFFFFC000  }
0xe7: {  	[hbm4b:s29+s2] =	stream.linear.scatter [tilespmem:s15], [sflag:$0x3], $0x8000, $0x38;
	[tilespmem:$0x10C00] =	vst v63  }
0xe8: {  	_ =	swait.ge [sflag:s7], $0x8000  }
0xe9: {  	[sflag:s7] =	ssyncset.done $0x0  }
0xea: {  	[sflag:s7] =	ssyncadd.s32 $0xFFFF8000  }
0xeb: {  	[tilespmem:s10], [sflag:$0x2] =	stream.indirect.gather [hbm4b:s3+s9], $0x80, s26, s9, $0xb8;
	[tilespmem:$0x10C00] =	vst v63  }
0xec: {  	_ = 	snop  }
0xed: {  	[tilespmem:s16], [sflag:$0x2] =	stream.indirect.gather [hbm4b:s3+s9], $0x80, s28, s9, $0xb8;
	[tilespmem:$0x10C00] =	vst v63  }
0xee: {  	_ =	swait.ge [sflag:s12], $0x4000  }
0xef: {  	[sflag:s12] =	ssyncset.done $0x0  }
0xf0: {  	[sflag:s12] =	ssyncadd.s32 $0xFFFFC000  }
0xf1: {  	_ =	swait.ge [sflag:s12], $0x4000  }
0xf2: {  	[sflag:s12] =	ssyncset.done $0x0  }
0xf3: {  	[sflag:s12] =	ssyncadd.s32 $0xFFFFC000  }
0xf4: {  	[hbm4b:s25+s2] =	stream.linear.scatter [tilespmem:s10], [sflag:$0x4], $0x8000, $0x38;
	[tilespmem:$0x10C00] =	vst v63  }
0xf5: {  	_ =	swait.ge [sflag:s11], $0x8000  }
0xf6: {  	[sflag:s11] =	ssyncset.done $0x0  }
0xf7: {  	[sflag:s11] =	ssyncadd.s32 $0xFFFF8000  }
0xf8: {  	[tilespmem:s15], [sflag:$0x1] =	stream.indirect.gather [hbm4b:s3+s9], $0x80, s23, s9, $0xb8;
	[tilespmem:$0x10C00] =	vst v63  }
0xf9: {  	_ = 	snop  }
0xfa: {  	[tilespmem:s19], [sflag:$0x1] =	stream.indirect.gather [hbm4b:s3+s9], $0x80, s24, s9, $0xb8;
	[tilespmem:$0x10C00] =	vst v63  }
0xfb: {  	_ =	swait.ge [sflag:s18], $0x4000  }
0xfc: {  	[sflag:s18] =	ssyncset.done $0x0  }
0xfd: {  	[sflag:s18] =	ssyncadd.s32 $0xFFFFC000  }
0xfe: {  	_ =	swait.ge [sflag:s18], $0x4000  }
0xff: {  	[sflag:s18] =	ssyncset.done $0x0  }
0x100: {  	[sflag:s18] =	ssyncadd.s32 $0xFFFFC000  }
0x101: {  	[hbm4b:s22+s2] =	stream.linear.scatter [tilespmem:s15], [sflag:$0x3], $0x8000, $0x38;
	[tilespmem:$0x10C00] =	vst v63  }
0x102: {  	_ =	swait.ge [sflag:s7], $0x8000  }
0x103: {  	[sflag:s7] =	ssyncset.done $0x0  }
0x104: {  	[sflag:s7] =	ssyncadd.s32 $0xFFFF8000  }
0x105: {  	[tilespmem:s10], [sflag:$0x2] =	stream.indirect.gather [hbm4b:s3+s9], $0x80, s20, s9, $0xb8;
	[tilespmem:$0x10C00] =	vst v63  }
0x106: {  	_ = 	snop  }
0x107: {  	[tilespmem:s16], [sflag:$0x2] =	stream.indirect.gather [hbm4b:s3+s9], $0x80, s21, s9, $0xb8;
	[tilespmem:$0x10C00] =	vst v63  }
0x108: {  	_ =	swait.ge [sflag:s12], $0x4000  }
0x109: {  	[sflag:s12] =	ssyncset.done $0x0  }
0x10a: {  	[sflag:s12] =	ssyncadd.s32 $0xFFFFC000  }
0x10b: {  	_ =	swait.ge [sflag:s12], $0x4000  }
0x10c: {  	[sflag:s12] =	ssyncset.done $0x0  }
0x10d: {  	[sflag:s12] =	ssyncadd.s32 $0xFFFFC000  }
0x10e: {  	[hbm4b:s17+s2] =	stream.linear.scatter [tilespmem:s10], [sflag:$0x4], $0x8000, $0x38;
	[tilespmem:$0x10C00] =	vst v63  }
0x10f: {  	_ =	swait.ge [sflag:s11], $0x8000  }
0x110: {  	[sflag:s11] =	ssyncset.done $0x0  }
0x111: {  	[sflag:s11] =	ssyncadd.s32 $0xFFFF8000  }
0x112: {  	[tilespmem:s15], [sflag:$0x1] =	stream.indirect.gather [hbm4b:s3+s9], $0x80, s13, s9, $0xb8;
	[tilespmem:$0x10C00] =	vst v63  }
0x113: {  	_ = 	snop  }
0x114: {  	[tilespmem:s19], [sflag:$0x1] =	stream.indirect.gather [hbm4b:s3+s9], $0x80, s14, s9, $0xb8;
	[tilespmem:$0x10C00] =	vst v63  }
0x115: {  	_ =	swait.ge [sflag:s18], $0x4000  }
0x116: {  	[sflag:s18] =	ssyncset.done $0x0  }
0x117: {  	[sflag:s18] =	ssyncadd.s32 $0xFFFFC000  }
0x118: {  	_ =	swait.ge [sflag:s18], $0x4000  }
0x119: {  	[sflag:s18] =	ssyncset.done $0x0  }
0x11a: {  	[sflag:s18] =	ssyncadd.s32 $0xFFFFC000  }
0x11b: {  	[hbm4b:s8+s2] =	stream.linear.scatter [tilespmem:s15], [sflag:$0x3], $0x8000, $0x38;
	[tilespmem:$0x10C00] =	vst v63  }
0x11c: {  	_ =	swait.ge [sflag:s7], $0x8000  }
0x11d: {  	[sflag:s7] =	ssyncset.done $0x0  }
0x11e: {  	[sflag:s7] =	ssyncadd.s32 $0xFFFF8000  }
0x11f: {  	[tilespmem:s10], [sflag:$0x2] =	stream.indirect.gather [hbm4b:s3+s9], $0x80, s5, s9, $0xb8;
	[tilespmem:$0x10C00] =	vst v63  }
0x120: {  	_ = 	snop  }
0x121: {  	[tilespmem:s16], [sflag:$0x2] =	stream.indirect.gather [hbm4b:s3+s9], $0x80, s6, s9, $0xb8;
	[tilespmem:$0x10C00] =	vst v63  }
0x122: {  	_ =	swait.ge [sflag:s12], $0x4000  }
0x123: {  	[sflag:s12] =	ssyncset.done $0x0  }
0x124: {  	[sflag:s12] =	ssyncadd.s32 $0xFFFFC000  }
0x125: {  	_ =	swait.ge [sflag:s12], $0x4000  }
0x126: {  	[sflag:s12] =	ssyncset.done $0x0  }
0x127: {  	p1 =	sne.s32 s1, $0x1;
	[sflag:s12] =	ssyncadd.s32 $0xFFFFC000  }
0x128: {  	[hbm4b:s4+s2] =	stream.linear.scatter [tilespmem:s10], [sflag:$0x4], $0x8000, $0x38;
	[tilespmem:$0x10C00] =	vst v63  }
.Ltmp2:
0x129: {  	_ =	swait.ge [sflag:s11], $0x8000;
	(pc) =	sbr.rel @p1 .LBB2_2-.Ltmp2, $4  }
0x12a: {  	[sflag:s11] =	ssyncset.done $0x0  }
0x12b: {  	[sflag:s11] =	ssyncadd.s32 $0xFFFF8000  }
0x12c: {  	s1 =	sadd.s32 $0xFFFFFFFF, s1;
	s30 =	smov.u32 s31;
	_ =	swait.ge [sflag:s7], $0x8000  }
0x12d: {  	s31 =	simm.s32 $0x5;
	s0 =	rddreg [dreg:$0x2];
	[sflag:s7] =	ssyncset.done $0x0  }
.LBB2_3:
0x12e: {  	[sflag:s7] =	ssyncadd.s32 @p0 $0xFFFF8000  }
0x12f: {  	[tilespmem:s2], [sflag:$0x5] =	stream.linear.gather [hbm4b:s0+s2], $0xC00, $0x38;
	[tilespmem:$0x10C00] =	vst v63  }
0x130: {  	_ =	swait.ge [sflag:s31], $0xC00  }
0x131: {  	[sflag:s31] =	ssyncset.done $0x0  }
0x132: {  	[sflag:s31] =	ssyncadd.s32 $0xFFFFF400  }
0x133: {  	[tilespmem:s15], [sflag:$0x1] =	stream.indirect.gather [hbm4b:s3+s9], $0x80, s30, s9, $0xb8;
	[tilespmem:$0x10C00] =	vst v63  }
0x134: {  	s1 =	rddreg [dreg:$0x3]  }
0x135: {  	[tilespmem:s19], [sflag:$0x1] =	stream.indirect.gather [hbm4b:s3+s9], $0x80, s1, s9, $0xb8;
	[tilespmem:$0x10C00] =	vst v63  }
0x136: {  	_ =	swait.ge [sflag:s18], $0x4000  }
0x137: {  	[sflag:s18] =	ssyncset.done $0x0  }
0x138: {  	[sflag:s18] =	ssyncadd.s32 $0xFFFFC000  }
0x139: {  	_ =	swait.ge [sflag:s18], $0x4000  }
0x13a: {  	[sflag:s18] =	ssyncset.done $0x0  }
0x13b: {  	s31 =	rddreg [dreg:$0x4];
	[sflag:s18] =	ssyncadd.s32 $0xFFFFC000  }
0x13c: {  	[hbm4b:s31+s2] =	stream.linear.scatter [tilespmem:s15], [sflag:$0x3], $0x8000, $0x38;
	[tilespmem:$0x10C00] =	vst v63  }
0x13d: {  	s1 =	rddreg [dreg:$0x5]  }
0x13e: {  	[tilespmem:s10], [sflag:$0x2] =	stream.indirect.gather [hbm4b:s3+s9], $0x80, s1, s9, $0xb8;
	[tilespmem:$0x10C00] =	vst v63  }
0x13f: {  	s30 =	rddreg [dreg:$0x6]  }
0x140: {  	[tilespmem:s16], [sflag:$0x2] =	stream.indirect.gather [hbm4b:s3+s9], $0x80, s30, s9, $0xb8;
	[tilespmem:$0x10C00] =	vst v63  }
0x141: {  	_ =	swait.ge [sflag:s12], $0x4000  }
0x142: {  	[sflag:s12] =	ssyncset.done $0x0  }
0x143: {  	[sflag:s12] =	ssyncadd.s32 $0xFFFFC000  }
0x144: {  	_ =	swait.ge [sflag:s12], $0x4000  }
0x145: {  	[sflag:s12] =	ssyncset.done $0x0  }
0x146: {  	s31 =	rddreg [dreg:$0x7];
	[sflag:s12] =	ssyncadd.s32 $0xFFFFC000  }
0x147: {  	[hbm4b:s31+s2] =	stream.linear.scatter [tilespmem:s10], [sflag:$0x4], $0x8000, $0x38;
	[tilespmem:$0x10C00] =	vst v63  }
0x148: {  	_ =	swait.ge [sflag:s11], $0x8000  }
0x149: {  	[sflag:s11] =	ssyncset.done $0x0  }
0x14a: {  	s1 =	rddreg [dreg:$0x8];
	[sflag:s11] =	ssyncadd.s32 $0xFFFF8000  }
0x14b: {  	[tilespmem:s15], [sflag:$0x1] =	stream.indirect.gather [hbm4b:s3+s9], $0x80, s1, s9, $0xb8;
	[tilespmem:$0x10C00] =	vst v63  }
0x14c: {  	s30 =	rddreg [dreg:$0x9]  }
0x14d: {  	[tilespmem:s19], [sflag:$0x1] =	stream.indirect.gather [hbm4b:s3+s9], $0x80, s30, s9, $0xb8;
	[tilespmem:$0x10C00] =	vst v63  }
0x14e: {  	_ =	swait.ge [sflag:s18], $0x4000  }
0x14f: {  	[sflag:s18] =	ssyncset.done $0x0  }
0x150: {  	[sflag:s18] =	ssyncadd.s32 $0xFFFFC000  }
0x151: {  	_ =	swait.ge [sflag:s18], $0x4000  }
0x152: {  	[sflag:s18] =	ssyncset.done $0x0  }
0x153: {  	s31 =	rddreg [dreg:$0xa];
	[sflag:s18] =	ssyncadd.s32 $0xFFFFC000  }
0x154: {  	[hbm4b:s31+s2] =	stream.linear.scatter [tilespmem:s15], [sflag:$0x3], $0x8000, $0x38;
	[tilespmem:$0x10C00] =	vst v63  }
0x155: {  	_ =	swait.ge [sflag:s7], $0x8000  }
0x156: {  	[sflag:s7] =	ssyncset.done $0x0  }
0x157: {  	s1 =	rddreg [dreg:$0xb];
	[sflag:s7] =	ssyncadd.s32 $0xFFFF8000  }
0x158: {  	[tilespmem:s10], [sflag:$0x2] =	stream.indirect.gather [hbm4b:s3+s9], $0x80, s1, s9, $0xb8;
	[tilespmem:$0x10C00] =	vst v63  }
0x159: {  	s30 =	rddreg [dreg:$0xc]  }
0x15a: {  	[tilespmem:s16], [sflag:$0x2] =	stream.indirect.gather [hbm4b:s3+s9], $0x80, s30, s9, $0xb8;
	[tilespmem:$0x10C00] =	vst v63  }
0x15b: {  	_ =	swait.ge [sflag:s12], $0x4000  }
0x15c: {  	[sflag:s12] =	ssyncset.done $0x0  }
0x15d: {  	[sflag:s12] =	ssyncadd.s32 $0xFFFFC000  }
0x15e: {  	_ =	swait.ge [sflag:s12], $0x4000  }
0x15f: {  	[sflag:s12] =	ssyncset.done $0x0  }
0x160: {  	s31 =	rddreg [dreg:$0xd];
	[sflag:s12] =	ssyncadd.s32 $0xFFFFC000  }
0x161: {  	[hbm4b:s31+s2] =	stream.linear.scatter [tilespmem:s10], [sflag:$0x4], $0x8000, $0x38;
	[tilespmem:$0x10C00] =	vst v63  }
0x162: {  	_ =	swait.ge [sflag:s11], $0x8000  }
0x163: {  	[sflag:s11] =	ssyncset.done $0x0  }
0x164: {  	s1 =	rddreg [dreg:$0xe];
	[sflag:s11] =	ssyncadd.s32 $0xFFFF8000  }
0x165: {  	[tilespmem:s15], [sflag:$0x1] =	stream.indirect.gather [hbm4b:s3+s9], $0x80, s1, s9, $0xb8;
	[tilespmem:$0x10C00] =	vst v63  }
0x166: {  	s30 =	rddreg [dreg:$0xf]  }
0x167: {  	[tilespmem:s19], [sflag:$0x1] =	stream.indirect.gather [hbm4b:s3+s9], $0x80, s30, s9, $0xb8;
	[tilespmem:$0x10C00] =	vst v63  }
0x168: {  	_ =	swait.ge [sflag:s18], $0x4000  }
0x169: {  	[sflag:s18] =	ssyncset.done $0x0  }
0x16a: {  	[sflag:s18] =	ssyncadd.s32 $0xFFFFC000  }
0x16b: {  	_ =	swait.ge [sflag:s18], $0x4000  }
0x16c: {  	[sflag:s18] =	ssyncset.done $0x0  }
0x16d: {  	[sflag:s18] =	ssyncadd.s32 $0xFFFFC000  }
0x16e: {  	[hbm4b:s29+s2] =	stream.linear.scatter [tilespmem:s15], [sflag:$0x3], $0x8000, $0x38;
	[tilespmem:$0x10C00] =	vst v63  }
0x16f: {  	_ =	swait.ge [sflag:s7], $0x8000  }
0x170: {  	[sflag:s7] =	ssyncset.done $0x0  }
0x171: {  	[sflag:s7] =	ssyncadd.s32 $0xFFFF8000  }
0x172: {  	[tilespmem:s10], [sflag:$0x2] =	stream.indirect.gather [hbm4b:s3+s9], $0x80, s26, s9, $0xb8;
	[tilespmem:$0x10C00] =	vst v63  }
0x173: {  	_ = 	snop  }
0x174: {  	[tilespmem:s16], [sflag:$0x2] =	stream.indirect.gather [hbm4b:s3+s9], $0x80, s28, s9, $0xb8;
	[tilespmem:$0x10C00] =	vst v63  }
0x175: {  	_ =	swait.ge [sflag:s12], $0x4000  }
0x176: {  	[sflag:s12] =	ssyncset.done $0x0  }
0x177: {  	[sflag:s12] =	ssyncadd.s32 $0xFFFFC000  }
0x178: {  	_ =	swait.ge [sflag:s12], $0x4000  }
0x179: {  	[sflag:s12] =	ssyncset.done $0x0  }
0x17a: {  	[sflag:s12] =	ssyncadd.s32 $0xFFFFC000  }
0x17b: {  	[hbm4b:s25+s2] =	stream.linear.scatter [tilespmem:s10], [sflag:$0x4], $0x8000, $0x38;
	[tilespmem:$0x10C00] =	vst v63  }
0x17c: {  	_ =	swait.ge [sflag:s11], $0x8000  }
0x17d: {  	[sflag:s11] =	ssyncset.done $0x0  }
0x17e: {  	[sflag:s11] =	ssyncadd.s32 $0xFFFF8000  }
0x17f: {  	[tilespmem:s15], [sflag:$0x1] =	stream.indirect.gather [hbm4b:s3+s9], $0x80, s23, s9, $0xb8;
	[tilespmem:$0x10C00] =	vst v63  }
0x180: {  	_ = 	snop  }
0x181: {  	[tilespmem:s19], [sflag:$0x1] =	stream.indirect.gather [hbm4b:s3+s9], $0x80, s24, s9, $0xb8;
	[tilespmem:$0x10C00] =	vst v63  }
0x182: {  	_ =	swait.ge [sflag:s18], $0x4000  }
0x183: {  	[sflag:s18] =	ssyncset.done $0x0  }
0x184: {  	[sflag:s18] =	ssyncadd.s32 $0xFFFFC000  }
0x185: {  	_ =	swait.ge [sflag:s18], $0x4000  }
0x186: {  	[sflag:s18] =	ssyncset.done $0x0  }
0x187: {  	[sflag:s18] =	ssyncadd.s32 $0xFFFFC000  }
0x188: {  	[hbm4b:s22+s2] =	stream.linear.scatter [tilespmem:s15], [sflag:$0x3], $0x8000, $0x38;
	[tilespmem:$0x10C00] =	vst v63  }
0x189: {  	_ =	swait.ge [sflag:s7], $0x8000  }
0x18a: {  	[sflag:s7] =	ssyncset.done $0x0  }
0x18b: {  	[sflag:s7] =	ssyncadd.s32 $0xFFFF8000  }
0x18c: {  	[tilespmem:s10], [sflag:$0x2] =	stream.indirect.gather [hbm4b:s3+s9], $0x80, s20, s9, $0xb8;
	[tilespmem:$0x10C00] =	vst v63  }
0x18d: {  	_ = 	snop  }
0x18e: {  	[tilespmem:s16], [sflag:$0x2] =	stream.indirect.gather [hbm4b:s3+s9], $0x80, s21, s9, $0xb8;
	[tilespmem:$0x10C00] =	vst v63  }
0x18f: {  	_ =	swait.ge [sflag:s12], $0x4000  }
0x190: {  	[sflag:s12] =	ssyncset.done $0x0  }
0x191: {  	[sflag:s12] =	ssyncadd.s32 $0xFFFFC000  }
0x192: {  	_ =	swait.ge [sflag:s12], $0x4000  }
0x193: {  	[sflag:s12] =	ssyncset.done $0x0  }
0x194: {  	[sflag:s12] =	ssyncadd.s32 $0xFFFFC000  }
0x195: {  	[hbm4b:s17+s2] =	stream.linear.scatter [tilespmem:s10], [sflag:$0x4], $0x8000, $0x38;
	[tilespmem:$0x10C00] =	vst v63  }
0x196: {  	_ =	swait.ge [sflag:s11], $0x8000  }
0x197: {  	[sflag:s11] =	ssyncset.done $0x0  }
0x198: {  	[sflag:s11] =	ssyncadd.s32 $0xFFFF8000  }
0x199: {  	[tilespmem:s15], [sflag:$0x1] =	stream.indirect.gather [hbm4b:s3+s9], $0x80, s13, s9, $0xb8;
	[tilespmem:$0x10C00] =	vst v63  }
0x19a: {  	_ = 	snop  }
0x19b: {  	[tilespmem:s19], [sflag:$0x1] =	stream.indirect.gather [hbm4b:s3+s9], $0x80, s14, s9, $0xb8;
	[tilespmem:$0x10C00] =	vst v63  }
0x19c: {  	_ =	swait.ge [sflag:s18], $0x4000  }
0x19d: {  	[sflag:s18] =	ssyncset.done $0x0  }
0x19e: {  	[sflag:s18] =	ssyncadd.s32 $0xFFFFC000  }
0x19f: {  	_ =	swait.ge [sflag:s18], $0x4000  }
0x1a0: {  	[sflag:s18] =	ssyncset.done $0x0  }
0x1a1: {  	[sflag:s18] =	ssyncadd.s32 $0xFFFFC000  }
0x1a2: {  	[hbm4b:s8+s2] =	stream.linear.scatter [tilespmem:s15], [sflag:$0x3], $0x8000, $0x38;
	[tilespmem:$0x10C00] =	vst v63  }
0x1a3: {  	_ =	swait.ge [sflag:s7], $0x8000  }
0x1a4: {  	[sflag:s7] =	ssyncset.done $0x0  }
0x1a5: {  	[sflag:s7] =	ssyncadd.s32 $0xFFFF8000  }
0x1a6: {  	[tilespmem:s10], [sflag:$0x2] =	stream.indirect.gather [hbm4b:s3+s9], $0x80, s5, s9, $0xb8;
	[tilespmem:$0x10C00] =	vst v63  }
0x1a7: {  	_ = 	snop  }
0x1a8: {  	[tilespmem:s16], [sflag:$0x2] =	stream.indirect.gather [hbm4b:s3+s9], $0x80, s6, s9, $0xb8;
	[tilespmem:$0x10C00] =	vst v63  }
0x1a9: {  	_ =	swait.ge [sflag:s12], $0x4000  }
0x1aa: {  	[sflag:s12] =	ssyncset.done $0x0  }
0x1ab: {  	[sflag:s12] =	ssyncadd.s32 $0xFFFFC000  }
0x1ac: {  	_ =	swait.ge [sflag:s12], $0x4000  }
0x1ad: {  	[sflag:s12] =	ssyncset.done $0x0  }
0x1ae: {  	[sflag:s12] =	ssyncadd.s32 $0xFFFFC000  }
0x1af: {  	[hbm4b:s4+s2] =	stream.linear.scatter [tilespmem:s10], [sflag:$0x4], $0x8000, $0x38;
	[tilespmem:$0x10C00] =	vst v63  }
0x1b0: {  	_ =	swait.ge [sflag:s11], $0x8000  }
0x1b1: {  	[sflag:s11] =	ssyncset.done $0x0  }
0x1b2: {  	[sflag:s11] =	ssyncadd.s32 $0xFFFF8000  }
0x1b3: {  	_ =	swait.ge [sflag:s7], $0x8000  }
0x1b4: {  	[sflag:s7] =	ssyncset.done $0x0  }
0x1b5: {  	[sflag:s7] =	ssyncadd.s32 $0xFFFF8000  }
0x1b6: {  	_ =	sfence.sel $0x180000  }
0x1b7: {  	[bflag:$0x0] =	sbarrier.arrive $0xFFFF  }
0x1b8: {  	_ =	strace $0x9000004D  }
0x1b9: {  	s31 =	stileid.u32;
	[bflag:$0x2] =	sbarrier.arrive $0xFFFF  }
0x1ba: {  	p0 =	sne.s32 s31, $0x0;
	s0 =	rddreg [dreg:$0x1]  }
0x1bb: {  	s0 =	sadd.s32 @!p0 $0x100000, s0  }
0x1bc: {  	[sflag:s0] =	ssyncadd.tile.s32 @!p0 $0x1;
	_ =	shalt  }
.Lfunc_end2:
_tile_overlayer_lowered:
.L_overlay_start_2:
0x1bd: {  	(tag) =	ssettag $0x2  }
0x1be: {  	s0 =	rddreg [dreg:$0x0];
	s2 =	stileid.u32  }
0x1bf: {  	s1 =	rddreg [dreg:$0x1];
	p0 =	sne.s32 s2, $0x0  }
0x1c0: {  	s3 =	rddreg [dreg:$0x2];
	[bflag:$0x3] =	sbarrier.arrive $0xFFFF;
	s2 =	simm.s32 @!p0 $0x1C05  }
0x1c1: {  	[timem:s3], [sflag:s2] =	dma.local @!p0 [hbm:s0], s1  }
0x1c2: {  	s0 =	simm.s32 @!p0 $0x5  }
0x1c3: {  	_ =	swait.ge @!p0 [sflag:s0], s1  }
0x1c4: {  	s1 =	ssub.s32 @!p0 $0x0, s1;
	[sflag:s0] =	ssyncset.done @!p0 $0x0  }
0x1c5: {  	[sflag:s0] =	ssyncadd.s32 @!p0 s1  }
0x1c6: {  	[bflag:$0x3] =	sbarrier.arrive $0xFFFF  }
0x1c7: {  	_ =	shalt  }

// kernel: kernel.19.cloned.1.call-start
scs
__scs_entry_jumppad:
0x0: {  	(pc) =	sbr.rel $0x88, $3  }
0x1: {  	(tag) =	ssettag $0x0;
	lr =	simm.s32 $0x1  }
0x2: {  	[smem:$0x3F8F] =	sst lr;
	_ =	strace $0xD0000000  }
0x3: {  	_ = 	snop  }
0x4: {  	_ = 	snop  }
0x5: {  	_ = 	snop  }
0x6: {  	_ = 	snop  }
0x7: {  	_ = 	snop  }
__scs_overlays_trampoline_lowered:
0x8: {  	[smem:$0x3F9E] =	sst s0  }
0x9: {  	[smem:$0x3F9F] =	sst s1  }
0xa: {  	[smem:$0x3FA0] =	sst s2  }
0xb: {  	[smem:$0x3FA1] =	sst s3  }
0xc: {  	[smem:$0x3FA2] =	sst s4  }
0xd: {  	[smem:$0x3FA3] =	sst s5  }
0xe: {  	[smem:$0x3FA4] =	sst s6  }
0xf: {  	[smem:$0x3FA5] =	sst s7  }
0x10: {  	[smem:$0x3FA6] =	sst s8  }
0x11: {  	[smem:$0x3FA7] =	sst s9;
	s0 =	simm.s32 @!p0 $0x0  }
0x12: {  	s1 =	sld [smem:$0x3F8D];
	s0 =	simm.s32 @p0 $0x1  }
0x13: {  	[smem:$0x3FA8] =	sst s0;
	s0 =	simm.s32 @!p1 $0x0  }
0x14: {  	s2 =	sld [smem:$0x3F8C];
	s0 =	simm.s32 @p1 $0x1  }
0x15: {  	[smem:$0x3FA9] =	sst s0;
	s0 =	simm.s32 @!p2 $0x0  }
0x16: {  	s3 =	sld [smem:$0x3FDB];
	s0 =	simm.s32 @p2 $0x1  }
0x17: {  	s4 =	simm.s32 $0x1BF5;
	[smem:$0x3FAB] =	sst s0  }
0x18: {  	s0 =	sld [smem:$0x3F8E];
	_ =	swait.ge [sflag:s4], $0x0  }
0x19: {  	s7 =	sld [smem:$0x3F8F]  }
0x1a: {  	s8 =	sadd.s32 $0xFFFFE003, lr  }
0x1b: {  	s9 =	sadd.s32 $0xFFFFFEF7, lr;
	s5 =	simm.s32 $0xFFFFFFFF;
	p2 =	slt.u32 s8, $0xFFFFF086  }
0x1c: {  	p1 =	slt.u32 s9, $0xF7A;
	s5 =	simm.s32 @!p2 $0x0  }
0x1d: {  	s5 =	simm.s32 @p1 $0x1;
	p0 =	seq.s32 s7, s2  }
0x1e: {  	s7 =	smul.u32 @!p0 $0xF7A, s2;
	p2 =	seq.s32 @!p0 s5, $0x0  }
0x1f: {  	s9 =	smul.u32 $0xF7A, s1;
	s8 =	simm.s32 @!p0 $0x1BF5;
	p2 =	por !p2, p0  }
0x20: {  	[sflag:s8] =	ssyncset.s32 @!p0 $0xFFFFF086;
	s6 =	sadd.s32 @!p0 s3, s7;
	s7 =	simm.s32 @!p0 $0x108  }
0x21: {  	s3 =	sadd.s32 s3, s9;
	s6 =	sadd.s32 @!p0 $0x88, s6;
	s7 =	simm.s32 @p2 $0x1082  }
0x22: {  	[simem:s7], [sflag:s8] =	dma.local @!p0 [hbm:s6], $0xF7A  }
0x23: {  	s9 =	sor.u32 $0xD0000000, s2;
	s6 =	simm.s32 $0x108;
	_ =	swait.ge @!p0 [sflag:s8], $0x0  }
0x24: {  	s3 =	sadd.s32 $0x88, s3;
	s6 =	simm.s32 @!p1 $0x1082;
	[sflag:s4] =	ssyncset.s32 $0xFFFFF086  }
0x25: {  	[simem:s6], [sflag:s4] =	dma.local [hbm:s3], $0xF7A  }
0x26: {  	[smem:$0x3F8F] =	sst s1;
	(tag) =	ssettag s2;
	_ =	strace s9  }
0x27: {  	s1 =	sld [smem:$0x3F9F]  }
0x28: {  	s2 =	sld [smem:$0x3FA0]  }
0x29: {  	s4 =	sld [smem:$0x3FA2]  }
0x2a: {  	p0 =	seq.s32 s5, $0x0;
	s5 =	sld [smem:$0x3FA3]  }
0x2b: {  	s6 =	sld [smem:$0x3FA4]  }
0x2c: {  	s7 =	sld [smem:$0x3FA5]  }
0x2d: {  	s3 =	simm.s32 $0x108;
	s8 =	sld [smem:$0x3FA6]  }
0x2e: {  	s3 =	simm.s32 @!p0 $0x1082;
	s9 =	sld [smem:$0x3FA7]  }
0x2f: {  	lr =	sadd.s32 s0, s3;
	s0 =	sld [smem:$0x3F9E]  }
0x30: {  	s3 =	sld [smem:$0x3FA1]  }
0x31: {  	[smem:$0x3FAA] =	sst s10  }
0x32: {  	s10 =	sld [smem:$0x3FA8];
	_ =	sdelay $0x3  }
0x33: {  	p0 =	seq.s32 s10, $0x1;
	s10 =	sld [smem:$0x3FAA];
	_ =	sdelay $0x3  }
0x34: {  	[smem:$0x3FAA] =	sst s10  }
0x35: {  	s10 =	sld [smem:$0x3FA9];
	_ =	sdelay $0x3  }
0x36: {  	p1 =	seq.s32 s10, $0x1;
	s10 =	sld [smem:$0x3FAA];
	_ =	sdelay $0x3  }
0x37: {  	[smem:$0x3FAA] =	sst s10  }
0x38: {  	s10 =	sld [smem:$0x3FAB]  }
0x39: {  	_ = 	snop;
	(pc) =	sbr.ind lr, $3  }
0x3a: {  	_ = 	snop  }
0x3b: {  	_ = 	snop  }
0x3c: {  	p2 =	seq.s32 s10, $0x1;
	s10 =	sld [smem:$0x3FAA]  }
0x3d: {  	_ =	shalt  }
0x3e: {  	_ =	shalt  }
0x3f: {  	_ =	shalt  }
0x40: {  	_ =	shalt  }
0x41: {  	_ =	shalt  }
0x42: {  	_ =	shalt  }
0x43: {  	_ =	shalt  }
0x44: {  	_ =	shalt  }
0x45: {  	_ =	shalt  }
0x46: {  	_ =	shalt  }
0x47: {  	_ =	shalt  }
0x48: {  	_ =	shalt  }
0x49: {  	_ =	shalt  }
0x4a: {  	_ =	shalt  }
0x4b: {  	_ =	shalt  }
0x4c: {  	_ =	shalt  }
0x4d: {  	_ =	shalt  }
0x4e: {  	_ =	shalt  }
0x4f: {  	_ =	shalt  }
0x50: {  	_ =	shalt  }
0x51: {  	_ =	shalt  }
0x52: {  	_ =	shalt  }
0x53: {  	_ =	shalt  }
0x54: {  	_ =	shalt  }
0x55: {  	_ =	shalt  }
0x56: {  	_ =	shalt  }
0x57: {  	_ =	shalt  }
0x58: {  	_ =	shalt  }
0x59: {  	_ =	shalt  }
0x5a: {  	_ =	shalt  }
0x5b: {  	_ =	shalt  }
0x5c: {  	_ =	shalt  }
0x5d: {  	_ =	shalt  }
0x5e: {  	_ =	shalt  }
0x5f: {  	_ =	shalt  }
0x60: {  	_ =	shalt  }
0x61: {  	_ =	shalt  }
0x62: {  	_ =	shalt  }
0x63: {  	_ =	shalt  }
0x64: {  	_ =	shalt  }
0x65: {  	_ =	shalt  }
0x66: {  	_ =	shalt  }
0x67: {  	_ =	shalt  }
0x68: {  	_ =	shalt  }
0x69: {  	_ =	shalt  }
0x6a: {  	_ =	shalt  }
0x6b: {  	_ =	shalt  }
0x6c: {  	_ =	shalt  }
0x6d: {  	_ =	shalt  }
0x6e: {  	_ =	shalt  }
0x6f: {  	_ =	shalt  }
0x70: {  	_ =	shalt  }
0x71: {  	_ =	shalt  }
0x72: {  	_ =	shalt  }
0x73: {  	_ =	shalt  }
0x74: {  	_ =	shalt  }
0x75: {  	_ =	shalt  }
0x76: {  	_ =	shalt  }
0x77: {  	_ =	shalt  }
0x78: {  	_ =	shalt  }
0x79: {  	_ =	shalt  }
0x7a: {  	_ =	shalt  }
0x7b: {  	_ =	shalt  }
0x7c: {  	_ =	shalt  }
0x7d: {  	_ =	shalt  }
0x7e: {  	_ =	shalt  }
0x7f: {  	_ =	shalt  }
0x80: {  	_ =	shalt  }
0x81: {  	_ =	shalt  }
0x82: {  	_ =	shalt  }
0x83: {  	_ =	shalt  }
0x84: {  	_ =	shalt  }
0x85: {  	_ =	shalt  }
0x86: {  	_ =	shalt  }
0x87: {  	_ =	shalt  }
.Lfunc_end0:
.L_simem_size_0:
called_computation.2_lowered:
.L_overlay_start_0:
0x88: {  	s2 =	sld [smem:$0x3FD9]  }
0x89: {  	s3 =	sld [smem:$0x3FFE];
	_ =	sdelay $0x1  }
0x8a: {  	s1 =	srdreg.scid  }
0x8b: {  	s0 =	sand.u32 $0x1, s1  }
0x8c: {  	s17 =	sshll.u32 s0, $0xA;
	s2 =	sadd.s32 s3, s2  }
0x8d: {  	s2 =	sadd.s32 s2, s17  }
0x8e: {  	[smem:$0x3FB6] =	sst s2  }
0x8f: {  	_ = 	snop  }
0x90: {  	(tm) =	ssettm $0x1  }
0x91: {  	s18 =	sld [smem:$0x3FFB];
	_ =	sdelay $0x3  }
0x92: {  	_ =	strace s18  }
0x93: {  	s2 =	sld [smem:$0x3FFC];
	_ =	sdelay $0x3  }
0x94: {  	_ =	strace s2  }
0x95: {  	s2 =	sld [smem:$0x3FFD];
	_ =	sdelay $0x3  }
0x96: {  	_ =	strace s2  }
0x97: {  	_ =	strace $0x8FFFFFFF  }
0x98: {  	s19 =	sld [smem:$0x3FDB];
	_ =	sdelay $0x1  }
0x99: {  	s20 =	simm.s32 $_scs_section_size  }
0x9a: {  	s4 =	simm.s32 $_size__tile_overlayer_lowered;
	s5 =	simm.s32 $_tile_overlayer_lowered  }
0x9b: {  	s6 =	simm.s32 $0x1BFF;
	s21 =	sshll.u32 s5, $0x1;
	s3 =	sadd.s32 s20, s19  }
0x9c: {  	s22 =	simm.s32 $0x0;
	s4 =	sshll.u32 s4, $0x1;
	s5 =	sadd.s32 s21, s3  }
0x9d: {  	[timem:s22], [sflag:s6] =	dma.local [hbm:s5], s4  }
0x9e: {  	_ =	swait.ge [sflag:s6], s4  }
0x9f: {  	s4 =	ssub.s32 $0x0, s4;
	[sflag:s6] =	ssyncset.done $0x0  }
0xa0: {  	[sflag:s6] =	ssyncadd.s32 s4;
	_ =	sdelay $0x1  }
0xa1: {  	s23 =	simm.s32 $0x1B8B  }
0xa2: {  	_ =	swait.ge [sflag:s23], $0x1  }
0xa3: {  	[sflag:s23] =	ssyncset.done $0x0  }
0xa4: {  	[sflag:s23] =	ssyncadd.s32 $0xFFFFFFFF  }
0xa5: {  	s4 =	sld [smem:$0x0]  }
0xa6: {  	s5 =	sand.u32 $0xFFFFFFFE, s1  }
0xa7: {  	p0 =	sne.s32 s1, s5  }
0xa8: {  	s5 =	sshll.u32 @p0 s5, $0xE  }
0xa9: {  	s5 =	sadd.s32 @p0 $0x11B8D, s5;
	s6 =	sshll.u32 @p0 s4, $0x11  }
0xaa: {  	s5 =	sor.u32 @p0 s6, s5  }
0xab: {  	[sflag:s5] =	ssyncadd.remote.s32 @p0 $0x1;
	_ =	sdelay $0x1  }
0xac: {  	s5 =	simm.s32 @p0 $0x1B8D  }
0xad: {  	_ =	swait.eq @p0 [sflag:s5], $0x1  }
0xae: {  	[sflag:s5] =	ssyncadd.s32 @p0 $0xFFFFFFFF  }
0xaf: {  	s6 =	sshll.u32 @!p0 s1, $0xE  }
0xb0: {  	s6 =	sor.u32 @!p0 $0x4000, s6;
	s5 =	simm.s32 @!p0 $0x1B8D  }
0xb1: {  	s4 =	sshll.u32 @!p0 s4, $0x11;
	s6 =	sadd.s32 @!p0 $0x11B8D, s6;
	_ =	swait.eq @!p0 [sflag:s5], $0x1  }
0xb2: {  	s4 =	sor.u32 @!p0 s4, s6;
	[sflag:s5] =	ssyncadd.s32 @!p0 $0xFFFFFFFF  }
0xb3: {  	s25 =	simm.s32 $0x1B8E;
	s24 =	sld [smem:$0x3FFE];
	[sflag:s4] =	ssyncadd.remote.s32 @!p0 $0x1  }
0xb4: {  	s26 =	simm.s32 $execute0_lowered;
	[smem:$0x3FD2] =	sst s25  }
0xb5: {  	s5 =	sshll.u32 s26, $0x1;
	_ =	strace $0x80000049;
	[dreg:$0x1] =	wrdreg $0xFFFFFFFF  }
0xb6: {  	s28 =	simm.s32 $_size_execute0_lowered;
	s3 =	sadd.s32 s3, s5;
	[dreg:$0x0] =	wrdreg $0x0  }
0xb7: {  	s5 =	sshll.u32 s28, $0x1;
	[dreg:$0x2] =	wrdreg s3  }
0xb8: {  	[dreg:$0x3] =	wrdreg s5  }
0xb9: {  	[dreg:$0x4] =	wrdreg $0xC0  }
0xba: {  	_ =	task [dreg:s22], $0x5FFFF  }
0xbb: {  	[dreg:$0x1] =	wrdreg $0xFFFFFFFF  }
0xbc: {  	[dreg:$0x0] =	wrdreg $0x60  }
0xbd: {  	[dreg:$0x2] =	wrdreg s24  }
0xbe: {  	[dreg:$0x3] =	wrdreg $0xB  }
0xbf: {  	_ =	task.clear_ibuf [dreg:s22], $0x4FFFF;
	_ =	strace $0x90000049  }
0xc0: {  	s29 =	simm.s32 $0xB;
	_ =	strace $0x8000004B  }
0xc1: {  	_ =	swait.ge [sflag:s29], $0x1  }
0xc2: {  	[sflag:s29] =	ssyncadd.s32 $0xFFFFFFFF  }
0xc3: {  	_ =	strace $0x9000004B  }
0xc4: {  	_ =	sfence  }
0xc5: {  	s30 =	sld [smem:$0x0];
	_ =	sdelay $0x2  }
0xc6: {  	s31 =	sshll.u32 s1, $0xD;
	s1 =	sshrl.u32 s1, $0x2  }
0xc7: {  	s4 =	sand.u32 $0x4000, s31;
	s1 =	sadd.s32 s1, s30  }
0xc8: {  	s0 =	sor.u32 s4, s0;
	s1 =	sshll.u32 s1, $0x11  }
0xc9: {  	s0 =	sor.u32 s1, s0  }
0xca: {  	s0 =	sadd.s32 $0x8F2B, s0  }
0xcb: {  	[sflag:s0] =	ssyncadd.remote.s32 $0x1  }
0xcc: {  	_ =	sfence.sel $0xFFFF  }
0xcd: {  	[dreg:$0x0] =	wrdreg $0xFFFFFFFF;
	(pc) =	sbr.abs _section_cstart, $3  }
0xce: {  	[dreg:$0x1] =	wrdreg $0xFFFFFFFF  }
0xcf: {  	_ =	task.clear_ibuf [dreg:s22], $0x2FFFF;
	_ =	strace $0x9FFFFFFF  }
0xd0: {  	(tm) =	ssettm $0x7FFFFFFF  }
0xd1: {  	_ =	shalt  }
tec
execute0_lowered:
.L_overlay_start_1:
0x0: {  	(tag) =	ssettag $0x1  }
0x1: {  	s0 =	srdreg.scid  }
0x2: {  	s1 =	stileid.u32;
	s4 =	rddreg [dreg:$0x0]  }
0x3: {  	s2 =	simm.s32 $0x0;
	s31 =	simm.s32 $0x5;
	s9 =	simm.s32 $0x80  }
0x4: {  	p0 =	por $0x0, $0x0;
	s10 =	simm.s32 $0x8C00;
	s12 =	simm.s32 $0x2  }
0x5: {  	s11 =	simm.s32 $0x3;
	s7 =	simm.s32 $0x4;
	s0 =	sand.u32 $0x1, s0  }
0x6: {  	s1 =	sshll.u32 s1, $0x1;
	[smem:$0x7FF] =	sst s2;
	s30 =	sshll.u32 s0, $0x9  }
0x7: {  	s1 =	sor.u32 s0, s1;
	_ =	strace $0x8000004A;
	s14 =	sor.u32 $0x80, s30  }
0x8: {  	s0 =	ssub.s32 $0x2, s0;
	s16 =	sor.u32 $0x100, s30;
	[dreg:$0x3] =	wrdreg s14  }
0x9: {  	s3 =	smul.u32 $0x140, s1;
	s17 =	sor.u32 $0x180, s30;
	[dreg:$0x5] =	wrdreg s16  }
0xa: {  	s1 =	smul.u32 $0x50000, s1;
	s19 =	sadd.s32 $0x200, s30;
	[dreg:$0x6] =	wrdreg s17  }
0xb: {  	s20 =	sadd.s32 $0x280, s30;
	s22 =	sadd.s32 $0x300, s30;
	[dreg:$0x8] =	wrdreg s19  }
0xc: {  	s23 =	sadd.s32 $0x380, s30;
	s5 =	sshrl.u32 s0, $0x1;
	[dreg:$0x9] =	wrdreg s20  }
0xd: {  	s25 =	sor.u32 $0x400, s30;
	s26 =	sor.u32 $0x480, s30;
	[dreg:$0xb] =	wrdreg s22  }
0xe: {  	s28 =	sor.u32 $0x580, s30;
	s13 =	sor.u32 $0x800, s30;
	[dreg:$0xc] =	wrdreg s23  }
0xf: {  	s6 =	sor.u32 $0x980, s30;
	s0 =	ssub.s32 s0, s5;
	[dreg:$0xe] =	wrdreg s25  }
0x10: {  	[dreg:$0xf] =	wrdreg s26;
	s26 =	sor.u32 $0x500, s30;
	s23 =	sadd.s32 $0x600, s30  }
0x11: {  	s20 =	sadd.s32 $0x700, s30;
	s14 =	sor.u32 $0x880, s30;
	s5 =	sor.u32 $0x900, s30  }
0x12: {  	s19 =	simm.s32 $0x4C00;
	s16 =	simm.s32 $0xCC00;
	s3 =	sadd.s32 $0x2800, s3  }
0x13: {  	s1 =	sshrl.u32 s1, $0x3;
	s0 =	smax.u32 s0, $0x1;
	s3 =	sand.u32 $0x7F80, s3  }
0x14: {  	s1 =	sadd.s32 s1, s4;
	p1 =	sne.s32 s0, $0x1;
	s3 =	sadd.s32 s3, s4  }
0x15: {  	s15 =	sadd.s32 $0x32C00, s1;
	s18 =	sadd.s32 $0x33C00, s1;
	s21 =	sadd.s32 $0x34C00, s1  }
0x16: {  	s24 =	sadd.s32 $0x35C00, s1;
	s29 =	sadd.s32 $0x36C00, s1;
	[dreg:$0x4] =	wrdreg s15  }
0x17: {  	s25 =	sadd.s32 $0x37C00, s1;
	s22 =	sadd.s32 $0x38C00, s1;
	[dreg:$0x7] =	wrdreg s18  }
.Ltmp0:
0x18: {  	s17 =	sadd.s32 $0x39C00, s1;
	[dreg:$0xa] =	wrdreg s21;
	(pc) =	sbr.rel @!p1 .LBB2_3-.Ltmp0, $4  }
0x19: {  	s8 =	sadd.s32 $0x3AC00, s1;
	s3 =	sadd.s32 $0x2DA00, s3;
	[dreg:$0xd] =	wrdreg s24  }
0x1a: {  	s24 =	sadd.s32 $0x680, s30;
	s21 =	sadd.s32 $0x780, s30;
	s15 =	simm.s32 $0xC00  }
0x1b: {  	s18 =	simm.s32 $0x1;
	[dreg:$0x2] =	wrdreg s3;
	s3 =	sadd.s32 $0x5400, s4  }
0x1c: {  	s4 =	sadd.s32 $0x3BC00, s1;
	s1 =	sadd.s32 $0xFFFFFFFF, s0;
	s0 =	rddreg [dreg:$0x2]  }
0x1d: {  	[tilespmem:s2], [sflag:$0x5] =	stream.linear.gather [hbm4b:s0+s2], $0xC00, $0x38;
	[tilespmem:$0x10C00] =	vst v63  }
0x1e: {  	_ =	swait.ge [sflag:s31], $0xC00  }
0x1f: {  	[sflag:s31] =	ssyncset.done $0x0  }
0x20: {  	[sflag:s31] =	ssyncadd.s32 $0xFFFFF400  }
0x21: {  	[tilespmem:s15], [sflag:$0x1] =	stream.indirect.gather [hbm4b:s3+s9], $0x80, s30, s9, $0xb8;
	[tilespmem:$0x10C00] =	vst v63  }
0x22: {  	s0 =	rddreg [dreg:$0x3]  }
0x23: {  	[tilespmem:s19], [sflag:$0x1] =	stream.indirect.gather [hbm4b:s3+s9], $0x80, s0, s9, $0xb8;
	[tilespmem:$0x10C00] =	vst v63  }
0x24: {  	_ =	swait.ge [sflag:s18], $0x4000  }
0x25: {  	[sflag:s18] =	ssyncset.done $0x0  }
0x26: {  	[sflag:s18] =	ssyncadd.s32 $0xFFFFC000  }
0x27: {  	_ =	swait.ge [sflag:s18], $0x4000  }
0x28: {  	[dreg:$0x10] =	wrdreg s1;
	[sflag:s18] =	ssyncset.done $0x0  }
0x29: {  	s0 =	rddreg [dreg:$0x4];
	[sflag:s18] =	ssyncadd.s32 $0xFFFFC000  }
0x2a: {  	[hbm4b:s0+s2] =	stream.linear.scatter [tilespmem:s15], [sflag:$0x3], $0x8000, $0x38;
	[tilespmem:$0x10C00] =	vst v63  }
0x2b: {  	s1 =	rddreg [dreg:$0x5]  }
0x2c: {  	[tilespmem:s10], [sflag:$0x2] =	stream.indirect.gather [hbm4b:s3+s9], $0x80, s1, s9, $0xb8;
	[tilespmem:$0x10C00] =	vst v63  }
0x2d: {  	s0 =	rddreg [dreg:$0x6]  }
0x2e: {  	[tilespmem:s16], [sflag:$0x2] =	stream.indirect.gather [hbm4b:s3+s9], $0x80, s0, s9, $0xb8;
	[tilespmem:$0x10C00] =	vst v63  }
0x2f: {  	_ =	swait.ge [sflag:s12], $0x4000  }
0x30: {  	[sflag:s12] =	ssyncset.done $0x0  }
0x31: {  	[sflag:s12] =	ssyncadd.s32 $0xFFFFC000  }
0x32: {  	_ =	swait.ge [sflag:s12], $0x4000  }
0x33: {  	[sflag:s12] =	ssyncset.done $0x0  }
0x34: {  	s1 =	rddreg [dreg:$0x7];
	[sflag:s12] =	ssyncadd.s32 $0xFFFFC000  }
0x35: {  	[hbm4b:s1+s2] =	stream.linear.scatter [tilespmem:s10], [sflag:$0x4], $0x8000, $0x38;
	[tilespmem:$0x10C00] =	vst v63  }
0x36: {  	_ =	swait.ge [sflag:s11], $0x8000  }
0x37: {  	[sflag:s11] =	ssyncset.done $0x0  }
0x38: {  	s0 =	rddreg [dreg:$0x8];
	[sflag:s11] =	ssyncadd.s32 $0xFFFF8000  }
0x39: {  	[tilespmem:s15], [sflag:$0x1] =	stream.indirect.gather [hbm4b:s3+s9], $0x80, s0, s9, $0xb8;
	[tilespmem:$0x10C00] =	vst v63  }
0x3a: {  	s1 =	rddreg [dreg:$0x9]  }
0x3b: {  	[tilespmem:s19], [sflag:$0x1] =	stream.indirect.gather [hbm4b:s3+s9], $0x80, s1, s9, $0xb8;
	[tilespmem:$0x10C00] =	vst v63  }
0x3c: {  	_ =	swait.ge [sflag:s18], $0x4000  }
0x3d: {  	[sflag:s18] =	ssyncset.done $0x0  }
0x3e: {  	[sflag:s18] =	ssyncadd.s32 $0xFFFFC000  }
0x3f: {  	_ =	swait.ge [sflag:s18], $0x4000  }
0x40: {  	[sflag:s18] =	ssyncset.done $0x0  }
0x41: {  	s1 =	rddreg [dreg:$0xa];
	[sflag:s18] =	ssyncadd.s32 $0xFFFFC000  }
0x42: {  	[hbm4b:s1+s2] =	stream.linear.scatter [tilespmem:s15], [sflag:$0x3], $0x8000, $0x38;
	[tilespmem:$0x10C00] =	vst v63  }
0x43: {  	_ =	swait.ge [sflag:s7], $0x8000  }
0x44: {  	[sflag:s7] =	ssyncset.done $0x0  }
0x45: {  	s0 =	rddreg [dreg:$0xb];
	[sflag:s7] =	ssyncadd.s32 $0xFFFF8000  }
0x46: {  	[tilespmem:s10], [sflag:$0x2] =	stream.indirect.gather [hbm4b:s3+s9], $0x80, s0, s9, $0xb8;
	[tilespmem:$0x10C00] =	vst v63  }
0x47: {  	s1 =	rddreg [dreg:$0xc]  }
0x48: {  	[tilespmem:s16], [sflag:$0x2] =	stream.indirect.gather [hbm4b:s3+s9], $0x80, s1, s9, $0xb8;
	[tilespmem:$0x10C00] =	vst v63  }
0x49: {  	_ =	swait.ge [sflag:s12], $0x4000  }
0x4a: {  	[sflag:s12] =	ssyncset.done $0x0  }
0x4b: {  	[sflag:s12] =	ssyncadd.s32 $0xFFFFC000  }
0x4c: {  	_ =	swait.ge [sflag:s12], $0x4000  }
0x4d: {  	[sflag:s12] =	ssyncset.done $0x0  }
0x4e: {  	s1 =	rddreg [dreg:$0xd];
	[sflag:s12] =	ssyncadd.s32 $0xFFFFC000  }
0x4f: {  	[hbm4b:s1+s2] =	stream.linear.scatter [tilespmem:s10], [sflag:$0x4], $0x8000, $0x38;
	[tilespmem:$0x10C00] =	vst v63  }
0x50: {  	_ =	swait.ge [sflag:s11], $0x8000  }
0x51: {  	[sflag:s11] =	ssyncset.done $0x0  }
0x52: {  	s0 =	rddreg [dreg:$0xe];
	[sflag:s11] =	ssyncadd.s32 $0xFFFF8000  }
0x53: {  	[tilespmem:s15], [sflag:$0x1] =	stream.indirect.gather [hbm4b:s3+s9], $0x80, s0, s9, $0xb8;
	[tilespmem:$0x10C00] =	vst v63  }
0x54: {  	s1 =	rddreg [dreg:$0xf]  }
0x55: {  	[tilespmem:s19], [sflag:$0x1] =	stream.indirect.gather [hbm4b:s3+s9], $0x80, s1, s9, $0xb8;
	[tilespmem:$0x10C00] =	vst v63  }
0x56: {  	_ =	swait.ge [sflag:s18], $0x4000  }
0x57: {  	[sflag:s18] =	ssyncset.done $0x0  }
0x58: {  	[sflag:s18] =	ssyncadd.s32 $0xFFFFC000  }
0x59: {  	_ =	swait.ge [sflag:s18], $0x4000  }
0x5a: {  	[sflag:s18] =	ssyncset.done $0x0  }
0x5b: {  	[sflag:s18] =	ssyncadd.s32 $0xFFFFC000  }
0x5c: {  	[hbm4b:s29+s2] =	stream.linear.scatter [tilespmem:s15], [sflag:$0x3], $0x8000, $0x38;
	[tilespmem:$0x10C00] =	vst v63  }
0x5d: {  	_ =	swait.ge [sflag:s7], $0x8000  }
0x5e: {  	[sflag:s7] =	ssyncset.done $0x0  }
0x5f: {  	[sflag:s7] =	ssyncadd.s32 $0xFFFF8000  }
0x60: {  	[tilespmem:s10], [sflag:$0x2] =	stream.indirect.gather [hbm4b:s3+s9], $0x80, s26, s9, $0xb8;
	[tilespmem:$0x10C00] =	vst v63  }
0x61: {  	_ = 	snop  }
0x62: {  	[tilespmem:s16], [sflag:$0x2] =	stream.indirect.gather [hbm4b:s3+s9], $0x80, s28, s9, $0xb8;
	[tilespmem:$0x10C00] =	vst v63  }
0x63: {  	_ =	swait.ge [sflag:s12], $0x4000  }
0x64: {  	[sflag:s12] =	ssyncset.done $0x0  }
0x65: {  	[sflag:s12] =	ssyncadd.s32 $0xFFFFC000  }
0x66: {  	_ =	swait.ge [sflag:s12], $0x4000  }
0x67: {  	[sflag:s12] =	ssyncset.done $0x0  }
0x68: {  	[sflag:s12] =	ssyncadd.s32 $0xFFFFC000  }
0x69: {  	[hbm4b:s25+s2] =	stream.linear.scatter [tilespmem:s10], [sflag:$0x4], $0x8000, $0x38;
	[tilespmem:$0x10C00] =	vst v63  }
0x6a: {  	_ =	swait.ge [sflag:s11], $0x8000  }
0x6b: {  	[sflag:s11] =	ssyncset.done $0x0  }
0x6c: {  	[sflag:s11] =	ssyncadd.s32 $0xFFFF8000  }
0x6d: {  	[tilespmem:s15], [sflag:$0x1] =	stream.indirect.gather [hbm4b:s3+s9], $0x80, s23, s9, $0xb8;
	[tilespmem:$0x10C00] =	vst v63  }
0x6e: {  	_ = 	snop  }
0x6f: {  	[tilespmem:s19], [sflag:$0x1] =	stream.indirect.gather [hbm4b:s3+s9], $0x80, s24, s9, $0xb8;
	[tilespmem:$0x10C00] =	vst v63  }
0x70: {  	_ =	swait.ge [sflag:s18], $0x4000  }
0x71: {  	[sflag:s18] =	ssyncset.done $0x0  }
0x72: {  	[sflag:s18] =	ssyncadd.s32 $0xFFFFC000  }
0x73: {  	_ =	swait.ge [sflag:s18], $0x4000  }
0x74: {  	[sflag:s18] =	ssyncset.done $0x0  }
0x75: {  	[sflag:s18] =	ssyncadd.s32 $0xFFFFC000  }
0x76: {  	[hbm4b:s22+s2] =	stream.linear.scatter [tilespmem:s15], [sflag:$0x3], $0x8000, $0x38;
	[tilespmem:$0x10C00] =	vst v63  }
0x77: {  	_ =	swait.ge [sflag:s7], $0x8000  }
0x78: {  	[sflag:s7] =	ssyncset.done $0x0  }
0x79: {  	[sflag:s7] =	ssyncadd.s32 $0xFFFF8000  }
0x7a: {  	[tilespmem:s10], [sflag:$0x2] =	stream.indirect.gather [hbm4b:s3+s9], $0x80, s20, s9, $0xb8;
	[tilespmem:$0x10C00] =	vst v63  }
0x7b: {  	_ = 	snop  }
0x7c: {  	[tilespmem:s16], [sflag:$0x2] =	stream.indirect.gather [hbm4b:s3+s9], $0x80, s21, s9, $0xb8;
	[tilespmem:$0x10C00] =	vst v63  }
0x7d: {  	_ =	swait.ge [sflag:s12], $0x4000  }
0x7e: {  	[sflag:s12] =	ssyncset.done $0x0  }
0x7f: {  	[sflag:s12] =	ssyncadd.s32 $0xFFFFC000  }
0x80: {  	_ =	swait.ge [sflag:s12], $0x4000  }
0x81: {  	[sflag:s12] =	ssyncset.done $0x0  }
0x82: {  	[sflag:s12] =	ssyncadd.s32 $0xFFFFC000  }
0x83: {  	[hbm4b:s17+s2] =	stream.linear.scatter [tilespmem:s10], [sflag:$0x4], $0x8000, $0x38;
	[tilespmem:$0x10C00] =	vst v63  }
0x84: {  	_ =	swait.ge [sflag:s11], $0x8000  }
0x85: {  	[sflag:s11] =	ssyncset.done $0x0  }
0x86: {  	[sflag:s11] =	ssyncadd.s32 $0xFFFF8000  }
0x87: {  	[tilespmem:s15], [sflag:$0x1] =	stream.indirect.gather [hbm4b:s3+s9], $0x80, s13, s9, $0xb8;
	[tilespmem:$0x10C00] =	vst v63  }
0x88: {  	_ = 	snop  }
0x89: {  	[tilespmem:s19], [sflag:$0x1] =	stream.indirect.gather [hbm4b:s3+s9], $0x80, s14, s9, $0xb8;
	[tilespmem:$0x10C00] =	vst v63  }
0x8a: {  	_ =	swait.ge [sflag:s18], $0x4000  }
0x8b: {  	[sflag:s18] =	ssyncset.done $0x0  }
0x8c: {  	[sflag:s18] =	ssyncadd.s32 $0xFFFFC000  }
0x8d: {  	_ =	swait.ge [sflag:s18], $0x4000  }
0x8e: {  	[sflag:s18] =	ssyncset.done $0x0  }
0x8f: {  	[sflag:s18] =	ssyncadd.s32 $0xFFFFC000  }
0x90: {  	[hbm4b:s8+s2] =	stream.linear.scatter [tilespmem:s15], [sflag:$0x3], $0x8000, $0x38;
	[tilespmem:$0x10C00] =	vst v63  }
0x91: {  	_ =	swait.ge [sflag:s7], $0x8000  }
0x92: {  	[sflag:s7] =	ssyncset.done $0x0  }
0x93: {  	[sflag:s7] =	ssyncadd.s32 $0xFFFF8000  }
0x94: {  	[tilespmem:s10], [sflag:$0x2] =	stream.indirect.gather [hbm4b:s3+s9], $0x80, s5, s9, $0xb8;
	[tilespmem:$0x10C00] =	vst v63  }
0x95: {  	_ = 	snop  }
0x96: {  	[tilespmem:s16], [sflag:$0x2] =	stream.indirect.gather [hbm4b:s3+s9], $0x80, s6, s9, $0xb8;
	[tilespmem:$0x10C00] =	vst v63  }
0x97: {  	_ =	swait.ge [sflag:s12], $0x4000  }
0x98: {  	[sflag:s12] =	ssyncset.done $0x0  }
0x99: {  	[sflag:s12] =	ssyncadd.s32 $0xFFFFC000  }
0x9a: {  	_ =	swait.ge [sflag:s12], $0x4000  }
0x9b: {  	[sflag:s12] =	ssyncset.done $0x0  }
0x9c: {  	[sflag:s12] =	ssyncadd.s32 $0xFFFFC000  }
0x9d: {  	[hbm4b:s4+s2] =	stream.linear.scatter [tilespmem:s10], [sflag:$0x4], $0x8000, $0x38;
	[tilespmem:$0x10C00] =	vst v63  }
0x9e: {  	_ =	swait.ge [sflag:s11], $0x8000  }
0x9f: {  	s1 =	rddreg [dreg:$0x10]  }
0xa0: {  	p1 =	sne.s32 s1, $0x1  }
.Ltmp1:
0xa1: {  	_ = 	snop;
	(pc) =	sbr.rel @!p1 .LBB2_3-.Ltmp1, $4  }
0xa2: {  	[sflag:s11] =	ssyncset.done $0x0  }
0xa3: {  	[sflag:s11] =	ssyncadd.s32 $0xFFFF8000  }
0xa4: {  	p0 =	por $0x1, $0x1;
	_ =	swait.ge [sflag:s7], $0x8000  }
0xa5: {  	s1 =	sadd.s32 $0xFFFFFFFF, s1;
	s0 =	rddreg [dreg:$0x2];
	[sflag:s7] =	ssyncset.done $0x0  }
.LBB2_2:
0xa6: {  	[sflag:s7] =	ssyncadd.s32 $0xFFFF8000  }
0xa7: {  	[tilespmem:s2], [sflag:$0x5] =	stream.linear.gather [hbm4b:s0+s2], $0xC00, $0x38;
	[tilespmem:$0x10C00] =	vst v63  }
0xa8: {  	_ =	swait.ge [sflag:s31], $0xC00  }
0xa9: {  	[sflag:s31] =	ssyncset.done $0x0  }
0xaa: {  	s0 =	rddreg [dreg:$0x3];
	[sflag:s31] =	ssyncadd.s32 $0xFFFFF400;
	s31 =	smov.u32 s30  }
0xab: {  	[tilespmem:s15], [sflag:$0x1] =	stream.indirect.gather [hbm4b:s3+s9], $0x80, s30, s9, $0xb8;
	[tilespmem:$0x10C00] =	vst v63  }
0xac: {  	s30 =	smov.u32 s29;
	s29 =	smov.u32 s28;
	s28 =	smov.u32 s26  }
0xad: {  	[tilespmem:s19], [sflag:$0x1] =	stream.indirect.gather [hbm4b:s3+s9], $0x80, s0, s9, $0xb8;
	[tilespmem:$0x10C00] =	vst v63  }
0xae: {  	s26 =	smov.u32 s25;
	s25 =	smov.u32 s24;
	_ =	swait.ge [sflag:s18], $0x4000  }
0xaf: {  	s24 =	smov.u32 s23;
	s23 =	smov.u32 s22;
	[sflag:s18] =	ssyncset.done $0x0  }
0xb0: {  	s22 =	smov.u32 s21;
	s21 =	smov.u32 s20;
	[sflag:s18] =	ssyncadd.s32 $0xFFFFC000  }
0xb1: {  	s20 =	smov.u32 s17;
	s17 =	smov.u32 s14;
	_ =	swait.ge [sflag:s18], $0x4000  }
0xb2: {  	s14 =	smov.u32 s13;
	s13 =	smov.u32 s8;
	[sflag:s18] =	ssyncset.done $0x0  }
0xb3: {  	s8 =	smov.u32 s6;
	s0 =	rddreg [dreg:$0x4];
	[sflag:s18] =	ssyncadd.s32 $0xFFFFC000  }
0xb4: {  	[hbm4b:s0+s2] =	stream.linear.scatter [tilespmem:s15], [sflag:$0x3], $0x8000, $0x38;
	[tilespmem:$0x10C00] =	vst v63  }
0xb5: {  	s6 =	smov.u32 s5;
	s5 =	smov.u32 s4;
	s4 =	rddreg [dreg:$0x5]  }
0xb6: {  	[tilespmem:s10], [sflag:$0x2] =	stream.indirect.gather [hbm4b:s3+s9], $0x80, s4, s9, $0xb8;
	[tilespmem:$0x10C00] =	vst v63  }
0xb7: {  	s0 =	rddreg [dreg:$0x6]  }
0xb8: {  	[tilespmem:s16], [sflag:$0x2] =	stream.indirect.gather [hbm4b:s3+s9], $0x80, s0, s9, $0xb8;
	[tilespmem:$0x10C00] =	vst v63  }
0xb9: {  	_ =	swait.ge [sflag:s12], $0x4000  }
0xba: {  	[sflag:s12] =	ssyncset.done $0x0  }
0xbb: {  	[sflag:s12] =	ssyncadd.s32 $0xFFFFC000  }
0xbc: {  	_ =	swait.ge [sflag:s12], $0x4000  }
0xbd: {  	[sflag:s12] =	ssyncset.done $0x0  }
0xbe: {  	s4 =	rddreg [dreg:$0x7];
	[sflag:s12] =	ssyncadd.s32 $0xFFFFC000  }
0xbf: {  	[hbm4b:s4+s2] =	stream.linear.scatter [tilespmem:s10], [sflag:$0x4], $0x8000, $0x38;
	[tilespmem:$0x10C00] =	vst v63  }
0xc0: {  	_ =	swait.ge [sflag:s11], $0x8000  }
0xc1: {  	[sflag:s11] =	ssyncset.done $0x0  }
0xc2: {  	s0 =	rddreg [dreg:$0x8];
	[sflag:s11] =	ssyncadd.s32 $0xFFFF8000  }
0xc3: {  	[tilespmem:s15], [sflag:$0x1] =	stream.indirect.gather [hbm4b:s3+s9], $0x80, s0, s9, $0xb8;
	[tilespmem:$0x10C00] =	vst v63  }
0xc4: {  	s4 =	rddreg [dreg:$0x9]  }
0xc5: {  	[tilespmem:s19], [sflag:$0x1] =	stream.indirect.gather [hbm4b:s3+s9], $0x80, s4, s9, $0xb8;
	[tilespmem:$0x10C00] =	vst v63  }
0xc6: {  	_ =	swait.ge [sflag:s18], $0x4000  }
0xc7: {  	[sflag:s18] =	ssyncset.done $0x0  }
0xc8: {  	[sflag:s18] =	ssyncadd.s32 $0xFFFFC000  }
0xc9: {  	_ =	swait.ge [sflag:s18], $0x4000  }
0xca: {  	[sflag:s18] =	ssyncset.done $0x0  }
0xcb: {  	s4 =	rddreg [dreg:$0xa];
	[sflag:s18] =	ssyncadd.s32 $0xFFFFC000  }
0xcc: {  	[hbm4b:s4+s2] =	stream.linear.scatter [tilespmem:s15], [sflag:$0x3], $0x8000, $0x38;
	[tilespmem:$0x10C00] =	vst v63  }
0xcd: {  	_ =	swait.ge [sflag:s7], $0x8000  }
0xce: {  	[sflag:s7] =	ssyncset.done $0x0  }
0xcf: {  	s0 =	rddreg [dreg:$0xb];
	[sflag:s7] =	ssyncadd.s32 $0xFFFF8000  }
0xd0: {  	[tilespmem:s10], [sflag:$0x2] =	stream.indirect.gather [hbm4b:s3+s9], $0x80, s0, s9, $0xb8;
	[tilespmem:$0x10C00] =	vst v63  }
0xd1: {  	s4 =	rddreg [dreg:$0xc]  }
0xd2: {  	[tilespmem:s16], [sflag:$0x2] =	stream.indirect.gather [hbm4b:s3+s9], $0x80, s4, s9, $0xb8;
	[tilespmem:$0x10C00] =	vst v63  }
0xd3: {  	_ =	swait.ge [sflag:s12], $0x4000  }
0xd4: {  	[sflag:s12] =	ssyncset.done $0x0  }
0xd5: {  	[sflag:s12] =	ssyncadd.s32 $0xFFFFC000  }
0xd6: {  	_ =	swait.ge [sflag:s12], $0x4000  }
0xd7: {  	[sflag:s12] =	ssyncset.done $0x0  }
0xd8: {  	s4 =	rddreg [dreg:$0xd];
	[sflag:s12] =	ssyncadd.s32 $0xFFFFC000  }
0xd9: {  	[hbm4b:s4+s2] =	stream.linear.scatter [tilespmem:s10], [sflag:$0x4], $0x8000, $0x38;
	[tilespmem:$0x10C00] =	vst v63  }
0xda: {  	_ =	swait.ge [sflag:s11], $0x8000  }
0xdb: {  	[sflag:s11] =	ssyncset.done $0x0  }
0xdc: {  	s0 =	rddreg [dreg:$0xe];
	[sflag:s11] =	ssyncadd.s32 $0xFFFF8000  }
0xdd: {  	[tilespmem:s15], [sflag:$0x1] =	stream.indirect.gather [hbm4b:s3+s9], $0x80, s0, s9, $0xb8;
	[tilespmem:$0x10C00] =	vst v63  }
0xde: {  	s4 =	rddreg [dreg:$0xf]  }
0xdf: {  	[tilespmem:s19], [sflag:$0x1] =	stream.indirect.gather [hbm4b:s3+s9], $0x80, s4, s9, $0xb8;
	[tilespmem:$0x10C00] =	vst v63  }
0xe0: {  	s4 =	smov.u32 s5  }
0xe1: {  	s5 =	smov.u32 s6;
	s6 =	smov.u32 s8;
	s8 =	smov.u32 s13  }
0xe2: {  	s13 =	smov.u32 s14;
	s14 =	smov.u32 s17;
	_ =	swait.ge [sflag:s18], $0x4000  }
0xe3: {  	s17 =	smov.u32 s20;
	s20 =	smov.u32 s21;
	[sflag:s18] =	ssyncset.done $0x0  }
0xe4: {  	s21 =	smov.u32 s22;
	s22 =	smov.u32 s23;
	[sflag:s18] =	ssyncadd.s32 $0xFFFFC000  }
0xe5: {  	s23 =	smov.u32 s24;
	s24 =	smov.u32 s25;
	_ =	swait.ge [sflag:s18], $0x4000  }
0xe6: {  	s25 =	smov.u32 s26;
	s26 =	smov.u32 s28;
	[sflag:s18] =	ssyncset.done $0x0  }
0xe7: {  	s28 =	smov.u32 s29;
	s29 =	smov.u32 s30;
	[sflag:s18] =	ssyncadd.s32 $0xFFFFC000  }
0xe8: {  	[hbm4b:s29+s2] =	stream.linear.scatter [tilespmem:s15], [sflag:$0x3], $0x8000, $0x38;
	[tilespmem:$0x10C00] =	vst v63  }
0xe9: {  	_ =	swait.ge [sflag:s7], $0x8000  }
0xea: {  	[sflag:s7] =	ssyncset.done $0x0  }
0xeb: {  	[sflag:s7] =	ssyncadd.s32 $0xFFFF8000  }
0xec: {  	[tilespmem:s10], [sflag:$0x2] =	stream.indirect.gather [hbm4b:s3+s9], $0x80, s26, s9, $0xb8;
	[tilespmem:$0x10C00] =	vst v63  }
0xed: {  	_ = 	snop  }
0xee: {  	[tilespmem:s16], [sflag:$0x2] =	stream.indirect.gather [hbm4b:s3+s9], $0x80, s28, s9, $0xb8;
	[tilespmem:$0x10C00] =	vst v63  }
0xef: {  	_ =	swait.ge [sflag:s12], $0x4000  }
0xf0: {  	[sflag:s12] =	ssyncset.done $0x0  }
0xf1: {  	[sflag:s12] =	ssyncadd.s32 $0xFFFFC000  }
0xf2: {  	_ =	swait.ge [sflag:s12], $0x4000  }
0xf3: {  	[sflag:s12] =	ssyncset.done $0x0  }
0xf4: {  	[sflag:s12] =	ssyncadd.s32 $0xFFFFC000  }
0xf5: {  	[hbm4b:s25+s2] =	stream.linear.scatter [tilespmem:s10], [sflag:$0x4], $0x8000, $0x38;
	[tilespmem:$0x10C00] =	vst v63  }
0xf6: {  	_ =	swait.ge [sflag:s11], $0x8000  }
0xf7: {  	[sflag:s11] =	ssyncset.done $0x0  }
0xf8: {  	[sflag:s11] =	ssyncadd.s32 $0xFFFF8000  }
0xf9: {  	[tilespmem:s15], [sflag:$0x1] =	stream.indirect.gather [hbm4b:s3+s9], $0x80, s23, s9, $0xb8;
	[tilespmem:$0x10C00] =	vst v63  }
0xfa: {  	_ = 	snop  }
0xfb: {  	[tilespmem:s19], [sflag:$0x1] =	stream.indirect.gather [hbm4b:s3+s9], $0x80, s24, s9, $0xb8;
	[tilespmem:$0x10C00] =	vst v63  }
0xfc: {  	_ =	swait.ge [sflag:s18], $0x4000  }
0xfd: {  	[sflag:s18] =	ssyncset.done $0x0  }
0xfe: {  	[sflag:s18] =	ssyncadd.s32 $0xFFFFC000  }
0xff: {  	_ =	swait.ge [sflag:s18], $0x4000  }
0x100: {  	[sflag:s18] =	ssyncset.done $0x0  }
0x101: {  	[sflag:s18] =	ssyncadd.s32 $0xFFFFC000  }
0x102: {  	[hbm4b:s22+s2] =	stream.linear.scatter [tilespmem:s15], [sflag:$0x3], $0x8000, $0x38;
	[tilespmem:$0x10C00] =	vst v63  }
0x103: {  	_ =	swait.ge [sflag:s7], $0x8000  }
0x104: {  	[sflag:s7] =	ssyncset.done $0x0  }
0x105: {  	[sflag:s7] =	ssyncadd.s32 $0xFFFF8000  }
0x106: {  	[tilespmem:s10], [sflag:$0x2] =	stream.indirect.gather [hbm4b:s3+s9], $0x80, s20, s9, $0xb8;
	[tilespmem:$0x10C00] =	vst v63  }
0x107: {  	_ = 	snop  }
0x108: {  	[tilespmem:s16], [sflag:$0x2] =	stream.indirect.gather [hbm4b:s3+s9], $0x80, s21, s9, $0xb8;
	[tilespmem:$0x10C00] =	vst v63  }
0x109: {  	_ =	swait.ge [sflag:s12], $0x4000  }
0x10a: {  	[sflag:s12] =	ssyncset.done $0x0  }
0x10b: {  	[sflag:s12] =	ssyncadd.s32 $0xFFFFC000  }
0x10c: {  	_ =	swait.ge [sflag:s12], $0x4000  }
0x10d: {  	[sflag:s12] =	ssyncset.done $0x0  }
0x10e: {  	[sflag:s12] =	ssyncadd.s32 $0xFFFFC000  }
0x10f: {  	[hbm4b:s17+s2] =	stream.linear.scatter [tilespmem:s10], [sflag:$0x4], $0x8000, $0x38;
	[tilespmem:$0x10C00] =	vst v63  }
0x110: {  	_ =	swait.ge [sflag:s11], $0x8000  }
0x111: {  	[sflag:s11] =	ssyncset.done $0x0  }
0x112: {  	[sflag:s11] =	ssyncadd.s32 $0xFFFF8000  }
0x113: {  	[tilespmem:s15], [sflag:$0x1] =	stream.indirect.gather [hbm4b:s3+s9], $0x80, s13, s9, $0xb8;
	[tilespmem:$0x10C00] =	vst v63  }
0x114: {  	_ = 	snop  }
0x115: {  	[tilespmem:s19], [sflag:$0x1] =	stream.indirect.gather [hbm4b:s3+s9], $0x80, s14, s9, $0xb8;
	[tilespmem:$0x10C00] =	vst v63  }
0x116: {  	_ =	swait.ge [sflag:s18], $0x4000  }
0x117: {  	[sflag:s18] =	ssyncset.done $0x0  }
0x118: {  	[sflag:s18] =	ssyncadd.s32 $0xFFFFC000  }
0x119: {  	_ =	swait.ge [sflag:s18], $0x4000  }
0x11a: {  	[sflag:s18] =	ssyncset.done $0x0  }
0x11b: {  	[sflag:s18] =	ssyncadd.s32 $0xFFFFC000  }
0x11c: {  	[hbm4b:s8+s2] =	stream.linear.scatter [tilespmem:s15], [sflag:$0x3], $0x8000, $0x38;
	[tilespmem:$0x10C00] =	vst v63  }
0x11d: {  	_ =	swait.ge [sflag:s7], $0x8000  }
0x11e: {  	[sflag:s7] =	ssyncset.done $0x0  }
0x11f: {  	[sflag:s7] =	ssyncadd.s32 $0xFFFF8000  }
0x120: {  	[tilespmem:s10], [sflag:$0x2] =	stream.indirect.gather [hbm4b:s3+s9], $0x80, s5, s9, $0xb8;
	[tilespmem:$0x10C00] =	vst v63  }
0x121: {  	_ = 	snop  }
0x122: {  	[tilespmem:s16], [sflag:$0x2] =	stream.indirect.gather [hbm4b:s3+s9], $0x80, s6, s9, $0xb8;
	[tilespmem:$0x10C00] =	vst v63  }
0x123: {  	_ =	swait.ge [sflag:s12], $0x4000  }
0x124: {  	[sflag:s12] =	ssyncset.done $0x0  }
0x125: {  	[sflag:s12] =	ssyncadd.s32 $0xFFFFC000  }
0x126: {  	_ =	swait.ge [sflag:s12], $0x4000  }
0x127: {  	[sflag:s12] =	ssyncset.done $0x0  }
0x128: {  	p1 =	sne.s32 s1, $0x1;
	[sflag:s12] =	ssyncadd.s32 $0xFFFFC000  }
0x129: {  	[hbm4b:s4+s2] =	stream.linear.scatter [tilespmem:s10], [sflag:$0x4], $0x8000, $0x38;
	[tilespmem:$0x10C00] =	vst v63  }
.Ltmp2:
0x12a: {  	_ =	swait.ge [sflag:s11], $0x8000;
	(pc) =	sbr.rel @p1 .LBB2_2-.Ltmp2, $4  }
0x12b: {  	[sflag:s11] =	ssyncset.done $0x0  }
0x12c: {  	[sflag:s11] =	ssyncadd.s32 $0xFFFF8000  }
0x12d: {  	s1 =	sadd.s32 $0xFFFFFFFF, s1;
	s30 =	smov.u32 s31;
	_ =	swait.ge [sflag:s7], $0x8000  }
0x12e: {  	s31 =	simm.s32 $0x5;
	s0 =	rddreg [dreg:$0x2];
	[sflag:s7] =	ssyncset.done $0x0  }
.LBB2_3:
0x12f: {  	[sflag:s7] =	ssyncadd.s32 @p0 $0xFFFF8000  }
0x130: {  	[tilespmem:s2], [sflag:$0x5] =	stream.linear.gather [hbm4b:s0+s2], $0xC00, $0x38;
	[tilespmem:$0x10C00] =	vst v63  }
0x131: {  	_ =	swait.ge [sflag:s31], $0xC00  }
0x132: {  	[sflag:s31] =	ssyncset.done $0x0  }
0x133: {  	[sflag:s31] =	ssyncadd.s32 $0xFFFFF400  }
0x134: {  	[tilespmem:s15], [sflag:$0x1] =	stream.indirect.gather [hbm4b:s3+s9], $0x80, s30, s9, $0xb8;
	[tilespmem:$0x10C00] =	vst v63  }
0x135: {  	s1 =	rddreg [dreg:$0x3]  }
0x136: {  	[tilespmem:s19], [sflag:$0x1] =	stream.indirect.gather [hbm4b:s3+s9], $0x80, s1, s9, $0xb8;
	[tilespmem:$0x10C00] =	vst v63  }
0x137: {  	_ =	swait.ge [sflag:s18], $0x4000  }
0x138: {  	[sflag:s18] =	ssyncset.done $0x0  }
0x139: {  	[sflag:s18] =	ssyncadd.s32 $0xFFFFC000  }
0x13a: {  	_ =	swait.ge [sflag:s18], $0x4000  }
0x13b: {  	[sflag:s18] =	ssyncset.done $0x0  }
0x13c: {  	s31 =	rddreg [dreg:$0x4];
	[sflag:s18] =	ssyncadd.s32 $0xFFFFC000  }
0x13d: {  	[hbm4b:s31+s2] =	stream.linear.scatter [tilespmem:s15], [sflag:$0x3], $0x8000, $0x38;
	[tilespmem:$0x10C00] =	vst v63  }
0x13e: {  	s1 =	rddreg [dreg:$0x5]  }
0x13f: {  	[tilespmem:s10], [sflag:$0x2] =	stream.indirect.gather [hbm4b:s3+s9], $0x80, s1, s9, $0xb8;
	[tilespmem:$0x10C00] =	vst v63  }
0x140: {  	s30 =	rddreg [dreg:$0x6]  }
0x141: {  	[tilespmem:s16], [sflag:$0x2] =	stream.indirect.gather [hbm4b:s3+s9], $0x80, s30, s9, $0xb8;
	[tilespmem:$0x10C00] =	vst v63  }
0x142: {  	_ =	swait.ge [sflag:s12], $0x4000  }
0x143: {  	[sflag:s12] =	ssyncset.done $0x0  }
0x144: {  	[sflag:s12] =	ssyncadd.s32 $0xFFFFC000  }
0x145: {  	_ =	swait.ge [sflag:s12], $0x4000  }
0x146: {  	[sflag:s12] =	ssyncset.done $0x0  }
0x147: {  	s31 =	rddreg [dreg:$0x7];
	[sflag:s12] =	ssyncadd.s32 $0xFFFFC000  }
0x148: {  	[hbm4b:s31+s2] =	stream.linear.scatter [tilespmem:s10], [sflag:$0x4], $0x8000, $0x38;
	[tilespmem:$0x10C00] =	vst v63  }
0x149: {  	_ =	swait.ge [sflag:s11], $0x8000  }
0x14a: {  	[sflag:s11] =	ssyncset.done $0x0  }
0x14b: {  	s1 =	rddreg [dreg:$0x8];
	[sflag:s11] =	ssyncadd.s32 $0xFFFF8000  }
0x14c: {  	[tilespmem:s15], [sflag:$0x1] =	stream.indirect.gather [hbm4b:s3+s9], $0x80, s1, s9, $0xb8;
	[tilespmem:$0x10C00] =	vst v63  }
0x14d: {  	s30 =	rddreg [dreg:$0x9]  }
0x14e: {  	[tilespmem:s19], [sflag:$0x1] =	stream.indirect.gather [hbm4b:s3+s9], $0x80, s30, s9, $0xb8;
	[tilespmem:$0x10C00] =	vst v63  }
0x14f: {  	_ =	swait.ge [sflag:s18], $0x4000  }
0x150: {  	[sflag:s18] =	ssyncset.done $0x0  }
0x151: {  	[sflag:s18] =	ssyncadd.s32 $0xFFFFC000  }
0x152: {  	_ =	swait.ge [sflag:s18], $0x4000  }
0x153: {  	[sflag:s18] =	ssyncset.done $0x0  }
0x154: {  	s31 =	rddreg [dreg:$0xa];
	[sflag:s18] =	ssyncadd.s32 $0xFFFFC000  }
0x155: {  	[hbm4b:s31+s2] =	stream.linear.scatter [tilespmem:s15], [sflag:$0x3], $0x8000, $0x38;
	[tilespmem:$0x10C00] =	vst v63  }
0x156: {  	_ =	swait.ge [sflag:s7], $0x8000  }
0x157: {  	[sflag:s7] =	ssyncset.done $0x0  }
0x158: {  	s1 =	rddreg [dreg:$0xb];
	[sflag:s7] =	ssyncadd.s32 $0xFFFF8000  }
0x159: {  	[tilespmem:s10], [sflag:$0x2] =	stream.indirect.gather [hbm4b:s3+s9], $0x80, s1, s9, $0xb8;
	[tilespmem:$0x10C00] =	vst v63  }
0x15a: {  	s30 =	rddreg [dreg:$0xc]  }
0x15b: {  	[tilespmem:s16], [sflag:$0x2] =	stream.indirect.gather [hbm4b:s3+s9], $0x80, s30, s9, $0xb8;
	[tilespmem:$0x10C00] =	vst v63  }
0x15c: {  	_ =	swait.ge [sflag:s12], $0x4000  }
0x15d: {  	[sflag:s12] =	ssyncset.done $0x0  }
0x15e: {  	[sflag:s12] =	ssyncadd.s32 $0xFFFFC000  }
0x15f: {  	_ =	swait.ge [sflag:s12], $0x4000  }
0x160: {  	[sflag:s12] =	ssyncset.done $0x0  }
0x161: {  	s31 =	rddreg [dreg:$0xd];
	[sflag:s12] =	ssyncadd.s32 $0xFFFFC000  }
0x162: {  	[hbm4b:s31+s2] =	stream.linear.scatter [tilespmem:s10], [sflag:$0x4], $0x8000, $0x38;
	[tilespmem:$0x10C00] =	vst v63  }
0x163: {  	_ =	swait.ge [sflag:s11], $0x8000  }
0x164: {  	[sflag:s11] =	ssyncset.done $0x0  }
0x165: {  	s1 =	rddreg [dreg:$0xe];
	[sflag:s11] =	ssyncadd.s32 $0xFFFF8000  }
0x166: {  	[tilespmem:s15], [sflag:$0x1] =	stream.indirect.gather [hbm4b:s3+s9], $0x80, s1, s9, $0xb8;
	[tilespmem:$0x10C00] =	vst v63  }
0x167: {  	s30 =	rddreg [dreg:$0xf]  }
0x168: {  	[tilespmem:s19], [sflag:$0x1] =	stream.indirect.gather [hbm4b:s3+s9], $0x80, s30, s9, $0xb8;
	[tilespmem:$0x10C00] =	vst v63  }
0x169: {  	_ =	swait.ge [sflag:s18], $0x4000  }
0x16a: {  	[sflag:s18] =	ssyncset.done $0x0  }
0x16b: {  	[sflag:s18] =	ssyncadd.s32 $0xFFFFC000  }
0x16c: {  	_ =	swait.ge [sflag:s18], $0x4000  }
0x16d: {  	[sflag:s18] =	ssyncset.done $0x0  }
0x16e: {  	[sflag:s18] =	ssyncadd.s32 $0xFFFFC000  }
0x16f: {  	[hbm4b:s29+s2] =	stream.linear.scatter [tilespmem:s15], [sflag:$0x3], $0x8000, $0x38;
	[tilespmem:$0x10C00] =	vst v63  }
0x170: {  	_ =	swait.ge [sflag:s7], $0x8000  }
0x171: {  	[sflag:s7] =	ssyncset.done $0x0  }
0x172: {  	[sflag:s7] =	ssyncadd.s32 $0xFFFF8000  }
0x173: {  	[tilespmem:s10], [sflag:$0x2] =	stream.indirect.gather [hbm4b:s3+s9], $0x80, s26, s9, $0xb8;
	[tilespmem:$0x10C00] =	vst v63  }
0x174: {  	_ = 	snop  }
0x175: {  	[tilespmem:s16], [sflag:$0x2] =	stream.indirect.gather [hbm4b:s3+s9], $0x80, s28, s9, $0xb8;
	[tilespmem:$0x10C00] =	vst v63  }
0x176: {  	_ =	swait.ge [sflag:s12], $0x4000  }
0x177: {  	[sflag:s12] =	ssyncset.done $0x0  }
0x178: {  	[sflag:s12] =	ssyncadd.s32 $0xFFFFC000  }
0x179: {  	_ =	swait.ge [sflag:s12], $0x4000  }
0x17a: {  	[sflag:s12] =	ssyncset.done $0x0  }
0x17b: {  	[sflag:s12] =	ssyncadd.s32 $0xFFFFC000  }
0x17c: {  	[hbm4b:s25+s2] =	stream.linear.scatter [tilespmem:s10], [sflag:$0x4], $0x8000, $0x38;
	[tilespmem:$0x10C00] =	vst v63  }
0x17d: {  	_ =	swait.ge [sflag:s11], $0x8000  }
0x17e: {  	[sflag:s11] =	ssyncset.done $0x0  }
0x17f: {  	[sflag:s11] =	ssyncadd.s32 $0xFFFF8000  }
0x180: {  	[tilespmem:s15], [sflag:$0x1] =	stream.indirect.gather [hbm4b:s3+s9], $0x80, s23, s9, $0xb8;
	[tilespmem:$0x10C00] =	vst v63  }
0x181: {  	_ = 	snop  }
0x182: {  	[tilespmem:s19], [sflag:$0x1] =	stream.indirect.gather [hbm4b:s3+s9], $0x80, s24, s9, $0xb8;
	[tilespmem:$0x10C00] =	vst v63  }
0x183: {  	_ =	swait.ge [sflag:s18], $0x4000  }
0x184: {  	[sflag:s18] =	ssyncset.done $0x0  }
0x185: {  	[sflag:s18] =	ssyncadd.s32 $0xFFFFC000  }
0x186: {  	_ =	swait.ge [sflag:s18], $0x4000  }
0x187: {  	[sflag:s18] =	ssyncset.done $0x0  }
0x188: {  	[sflag:s18] =	ssyncadd.s32 $0xFFFFC000  }
0x189: {  	[hbm4b:s22+s2] =	stream.linear.scatter [tilespmem:s15], [sflag:$0x3], $0x8000, $0x38;
	[tilespmem:$0x10C00] =	vst v63  }
0x18a: {  	_ =	swait.ge [sflag:s7], $0x8000  }
0x18b: {  	[sflag:s7] =	ssyncset.done $0x0  }
0x18c: {  	[sflag:s7] =	ssyncadd.s32 $0xFFFF8000  }
0x18d: {  	[tilespmem:s10], [sflag:$0x2] =	stream.indirect.gather [hbm4b:s3+s9], $0x80, s20, s9, $0xb8;
	[tilespmem:$0x10C00] =	vst v63  }
0x18e: {  	_ = 	snop  }
0x18f: {  	[tilespmem:s16], [sflag:$0x2] =	stream.indirect.gather [hbm4b:s3+s9], $0x80, s21, s9, $0xb8;
	[tilespmem:$0x10C00] =	vst v63  }
0x190: {  	_ =	swait.ge [sflag:s12], $0x4000  }
0x191: {  	[sflag:s12] =	ssyncset.done $0x0  }
0x192: {  	[sflag:s12] =	ssyncadd.s32 $0xFFFFC000  }
0x193: {  	_ =	swait.ge [sflag:s12], $0x4000  }
0x194: {  	[sflag:s12] =	ssyncset.done $0x0  }
0x195: {  	[sflag:s12] =	ssyncadd.s32 $0xFFFFC000  }
0x196: {  	[hbm4b:s17+s2] =	stream.linear.scatter [tilespmem:s10], [sflag:$0x4], $0x8000, $0x38;
	[tilespmem:$0x10C00] =	vst v63  }
0x197: {  	_ =	swait.ge [sflag:s11], $0x8000  }
0x198: {  	[sflag:s11] =	ssyncset.done $0x0  }
0x199: {  	[sflag:s11] =	ssyncadd.s32 $0xFFFF8000  }
0x19a: {  	[tilespmem:s15], [sflag:$0x1] =	stream.indirect.gather [hbm4b:s3+s9], $0x80, s13, s9, $0xb8;
	[tilespmem:$0x10C00] =	vst v63  }
0x19b: {  	_ = 	snop  }
0x19c: {  	[tilespmem:s19], [sflag:$0x1] =	stream.indirect.gather [hbm4b:s3+s9], $0x80, s14, s9, $0xb8;
	[tilespmem:$0x10C00] =	vst v63  }
0x19d: {  	_ =	swait.ge [sflag:s18], $0x4000  }
0x19e: {  	[sflag:s18] =	ssyncset.done $0x0  }
0x19f: {  	[sflag:s18] =	ssyncadd.s32 $0xFFFFC000  }
0x1a0: {  	_ =	swait.ge [sflag:s18], $0x4000  }
0x1a1: {  	[sflag:s18] =	ssyncset.done $0x0  }
0x1a2: {  	[sflag:s18] =	ssyncadd.s32 $0xFFFFC000  }
0x1a3: {  	[hbm4b:s8+s2] =	stream.linear.scatter [tilespmem:s15], [sflag:$0x3], $0x8000, $0x38;
	[tilespmem:$0x10C00] =	vst v63  }
0x1a4: {  	_ =	swait.ge [sflag:s7], $0x8000  }
0x1a5: {  	[sflag:s7] =	ssyncset.done $0x0  }
0x1a6: {  	[sflag:s7] =	ssyncadd.s32 $0xFFFF8000  }
0x1a7: {  	[tilespmem:s10], [sflag:$0x2] =	stream.indirect.gather [hbm4b:s3+s9], $0x80, s5, s9, $0xb8;
	[tilespmem:$0x10C00] =	vst v63  }
0x1a8: {  	_ = 	snop  }
0x1a9: {  	[tilespmem:s16], [sflag:$0x2] =	stream.indirect.gather [hbm4b:s3+s9], $0x80, s6, s9, $0xb8;
	[tilespmem:$0x10C00] =	vst v63  }
0x1aa: {  	_ =	swait.ge [sflag:s12], $0x4000  }
0x1ab: {  	[sflag:s12] =	ssyncset.done $0x0  }
0x1ac: {  	[sflag:s12] =	ssyncadd.s32 $0xFFFFC000  }
0x1ad: {  	_ =	swait.ge [sflag:s12], $0x4000  }
0x1ae: {  	[sflag:s12] =	ssyncset.done $0x0  }
0x1af: {  	[sflag:s12] =	ssyncadd.s32 $0xFFFFC000  }
0x1b0: {  	[hbm4b:s4+s2] =	stream.linear.scatter [tilespmem:s10], [sflag:$0x4], $0x8000, $0x38;
	[tilespmem:$0x10C00] =	vst v63  }
0x1b1: {  	_ =	swait.ge [sflag:s11], $0x8000  }
0x1b2: {  	[sflag:s11] =	ssyncset.done $0x0  }
0x1b3: {  	[sflag:s11] =	ssyncadd.s32 $0xFFFF8000  }
0x1b4: {  	_ =	swait.ge [sflag:s7], $0x8000  }
0x1b5: {  	[sflag:s7] =	ssyncset.done $0x0  }
0x1b6: {  	[sflag:s7] =	ssyncadd.s32 $0xFFFF8000  }
0x1b7: {  	_ =	sfence.sel $0x180000  }
0x1b8: {  	[bflag:$0x0] =	sbarrier.arrive $0xFFFF  }
0x1b9: {  	_ =	strace $0x9000004A  }
0x1ba: {  	s31 =	stileid.u32;
	[bflag:$0x2] =	sbarrier.arrive $0xFFFF  }
0x1bb: {  	p0 =	sne.s32 s31, $0x0;
	s0 =	rddreg [dreg:$0x1]  }
0x1bc: {  	s0 =	sadd.s32 @!p0 $0x100000, s0  }
0x1bd: {  	[sflag:s0] =	ssyncadd.tile.s32 @!p0 $0x1;
	_ =	shalt  }
.Lfunc_end2:
_tile_overlayer_lowered:
.L_overlay_start_2:
0x1be: {  	(tag) =	ssettag $0x2  }
0x1bf: {  	s0 =	rddreg [dreg:$0x0];
	s2 =	stileid.u32  }
0x1c0: {  	s1 =	rddreg [dreg:$0x1];
	p0 =	sne.s32 s2, $0x0  }
0x1c1: {  	s3 =	rddreg [dreg:$0x2];
	[bflag:$0x3] =	sbarrier.arrive $0xFFFF;
	s2 =	simm.s32 @!p0 $0x1C05  }
0x1c2: {  	[timem:s3], [sflag:s2] =	dma.local @!p0 [hbm:s0], s1  }
0x1c3: {  	s0 =	simm.s32 @!p0 $0x5  }
0x1c4: {  	_ =	swait.ge @!p0 [sflag:s0], s1  }
0x1c5: {  	s1 =	ssub.s32 @!p0 $0x0, s1;
	[sflag:s0] =	ssyncset.done @!p0 $0x0  }
0x1c6: {  	[sflag:s0] =	ssyncadd.s32 @!p0 s1  }
0x1c7: {  	[bflag:$0x3] =	sbarrier.arrive $0xFFFF  }
0x1c8: {  	_ =	shalt  }

// kernel: kernel.22.cloned.1.call-start
scs
__scs_entry_jumppad:
0x0: {  	(pc) =	sbr.rel $0x88, $3  }
0x1: {  	(tag) =	ssettag $0x0;
	lr =	simm.s32 $0x1  }
0x2: {  	[smem:$0x3F8F] =	sst lr;
	_ =	strace $0xD0000000  }
0x3: {  	_ = 	snop  }
0x4: {  	_ = 	snop  }
0x5: {  	_ = 	snop  }
0x6: {  	_ = 	snop  }
0x7: {  	_ = 	snop  }
__scs_overlays_trampoline_lowered:
0x8: {  	[smem:$0x3F9E] =	sst s0  }
0x9: {  	[smem:$0x3F9F] =	sst s1  }
0xa: {  	[smem:$0x3FA0] =	sst s2  }
0xb: {  	[smem:$0x3FA1] =	sst s3  }
0xc: {  	[smem:$0x3FA2] =	sst s4  }
0xd: {  	[smem:$0x3FA3] =	sst s5  }
0xe: {  	[smem:$0x3FA4] =	sst s6  }
0xf: {  	[smem:$0x3FA5] =	sst s7  }
0x10: {  	[smem:$0x3FA6] =	sst s8  }
0x11: {  	[smem:$0x3FA7] =	sst s9;
	s0 =	simm.s32 @!p0 $0x0  }
0x12: {  	s1 =	sld [smem:$0x3F8D];
	s0 =	simm.s32 @p0 $0x1  }
0x13: {  	[smem:$0x3FA8] =	sst s0;
	s0 =	simm.s32 @!p1 $0x0  }
0x14: {  	s2 =	sld [smem:$0x3F8C];
	s0 =	simm.s32 @p1 $0x1  }
0x15: {  	[smem:$0x3FA9] =	sst s0;
	s0 =	simm.s32 @!p2 $0x0  }
0x16: {  	s3 =	sld [smem:$0x3FDB];
	s0 =	simm.s32 @p2 $0x1  }
0x17: {  	s4 =	simm.s32 $0x1BF5;
	[smem:$0x3FAB] =	sst s0  }
0x18: {  	s0 =	sld [smem:$0x3F8E];
	_ =	swait.ge [sflag:s4], $0x0  }
0x19: {  	s7 =	sld [smem:$0x3F8F]  }
0x1a: {  	s8 =	sadd.s32 $0xFFFFE003, lr  }
0x1b: {  	s9 =	sadd.s32 $0xFFFFFEF7, lr;
	s5 =	simm.s32 $0xFFFFFFFF;
	p2 =	slt.u32 s8, $0xFFFFF086  }
0x1c: {  	p1 =	slt.u32 s9, $0xF7A;
	s5 =	simm.s32 @!p2 $0x0  }
0x1d: {  	s5 =	simm.s32 @p1 $0x1;
	p0 =	seq.s32 s7, s2  }
0x1e: {  	s7 =	smul.u32 @!p0 $0xF7A, s2;
	p2 =	seq.s32 @!p0 s5, $0x0  }
0x1f: {  	s9 =	smul.u32 $0xF7A, s1;
	s8 =	simm.s32 @!p0 $0x1BF5;
	p2 =	por !p2, p0  }
0x20: {  	[sflag:s8] =	ssyncset.s32 @!p0 $0xFFFFF086;
	s6 =	sadd.s32 @!p0 s3, s7;
	s7 =	simm.s32 @!p0 $0x108  }
0x21: {  	s3 =	sadd.s32 s3, s9;
	s6 =	sadd.s32 @!p0 $0x88, s6;
	s7 =	simm.s32 @p2 $0x1082  }
0x22: {  	[simem:s7], [sflag:s8] =	dma.local @!p0 [hbm:s6], $0xF7A  }
0x23: {  	s9 =	sor.u32 $0xD0000000, s2;
	s6 =	simm.s32 $0x108;
	_ =	swait.ge @!p0 [sflag:s8], $0x0  }
0x24: {  	s3 =	sadd.s32 $0x88, s3;
	s6 =	simm.s32 @!p1 $0x1082;
	[sflag:s4] =	ssyncset.s32 $0xFFFFF086  }
0x25: {  	[simem:s6], [sflag:s4] =	dma.local [hbm:s3], $0xF7A  }
0x26: {  	[smem:$0x3F8F] =	sst s1;
	(tag) =	ssettag s2;
	_ =	strace s9  }
0x27: {  	s1 =	sld [smem:$0x3F9F]  }
0x28: {  	s2 =	sld [smem:$0x3FA0]  }
0x29: {  	s4 =	sld [smem:$0x3FA2]  }
0x2a: {  	p0 =	seq.s32 s5, $0x0;
	s5 =	sld [smem:$0x3FA3]  }
0x2b: {  	s6 =	sld [smem:$0x3FA4]  }
0x2c: {  	s7 =	sld [smem:$0x3FA5]  }
0x2d: {  	s3 =	simm.s32 $0x108;
	s8 =	sld [smem:$0x3FA6]  }
0x2e: {  	s3 =	simm.s32 @!p0 $0x1082;
	s9 =	sld [smem:$0x3FA7]  }
0x2f: {  	lr =	sadd.s32 s0, s3;
	s0 =	sld [smem:$0x3F9E]  }
0x30: {  	s3 =	sld [smem:$0x3FA1]  }
0x31: {  	[smem:$0x3FAA] =	sst s10  }
0x32: {  	s10 =	sld [smem:$0x3FA8];
	_ =	sdelay $0x3  }
0x33: {  	p0 =	seq.s32 s10, $0x1;
	s10 =	sld [smem:$0x3FAA];
	_ =	sdelay $0x3  }
0x34: {  	[smem:$0x3FAA] =	sst s10  }
0x35: {  	s10 =	sld [smem:$0x3FA9];
	_ =	sdelay $0x3  }
0x36: {  	p1 =	seq.s32 s10, $0x1;
	s10 =	sld [smem:$0x3FAA];
	_ =	sdelay $0x3  }
0x37: {  	[smem:$0x3FAA] =	sst s10  }
0x38: {  	s10 =	sld [smem:$0x3FAB]  }
0x39: {  	_ = 	snop;
	(pc) =	sbr.ind lr, $3  }
0x3a: {  	_ = 	snop  }
0x3b: {  	_ = 	snop  }
0x3c: {  	p2 =	seq.s32 s10, $0x1;
	s10 =	sld [smem:$0x3FAA]  }
0x3d: {  	_ =	shalt  }
0x3e: {  	_ =	shalt  }
0x3f: {  	_ =	shalt  }
0x40: {  	_ =	shalt  }
0x41: {  	_ =	shalt  }
0x42: {  	_ =	shalt  }
0x43: {  	_ =	shalt  }
0x44: {  	_ =	shalt  }
0x45: {  	_ =	shalt  }
0x46: {  	_ =	shalt  }
0x47: {  	_ =	shalt  }
0x48: {  	_ =	shalt  }
0x49: {  	_ =	shalt  }
0x4a: {  	_ =	shalt  }
0x4b: {  	_ =	shalt  }
0x4c: {  	_ =	shalt  }
0x4d: {  	_ =	shalt  }
0x4e: {  	_ =	shalt  }
0x4f: {  	_ =	shalt  }
0x50: {  	_ =	shalt  }
0x51: {  	_ =	shalt  }
0x52: {  	_ =	shalt  }
0x53: {  	_ =	shalt  }
0x54: {  	_ =	shalt  }
0x55: {  	_ =	shalt  }
0x56: {  	_ =	shalt  }
0x57: {  	_ =	shalt  }
0x58: {  	_ =	shalt  }
0x59: {  	_ =	shalt  }
0x5a: {  	_ =	shalt  }
0x5b: {  	_ =	shalt  }
0x5c: {  	_ =	shalt  }
0x5d: {  	_ =	shalt  }
0x5e: {  	_ =	shalt  }
0x5f: {  	_ =	shalt  }
0x60: {  	_ =	shalt  }
0x61: {  	_ =	shalt  }
0x62: {  	_ =	shalt  }
0x63: {  	_ =	shalt  }
0x64: {  	_ =	shalt  }
0x65: {  	_ =	shalt  }
0x66: {  	_ =	shalt  }
0x67: {  	_ =	shalt  }
0x68: {  	_ =	shalt  }
0x69: {  	_ =	shalt  }
0x6a: {  	_ =	shalt  }
0x6b: {  	_ =	shalt  }
0x6c: {  	_ =	shalt  }
0x6d: {  	_ =	shalt  }
0x6e: {  	_ =	shalt  }
0x6f: {  	_ =	shalt  }
0x70: {  	_ =	shalt  }
0x71: {  	_ =	shalt  }
0x72: {  	_ =	shalt  }
0x73: {  	_ =	shalt  }
0x74: {  	_ =	shalt  }
0x75: {  	_ =	shalt  }
0x76: {  	_ =	shalt  }
0x77: {  	_ =	shalt  }
0x78: {  	_ =	shalt  }
0x79: {  	_ =	shalt  }
0x7a: {  	_ =	shalt  }
0x7b: {  	_ =	shalt  }
0x7c: {  	_ =	shalt  }
0x7d: {  	_ =	shalt  }
0x7e: {  	_ =	shalt  }
0x7f: {  	_ =	shalt  }
0x80: {  	_ =	shalt  }
0x81: {  	_ =	shalt  }
0x82: {  	_ =	shalt  }
0x83: {  	_ =	shalt  }
0x84: {  	_ =	shalt  }
0x85: {  	_ =	shalt  }
0x86: {  	_ =	shalt  }
0x87: {  	_ =	shalt  }
.Lfunc_end0:
.L_simem_size_0:
called_computation.3_lowered:
.L_overlay_start_0:
0x88: {  	s2 =	sld [smem:$0x3FD9]  }
0x89: {  	s3 =	sld [smem:$0x3FFE];
	_ =	sdelay $0x1  }
0x8a: {  	s1 =	srdreg.scid  }
0x8b: {  	s0 =	sand.u32 $0x1, s1  }
0x8c: {  	s17 =	sshll.u32 s0, $0xA;
	s2 =	sadd.s32 s3, s2  }
0x8d: {  	s2 =	sadd.s32 s2, s17  }
0x8e: {  	[smem:$0x3FB6] =	sst s2  }
0x8f: {  	_ = 	snop  }
0x90: {  	s18 =	sld [smem:$0x3FD0];
	(tm) =	ssettm $0x1  }
0x91: {  	s19 =	sld [smem:$0x3FFB];
	_ =	sdelay $0x3  }
0x92: {  	_ =	strace s19  }
0x93: {  	s2 =	sld [smem:$0x3FFC];
	_ =	sdelay $0x3  }
0x94: {  	_ =	strace s2  }
0x95: {  	s2 =	sld [smem:$0x3FFD];
	_ =	sdelay $0x3  }
0x96: {  	_ =	strace s2  }
0x97: {  	_ =	strace $0x8FFFFFFF  }
0x98: {  	s20 =	sld [smem:$0x3FDB];
	_ =	sdelay $0x1  }
0x99: {  	s4 =	simm.s32 $_scs_section_size  }
0x9a: {  	s5 =	simm.s32 $_size__tile_overlayer_lowered;
	s6 =	simm.s32 $_tile_overlayer_lowered  }
0x9b: {  	s7 =	simm.s32 $0x1BFF;
	s21 =	sshll.u32 s6, $0x1;
	s4 =	sadd.s32 s4, s20  }
0x9c: {  	s22 =	simm.s32 $0x0;
	s5 =	sshll.u32 s5, $0x1;
	s6 =	sadd.s32 s21, s4  }
0x9d: {  	[timem:s22], [sflag:s7] =	dma.local [hbm:s6], s5  }
0x9e: {  	_ =	swait.ge [sflag:s7], s5  }
0x9f: {  	s5 =	ssub.s32 $0x0, s5;
	[sflag:s7] =	ssyncset.done $0x0  }
0xa0: {  	[sflag:s7] =	ssyncadd.s32 s5;
	_ =	sdelay $0x1  }
0xa1: {  	s23 =	simm.s32 $0x1B8B  }
0xa2: {  	_ =	swait.ge [sflag:s23], $0x1  }
0xa3: {  	[sflag:s23] =	ssyncset.done $0x0  }
0xa4: {  	[sflag:s23] =	ssyncadd.s32 $0xFFFFFFFF  }
0xa5: {  	s5 =	sld [smem:$0x0]  }
0xa6: {  	s6 =	sand.u32 $0xFFFFFFFE, s1  }
0xa7: {  	p0 =	sne.s32 s1, s6  }
0xa8: {  	s6 =	sshll.u32 @p0 s6, $0xE  }
0xa9: {  	s6 =	sadd.s32 @p0 $0x11B8D, s6;
	s7 =	sshll.u32 @p0 s5, $0x11  }
0xaa: {  	s6 =	sor.u32 @p0 s7, s6  }
0xab: {  	[sflag:s6] =	ssyncadd.remote.s32 @p0 $0x1;
	_ =	sdelay $0x1  }
0xac: {  	s6 =	simm.s32 @p0 $0x1B8D  }
0xad: {  	_ =	swait.eq @p0 [sflag:s6], $0x1  }
0xae: {  	[sflag:s6] =	ssyncadd.s32 @p0 $0xFFFFFFFF  }
0xaf: {  	s7 =	sshll.u32 @!p0 s1, $0xE  }
0xb0: {  	s7 =	sor.u32 @!p0 $0x4000, s7;
	s6 =	simm.s32 @!p0 $0x1B8D  }
0xb1: {  	s5 =	sshll.u32 @!p0 s5, $0x11;
	s7 =	sadd.s32 @!p0 $0x11B8D, s7;
	_ =	swait.eq @!p0 [sflag:s6], $0x1  }
0xb2: {  	s5 =	sor.u32 @!p0 s5, s7;
	[sflag:s6] =	ssyncadd.s32 @!p0 $0xFFFFFFFF  }
0xb3: {  	s25 =	simm.s32 $0x1B8E;
	s24 =	sld [smem:$0x3FFE];
	[sflag:s5] =	ssyncadd.remote.s32 @!p0 $0x1  }
0xb4: {  	s26 =	simm.s32 $execute0_lowered;
	[smem:$0x3FD2] =	sst s25  }
0xb5: {  	s6 =	sshll.u32 s26, $0x1;
	_ =	strace $0x80000052;
	[dreg:$0x1] =	wrdreg $0xFFFFFFFF  }
0xb6: {  	s28 =	simm.s32 $_size_execute0_lowered;
	s4 =	sadd.s32 s4, s6;
	[dreg:$0x0] =	wrdreg $0x0  }
0xb7: {  	s6 =	sshll.u32 s28, $0x1;
	[dreg:$0x2] =	wrdreg s4  }
0xb8: {  	[dreg:$0x3] =	wrdreg s6  }
0xb9: {  	[dreg:$0x4] =	wrdreg $0xC0  }
0xba: {  	_ =	task [dreg:s22], $0x5FFFF  }
0xbb: {  	[dreg:$0x1] =	wrdreg $0xFFFFFFFF  }
0xbc: {  	[dreg:$0x0] =	wrdreg $0x60  }
0xbd: {  	[dreg:$0x2] =	wrdreg s24  }
0xbe: {  	[dreg:$0x3] =	wrdreg s18  }
0xbf: {  	[dreg:$0x4] =	wrdreg $0x8C000  }
0xc0: {  	[dreg:$0x5] =	wrdreg $0x9  }
0xc1: {  	_ =	task.clear_ibuf [dreg:s22], $0x6FFFF;
	_ =	strace $0x90000052  }
0xc2: {  	s29 =	simm.s32 $0x9;
	_ =	strace $0x80000054  }
0xc3: {  	_ =	swait.ge [sflag:s29], $0x1  }
0xc4: {  	[sflag:s29] =	ssyncadd.s32 $0xFFFFFFFF  }
0xc5: {  	_ =	strace $0x90000054  }
0xc6: {  	_ =	sfence  }
0xc7: {  	s30 =	sld [smem:$0x0];
	_ =	sdelay $0x2  }
0xc8: {  	s31 =	sshll.u32 s1, $0xD;
	s1 =	sshrl.u32 s1, $0x2  }
0xc9: {  	s4 =	sand.u32 $0x4000, s31;
	s1 =	sadd.s32 s1, s30  }
0xca: {  	s0 =	sor.u32 s4, s0;
	s1 =	sshll.u32 s1, $0x11  }
0xcb: {  	s0 =	sor.u32 s1, s0  }
0xcc: {  	s0 =	sadd.s32 $0x8F2B, s0  }
0xcd: {  	[sflag:s0] =	ssyncadd.remote.s32 $0x1  }
0xce: {  	_ =	sfence.sel $0xFFFF  }
0xcf: {  	[dreg:$0x0] =	wrdreg $0xFFFFFFFF;
	(pc) =	sbr.abs _section_cstart, $3  }
0xd0: {  	[dreg:$0x1] =	wrdreg $0xFFFFFFFF  }
0xd1: {  	_ =	task.clear_ibuf [dreg:s22], $0x2FFFF;
	_ =	strace $0x9FFFFFFF  }
0xd2: {  	(tm) =	ssettm $0x7FFFFFFF  }
0xd3: {  	_ =	shalt  }
tec
execute0_lowered:
.L_overlay_start_1:
0x0: {  	(tag) =	ssettag $0x1  }
0x1: {  	s5 =	rddreg [dreg:$0x0]  }
0x2: {  	s6 =	rddreg [dreg:$0x1]  }
0x3: {  	s1 =	rddreg [dreg:$0x2]  }
0x4: {  	s2 =	simm.s32 $0x0;
	s7 =	srdreg.scid;
	s0 =	stileid.u32  }
0x5: {  	s18 =	simm.s32 $0x5;
	s28 =	simm.s32 $0x0;
	[smem:$0x7FF] =	sst s2  }
0x6: {  	s15 =	sadd.s32 $0x8D4C00, s5;
	s4 =	sadd.s32 $0x32A00, s5;
	s11 =	sand.u32 $0x1, s7  }
0x7: {  	s20 =	sshll.u32 s0, $0x1;
	s9 =	smul.u32 $0x4E000, s0;
	s10 =	sadd.s32 $0x83400, s5  }
0x8: {  	s24 =	sshll.u32 s0, $0x6;
	s25 =	smul.u32 $0x13800, s0;
	s19 =	sadd.s32 $0x138000, s1  }
0x9: {  	s14 =	smul.u32 $0xA0000, s0;
	p0 =	sne.s32 s0, $0xF;
	_ =	strace $0x80000053  }
0xa: {  	s8 =	ssub.s32 $0x2, s11;
	s7 =	sor.u32 s11, s20;
	s23 =	smul.u32 $0x138800, s11  }
0xb: {  	s5 =	sor.u32 $0x1C05, s24;
	s16 =	smul.u32 $0x50000, s11;
	s11 =	sshll.u32 s11, $0x9  }
0xc: {  	s19 =	sshrl.u32 @!p0 s19, $0x3;
	s20 =	simm.s32 $0xC00;
	s24 =	simm.s32 $0x2  }
0xd: {  	s21 =	sshrl.u32 s8, $0x1;
	s12 =	smul.u32 $0x140, s7;
	s22 =	sshrl.u32 s9, $0x2  }
0xe: {  	s26 =	smul.u32 $0x50000, s7;
	s13 =	ssub.s32 s8, s21;
	s17 =	sadd.s32 s22, s1  }
0xf: {  	s29 =	sadd.s32 s25, s23;
	s8 =	sshrl.u32 s23, $0x3;
	s31 =	sadd.s32 s16, s14  }
0x10: {  	s21 =	simm.s32 $0x1;
	s22 =	simm.s32 $0x80;
	s23 =	simm.s32 $0x4C00  }
0x11: {  	s25 =	simm.s32 $0x3;
	s12 =	sand.u32 $0x3F80, s12;
	s7 =	sshrl.u32 s29, $0x3  }
0x12: {  	s8 =	sadd.s32 s10, s8;
	s9 =	smax.u32 s13, $0x1;
	s30 =	sshrl.u32 s26, $0x3  }
0x13: {  	s14 =	sor.u32 $0x8000, s31;
	s16 =	sor.u32 $0xC000, s31;
	s13 =	sor.u32 $0x80, s11  }
0x14: {  	s17 =	sshrl.u32 s17, $0x3;
	s26 =	simm.s32 $0x4;
	s6 =	sadd.s32 s6, s12  }
0x15: {  	s7 =	sadd.s32 s10, s7;
	s8 =	sadd.s32 $0x27000, s8;
	s10 =	sadd.s32 s15, s30  }
0x16: {  	s14 =	sshrl.u32 s14, $0x3;
	s16 =	sshrl.u32 s16, $0x3;
	s12 =	sadd.s32 $0x800, s10  }
0x17: {  	s14 =	sadd.s32 s14, s15;
	s15 =	sadd.s32 s16, s15;
	s16 =	sor.u32 $0x180, s11  }
.LBB2_1:
0x18: {  	[spmem:s17], [sflag:s5] =	dma.local [hbm:s4], $0x2700  }
0x19: {  	_ =	swait.ge [sflag:s18], $0x2700  }
0x1a: {  	[sflag:s18] =	ssyncset.done $0x0  }
0x1b: {  	s29 =	simm.s32 @!p0 $0x5;
	[sflag:s18] =	ssyncadd.s32 $0xFFFFD900  }
0x1c: {  	[spmem:s19], [sflag:s5] =	dma.local @!p0 [hbm:s4], $0x100  }
0x1d: {  	_ =	swait.ge @!p0 [sflag:s29], $0x100  }
0x1e: {  	[sflag:s29] =	ssyncset.done @!p0 $0x0  }
0x1f: {  	[sflag:s29] =	ssyncadd.s32 @!p0 $0xFFFFFF00  }
0x20: {  	[tilespmem:s2], [sflag:$0x5] =	stream.linear.gather [hbm4b:s6+s2], $0xC00, $0x38;
	[tilespmem:$0x1C480] =	vst v63  }
0x21: {  	_ =	swait.ge [sflag:s18], $0xC00  }
0x22: {  	[sflag:s18] =	ssyncset.done $0x0  }
0x23: {  	[sflag:s18] =	ssyncadd.s32 $0xFFFFF400  }
0x24: {  	[bflag:$0x0] =	sbarrier.arrive $0xFFFF  }
0x25: {  	[tilespmem:s20], [sflag:$0x1] =	stream.linear.gather [hbm4b:s10+s2], $0x4000, $0x38;
	[tilespmem:$0x1C480] =	vst v63  }
0x26: {  	_ =	swait.ge [sflag:s21], $0x4000  }
0x27: {  	[sflag:s21] =	ssyncset.done $0x0  }
0x28: {  	[sflag:s21] =	ssyncadd.s32 $0xFFFFC000  }
0x29: {  	[spmem:s1] =	stream.indirect.scatter.add.f32 [tilespmem:s20], [sflag:$0x3], $0x80, s11, s22, $0xb8;
	[tilespmem:$0x1C480] =	vst v63  }
0x2a: {  	_ = 	snop  }
0x2b: {  	[tilespmem:s23], [sflag:$0x2] =	stream.linear.gather [hbm4b:s12+s2], $0x4000, $0x38;
	[tilespmem:$0x1C480] =	vst v63  }
0x2c: {  	_ =	swait.ge [sflag:s24], $0x4000  }
0x2d: {  	[sflag:s24] =	ssyncset.done $0x0  }
0x2e: {  	[sflag:s24] =	ssyncadd.s32 $0xFFFFC000  }
0x2f: {  	[spmem:s1] =	stream.indirect.scatter.add.f32 [tilespmem:s23], [sflag:$0x4], $0x80, s13, s22, $0xb8;
	[tilespmem:$0x1C480] =	vst v63  }
0x30: {  	_ =	swait.ge [sflag:s25], $0x4000  }
0x31: {  	[sflag:s25] =	ssyncset.done $0x0  }
0x32: {  	s29 =	sadd.s32 $0x0, s14;
	[sflag:s25] =	ssyncadd.s32 $0xFFFFC000  }
0x33: {  	[tilespmem:s20], [sflag:$0x1] =	stream.linear.gather [hbm4b:s29+s2], $0x4000, $0x38;
	[tilespmem:$0x1C480] =	vst v63  }
0x34: {  	_ =	swait.ge [sflag:s21], $0x4000  }
0x35: {  	[sflag:s21] =	ssyncset.done $0x0  }
0x36: {  	s29 =	sadd.s32 $0xFFFFFF80, s16;
	[sflag:s21] =	ssyncadd.s32 $0xFFFFC000  }
0x37: {  	[spmem:s1] =	stream.indirect.scatter.add.f32 [tilespmem:s20], [sflag:$0x3], $0x80, s29, s22, $0xb8;
	[tilespmem:$0x1C480] =	vst v63  }
0x38: {  	_ =	swait.ge [sflag:s26], $0x4000  }
0x39: {  	[sflag:s26] =	ssyncset.done $0x0  }
0x3a: {  	s29 =	sadd.s32 $0x0, s15;
	[sflag:s26] =	ssyncadd.s32 $0xFFFFC000  }
0x3b: {  	[tilespmem:s23], [sflag:$0x2] =	stream.linear.gather [hbm4b:s29+s2], $0x4000, $0x38;
	[tilespmem:$0x1C480] =	vst v63  }
0x3c: {  	_ =	swait.ge [sflag:s24], $0x4000  }
0x3d: {  	s30 =	sadd.s32 $0x100, s16;
	[sflag:s24] =	ssyncset.done $0x0  }
0x3e: {  	s31 =	smov.u32 s16;
	s29 =	simm.s32 $0x1000;
	[sflag:s24] =	ssyncadd.s32 $0xFFFFC000  }
.LBB2_2:
0x3f: {  	[spmem:s1] =	stream.indirect.scatter.add.f32 [tilespmem:s23], [sflag:$0x4], $0x80, s31, s22, $0xb8;
	[tilespmem:$0x1C480] =	vst v63  }
0x40: {  	s0 =	smov.u32 s29;
	s31 =	smov.u32 s30  }
0x41: {  	p1 =	sne.s32 s29, $0x8000;
	s29 =	sadd.s32 $0x1000, s29;
	_ =	swait.ge [sflag:s25], $0x4000  }
0x42: {  	[sflag:s25] =	ssyncset.done $0x0  }
0x43: {  	s3 =	sadd.s32 s0, s14;
	[sflag:s25] =	ssyncadd.s32 $0xFFFFC000  }
0x44: {  	[tilespmem:s20], [sflag:$0x1] =	stream.linear.gather [hbm4b:s3+s2], $0x4000, $0x38;
	[tilespmem:$0x1C480] =	vst v63  }
0x45: {  	_ =	swait.ge [sflag:s21], $0x4000  }
0x46: {  	[sflag:s21] =	ssyncset.done $0x0  }
0x47: {  	s3 =	sadd.s32 $0xFFFFFF80, s30;
	[sflag:s21] =	ssyncadd.s32 $0xFFFFC000  }
0x48: {  	[spmem:s1] =	stream.indirect.scatter.add.f32 [tilespmem:s20], [sflag:$0x3], $0x80, s3, s22, $0xb8;
	[tilespmem:$0x1C480] =	vst v63  }
0x49: {  	_ =	swait.ge [sflag:s26], $0x4000  }
0x4a: {  	[sflag:s26] =	ssyncset.done $0x0  }
.Ltmp0:
0x4b: {  	s0 =	sadd.s32 s0, s15;
	[sflag:s26] =	ssyncadd.s32 $0xFFFFC000;
	(pc) =	sbr.rel @p1 .LBB2_2-.Ltmp0, $4  }
0x4c: {  	[tilespmem:s23], [sflag:$0x2] =	stream.linear.gather [hbm4b:s0+s2], $0x4000, $0x38;
	[tilespmem:$0x1C480] =	vst v63  }
0x4d: {  	_ =	swait.ge [sflag:s24], $0x4000  }
0x4e: {  	[sflag:s24] =	ssyncset.done $0x0  }
0x4f: {  	s30 =	sadd.s32 $0x100, s30;
	[sflag:s24] =	ssyncadd.s32 $0xFFFFC000  }
0x50: {  	[spmem:s1] =	stream.indirect.scatter.add.f32 [tilespmem:s23], [sflag:$0x4], $0x80, s31, s22, $0xb8;
	[tilespmem:$0x1C480] =	vst v63  }
0x51: {  	_ =	swait.ge [sflag:s25], $0x4000  }
0x52: {  	[sflag:s25] =	ssyncset.done $0x0  }
0x53: {  	[sflag:s25] =	ssyncadd.s32 $0xFFFFC000  }
0x54: {  	_ =	swait.ge [sflag:s26], $0x4000  }
0x55: {  	[sflag:s26] =	ssyncset.done $0x0  }
0x56: {  	[sflag:s26] =	ssyncadd.s32 $0xFFFFC000  }
0x57: {  	[bflag:$0x0] =	sbarrier.arrive $0xFFFF  }
0x58: {  	[hbm:s7], [sflag:s5] =	dma.local [spmem:s17], $0x2700  }
0x59: {  	s28 =	sadd.s32 $0x1, s28;
	_ =	swait.ge [sflag:s18], $0x2700  }
0x5a: {  	p1 =	sne.s32 s28, s9;
	[sflag:s18] =	ssyncset.done $0x0  }
.Ltmp1:
0x5b: {  	s0 =	simm.s32 @!p0 $0x5;
	[sflag:s18] =	ssyncadd.s32 $0xFFFFD900;
	(pc) =	sbr.rel @p1 .LBB2_1-.Ltmp1, $4  }
0x5c: {  	[hbm:s8], [sflag:s5] =	dma.local @!p0 [spmem:s19], $0x100  }
0x5d: {  	_ =	swait.ge @!p0 [sflag:s0], $0x100  }
0x5e: {  	[sflag:s0] =	ssyncset.done @!p0 $0x0  }
0x5f: {  	[sflag:s0] =	ssyncadd.s32 @!p0 $0xFFFFFF00  }
0x60: {  	_ =	sfence.sel $0x180000  }
0x61: {  	[bflag:$0x0] =	sbarrier.arrive $0xFFFF  }
0x62: {  	_ =	strace $0x90000053  }
0x63: {  	s0 =	stileid.u32;
	[bflag:$0x2] =	sbarrier.arrive $0xFFFF  }
0x64: {  	p0 =	sne.s32 s0, $0x0;
	s0 =	rddreg [dreg:$0x3]  }
0x65: {  	s0 =	sadd.s32 @!p0 $0x100000, s0  }
0x66: {  	[sflag:s0] =	ssyncadd.tile.s32 @!p0 $0x1;
	_ =	shalt  }
.Lfunc_end2:
_tile_overlayer_lowered:
.L_overlay_start_2:
0x67: {  	(tag) =	ssettag $0x2  }
0x68: {  	s0 =	rddreg [dreg:$0x0];
	s2 =	stileid.u32  }
0x69: {  	s1 =	rddreg [dreg:$0x1];
	p0 =	sne.s32 s2, $0x0  }
0x6a: {  	s3 =	rddreg [dreg:$0x2];
	[bflag:$0x3] =	sbarrier.arrive $0xFFFF;
	s2 =	simm.s32 @!p0 $0x1C05  }
0x6b: {  	[timem:s3], [sflag:s2] =	dma.local @!p0 [hbm:s0], s1  }
0x6c: {  	s0 =	simm.s32 @!p0 $0x5  }
0x6d: {  	_ =	swait.ge @!p0 [sflag:s0], s1  }
0x6e: {  	s1 =	ssub.s32 @!p0 $0x0, s1;
	[sflag:s0] =	ssyncset.done @!p0 $0x0  }
0x6f: {  	[sflag:s0] =	ssyncadd.s32 @!p0 s1  }
0x70: {  	[bflag:$0x3] =	sbarrier.arrive $0xFFFF  }
0x71: {  	_ =	shalt  }

// kernel: kernel.25.cloned.1.call-start
scs
__scs_entry_jumppad:
0x0: {  	(pc) =	sbr.rel $0x88, $3  }
0x1: {  	(tag) =	ssettag $0x0;
	lr =	simm.s32 $0x1  }
0x2: {  	[smem:$0x3F8F] =	sst lr;
	_ =	strace $0xD0000000  }
0x3: {  	_ = 	snop  }
0x4: {  	_ = 	snop  }
0x5: {  	_ = 	snop  }
0x6: {  	_ = 	snop  }
0x7: {  	_ = 	snop  }
__scs_overlays_trampoline_lowered:
0x8: {  	[smem:$0x3F9E] =	sst s0  }
0x9: {  	[smem:$0x3F9F] =	sst s1  }
0xa: {  	[smem:$0x3FA0] =	sst s2  }
0xb: {  	[smem:$0x3FA1] =	sst s3  }
0xc: {  	[smem:$0x3FA2] =	sst s4  }
0xd: {  	[smem:$0x3FA3] =	sst s5  }
0xe: {  	[smem:$0x3FA4] =	sst s6  }
0xf: {  	[smem:$0x3FA5] =	sst s7  }
0x10: {  	[smem:$0x3FA6] =	sst s8  }
0x11: {  	[smem:$0x3FA7] =	sst s9;
	s0 =	simm.s32 @!p0 $0x0  }
0x12: {  	s1 =	sld [smem:$0x3F8D];
	s0 =	simm.s32 @p0 $0x1  }
0x13: {  	[smem:$0x3FA8] =	sst s0;
	s0 =	simm.s32 @!p1 $0x0  }
0x14: {  	s2 =	sld [smem:$0x3F8C];
	s0 =	simm.s32 @p1 $0x1  }
0x15: {  	[smem:$0x3FA9] =	sst s0;
	s0 =	simm.s32 @!p2 $0x0  }
0x16: {  	s3 =	sld [smem:$0x3FDB];
	s0 =	simm.s32 @p2 $0x1  }
0x17: {  	s4 =	simm.s32 $0x1BF5;
	[smem:$0x3FAB] =	sst s0  }
0x18: {  	s0 =	sld [smem:$0x3F8E];
	_ =	swait.ge [sflag:s4], $0x0  }
0x19: {  	s7 =	sld [smem:$0x3F8F]  }
0x1a: {  	s8 =	sadd.s32 $0xFFFFE003, lr  }
0x1b: {  	s9 =	sadd.s32 $0xFFFFFEF7, lr;
	s5 =	simm.s32 $0xFFFFFFFF;
	p2 =	slt.u32 s8, $0xFFFFF086  }
0x1c: {  	p1 =	slt.u32 s9, $0xF7A;
	s5 =	simm.s32 @!p2 $0x0  }
0x1d: {  	s5 =	simm.s32 @p1 $0x1;
	p0 =	seq.s32 s7, s2  }
0x1e: {  	s7 =	smul.u32 @!p0 $0xF7A, s2;
	p2 =	seq.s32 @!p0 s5, $0x0  }
0x1f: {  	s9 =	smul.u32 $0xF7A, s1;
	s8 =	simm.s32 @!p0 $0x1BF5;
	p2 =	por !p2, p0  }
0x20: {  	[sflag:s8] =	ssyncset.s32 @!p0 $0xFFFFF086;
	s6 =	sadd.s32 @!p0 s3, s7;
	s7 =	simm.s32 @!p0 $0x108  }
0x21: {  	s3 =	sadd.s32 s3, s9;
	s6 =	sadd.s32 @!p0 $0x88, s6;
	s7 =	simm.s32 @p2 $0x1082  }
0x22: {  	[simem:s7], [sflag:s8] =	dma.local @!p0 [hbm:s6], $0xF7A  }
0x23: {  	s9 =	sor.u32 $0xD0000000, s2;
	s6 =	simm.s32 $0x108;
	_ =	swait.ge @!p0 [sflag:s8], $0x0  }
0x24: {  	s3 =	sadd.s32 $0x88, s3;
	s6 =	simm.s32 @!p1 $0x1082;
	[sflag:s4] =	ssyncset.s32 $0xFFFFF086  }
0x25: {  	[simem:s6], [sflag:s4] =	dma.local [hbm:s3], $0xF7A  }
0x26: {  	[smem:$0x3F8F] =	sst s1;
	(tag) =	ssettag s2;
	_ =	strace s9  }
0x27: {  	s1 =	sld [smem:$0x3F9F]  }
0x28: {  	s2 =	sld [smem:$0x3FA0]  }
0x29: {  	s4 =	sld [smem:$0x3FA2]  }
0x2a: {  	p0 =	seq.s32 s5, $0x0;
	s5 =	sld [smem:$0x3FA3]  }
0x2b: {  	s6 =	sld [smem:$0x3FA4]  }
0x2c: {  	s7 =	sld [smem:$0x3FA5]  }
0x2d: {  	s3 =	simm.s32 $0x108;
	s8 =	sld [smem:$0x3FA6]  }
0x2e: {  	s3 =	simm.s32 @!p0 $0x1082;
	s9 =	sld [smem:$0x3FA7]  }
0x2f: {  	lr =	sadd.s32 s0, s3;
	s0 =	sld [smem:$0x3F9E]  }
0x30: {  	s3 =	sld [smem:$0x3FA1]  }
0x31: {  	[smem:$0x3FAA] =	sst s10  }
0x32: {  	s10 =	sld [smem:$0x3FA8];
	_ =	sdelay $0x3  }
0x33: {  	p0 =	seq.s32 s10, $0x1;
	s10 =	sld [smem:$0x3FAA];
	_ =	sdelay $0x3  }
0x34: {  	[smem:$0x3FAA] =	sst s10  }
0x35: {  	s10 =	sld [smem:$0x3FA9];
	_ =	sdelay $0x3  }
0x36: {  	p1 =	seq.s32 s10, $0x1;
	s10 =	sld [smem:$0x3FAA];
	_ =	sdelay $0x3  }
0x37: {  	[smem:$0x3FAA] =	sst s10  }
0x38: {  	s10 =	sld [smem:$0x3FAB]  }
0x39: {  	_ = 	snop;
	(pc) =	sbr.ind lr, $3  }
0x3a: {  	_ = 	snop  }
0x3b: {  	_ = 	snop  }
0x3c: {  	p2 =	seq.s32 s10, $0x1;
	s10 =	sld [smem:$0x3FAA]  }
0x3d: {  	_ =	shalt  }
0x3e: {  	_ =	shalt  }
0x3f: {  	_ =	shalt  }
0x40: {  	_ =	shalt  }
0x41: {  	_ =	shalt  }
0x42: {  	_ =	shalt  }
0x43: {  	_ =	shalt  }
0x44: {  	_ =	shalt  }
0x45: {  	_ =	shalt  }
0x46: {  	_ =	shalt  }
0x47: {  	_ =	shalt  }
0x48: {  	_ =	shalt  }
0x49: {  	_ =	shalt  }
0x4a: {  	_ =	shalt  }
0x4b: {  	_ =	shalt  }
0x4c: {  	_ =	shalt  }
0x4d: {  	_ =	shalt  }
0x4e: {  	_ =	shalt  }
0x4f: {  	_ =	shalt  }
0x50: {  	_ =	shalt  }
0x51: {  	_ =	shalt  }
0x52: {  	_ =	shalt  }
0x53: {  	_ =	shalt  }
0x54: {  	_ =	shalt  }
0x55: {  	_ =	shalt  }
0x56: {  	_ =	shalt  }
0x57: {  	_ =	shalt  }
0x58: {  	_ =	shalt  }
0x59: {  	_ =	shalt  }
0x5a: {  	_ =	shalt  }
0x5b: {  	_ =	shalt  }
0x5c: {  	_ =	shalt  }
0x5d: {  	_ =	shalt  }
0x5e: {  	_ =	shalt  }
0x5f: {  	_ =	shalt  }
0x60: {  	_ =	shalt  }
0x61: {  	_ =	shalt  }
0x62: {  	_ =	shalt  }
0x63: {  	_ =	shalt  }
0x64: {  	_ =	shalt  }
0x65: {  	_ =	shalt  }
0x66: {  	_ =	shalt  }
0x67: {  	_ =	shalt  }
0x68: {  	_ =	shalt  }
0x69: {  	_ =	shalt  }
0x6a: {  	_ =	shalt  }
0x6b: {  	_ =	shalt  }
0x6c: {  	_ =	shalt  }
0x6d: {  	_ =	shalt  }
0x6e: {  	_ =	shalt  }
0x6f: {  	_ =	shalt  }
0x70: {  	_ =	shalt  }
0x71: {  	_ =	shalt  }
0x72: {  	_ =	shalt  }
0x73: {  	_ =	shalt  }
0x74: {  	_ =	shalt  }
0x75: {  	_ =	shalt  }
0x76: {  	_ =	shalt  }
0x77: {  	_ =	shalt  }
0x78: {  	_ =	shalt  }
0x79: {  	_ =	shalt  }
0x7a: {  	_ =	shalt  }
0x7b: {  	_ =	shalt  }
0x7c: {  	_ =	shalt  }
0x7d: {  	_ =	shalt  }
0x7e: {  	_ =	shalt  }
0x7f: {  	_ =	shalt  }
0x80: {  	_ =	shalt  }
0x81: {  	_ =	shalt  }
0x82: {  	_ =	shalt  }
0x83: {  	_ =	shalt  }
0x84: {  	_ =	shalt  }
0x85: {  	_ =	shalt  }
0x86: {  	_ =	shalt  }
0x87: {  	_ =	shalt  }
.Lfunc_end0:
.L_simem_size_0:
called_computation.4_lowered:
.L_overlay_start_0:
0x88: {  	s2 =	sld [smem:$0x3FD9]  }
0x89: {  	s3 =	sld [smem:$0x3FFE];
	_ =	sdelay $0x1  }
0x8a: {  	s1 =	srdreg.scid  }
0x8b: {  	s0 =	sand.u32 $0x1, s1  }
0x8c: {  	s17 =	sshll.u32 s0, $0xA;
	s2 =	sadd.s32 s3, s2  }
0x8d: {  	s2 =	sadd.s32 s2, s17  }
0x8e: {  	[smem:$0x3FB6] =	sst s2  }
0x8f: {  	_ = 	snop  }
0x90: {  	s18 =	sld [smem:$0x3FD0];
	(tm) =	ssettm $0x1  }
0x91: {  	s19 =	sld [smem:$0x3FFB];
	_ =	sdelay $0x3  }
0x92: {  	_ =	strace s19  }
0x93: {  	s2 =	sld [smem:$0x3FFC];
	_ =	sdelay $0x3  }
0x94: {  	_ =	strace s2  }
0x95: {  	s2 =	sld [smem:$0x3FFD];
	_ =	sdelay $0x3  }
0x96: {  	_ =	strace s2  }
0x97: {  	_ =	strace $0x8FFFFFFF  }
0x98: {  	s20 =	sld [smem:$0x3FDB];
	_ =	sdelay $0x1  }
0x99: {  	s4 =	simm.s32 $_scs_section_size  }
0x9a: {  	s5 =	simm.s32 $_size__tile_overlayer_lowered;
	s6 =	simm.s32 $_tile_overlayer_lowered  }
0x9b: {  	s7 =	simm.s32 $0x1BFF;
	s21 =	sshll.u32 s6, $0x1;
	s4 =	sadd.s32 s4, s20  }
0x9c: {  	s22 =	simm.s32 $0x0;
	s5 =	sshll.u32 s5, $0x1;
	s6 =	sadd.s32 s21, s4  }
0x9d: {  	[timem:s22], [sflag:s7] =	dma.local [hbm:s6], s5  }
0x9e: {  	_ =	swait.ge [sflag:s7], s5  }
0x9f: {  	s5 =	ssub.s32 $0x0, s5;
	[sflag:s7] =	ssyncset.done $0x0  }
0xa0: {  	[sflag:s7] =	ssyncadd.s32 s5;
	_ =	sdelay $0x1  }
0xa1: {  	s23 =	simm.s32 $0x1B8B  }
0xa2: {  	_ =	swait.ge [sflag:s23], $0x1  }
0xa3: {  	[sflag:s23] =	ssyncset.done $0x0  }
0xa4: {  	[sflag:s23] =	ssyncadd.s32 $0xFFFFFFFF  }
0xa5: {  	s5 =	sld [smem:$0x0]  }
0xa6: {  	s6 =	sand.u32 $0xFFFFFFFE, s1  }
0xa7: {  	p0 =	sne.s32 s1, s6  }
0xa8: {  	s6 =	sshll.u32 @p0 s6, $0xE  }
0xa9: {  	s6 =	sadd.s32 @p0 $0x11B8D, s6;
	s7 =	sshll.u32 @p0 s5, $0x11  }
0xaa: {  	s6 =	sor.u32 @p0 s7, s6  }
0xab: {  	[sflag:s6] =	ssyncadd.remote.s32 @p0 $0x1;
	_ =	sdelay $0x1  }
0xac: {  	s6 =	simm.s32 @p0 $0x1B8D  }
0xad: {  	_ =	swait.eq @p0 [sflag:s6], $0x1  }
0xae: {  	[sflag:s6] =	ssyncadd.s32 @p0 $0xFFFFFFFF  }
0xaf: {  	s7 =	sshll.u32 @!p0 s1, $0xE  }
0xb0: {  	s7 =	sor.u32 @!p0 $0x4000, s7;
	s6 =	simm.s32 @!p0 $0x1B8D  }
0xb1: {  	s5 =	sshll.u32 @!p0 s5, $0x11;
	s7 =	sadd.s32 @!p0 $0x11B8D, s7;
	_ =	swait.eq @!p0 [sflag:s6], $0x1  }
0xb2: {  	s5 =	sor.u32 @!p0 s5, s7;
	[sflag:s6] =	ssyncadd.s32 @!p0 $0xFFFFFFFF  }
0xb3: {  	s25 =	simm.s32 $0x1B8E;
	s24 =	sld [smem:$0x3FFE];
	[sflag:s5] =	ssyncadd.remote.s32 @!p0 $0x1  }
0xb4: {  	s26 =	simm.s32 $execute0_lowered;
	[smem:$0x3FD2] =	sst s25  }
0xb5: {  	s6 =	sshll.u32 s26, $0x1;
	_ =	strace $0x8000004F;
	[dreg:$0x1] =	wrdreg $0xFFFFFFFF  }
0xb6: {  	s28 =	simm.s32 $_size_execute0_lowered;
	s4 =	sadd.s32 s4, s6;
	[dreg:$0x0] =	wrdreg $0x0  }
0xb7: {  	s6 =	sshll.u32 s28, $0x1;
	[dreg:$0x2] =	wrdreg s4  }
0xb8: {  	[dreg:$0x3] =	wrdreg s6  }
0xb9: {  	[dreg:$0x4] =	wrdreg $0xC0  }
0xba: {  	_ =	task [dreg:s22], $0x5FFFF  }
0xbb: {  	[dreg:$0x1] =	wrdreg $0xFFFFFFFF  }
0xbc: {  	[dreg:$0x0] =	wrdreg $0x60  }
0xbd: {  	[dreg:$0x2] =	wrdreg s24  }
0xbe: {  	[dreg:$0x3] =	wrdreg s18  }
0xbf: {  	[dreg:$0x4] =	wrdreg $0x8C000  }
0xc0: {  	[dreg:$0x5] =	wrdreg $0xA  }
0xc1: {  	_ =	task.clear_ibuf [dreg:s22], $0x6FFFF;
	_ =	strace $0x9000004F  }
0xc2: {  	s29 =	simm.s32 $0xA;
	_ =	strace $0x80000051  }
0xc3: {  	_ =	swait.ge [sflag:s29], $0x1  }
0xc4: {  	[sflag:s29] =	ssyncadd.s32 $0xFFFFFFFF  }
0xc5: {  	_ =	strace $0x90000051  }
0xc6: {  	_ =	sfence  }
0xc7: {  	s30 =	sld [smem:$0x0];
	_ =	sdelay $0x2  }
0xc8: {  	s31 =	sshll.u32 s1, $0xD;
	s1 =	sshrl.u32 s1, $0x2  }
0xc9: {  	s4 =	sand.u32 $0x4000, s31;
	s1 =	sadd.s32 s1, s30  }
0xca: {  	s0 =	sor.u32 s4, s0;
	s1 =	sshll.u32 s1, $0x11  }
0xcb: {  	s0 =	sor.u32 s1, s0  }
0xcc: {  	s0 =	sadd.s32 $0x8F2B, s0  }
0xcd: {  	[sflag:s0] =	ssyncadd.remote.s32 $0x1  }
0xce: {  	_ =	sfence.sel $0xFFFF  }
0xcf: {  	[dreg:$0x0] =	wrdreg $0xFFFFFFFF;
	(pc) =	sbr.abs _section_cstart, $3  }
0xd0: {  	[dreg:$0x1] =	wrdreg $0xFFFFFFFF  }
0xd1: {  	_ =	task.clear_ibuf [dreg:s22], $0x2FFFF;
	_ =	strace $0x9FFFFFFF  }
0xd2: {  	(tm) =	ssettm $0x7FFFFFFF  }
0xd3: {  	_ =	shalt  }
tec
execute0_lowered:
.L_overlay_start_1:
0x0: {  	(tag) =	ssettag $0x1  }
0x1: {  	s5 =	rddreg [dreg:$0x0]  }
0x2: {  	s6 =	rddreg [dreg:$0x1]  }
0x3: {  	s1 =	rddreg [dreg:$0x2];
	s2 =	simm.s32 $0x0  }
0x4: {  	s7 =	srdreg.scid;
	s0 =	stileid.u32;
	s18 =	simm.s32 $0x5  }
0x5: {  	s20 =	simm.s32 $0xC00;
	s21 =	simm.s32 $0x1;
	s28 =	simm.s32 $0x0  }
0x6: {  	[smem:$0x7FF] =	sst s2;
	s15 =	sadd.s32 $0x794C00, s5;
	s4 =	sadd.s32 $0x32A00, s5  }
0x7: {  	s11 =	sand.u32 $0x1, s7;
	s22 =	sshll.u32 s0, $0x1;
	s8 =	smul.u32 $0x4E000, s0  }
0x8: {  	s9 =	sadd.s32 $0x35200, s5;
	s25 =	sshll.u32 s0, $0x6;
	s13 =	smul.u32 $0x13800, s0  }
0x9: {  	s19 =	sadd.s32 $0x138000, s1;
	s30 =	smul.u32 $0xA0000, s0;
	p0 =	sne.s32 s0, $0xF  }
0xa: {  	_ =	strace $0x80000050;
	s23 =	ssub.s32 $0x2, s11;
	s24 =	smul.u32 $0x138800, s11  }
0xb: {  	s7 =	sor.u32 s11, s22;
	s5 =	sor.u32 $0x1C05, s25;
	s14 =	smul.u32 $0x50000, s11  }
0xc: {  	s11 =	sshll.u32 s11, $0x9;
	s19 =	sshrl.u32 @!p0 s19, $0x3;
	s22 =	simm.s32 $0x80  }
0xd: {  	s25 =	simm.s32 $0x3;
	s10 =	sshrl.u32 s23, $0x1;
	s12 =	smul.u32 $0x140, s7  }
0xe: {  	s8 =	sshrl.u32 s8, $0x2;
	s26 =	smul.u32 $0x50000, s7;
	s10 =	ssub.s32 s23, s10  }
0xf: {  	s17 =	sadd.s32 s8, s1;
	s29 =	sadd.s32 s13, s24;
	s8 =	sshrl.u32 s24, $0x3  }
0x10: {  	s13 =	sadd.s32 s14, s30;
	s23 =	simm.s32 $0x4C00;
	s24 =	simm.s32 $0x2  }
0x11: {  	s12 =	sadd.s32 $0x2800, s12;
	s7 =	sshrl.u32 s29, $0x3;
	s8 =	sadd.s32 s9, s8  }
0x12: {  	s31 =	sshrl.u32 s26, $0x3;
	s14 =	sor.u32 $0x8000, s13;
	s16 =	sor.u32 $0xC000, s13  }
0x13: {  	s13 =	sor.u32 $0x80, s11;
	s17 =	sshrl.u32 s17, $0x3;
	s26 =	simm.s32 $0x4  }
0x14: {  	s12 =	sand.u32 $0x7F80, s12;
	s7 =	sadd.s32 s9, s7;
	s8 =	sadd.s32 $0x27000, s8  }
0x15: {  	s9 =	smax.u32 s10, $0x1;
	s10 =	sadd.s32 s15, s31;
	s14 =	sshrl.u32 s14, $0x3  }
0x16: {  	s16 =	sshrl.u32 s16, $0x3;
	s6 =	sadd.s32 s6, s12;
	s12 =	sadd.s32 $0x800, s10  }
0x17: {  	s14 =	sadd.s32 s14, s15;
	s15 =	sadd.s32 s16, s15;
	s16 =	sor.u32 $0x180, s11  }
.LBB2_1:
0x18: {  	[spmem:s17], [sflag:s5] =	dma.local [hbm:s4], $0x2700  }
0x19: {  	_ =	swait.ge [sflag:s18], $0x2700  }
0x1a: {  	[sflag:s18] =	ssyncset.done $0x0  }
0x1b: {  	s29 =	simm.s32 @!p0 $0x5;
	[sflag:s18] =	ssyncadd.s32 $0xFFFFD900  }
0x1c: {  	[spmem:s19], [sflag:s5] =	dma.local @!p0 [hbm:s4], $0x100  }
0x1d: {  	_ =	swait.ge @!p0 [sflag:s29], $0x100  }
0x1e: {  	[sflag:s29] =	ssyncset.done @!p0 $0x0  }
0x1f: {  	[sflag:s29] =	ssyncadd.s32 @!p0 $0xFFFFFF00  }
0x20: {  	[tilespmem:s2], [sflag:$0x5] =	stream.linear.gather [hbm4b:s6+s2], $0xC00, $0x38;
	[tilespmem:$0x1C480] =	vst v63  }
0x21: {  	_ =	swait.ge [sflag:s18], $0xC00  }
0x22: {  	[sflag:s18] =	ssyncset.done $0x0  }
0x23: {  	[sflag:s18] =	ssyncadd.s32 $0xFFFFF400  }
0x24: {  	[bflag:$0x0] =	sbarrier.arrive $0xFFFF  }
0x25: {  	[tilespmem:s20], [sflag:$0x1] =	stream.linear.gather [hbm4b:s10+s2], $0x4000, $0x38;
	[tilespmem:$0x1C480] =	vst v63  }
0x26: {  	_ =	swait.ge [sflag:s21], $0x4000  }
0x27: {  	[sflag:s21] =	ssyncset.done $0x0  }
0x28: {  	[sflag:s21] =	ssyncadd.s32 $0xFFFFC000  }
0x29: {  	[spmem:s1] =	stream.indirect.scatter.add.f32 [tilespmem:s20], [sflag:$0x3], $0x80, s11, s22, $0xb8;
	[tilespmem:$0x1C480] =	vst v63  }
0x2a: {  	_ = 	snop  }
0x2b: {  	[tilespmem:s23], [sflag:$0x2] =	stream.linear.gather [hbm4b:s12+s2], $0x4000, $0x38;
	[tilespmem:$0x1C480] =	vst v63  }
0x2c: {  	_ =	swait.ge [sflag:s24], $0x4000  }
0x2d: {  	[sflag:s24] =	ssyncset.done $0x0  }
0x2e: {  	[sflag:s24] =	ssyncadd.s32 $0xFFFFC000  }
0x2f: {  	[spmem:s1] =	stream.indirect.scatter.add.f32 [tilespmem:s23], [sflag:$0x4], $0x80, s13, s22, $0xb8;
	[tilespmem:$0x1C480] =	vst v63  }
0x30: {  	_ =	swait.ge [sflag:s25], $0x4000  }
0x31: {  	[sflag:s25] =	ssyncset.done $0x0  }
0x32: {  	s29 =	sadd.s32 $0x0, s14;
	[sflag:s25] =	ssyncadd.s32 $0xFFFFC000  }
0x33: {  	[tilespmem:s20], [sflag:$0x1] =	stream.linear.gather [hbm4b:s29+s2], $0x4000, $0x38;
	[tilespmem:$0x1C480] =	vst v63  }
0x34: {  	_ =	swait.ge [sflag:s21], $0x4000  }
0x35: {  	[sflag:s21] =	ssyncset.done $0x0  }
0x36: {  	s29 =	sadd.s32 $0xFFFFFF80, s16;
	[sflag:s21] =	ssyncadd.s32 $0xFFFFC000  }
0x37: {  	[spmem:s1] =	stream.indirect.scatter.add.f32 [tilespmem:s20], [sflag:$0x3], $0x80, s29, s22, $0xb8;
	[tilespmem:$0x1C480] =	vst v63  }
0x38: {  	_ =	swait.ge [sflag:s26], $0x4000  }
0x39: {  	[sflag:s26] =	ssyncset.done $0x0  }
0x3a: {  	s29 =	sadd.s32 $0x0, s15;
	[sflag:s26] =	ssyncadd.s32 $0xFFFFC000  }
0x3b: {  	[tilespmem:s23], [sflag:$0x2] =	stream.linear.gather [hbm4b:s29+s2], $0x4000, $0x38;
	[tilespmem:$0x1C480] =	vst v63  }
0x3c: {  	_ =	swait.ge [sflag:s24], $0x4000  }
0x3d: {  	s30 =	sadd.s32 $0x100, s16;
	[sflag:s24] =	ssyncset.done $0x0  }
0x3e: {  	s31 =	smov.u32 s16;
	s29 =	simm.s32 $0x1000;
	[sflag:s24] =	ssyncadd.s32 $0xFFFFC000  }
.LBB2_2:
0x3f: {  	[spmem:s1] =	stream.indirect.scatter.add.f32 [tilespmem:s23], [sflag:$0x4], $0x80, s31, s22, $0xb8;
	[tilespmem:$0x1C480] =	vst v63  }
0x40: {  	s0 =	smov.u32 s29;
	s31 =	smov.u32 s30  }
0x41: {  	p1 =	sne.s32 s29, $0x8000;
	s29 =	sadd.s32 $0x1000, s29;
	_ =	swait.ge [sflag:s25], $0x4000  }
0x42: {  	[sflag:s25] =	ssyncset.done $0x0  }
0x43: {  	s3 =	sadd.s32 s0, s14;
	[sflag:s25] =	ssyncadd.s32 $0xFFFFC000  }
0x44: {  	[tilespmem:s20], [sflag:$0x1] =	stream.linear.gather [hbm4b:s3+s2], $0x4000, $0x38;
	[tilespmem:$0x1C480] =	vst v63  }
0x45: {  	_ =	swait.ge [sflag:s21], $0x4000  }
0x46: {  	[sflag:s21] =	ssyncset.done $0x0  }
0x47: {  	s3 =	sadd.s32 $0xFFFFFF80, s30;
	[sflag:s21] =	ssyncadd.s32 $0xFFFFC000  }
0x48: {  	[spmem:s1] =	stream.indirect.scatter.add.f32 [tilespmem:s20], [sflag:$0x3], $0x80, s3, s22, $0xb8;
	[tilespmem:$0x1C480] =	vst v63  }
0x49: {  	_ =	swait.ge [sflag:s26], $0x4000  }
0x4a: {  	[sflag:s26] =	ssyncset.done $0x0  }
.Ltmp0:
0x4b: {  	s0 =	sadd.s32 s0, s15;
	[sflag:s26] =	ssyncadd.s32 $0xFFFFC000;
	(pc) =	sbr.rel @p1 .LBB2_2-.Ltmp0, $4  }
0x4c: {  	[tilespmem:s23], [sflag:$0x2] =	stream.linear.gather [hbm4b:s0+s2], $0x4000, $0x38;
	[tilespmem:$0x1C480] =	vst v63  }
0x4d: {  	_ =	swait.ge [sflag:s24], $0x4000  }
0x4e: {  	[sflag:s24] =	ssyncset.done $0x0  }
0x4f: {  	s30 =	sadd.s32 $0x100, s30;
	[sflag:s24] =	ssyncadd.s32 $0xFFFFC000  }
0x50: {  	[spmem:s1] =	stream.indirect.scatter.add.f32 [tilespmem:s23], [sflag:$0x4], $0x80, s31, s22, $0xb8;
	[tilespmem:$0x1C480] =	vst v63  }
0x51: {  	_ =	swait.ge [sflag:s25], $0x4000  }
0x52: {  	[sflag:s25] =	ssyncset.done $0x0  }
0x53: {  	[sflag:s25] =	ssyncadd.s32 $0xFFFFC000  }
0x54: {  	_ =	swait.ge [sflag:s26], $0x4000  }
0x55: {  	[sflag:s26] =	ssyncset.done $0x0  }
0x56: {  	[sflag:s26] =	ssyncadd.s32 $0xFFFFC000  }
0x57: {  	[bflag:$0x0] =	sbarrier.arrive $0xFFFF  }
0x58: {  	[hbm:s7], [sflag:s5] =	dma.local [spmem:s17], $0x2700  }
0x59: {  	s28 =	sadd.s32 $0x1, s28;
	_ =	swait.ge [sflag:s18], $0x2700  }
0x5a: {  	p1 =	sne.s32 s28, s9;
	[sflag:s18] =	ssyncset.done $0x0  }
.Ltmp1:
0x5b: {  	s0 =	simm.s32 @!p0 $0x5;
	[sflag:s18] =	ssyncadd.s32 $0xFFFFD900;
	(pc) =	sbr.rel @p1 .LBB2_1-.Ltmp1, $4  }
0x5c: {  	[hbm:s8], [sflag:s5] =	dma.local @!p0 [spmem:s19], $0x100  }
0x5d: {  	_ =	swait.ge @!p0 [sflag:s0], $0x100  }
0x5e: {  	[sflag:s0] =	ssyncset.done @!p0 $0x0  }
0x5f: {  	[sflag:s0] =	ssyncadd.s32 @!p0 $0xFFFFFF00  }
0x60: {  	_ =	sfence.sel $0x180000  }
0x61: {  	[bflag:$0x0] =	sbarrier.arrive $0xFFFF  }
0x62: {  	_ =	strace $0x90000050  }
0x63: {  	s0 =	stileid.u32;
	[bflag:$0x2] =	sbarrier.arrive $0xFFFF  }
0x64: {  	p0 =	sne.s32 s0, $0x0;
	s0 =	rddreg [dreg:$0x3]  }
0x65: {  	s0 =	sadd.s32 @!p0 $0x100000, s0  }
0x66: {  	[sflag:s0] =	ssyncadd.tile.s32 @!p0 $0x1;
	_ =	shalt  }
.Lfunc_end2:
_tile_overlayer_lowered:
.L_overlay_start_2:
0x67: {  	(tag) =	ssettag $0x2  }
0x68: {  	s0 =	rddreg [dreg:$0x0];
	s2 =	stileid.u32  }
0x69: {  	s1 =	rddreg [dreg:$0x1];
	p0 =	sne.s32 s2, $0x0  }
0x6a: {  	s3 =	rddreg [dreg:$0x2];
	[bflag:$0x3] =	sbarrier.arrive $0xFFFF;
	s2 =	simm.s32 @!p0 $0x1C05  }
0x6b: {  	[timem:s3], [sflag:s2] =	dma.local @!p0 [hbm:s0], s1  }
0x6c: {  	s0 =	simm.s32 @!p0 $0x5  }
0x6d: {  	_ =	swait.ge @!p0 [sflag:s0], s1  }
0x6e: {  	s1 =	ssub.s32 @!p0 $0x0, s1;
	[sflag:s0] =	ssyncset.done @!p0 $0x0  }
0x6f: {  	[sflag:s0] =	ssyncadd.s32 @!p0 s1  }
0x70: {  	[bflag:$0x3] =	sbarrier.arrive $0xFFFF  }
0x71: {  	_ =	shalt  }

</sc_bundles>
